<compile_context>
chip_gen: v7x
topology: tpu7x:2x2x1
jax: 0.10.2.dev20260603
libtpu: 0.0.44.dev20260713+nightly
codegen_flags: <defaults>
</compile_context>

<pallas_src>
import functools

import jax
import jax.numpy as jnp
from jax import lax
from jax.experimental import pallas as pl
from jax.experimental.pallas import tpu as pltpu
from jax.experimental.pallas import tpu_sc as plsc

N = 65536
D = 1024
K = 16384
TPR = 256
TOTAL = K + N // TPR
MIN32 = -(2**31)

NC = 2
NS = 16
NW = NC * NS
RPW = TOTAL // NW
CHUNK = 16
NBUF = 7
IFD = 6
CHUNKS = []
_o = 0
while _o < RPW:
    _sz = min(CHUNK, RPW - _o)
    CHUNKS.append((_o, _sz))
    _o += _sz


def _select_kernel(scores_ref, pos_ref, val_ref):
    s = scores_ref[...]
    b = lax.bitcast_convert_type(s, jnp.int32)
    skey = jnp.where(b < 0, jnp.bitwise_not(b) ^ MIN32, b)

    def body(i, p):
        q = p | jnp.left_shift(jnp.int32(1), 31 - i)
        cnt = jnp.sum((skey >= (q ^ MIN32)).astype(jnp.int32))
        return jnp.where(cnt >= K, q, p)

    p16 = lax.fori_loop(0, 16, body, jnp.int32(0))
    lo = p16 ^ MIN32
    is_top = p16 == jnp.int32(-65536)
    hi = (p16 + 65536) ^ MIN32
    above = (skey >= hi) & jnp.logical_not(is_top)
    cnt_above = jnp.sum(above.astype(jnp.int32))
    cnt_ge_lo = jnp.sum((skey >= lo).astype(jnp.int32))
    need2 = K - cnt_above
    cnt_bucket = cnt_ge_lo - cnt_above
    in_bucket = (skey >= lo) & jnp.logical_not(above)

    ts = lax.cond(
        need2 == cnt_bucket,
        lambda: jnp.min(jnp.where(in_bucket, skey, jnp.int32(2**31 - 1))),
        lambda: lax.fori_loop(16, 32, body, p16) ^ MIN32,
    )
    cgt = jnp.sum((skey > ts).astype(jnp.int32))
    needed = K - cgt

    eq = skey == ts
    cnt_eq = jnp.sum(eq.astype(jnp.int32))
    row = lax.broadcasted_iota(jnp.int32, (512, 128), 0)
    col = lax.broadcasted_iota(jnp.int32, (512, 128), 1)
    idx = row * 128 + col

    def body2(i, m):
        cand = m + jnp.left_shift(jnp.int32(1), 15 - i)
        cnt = jnp.sum(((idx < cand) & eq).astype(jnp.int32))
        return jnp.where(cnt < needed, cand, m)

    m = lax.cond(
        needed == cnt_eq,
        lambda: jnp.int32(N - 1),
        lambda: lax.fori_loop(0, 16, body2, jnp.int32(0)),
    )

    mask = (skey > ts) | (eq & (idx <= m)) | (idx % TPR == TPR - 1)
    mf = mask.astype(jnp.float32)

    ku = lax.broadcasted_iota(jnp.int32, (128, 128), 0)
    lu = lax.broadcasted_iota(jnp.int32, (128, 128), 1)
    u = (ku <= lu).astype(jnp.float32)
    prow = jnp.dot(mf, u, preferred_element_type=jnp.float32)
    rs = prow[:, 127:128]
    rr = lax.broadcasted_iota(jnp.int32, (512, 512), 0)
    qq = lax.broadcasted_iota(jnp.int32, (512, 512), 1)
    lt = (qq < rr).astype(jnp.float32)
    offs = jnp.dot(lt, rs, preferred_element_type=jnp.float32)
    rank_excl = (prow + offs - mf).astype(jnp.int32)

    s_total = jnp.sum(mf).astype(jnp.int32)
    u_rank = idx - rank_excl
    pad_pos = s_total + u_rank
    pos_ref[...] = jnp.where(
        mask, rank_excl, jnp.where(pad_pos < TOTAL, pad_pos, TOTAL + (idx >> 12))
    )
    val_ref[...] = jnp.where(mask, idx, N - 1)


_select = pl.pallas_call(
    _select_kernel,
    out_shape=(
        jax.ShapeDtypeStruct((512, 128), jnp.int32),
        jax.ShapeDtypeStruct((512, 128), jnp.int32),
    ),
)


@functools.partial(
    pl.kernel,
    out_type=jax.ShapeDtypeStruct((TOTAL, D), jnp.float32),
    mesh=plsc.VectorSubcoreMesh(core_axis_name="c", subcore_axis_name="s"),
    scratch_types=[
        pltpu.VMEM((16, 128), jnp.int32),
        pltpu.VMEM((16, 128), jnp.int32),
        pltpu.VMEM((RPW,), jnp.int32),
        [pltpu.VMEM((CHUNK, D), jnp.float32) for _ in range(NBUF)],
        pltpu.VMEM_SHARED((TOTAL + NS,), jnp.int32),
        [pltpu.SemaphoreType.DMA for _ in range(NBUF)],
        [pltpu.SemaphoreType.DMA for _ in range(NBUF)],
    ],
)
def _prune_gather(pos_hbm, val_hbm, table_hbm, out_hbm,
                  pvp, pvv, idxa, rows, idx_sh, gsems, wsems):
    cid = lax.axis_index("c")
    sid = lax.axis_index("s")

    for h in range(2):
        pltpu.sync_copy(pos_hbm.at[sid * 2 + h], pvp)
        pltpu.sync_copy(val_hbm.at[sid * 2 + h], pvv)
        descs = [
            pltpu.async_copy(pvv.at[r], idx_sh.at[pvp.at[r]], gsems[0])
            for r in range(16)
        ]
        for d in descs:
            d.wait()
    plsc.subcore_barrier()

    wid = sid * NC + cid
    base = wid * RPW
    pltpu.sync_copy(idx_sh.at[pl.ds(base, RPW)], idxa)
    gd = [None] * NBUF
    wb = [None] * NBUF

    def fire_wb(ci):
        pb = ci % NBUF
        o, sz = CHUNKS[ci]
        gd[pb].wait()
        src = rows[pb] if sz == CHUNK else rows[pb].at[pl.ds(0, sz)]
        wb[pb] = pltpu.async_copy(
            src, out_hbm.at[pl.ds(base + o, sz)], wsems[pb])

    for ci, (o, sz) in enumerate(CHUNKS):
        b = ci % NBUF
        if wb[b] is not None:
            wb[b].wait()
        idxc = idxa.at[pl.ds(o, sz)]
        dst = rows[b] if sz == CHUNK else rows[b].at[pl.ds(0, sz)]
        gd[b] = pltpu.async_copy(table_hbm.at[idxc], dst, gsems[b])
        if ci >= IFD:
            fire_wb(ci - IFD)
    for ci in range(len(CHUNKS) - IFD, len(CHUNKS)):
        fire_wb(ci)
    for d in wb:
        if d is not None:
            d.wait()


def kernel(attention_scores, local_img_fea):
    pos, val = _select(attention_scores.reshape(512, 128))
    pos3 = pos.reshape(NS * 2, 16, 128)
    val3 = val.reshape(NS * 2, 16, 128)
    return _prune_gather(pos3, val3, local_img_fea)

# --- scband reference (transcript-rebuilt; emitter-appended) ---
"""Pipeline reference for scband-pyramid-prune-module-19670950216203 (READ-ONLY COPY).

The authoritative reference and input builder live on the scoring server;
editing this copy changes nothing except your own understanding.
"""

import jax, jax.numpy as jnp
import numpy as np

PRUNING_RATIO = 0.25
TOKENS_PER_ROW = 256


def setup_inputs(seed: int = 0) -> dict:
    key = jax.random.key(seed)
    k1, k2 = jax.random.split(key)
    N = 65536
    D = 1024
    attention_scores = jax.random.normal(k1, (N,), dtype=jnp.float32)
    local_img_fea = jax.random.normal(k2, (N, D), dtype=jnp.float32)
    return {"attention_scores": attention_scores, "local_img_fea": local_img_fea}


def reference(attention_scores, local_img_fea):
    # Faithful translation of select_attention_indices_via_ratio +
    # prune_local_features (ratio-based top-k pruning with newline-token
    # preservation) from PyramidPruneModule.
    N = attention_scores.shape[0]
    top_k = int(N * PRUNING_RATIO)
    # top-k selection over attention scores
    top_k_scores, top_k_indices = jax.lax.top_k(attention_scores, top_k)
    # always keep end-of-row (newline) tokens
    newline_indices = jnp.arange(TOKENS_PER_ROW - 1, N, TOKENS_PER_ROW, dtype=top_k_indices.dtype)
    selected_indices = jnp.concatenate([top_k_indices, newline_indices])
    total = selected_indices.shape[0]
    # torch: .unique() then sort; fixed-size unique for static shapes,
    # padding duplicates with the last valid index (N-1)
    uniq = jnp.unique(selected_indices, size=total, fill_value=N - 1)
    sorted_top_k_indices = jnp.sort(uniq)
    pruned_local_img_fea = jnp.take(local_img_fea, sorted_top_k_indices, axis=0)
    return pruned_local_img_fea

if __name__ == "__main__":
    import jax
    _d = setup_inputs()
    print(jax.jit(kernel)(*tuple(_d.values())))

</pallas_src>

<mosaic_0001>
#map = affine_map<(d0, d1) -> (0, 0, 0)>
#map1 = affine_map<(d0, d1) -> (0, 0)>
module attributes {stable_mosaic.version = 14 : i64} {
  func.func @_prune_gather(%arg0: i32, %arg1: i32, %arg2: memref<32x16x128xi32, #tpu.memory_space<hbm>>, %arg3: memref<32x16x128xi32, #tpu.memory_space<hbm>>, %arg4: memref<65536x1024xf32, #tpu.memory_space<hbm>>, %arg5: memref<16640x1024xf32, #tpu.memory_space<hbm>>, %arg6: memref<16x128xi32, #tpu.memory_space<vmem>>, %arg7: memref<16x128xi32, #tpu.memory_space<vmem>>, %arg8: memref<520xi32, #tpu.memory_space<vmem>>, %arg9: memref<16x1024xf32, #tpu.memory_space<vmem>>, %arg10: memref<16x1024xf32, #tpu.memory_space<vmem>>, %arg11: memref<16x1024xf32, #tpu.memory_space<vmem>>, %arg12: memref<16x1024xf32, #tpu.memory_space<vmem>>, %arg13: memref<16x1024xf32, #tpu.memory_space<vmem>>, %arg14: memref<16x1024xf32, #tpu.memory_space<vmem>>, %arg15: memref<16x1024xf32, #tpu.memory_space<vmem>>, %arg16: memref<16656xi32, #tpu.memory_space<vmem_shared>>, %arg17: memref<!tpu.dma_semaphore, #tpu.memory_space<semaphore_mem>>, %arg18: memref<!tpu.dma_semaphore, #tpu.memory_space<semaphore_mem>>, %arg19: memref<!tpu.dma_semaphore, #tpu.memory_space<semaphore_mem>>, %arg20: memref<!tpu.dma_semaphore, #tpu.memory_space<semaphore_mem>>, %arg21: memref<!tpu.dma_semaphore, #tpu.memory_space<semaphore_mem>>, %arg22: memref<!tpu.dma_semaphore, #tpu.memory_space<semaphore_mem>>, %arg23: memref<!tpu.dma_semaphore, #tpu.memory_space<semaphore_mem>>, %arg24: memref<!tpu.dma_semaphore, #tpu.memory_space<semaphore_mem>>, %arg25: memref<!tpu.dma_semaphore, #tpu.memory_space<semaphore_mem>>, %arg26: memref<!tpu.dma_semaphore, #tpu.memory_space<semaphore_mem>>, %arg27: memref<!tpu.dma_semaphore, #tpu.memory_space<semaphore_mem>>, %arg28: memref<!tpu.dma_semaphore, #tpu.memory_space<semaphore_mem>>, %arg29: memref<!tpu.dma_semaphore, #tpu.memory_space<semaphore_mem>>, %arg30: memref<!tpu.dma_semaphore, #tpu.memory_space<semaphore_mem>>) attributes {dimension_semantics = [#tpu.dimension_semantics<core_parallel>, #tpu.dimension_semantics<subcore_parallel>], iteration_bounds = array<i64: 2, 16>, scalar_prefetch = 0 : i64, scratch_operands = 25 : i64, tpu.core_type = #tpu.core_type<sc_vector_subcore>, window_params = [{transform_indices = #map}, {transform_indices = #map}, {transform_indices = #map1}, {transform_indices = #map1}]} {
    %mul3A = arith.constant 2 : i32
    %mul3A_0 = arith.muli %arg1, %mul3A : i32
    %add3A = arith.constant 0 : i32
    %add3A_1 = arith.addi %mul3A_0, %add3A : i32
    "tpu.region"() ({
      %run_scoped3A = tpu.sem_alloc : memref<!tpu.dma_semaphore, #tpu.memory_space<semaphore_mem>>
      %dma_start3A_1335 = arith.constant 0 : i32
      %dma_start3A_1336 = arith.constant 0 : i32
      %dma_start3A_1337 = tpu.memref_slice %arg2[%add3A_1, %dma_start3A_1335, %dma_start3A_1336] : memref<32x16x128xi32, #tpu.memory_space<hbm>> -> memref<1x16x128xi32, #tpu.memory_space<hbm>>
      %dma_start3A_1338 = tpu.memref_squeeze %dma_start3A_1337 : memref<1x16x128xi32, #tpu.memory_space<hbm>> -> memref<16x128xi32, #tpu.memory_space<hbm>>
      %dma_start3A_1339 = arith.constant 0 : i32
      %dma_start3A_1340 = arith.constant 0 : i32
      %dma_start3A_1341 = tpu.memref_slice %arg2[%add3A_1, %dma_start3A_1339, %dma_start3A_1340] : memref<32x16x128xi32, #tpu.memory_space<hbm>> -> memref<1x16x128xi32, #tpu.memory_space<hbm>>
      %dma_start3A_1342 = tpu.memref_squeeze %dma_start3A_1341 : memref<1x16x128xi32, #tpu.memory_space<hbm>> -> memref<16x128xi32, #tpu.memory_space<hbm>>
      tpu.enqueue_dma source(%dma_start3A_1342 : memref<16x128xi32, #tpu.memory_space<hbm>>) target(%arg6 : memref<16x128xi32, #tpu.memory_space<vmem>>) target_semaphore(%run_scoped3A : memref<!tpu.dma_semaphore, #tpu.memory_space<semaphore_mem>>)
      %dma_wait3A_1343 = arith.constant 0 : i32
      %dma_wait3A_1344 = arith.constant 0 : i32
      %dma_wait3A_1345 = tpu.memref_slice %arg2[%add3A_1, %dma_wait3A_1343, %dma_wait3A_1344] : memref<32x16x128xi32, #tpu.memory_space<hbm>> -> memref<1x16x128xi32, #tpu.memory_space<hbm>>
      %dma_wait3A_1346 = tpu.memref_squeeze %dma_wait3A_1345 : memref<1x16x128xi32, #tpu.memory_space<hbm>> -> memref<16x128xi32, #tpu.memory_space<hbm>>
      %dma_wait3A_1347 = arith.constant 0 : i32
      %dma_wait3A_1348 = arith.constant 0 : i32
      %dma_wait3A_1349 = tpu.memref_slice %arg2[%add3A_1, %dma_wait3A_1347, %dma_wait3A_1348] : memref<32x16x128xi32, #tpu.memory_space<hbm>> -> memref<1x16x128xi32, #tpu.memory_space<hbm>>
      %dma_wait3A_1350 = tpu.memref_squeeze %dma_wait3A_1349 : memref<1x16x128xi32, #tpu.memory_space<hbm>> -> memref<16x128xi32, #tpu.memory_space<hbm>>
      tpu.wait_dma2 semaphore(%run_scoped3A : memref<!tpu.dma_semaphore, #tpu.memory_space<semaphore_mem>>) src(%dma_wait3A_1350 : memref<16x128xi32, #tpu.memory_space<hbm>>) dst(%arg6 : memref<16x128xi32, #tpu.memory_space<vmem>>)
      tpu.yield
    }) : () -> ()
    %mul3A_2 = arith.constant 2 : i32
    %mul3A_3 = arith.muli %arg1, %mul3A_2 : i32
    %add3A_4 = arith.constant 0 : i32
    %add3A_5 = arith.addi %mul3A_3, %add3A_4 : i32
    "tpu.region"() ({
      %run_scoped3A = tpu.sem_alloc : memref<!tpu.dma_semaphore, #tpu.memory_space<semaphore_mem>>
      %dma_start3A_1335 = arith.constant 0 : i32
      %dma_start3A_1336 = arith.constant 0 : i32
      %dma_start3A_1337 = tpu.memref_slice %arg3[%add3A_5, %dma_start3A_1335, %dma_start3A_1336] : memref<32x16x128xi32, #tpu.memory_space<hbm>> -> memref<1x16x128xi32, #tpu.memory_space<hbm>>
      %dma_start3A_1338 = tpu.memref_squeeze %dma_start3A_1337 : memref<1x16x128xi32, #tpu.memory_space<hbm>> -> memref<16x128xi32, #tpu.memory_space<hbm>>
      %dma_start3A_1339 = arith.constant 0 : i32
      %dma_start3A_1340 = arith.constant 0 : i32
      %dma_start3A_1341 = tpu.memref_slice %arg3[%add3A_5, %dma_start3A_1339, %dma_start3A_1340] : memref<32x16x128xi32, #tpu.memory_space<hbm>> -> memref<1x16x128xi32, #tpu.memory_space<hbm>>
      %dma_start3A_1342 = tpu.memref_squeeze %dma_start3A_1341 : memref<1x16x128xi32, #tpu.memory_space<hbm>> -> memref<16x128xi32, #tpu.memory_space<hbm>>
      tpu.enqueue_dma source(%dma_start3A_1342 : memref<16x128xi32, #tpu.memory_space<hbm>>) target(%arg7 : memref<16x128xi32, #tpu.memory_space<vmem>>) target_semaphore(%run_scoped3A : memref<!tpu.dma_semaphore, #tpu.memory_space<semaphore_mem>>)
      %dma_wait3A_1343 = arith.constant 0 : i32
      %dma_wait3A_1344 = arith.constant 0 : i32
      %dma_wait3A_1345 = tpu.memref_slice %arg3[%add3A_5, %dma_wait3A_1343, %dma_wait3A_1344] : memref<32x16x128xi32, #tpu.memory_space<hbm>> -> memref<1x16x128xi32, #tpu.memory_space<hbm>>
      %dma_wait3A_1346 = tpu.memref_squeeze %dma_wait3A_1345 : memref<1x16x128xi32, #tpu.memory_space<hbm>> -> memref<16x128xi32, #tpu.memory_space<hbm>>
      %dma_wait3A_1347 = arith.constant 0 : i32
      %dma_wait3A_1348 = arith.constant 0 : i32
      %dma_wait3A_1349 = tpu.memref_slice %arg3[%add3A_5, %dma_wait3A_1347, %dma_wait3A_1348] : memref<32x16x128xi32, #tpu.memory_space<hbm>> -> memref<1x16x128xi32, #tpu.memory_space<hbm>>
      %dma_wait3A_1350 = tpu.memref_squeeze %dma_wait3A_1349 : memref<1x16x128xi32, #tpu.memory_space<hbm>> -> memref<16x128xi32, #tpu.memory_space<hbm>>
      tpu.wait_dma2 semaphore(%run_scoped3A : memref<!tpu.dma_semaphore, #tpu.memory_space<semaphore_mem>>) src(%dma_wait3A_1350 : memref<16x128xi32, #tpu.memory_space<hbm>>) dst(%arg7 : memref<16x128xi32, #tpu.memory_space<vmem>>)
      tpu.yield
    }) : () -> ()
    %dma_start3A = arith.constant 0 : i32
    %dma_start3A_6 = arith.constant 0 : i32
    %dma_start3A_7 = arith.constant 0 : i32
    %dma_start3A_8 = tpu.memref_slice %arg7[%dma_start3A, %dma_start3A_7] : memref<16x128xi32, #tpu.memory_space<vmem>> -> memref<1x128xi32, #tpu.memory_space<vmem>>
    %dma_start3A_9 = tpu.memref_squeeze %dma_start3A_8 : memref<1x128xi32, #tpu.memory_space<vmem>> -> memref<128xi32, #tpu.memory_space<vmem>>
    %dma_start3A_10 = arith.constant 0 : i32
    %dma_start3A_11 = tpu.memref_slice %arg6[%dma_start3A_6, %dma_start3A_10] : memref<16x128xi32, #tpu.memory_space<vmem>> -> memref<1x128xi32, #tpu.memory_space<vmem>>
    %dma_start3A_12 = tpu.memref_squeeze %dma_start3A_11 : memref<1x128xi32, #tpu.memory_space<vmem>> -> memref<128xi32, #tpu.memory_space<vmem>>
    %dma_start3A_13 = arith.constant 0 : i32
    %dma_start3A_14 = tpu.memref_slice %arg16[%dma_start3A_13] : memref<16656xi32, #tpu.memory_space<vmem_shared>> -> memref<16656xi32, #tpu.memory_space<vmem_shared>>
    tpu.enqueue_indirect_dma source(%dma_start3A_9 : memref<128xi32, #tpu.memory_space<vmem>>) target(%dma_start3A_14 : memref<16656xi32, #tpu.memory_space<vmem_shared>>) offsets(%dma_start3A_12 : memref<128xi32, #tpu.memory_space<vmem>>) semaphore(%arg17 : memref<!tpu.dma_semaphore, #tpu.memory_space<semaphore_mem>>)
    %dma_start3A_15 = arith.constant 1 : i32
    %dma_start3A_16 = arith.constant 1 : i32
    %dma_start3A_17 = arith.constant 0 : i32
    %dma_start3A_18 = tpu.memref_slice %arg7[%dma_start3A_15, %dma_start3A_17] : memref<16x128xi32, #tpu.memory_space<vmem>> -> memref<1x128xi32, #tpu.memory_space<vmem>>
    %dma_start3A_19 = tpu.memref_squeeze %dma_start3A_18 : memref<1x128xi32, #tpu.memory_space<vmem>> -> memref<128xi32, #tpu.memory_space<vmem>>
    %dma_start3A_20 = arith.constant 0 : i32
    %dma_start3A_21 = tpu.memref_slice %arg6[%dma_start3A_16, %dma_start3A_20] : memref<16x128xi32, #tpu.memory_space<vmem>> -> memref<1x128xi32, #tpu.memory_space<vmem>>
    %dma_start3A_22 = tpu.memref_squeeze %dma_start3A_21 : memref<1x128xi32, #tpu.memory_space<vmem>> -> memref<128xi32, #tpu.memory_space<vmem>>
    %dma_start3A_23 = arith.constant 0 : i32
    %dma_start3A_24 = tpu.memref_slice %arg16[%dma_start3A_23] : memref<16656xi32, #tpu.memory_space<vmem_shared>> -> memref<16656xi32, #tpu.memory_space<vmem_shared>>
    tpu.enqueue_indirect_dma source(%dma_start3A_19 : memref<128xi32, #tpu.memory_space<vmem>>) target(%dma_start3A_24 : memref<16656xi32, #tpu.memory_space<vmem_shared>>) offsets(%dma_start3A_22 : memref<128xi32, #tpu.memory_space<vmem>>) semaphore(%arg17 : memref<!tpu.dma_semaphore, #tpu.memory_space<semaphore_mem>>)
    %dma_start3A_25 = arith.constant 2 : i32
    %dma_start3A_26 = arith.constant 2 : i32
    %dma_start3A_27 = arith.constant 0 : i32
    %dma_start3A_28 = tpu.memref_slice %arg7[%dma_start3A_25, %dma_start3A_27] : memref<16x128xi32, #tpu.memory_space<vmem>> -> memref<1x128xi32, #tpu.memory_space<vmem>>
    %dma_start3A_29 = tpu.memref_squeeze %dma_start3A_28 : memref<1x128xi32, #tpu.memory_space<vmem>> -> memref<128xi32, #tpu.memory_space<vmem>>
    %dma_start3A_30 = arith.constant 0 : i32
    %dma_start3A_31 = tpu.memref_slice %arg6[%dma_start3A_26, %dma_start3A_30] : memref<16x128xi32, #tpu.memory_space<vmem>> -> memref<1x128xi32, #tpu.memory_space<vmem>>
    %dma_start3A_32 = tpu.memref_squeeze %dma_start3A_31 : memref<1x128xi32, #tpu.memory_space<vmem>> -> memref<128xi32, #tpu.memory_space<vmem>>
    %dma_start3A_33 = arith.constant 0 : i32
    %dma_start3A_34 = tpu.memref_slice %arg16[%dma_start3A_33] : memref<16656xi32, #tpu.memory_space<vmem_shared>> -> memref<16656xi32, #tpu.memory_space<vmem_shared>>
    tpu.enqueue_indirect_dma source(%dma_start3A_29 : memref<128xi32, #tpu.memory_space<vmem>>) target(%dma_start3A_34 : memref<16656xi32, #tpu.memory_space<vmem_shared>>) offsets(%dma_start3A_32 : memref<128xi32, #tpu.memory_space<vmem>>) semaphore(%arg17 : memref<!tpu.dma_semaphore, #tpu.memory_space<semaphore_mem>>)
    %dma_start3A_35 = arith.constant 3 : i32
    %dma_start3A_36 = arith.constant 3 : i32
    %dma_start3A_37 = arith.constant 0 : i32
    %dma_start3A_38 = tpu.memref_slice %arg7[%dma_start3A_35, %dma_start3A_37] : memref<16x128xi32, #tpu.memory_space<vmem>> -> memref<1x128xi32, #tpu.memory_space<vmem>>
    %dma_start3A_39 = tpu.memref_squeeze %dma_start3A_38 : memref<1x128xi32, #tpu.memory_space<vmem>> -> memref<128xi32, #tpu.memory_space<vmem>>
    %dma_start3A_40 = arith.constant 0 : i32
    %dma_start3A_41 = tpu.memref_slice %arg6[%dma_start3A_36, %dma_start3A_40] : memref<16x128xi32, #tpu.memory_space<vmem>> -> memref<1x128xi32, #tpu.memory_space<vmem>>
    %dma_start3A_42 = tpu.memref_squeeze %dma_start3A_41 : memref<1x128xi32, #tpu.memory_space<vmem>> -> memref<128xi32, #tpu.memory_space<vmem>>
    %dma_start3A_43 = arith.constant 0 : i32
    %dma_start3A_44 = tpu.memref_slice %arg16[%dma_start3A_43] : memref<16656xi32, #tpu.memory_space<vmem_shared>> -> memref<16656xi32, #tpu.memory_space<vmem_shared>>
    tpu.enqueue_indirect_dma source(%dma_start3A_39 : memref<128xi32, #tpu.memory_space<vmem>>) target(%dma_start3A_44 : memref<16656xi32, #tpu.memory_space<vmem_shared>>) offsets(%dma_start3A_42 : memref<128xi32, #tpu.memory_space<vmem>>) semaphore(%arg17 : memref<!tpu.dma_semaphore, #tpu.memory_space<semaphore_mem>>)
    %dma_start3A_45 = arith.constant 4 : i32
    %dma_start3A_46 = arith.constant 4 : i32
    %dma_start3A_47 = arith.constant 0 : i32
    %dma_start3A_48 = tpu.memref_slice %arg7[%dma_start3A_45, %dma_start3A_47] : memref<16x128xi32, #tpu.memory_space<vmem>> -> memref<1x128xi32, #tpu.memory_space<vmem>>
    %dma_start3A_49 = tpu.memref_squeeze %dma_start3A_48 : memref<1x128xi32, #tpu.memory_space<vmem>> -> memref<128xi32, #tpu.memory_space<vmem>>
    %dma_start3A_50 = arith.constant 0 : i32
    %dma_start3A_51 = tpu.memref_slice %arg6[%dma_start3A_46, %dma_start3A_50] : memref<16x128xi32, #tpu.memory_space<vmem>> -> memref<1x128xi32, #tpu.memory_space<vmem>>
    %dma_start3A_52 = tpu.memref_squeeze %dma_start3A_51 : memref<1x128xi32, #tpu.memory_space<vmem>> -> memref<128xi32, #tpu.memory_space<vmem>>
    %dma_start3A_53 = arith.constant 0 : i32
    %dma_start3A_54 = tpu.memref_slice %arg16[%dma_start3A_53] : memref<16656xi32, #tpu.memory_space<vmem_shared>> -> memref<16656xi32, #tpu.memory_space<vmem_shared>>
    tpu.enqueue_indirect_dma source(%dma_start3A_49 : memref<128xi32, #tpu.memory_space<vmem>>) target(%dma_start3A_54 : memref<16656xi32, #tpu.memory_space<vmem_shared>>) offsets(%dma_start3A_52 : memref<128xi32, #tpu.memory_space<vmem>>) semaphore(%arg17 : memref<!tpu.dma_semaphore, #tpu.memory_space<semaphore_mem>>)
    %dma_start3A_55 = arith.constant 5 : i32
    %dma_start3A_56 = arith.constant 5 : i32
    %dma_start3A_57 = arith.constant 0 : i32
    %dma_start3A_58 = tpu.memref_slice %arg7[%dma_start3A_55, %dma_start3A_57] : memref<16x128xi32, #tpu.memory_space<vmem>> -> memref<1x128xi32, #tpu.memory_space<vmem>>
    %dma_start3A_59 = tpu.memref_squeeze %dma_start3A_58 : memref<1x128xi32, #tpu.memory_space<vmem>> -> memref<128xi32, #tpu.memory_space<vmem>>
    %dma_start3A_60 = arith.constant 0 : i32
    %dma_start3A_61 = tpu.memref_slice %arg6[%dma_start3A_56, %dma_start3A_60] : memref<16x128xi32, #tpu.memory_space<vmem>> -> memref<1x128xi32, #tpu.memory_space<vmem>>
    %dma_start3A_62 = tpu.memref_squeeze %dma_start3A_61 : memref<1x128xi32, #tpu.memory_space<vmem>> -> memref<128xi32, #tpu.memory_space<vmem>>
    %dma_start3A_63 = arith.constant 0 : i32
    %dma_start3A_64 = tpu.memref_slice %arg16[%dma_start3A_63] : memref<16656xi32, #tpu.memory_space<vmem_shared>> -> memref<16656xi32, #tpu.memory_space<vmem_shared>>
    tpu.enqueue_indirect_dma source(%dma_start3A_59 : memref<128xi32, #tpu.memory_space<vmem>>) target(%dma_start3A_64 : memref<16656xi32, #tpu.memory_space<vmem_shared>>) offsets(%dma_start3A_62 : memref<128xi32, #tpu.memory_space<vmem>>) semaphore(%arg17 : memref<!tpu.dma_semaphore, #tpu.memory_space<semaphore_mem>>)
    %dma_start3A_65 = arith.constant 6 : i32
    %dma_start3A_66 = arith.constant 6 : i32
    %dma_start3A_67 = arith.constant 0 : i32
    %dma_start3A_68 = tpu.memref_slice %arg7[%dma_start3A_65, %dma_start3A_67] : memref<16x128xi32, #tpu.memory_space<vmem>> -> memref<1x128xi32, #tpu.memory_space<vmem>>
    %dma_start3A_69 = tpu.memref_squeeze %dma_start3A_68 : memref<1x128xi32, #tpu.memory_space<vmem>> -> memref<128xi32, #tpu.memory_space<vmem>>
    %dma_start3A_70 = arith.constant 0 : i32
    %dma_start3A_71 = tpu.memref_slice %arg6[%dma_start3A_66, %dma_start3A_70] : memref<16x128xi32, #tpu.memory_space<vmem>> -> memref<1x128xi32, #tpu.memory_space<vmem>>
    %dma_start3A_72 = tpu.memref_squeeze %dma_start3A_71 : memref<1x128xi32, #tpu.memory_space<vmem>> -> memref<128xi32, #tpu.memory_space<vmem>>
    %dma_start3A_73 = arith.constant 0 : i32
    %dma_start3A_74 = tpu.memref_slice %arg16[%dma_start3A_73] : memref<16656xi32, #tpu.memory_space<vmem_shared>> -> memref<16656xi32, #tpu.memory_space<vmem_shared>>
    tpu.enqueue_indirect_dma source(%dma_start3A_69 : memref<128xi32, #tpu.memory_space<vmem>>) target(%dma_start3A_74 : memref<16656xi32, #tpu.memory_space<vmem_shared>>) offsets(%dma_start3A_72 : memref<128xi32, #tpu.memory_space<vmem>>) semaphore(%arg17 : memref<!tpu.dma_semaphore, #tpu.memory_space<semaphore_mem>>)
    %dma_start3A_75 = arith.constant 7 : i32
    %dma_start3A_76 = arith.constant 7 : i32
    %dma_start3A_77 = arith.constant 0 : i32
    %dma_start3A_78 = tpu.memref_slice %arg7[%dma_start3A_75, %dma_start3A_77] : memref<16x128xi32, #tpu.memory_space<vmem>> -> memref<1x128xi32, #tpu.memory_space<vmem>>
    %dma_start3A_79 = tpu.memref_squeeze %dma_start3A_78 : memref<1x128xi32, #tpu.memory_space<vmem>> -> memref<128xi32, #tpu.memory_space<vmem>>
    %dma_start3A_80 = arith.constant 0 : i32
    %dma_start3A_81 = tpu.memref_slice %arg6[%dma_start3A_76, %dma_start3A_80] : memref<16x128xi32, #tpu.memory_space<vmem>> -> memref<1x128xi32, #tpu.memory_space<vmem>>
    %dma_start3A_82 = tpu.memref_squeeze %dma_start3A_81 : memref<1x128xi32, #tpu.memory_space<vmem>> -> memref<128xi32, #tpu.memory_space<vmem>>
    %dma_start3A_83 = arith.constant 0 : i32
    %dma_start3A_84 = tpu.memref_slice %arg16[%dma_start3A_83] : memref<16656xi32, #tpu.memory_space<vmem_shared>> -> memref<16656xi32, #tpu.memory_space<vmem_shared>>
    tpu.enqueue_indirect_dma source(%dma_start3A_79 : memref<128xi32, #tpu.memory_space<vmem>>) target(%dma_start3A_84 : memref<16656xi32, #tpu.memory_space<vmem_shared>>) offsets(%dma_start3A_82 : memref<128xi32, #tpu.memory_space<vmem>>) semaphore(%arg17 : memref<!tpu.dma_semaphore, #tpu.memory_space<semaphore_mem>>)
    %dma_start3A_85 = arith.constant 8 : i32
    %dma_start3A_86 = arith.constant 8 : i32
    %dma_start3A_87 = arith.constant 0 : i32
    %dma_start3A_88 = tpu.memref_slice %arg7[%dma_start3A_85, %dma_start3A_87] : memref<16x128xi32, #tpu.memory_space<vmem>> -> memref<1x128xi32, #tpu.memory_space<vmem>>
    %dma_start3A_89 = tpu.memref_squeeze %dma_start3A_88 : memref<1x128xi32, #tpu.memory_space<vmem>> -> memref<128xi32, #tpu.memory_space<vmem>>
    %dma_start3A_90 = arith.constant 0 : i32
    %dma_start3A_91 = tpu.memref_slice %arg6[%dma_start3A_86, %dma_start3A_90] : memref<16x128xi32, #tpu.memory_space<vmem>> -> memref<1x128xi32, #tpu.memory_space<vmem>>
    %dma_start3A_92 = tpu.memref_squeeze %dma_start3A_91 : memref<1x128xi32, #tpu.memory_space<vmem>> -> memref<128xi32, #tpu.memory_space<vmem>>
    %dma_start3A_93 = arith.constant 0 : i32
    %dma_start3A_94 = tpu.memref_slice %arg16[%dma_start3A_93] : memref<16656xi32, #tpu.memory_space<vmem_shared>> -> memref<16656xi32, #tpu.memory_space<vmem_shared>>
    tpu.enqueue_indirect_dma source(%dma_start3A_89 : memref<128xi32, #tpu.memory_space<vmem>>) target(%dma_start3A_94 : memref<16656xi32, #tpu.memory_space<vmem_shared>>) offsets(%dma_start3A_92 : memref<128xi32, #tpu.memory_space<vmem>>) semaphore(%arg17 : memref<!tpu.dma_semaphore, #tpu.memory_space<semaphore_mem>>)
    %dma_start3A_95 = arith.constant 9 : i32
    %dma_start3A_96 = arith.constant 9 : i32
    %dma_start3A_97 = arith.constant 0 : i32
    %dma_start3A_98 = tpu.memref_slice %arg7[%dma_start3A_95, %dma_start3A_97] : memref<16x128xi32, #tpu.memory_space<vmem>> -> memref<1x128xi32, #tpu.memory_space<vmem>>
    %dma_start3A_99 = tpu.memref_squeeze %dma_start3A_98 : memref<1x128xi32, #tpu.memory_space<vmem>> -> memref<128xi32, #tpu.memory_space<vmem>>
    %dma_start3A_100 = arith.constant 0 : i32
    %dma_start3A_101 = tpu.memref_slice %arg6[%dma_start3A_96, %dma_start3A_100] : memref<16x128xi32, #tpu.memory_space<vmem>> -> memref<1x128xi32, #tpu.memory_space<vmem>>
    %dma_start3A_102 = tpu.memref_squeeze %dma_start3A_101 : memref<1x128xi32, #tpu.memory_space<vmem>> -> memref<128xi32, #tpu.memory_space<vmem>>
    %dma_start3A_103 = arith.constant 0 : i32
    %dma_start3A_104 = tpu.memref_slice %arg16[%dma_start3A_103] : memref<16656xi32, #tpu.memory_space<vmem_shared>> -> memref<16656xi32, #tpu.memory_space<vmem_shared>>
    tpu.enqueue_indirect_dma source(%dma_start3A_99 : memref<128xi32, #tpu.memory_space<vmem>>) target(%dma_start3A_104 : memref<16656xi32, #tpu.memory_space<vmem_shared>>) offsets(%dma_start3A_102 : memref<128xi32, #tpu.memory_space<vmem>>) semaphore(%arg17 : memref<!tpu.dma_semaphore, #tpu.memory_space<semaphore_mem>>)
    %dma_start3A_105 = arith.constant 10 : i32
    %dma_start3A_106 = arith.constant 10 : i32
    %dma_start3A_107 = arith.constant 0 : i32
    %dma_start3A_108 = tpu.memref_slice %arg7[%dma_start3A_105, %dma_start3A_107] : memref<16x128xi32, #tpu.memory_space<vmem>> -> memref<1x128xi32, #tpu.memory_space<vmem>>
    %dma_start3A_109 = tpu.memref_squeeze %dma_start3A_108 : memref<1x128xi32, #tpu.memory_space<vmem>> -> memref<128xi32, #tpu.memory_space<vmem>>
    %dma_start3A_110 = arith.constant 0 : i32
    %dma_start3A_111 = tpu.memref_slice %arg6[%dma_start3A_106, %dma_start3A_110] : memref<16x128xi32, #tpu.memory_space<vmem>> -> memref<1x128xi32, #tpu.memory_space<vmem>>
    %dma_start3A_112 = tpu.memref_squeeze %dma_start3A_111 : memref<1x128xi32, #tpu.memory_space<vmem>> -> memref<128xi32, #tpu.memory_space<vmem>>
    %dma_start3A_113 = arith.constant 0 : i32
    %dma_start3A_114 = tpu.memref_slice %arg16[%dma_start3A_113] : memref<16656xi32, #tpu.memory_space<vmem_shared>> -> memref<16656xi32, #tpu.memory_space<vmem_shared>>
    tpu.enqueue_indirect_dma source(%dma_start3A_109 : memref<128xi32, #tpu.memory_space<vmem>>) target(%dma_start3A_114 : memref<16656xi32, #tpu.memory_space<vmem_shared>>) offsets(%dma_start3A_112 : memref<128xi32, #tpu.memory_space<vmem>>) semaphore(%arg17 : memref<!tpu.dma_semaphore, #tpu.memory_space<semaphore_mem>>)
    %dma_start3A_115 = arith.constant 11 : i32
    %dma_start3A_116 = arith.constant 11 : i32
    %dma_start3A_117 = arith.constant 0 : i32
    %dma_start3A_118 = tpu.memref_slice %arg7[%dma_start3A_115, %dma_start3A_117] : memref<16x128xi32, #tpu.memory_space<vmem>> -> memref<1x128xi32, #tpu.memory_space<vmem>>
    %dma_start3A_119 = tpu.memref_squeeze %dma_start3A_118 : memref<1x128xi32, #tpu.memory_space<vmem>> -> memref<128xi32, #tpu.memory_space<vmem>>
    %dma_start3A_120 = arith.constant 0 : i32
    %dma_start3A_121 = tpu.memref_slice %arg6[%dma_start3A_116, %dma_start3A_120] : memref<16x128xi32, #tpu.memory_space<vmem>> -> memref<1x128xi32, #tpu.memory_space<vmem>>
    %dma_start3A_122 = tpu.memref_squeeze %dma_start3A_121 : memref<1x128xi32, #tpu.memory_space<vmem>> -> memref<128xi32, #tpu.memory_space<vmem>>
    %dma_start3A_123 = arith.constant 0 : i32
    %dma_start3A_124 = tpu.memref_slice %arg16[%dma_start3A_123] : memref<16656xi32, #tpu.memory_space<vmem_shared>> -> memref<16656xi32, #tpu.memory_space<vmem_shared>>
    tpu.enqueue_indirect_dma source(%dma_start3A_119 : memref<128xi32, #tpu.memory_space<vmem>>) target(%dma_start3A_124 : memref<16656xi32, #tpu.memory_space<vmem_shared>>) offsets(%dma_start3A_122 : memref<128xi32, #tpu.memory_space<vmem>>) semaphore(%arg17 : memref<!tpu.dma_semaphore, #tpu.memory_space<semaphore_mem>>)
    %dma_start3A_125 = arith.constant 12 : i32
    %dma_start3A_126 = arith.constant 12 : i32
    %dma_start3A_127 = arith.constant 0 : i32
    %dma_start3A_128 = tpu.memref_slice %arg7[%dma_start3A_125, %dma_start3A_127] : memref<16x128xi32, #tpu.memory_space<vmem>> -> memref<1x128xi32, #tpu.memory_space<vmem>>
    %dma_start3A_129 = tpu.memref_squeeze %dma_start3A_128 : memref<1x128xi32, #tpu.memory_space<vmem>> -> memref<128xi32, #tpu.memory_space<vmem>>
    %dma_start3A_130 = arith.constant 0 : i32
    %dma_start3A_131 = tpu.memref_slice %arg6[%dma_start3A_126, %dma_start3A_130] : memref<16x128xi32, #tpu.memory_space<vmem>> -> memref<1x128xi32, #tpu.memory_space<vmem>>
    %dma_start3A_132 = tpu.memref_squeeze %dma_start3A_131 : memref<1x128xi32, #tpu.memory_space<vmem>> -> memref<128xi32, #tpu.memory_space<vmem>>
    %dma_start3A_133 = arith.constant 0 : i32
    %dma_start3A_134 = tpu.memref_slice %arg16[%dma_start3A_133] : memref<16656xi32, #tpu.memory_space<vmem_shared>> -> memref<16656xi32, #tpu.memory_space<vmem_shared>>
    tpu.enqueue_indirect_dma source(%dma_start3A_129 : memref<128xi32, #tpu.memory_space<vmem>>) target(%dma_start3A_134 : memref<16656xi32, #tpu.memory_space<vmem_shared>>) offsets(%dma_start3A_132 : memref<128xi32, #tpu.memory_space<vmem>>) semaphore(%arg17 : memref<!tpu.dma_semaphore, #tpu.memory_space<semaphore_mem>>)
    %dma_start3A_135 = arith.constant 13 : i32
    %dma_start3A_136 = arith.constant 13 : i32
    %dma_start3A_137 = arith.constant 0 : i32
    %dma_start3A_138 = tpu.memref_slice %arg7[%dma_start3A_135, %dma_start3A_137] : memref<16x128xi32, #tpu.memory_space<vmem>> -> memref<1x128xi32, #tpu.memory_space<vmem>>
    %dma_start3A_139 = tpu.memref_squeeze %dma_start3A_138 : memref<1x128xi32, #tpu.memory_space<vmem>> -> memref<128xi32, #tpu.memory_space<vmem>>
    %dma_start3A_140 = arith.constant 0 : i32
    %dma_start3A_141 = tpu.memref_slice %arg6[%dma_start3A_136, %dma_start3A_140] : memref<16x128xi32, #tpu.memory_space<vmem>> -> memref<1x128xi32, #tpu.memory_space<vmem>>
    %dma_start3A_142 = tpu.memref_squeeze %dma_start3A_141 : memref<1x128xi32, #tpu.memory_space<vmem>> -> memref<128xi32, #tpu.memory_space<vmem>>
    %dma_start3A_143 = arith.constant 0 : i32
    %dma_start3A_144 = tpu.memref_slice %arg16[%dma_start3A_143] : memref<16656xi32, #tpu.memory_space<vmem_shared>> -> memref<16656xi32, #tpu.memory_space<vmem_shared>>
    tpu.enqueue_indirect_dma source(%dma_start3A_139 : memref<128xi32, #tpu.memory_space<vmem>>) target(%dma_start3A_144 : memref<16656xi32, #tpu.memory_space<vmem_shared>>) offsets(%dma_start3A_142 : memref<128xi32, #tpu.memory_space<vmem>>) semaphore(%arg17 : memref<!tpu.dma_semaphore, #tpu.memory_space<semaphore_mem>>)
    %dma_start3A_145 = arith.constant 14 : i32
    %dma_start3A_146 = arith.constant 14 : i32
    %dma_start3A_147 = arith.constant 0 : i32
    %dma_start3A_148 = tpu.memref_slice %arg7[%dma_start3A_145, %dma_start3A_147] : memref<16x128xi32, #tpu.memory_space<vmem>> -> memref<1x128xi32, #tpu.memory_space<vmem>>
    %dma_start3A_149 = tpu.memref_squeeze %dma_start3A_148 : memref<1x128xi32, #tpu.memory_space<vmem>> -> memref<128xi32, #tpu.memory_space<vmem>>
    %dma_start3A_150 = arith.constant 0 : i32
    %dma_start3A_151 = tpu.memref_slice %arg6[%dma_start3A_146, %dma_start3A_150] : memref<16x128xi32, #tpu.memory_space<vmem>> -> memref<1x128xi32, #tpu.memory_space<vmem>>
    %dma_start3A_152 = tpu.memref_squeeze %dma_start3A_151 : memref<1x128xi32, #tpu.memory_space<vmem>> -> memref<128xi32, #tpu.memory_space<vmem>>
    %dma_start3A_153 = arith.constant 0 : i32
    %dma_start3A_154 = tpu.memref_slice %arg16[%dma_start3A_153] : memref<16656xi32, #tpu.memory_space<vmem_shared>> -> memref<16656xi32, #tpu.memory_space<vmem_shared>>
    tpu.enqueue_indirect_dma source(%dma_start3A_149 : memref<128xi32, #tpu.memory_space<vmem>>) target(%dma_start3A_154 : memref<16656xi32, #tpu.memory_space<vmem_shared>>) offsets(%dma_start3A_152 : memref<128xi32, #tpu.memory_space<vmem>>) semaphore(%arg17 : memref<!tpu.dma_semaphore, #tpu.memory_space<semaphore_mem>>)
    %dma_start3A_155 = arith.constant 15 : i32
    %dma_start3A_156 = arith.constant 15 : i32
    %dma_start3A_157 = arith.constant 0 : i32
    %dma_start3A_158 = tpu.memref_slice %arg7[%dma_start3A_155, %dma_start3A_157] : memref<16x128xi32, #tpu.memory_space<vmem>> -> memref<1x128xi32, #tpu.memory_space<vmem>>
    %dma_start3A_159 = tpu.memref_squeeze %dma_start3A_158 : memref<1x128xi32, #tpu.memory_space<vmem>> -> memref<128xi32, #tpu.memory_space<vmem>>
    %dma_start3A_160 = arith.constant 0 : i32
    %dma_start3A_161 = tpu.memref_slice %arg6[%dma_start3A_156, %dma_start3A_160] : memref<16x128xi32, #tpu.memory_space<vmem>> -> memref<1x128xi32, #tpu.memory_space<vmem>>
    %dma_start3A_162 = tpu.memref_squeeze %dma_start3A_161 : memref<1x128xi32, #tpu.memory_space<vmem>> -> memref<128xi32, #tpu.memory_space<vmem>>
    %dma_start3A_163 = arith.constant 0 : i32
    %dma_start3A_164 = tpu.memref_slice %arg16[%dma_start3A_163] : memref<16656xi32, #tpu.memory_space<vmem_shared>> -> memref<16656xi32, #tpu.memory_space<vmem_shared>>
    tpu.enqueue_indirect_dma source(%dma_start3A_159 : memref<128xi32, #tpu.memory_space<vmem>>) target(%dma_start3A_164 : memref<16656xi32, #tpu.memory_space<vmem_shared>>) offsets(%dma_start3A_162 : memref<128xi32, #tpu.memory_space<vmem>>) semaphore(%arg17 : memref<!tpu.dma_semaphore, #tpu.memory_space<semaphore_mem>>)
    %dma_wait3A = arith.constant 0 : i32
    %dma_wait3A_165 = arith.constant 0 : i32
    %dma_wait3A_166 = arith.constant 0 : i32
    %dma_wait3A_167 = tpu.memref_slice %arg7[%dma_wait3A, %dma_wait3A_166] : memref<16x128xi32, #tpu.memory_space<vmem>> -> memref<1x128xi32, #tpu.memory_space<vmem>>
    %dma_wait3A_168 = tpu.memref_squeeze %dma_wait3A_167 : memref<1x128xi32, #tpu.memory_space<vmem>> -> memref<128xi32, #tpu.memory_space<vmem>>
    %dma_wait3A_169 = arith.constant 0 : i32
    %dma_wait3A_170 = tpu.memref_slice %arg6[%dma_wait3A_165, %dma_wait3A_169] : memref<16x128xi32, #tpu.memory_space<vmem>> -> memref<1x128xi32, #tpu.memory_space<vmem>>
    %dma_wait3A_171 = tpu.memref_squeeze %dma_wait3A_170 : memref<1x128xi32, #tpu.memory_space<vmem>> -> memref<128xi32, #tpu.memory_space<vmem>>
    %dma_wait3A_172 = arith.constant 0 : i32
    %dma_wait3A_173 = tpu.memref_slice %arg16[%dma_wait3A_172] : memref<16656xi32, #tpu.memory_space<vmem_shared>> -> memref<16656xi32, #tpu.memory_space<vmem_shared>>
    tpu.wait_indirect_dma semaphore(%arg17 : memref<!tpu.dma_semaphore, #tpu.memory_space<semaphore_mem>>) src(%dma_wait3A_168 : memref<128xi32, #tpu.memory_space<vmem>>) dst(%dma_wait3A_173 : memref<16656xi32, #tpu.memory_space<vmem_shared>>)
    %dma_wait3A_174 = arith.constant 1 : i32
    %dma_wait3A_175 = arith.constant 1 : i32
    %dma_wait3A_176 = arith.constant 0 : i32
    %dma_wait3A_177 = tpu.memref_slice %arg7[%dma_wait3A_174, %dma_wait3A_176] : memref<16x128xi32, #tpu.memory_space<vmem>> -> memref<1x128xi32, #tpu.memory_space<vmem>>
    %dma_wait3A_178 = tpu.memref_squeeze %dma_wait3A_177 : memref<1x128xi32, #tpu.memory_space<vmem>> -> memref<128xi32, #tpu.memory_space<vmem>>
    %dma_wait3A_179 = arith.constant 0 : i32
    %dma_wait3A_180 = tpu.memref_slice %arg6[%dma_wait3A_175, %dma_wait3A_179] : memref<16x128xi32, #tpu.memory_space<vmem>> -> memref<1x128xi32, #tpu.memory_space<vmem>>
    %dma_wait3A_181 = tpu.memref_squeeze %dma_wait3A_180 : memref<1x128xi32, #tpu.memory_space<vmem>> -> memref<128xi32, #tpu.memory_space<vmem>>
    %dma_wait3A_182 = arith.constant 0 : i32
    %dma_wait3A_183 = tpu.memref_slice %arg16[%dma_wait3A_182] : memref<16656xi32, #tpu.memory_space<vmem_shared>> -> memref<16656xi32, #tpu.memory_space<vmem_shared>>
    tpu.wait_indirect_dma semaphore(%arg17 : memref<!tpu.dma_semaphore, #tpu.memory_space<semaphore_mem>>) src(%dma_wait3A_178 : memref<128xi32, #tpu.memory_space<vmem>>) dst(%dma_wait3A_183 : memref<16656xi32, #tpu.memory_space<vmem_shared>>)
    %dma_wait3A_184 = arith.constant 2 : i32
    %dma_wait3A_185 = arith.constant 2 : i32
    %dma_wait3A_186 = arith.constant 0 : i32
    %dma_wait3A_187 = tpu.memref_slice %arg7[%dma_wait3A_184, %dma_wait3A_186] : memref<16x128xi32, #tpu.memory_space<vmem>> -> memref<1x128xi32, #tpu.memory_space<vmem>>
    %dma_wait3A_188 = tpu.memref_squeeze %dma_wait3A_187 : memref<1x128xi32, #tpu.memory_space<vmem>> -> memref<128xi32, #tpu.memory_space<vmem>>
    %dma_wait3A_189 = arith.constant 0 : i32
    %dma_wait3A_190 = tpu.memref_slice %arg6[%dma_wait3A_185, %dma_wait3A_189] : memref<16x128xi32, #tpu.memory_space<vmem>> -> memref<1x128xi32, #tpu.memory_space<vmem>>
    %dma_wait3A_191 = tpu.memref_squeeze %dma_wait3A_190 : memref<1x128xi32, #tpu.memory_space<vmem>> -> memref<128xi32, #tpu.memory_space<vmem>>
    %dma_wait3A_192 = arith.constant 0 : i32
    %dma_wait3A_193 = tpu.memref_slice %arg16[%dma_wait3A_192] : memref<16656xi32, #tpu.memory_space<vmem_shared>> -> memref<16656xi32, #tpu.memory_space<vmem_shared>>
    tpu.wait_indirect_dma semaphore(%arg17 : memref<!tpu.dma_semaphore, #tpu.memory_space<semaphore_mem>>) src(%dma_wait3A_188 : memref<128xi32, #tpu.memory_space<vmem>>) dst(%dma_wait3A_193 : memref<16656xi32, #tpu.memory_space<vmem_shared>>)
    %dma_wait3A_194 = arith.constant 3 : i32
    %dma_wait3A_195 = arith.constant 3 : i32
    %dma_wait3A_196 = arith.constant 0 : i32
    %dma_wait3A_197 = tpu.memref_slice %arg7[%dma_wait3A_194, %dma_wait3A_196] : memref<16x128xi32, #tpu.memory_space<vmem>> -> memref<1x128xi32, #tpu.memory_space<vmem>>
    %dma_wait3A_198 = tpu.memref_squeeze %dma_wait3A_197 : memref<1x128xi32, #tpu.memory_space<vmem>> -> memref<128xi32, #tpu.memory_space<vmem>>
    %dma_wait3A_199 = arith.constant 0 : i32
    %dma_wait3A_200 = tpu.memref_slice %arg6[%dma_wait3A_195, %dma_wait3A_199] : memref<16x128xi32, #tpu.memory_space<vmem>> -> memref<1x128xi32, #tpu.memory_space<vmem>>
    %dma_wait3A_201 = tpu.memref_squeeze %dma_wait3A_200 : memref<1x128xi32, #tpu.memory_space<vmem>> -> memref<128xi32, #tpu.memory_space<vmem>>
    %dma_wait3A_202 = arith.constant 0 : i32
    %dma_wait3A_203 = tpu.memref_slice %arg16[%dma_wait3A_202] : memref<16656xi32, #tpu.memory_space<vmem_shared>> -> memref<16656xi32, #tpu.memory_space<vmem_shared>>
    tpu.wait_indirect_dma semaphore(%arg17 : memref<!tpu.dma_semaphore, #tpu.memory_space<semaphore_mem>>) src(%dma_wait3A_198 : memref<128xi32, #tpu.memory_space<vmem>>) dst(%dma_wait3A_203 : memref<16656xi32, #tpu.memory_space<vmem_shared>>)
    %dma_wait3A_204 = arith.constant 4 : i32
    %dma_wait3A_205 = arith.constant 4 : i32
    %dma_wait3A_206 = arith.constant 0 : i32
    %dma_wait3A_207 = tpu.memref_slice %arg7[%dma_wait3A_204, %dma_wait3A_206] : memref<16x128xi32, #tpu.memory_space<vmem>> -> memref<1x128xi32, #tpu.memory_space<vmem>>
    %dma_wait3A_208 = tpu.memref_squeeze %dma_wait3A_207 : memref<1x128xi32, #tpu.memory_space<vmem>> -> memref<128xi32, #tpu.memory_space<vmem>>
    %dma_wait3A_209 = arith.constant 0 : i32
    %dma_wait3A_210 = tpu.memref_slice %arg6[%dma_wait3A_205, %dma_wait3A_209] : memref<16x128xi32, #tpu.memory_space<vmem>> -> memref<1x128xi32, #tpu.memory_space<vmem>>
    %dma_wait3A_211 = tpu.memref_squeeze %dma_wait3A_210 : memref<1x128xi32, #tpu.memory_space<vmem>> -> memref<128xi32, #tpu.memory_space<vmem>>
    %dma_wait3A_212 = arith.constant 0 : i32
    %dma_wait3A_213 = tpu.memref_slice %arg16[%dma_wait3A_212] : memref<16656xi32, #tpu.memory_space<vmem_shared>> -> memref<16656xi32, #tpu.memory_space<vmem_shared>>
    tpu.wait_indirect_dma semaphore(%arg17 : memref<!tpu.dma_semaphore, #tpu.memory_space<semaphore_mem>>) src(%dma_wait3A_208 : memref<128xi32, #tpu.memory_space<vmem>>) dst(%dma_wait3A_213 : memref<16656xi32, #tpu.memory_space<vmem_shared>>)
    %dma_wait3A_214 = arith.constant 5 : i32
    %dma_wait3A_215 = arith.constant 5 : i32
    %dma_wait3A_216 = arith.constant 0 : i32
    %dma_wait3A_217 = tpu.memref_slice %arg7[%dma_wait3A_214, %dma_wait3A_216] : memref<16x128xi32, #tpu.memory_space<vmem>> -> memref<1x128xi32, #tpu.memory_space<vmem>>
    %dma_wait3A_218 = tpu.memref_squeeze %dma_wait3A_217 : memref<1x128xi32, #tpu.memory_space<vmem>> -> memref<128xi32, #tpu.memory_space<vmem>>
    %dma_wait3A_219 = arith.constant 0 : i32
    %dma_wait3A_220 = tpu.memref_slice %arg6[%dma_wait3A_215, %dma_wait3A_219] : memref<16x128xi32, #tpu.memory_space<vmem>> -> memref<1x128xi32, #tpu.memory_space<vmem>>
    %dma_wait3A_221 = tpu.memref_squeeze %dma_wait3A_220 : memref<1x128xi32, #tpu.memory_space<vmem>> -> memref<128xi32, #tpu.memory_space<vmem>>
    %dma_wait3A_222 = arith.constant 0 : i32
    %dma_wait3A_223 = tpu.memref_slice %arg16[%dma_wait3A_222] : memref<16656xi32, #tpu.memory_space<vmem_shared>> -> memref<16656xi32, #tpu.memory_space<vmem_shared>>
    tpu.wait_indirect_dma semaphore(%arg17 : memref<!tpu.dma_semaphore, #tpu.memory_space<semaphore_mem>>) src(%dma_wait3A_218 : memref<128xi32, #tpu.memory_space<vmem>>) dst(%dma_wait3A_223 : memref<16656xi32, #tpu.memory_space<vmem_shared>>)
    %dma_wait3A_224 = arith.constant 6 : i32
    %dma_wait3A_225 = arith.constant 6 : i32
    %dma_wait3A_226 = arith.constant 0 : i32
    %dma_wait3A_227 = tpu.memref_slice %arg7[%dma_wait3A_224, %dma_wait3A_226] : memref<16x128xi32, #tpu.memory_space<vmem>> -> memref<1x128xi32, #tpu.memory_space<vmem>>
    %dma_wait3A_228 = tpu.memref_squeeze %dma_wait3A_227 : memref<1x128xi32, #tpu.memory_space<vmem>> -> memref<128xi32, #tpu.memory_space<vmem>>
    %dma_wait3A_229 = arith.constant 0 : i32
    %dma_wait3A_230 = tpu.memref_slice %arg6[%dma_wait3A_225, %dma_wait3A_229] : memref<16x128xi32, #tpu.memory_space<vmem>> -> memref<1x128xi32, #tpu.memory_space<vmem>>
    %dma_wait3A_231 = tpu.memref_squeeze %dma_wait3A_230 : memref<1x128xi32, #tpu.memory_space<vmem>> -> memref<128xi32, #tpu.memory_space<vmem>>
    %dma_wait3A_232 = arith.constant 0 : i32
    %dma_wait3A_233 = tpu.memref_slice %arg16[%dma_wait3A_232] : memref<16656xi32, #tpu.memory_space<vmem_shared>> -> memref<16656xi32, #tpu.memory_space<vmem_shared>>
    tpu.wait_indirect_dma semaphore(%arg17 : memref<!tpu.dma_semaphore, #tpu.memory_space<semaphore_mem>>) src(%dma_wait3A_228 : memref<128xi32, #tpu.memory_space<vmem>>) dst(%dma_wait3A_233 : memref<16656xi32, #tpu.memory_space<vmem_shared>>)
    %dma_wait3A_234 = arith.constant 7 : i32
    %dma_wait3A_235 = arith.constant 7 : i32
    %dma_wait3A_236 = arith.constant 0 : i32
    %dma_wait3A_237 = tpu.memref_slice %arg7[%dma_wait3A_234, %dma_wait3A_236] : memref<16x128xi32, #tpu.memory_space<vmem>> -> memref<1x128xi32, #tpu.memory_space<vmem>>
    %dma_wait3A_238 = tpu.memref_squeeze %dma_wait3A_237 : memref<1x128xi32, #tpu.memory_space<vmem>> -> memref<128xi32, #tpu.memory_space<vmem>>
    %dma_wait3A_239 = arith.constant 0 : i32
    %dma_wait3A_240 = tpu.memref_slice %arg6[%dma_wait3A_235, %dma_wait3A_239] : memref<16x128xi32, #tpu.memory_space<vmem>> -> memref<1x128xi32, #tpu.memory_space<vmem>>
    %dma_wait3A_241 = tpu.memref_squeeze %dma_wait3A_240 : memref<1x128xi32, #tpu.memory_space<vmem>> -> memref<128xi32, #tpu.memory_space<vmem>>
    %dma_wait3A_242 = arith.constant 0 : i32
    %dma_wait3A_243 = tpu.memref_slice %arg16[%dma_wait3A_242] : memref<16656xi32, #tpu.memory_space<vmem_shared>> -> memref<16656xi32, #tpu.memory_space<vmem_shared>>
    tpu.wait_indirect_dma semaphore(%arg17 : memref<!tpu.dma_semaphore, #tpu.memory_space<semaphore_mem>>) src(%dma_wait3A_238 : memref<128xi32, #tpu.memory_space<vmem>>) dst(%dma_wait3A_243 : memref<16656xi32, #tpu.memory_space<vmem_shared>>)
    %dma_wait3A_244 = arith.constant 8 : i32
    %dma_wait3A_245 = arith.constant 8 : i32
    %dma_wait3A_246 = arith.constant 0 : i32
    %dma_wait3A_247 = tpu.memref_slice %arg7[%dma_wait3A_244, %dma_wait3A_246] : memref<16x128xi32, #tpu.memory_space<vmem>> -> memref<1x128xi32, #tpu.memory_space<vmem>>
    %dma_wait3A_248 = tpu.memref_squeeze %dma_wait3A_247 : memref<1x128xi32, #tpu.memory_space<vmem>> -> memref<128xi32, #tpu.memory_space<vmem>>
    %dma_wait3A_249 = arith.constant 0 : i32
    %dma_wait3A_250 = tpu.memref_slice %arg6[%dma_wait3A_245, %dma_wait3A_249] : memref<16x128xi32, #tpu.memory_space<vmem>> -> memref<1x128xi32, #tpu.memory_space<vmem>>
    %dma_wait3A_251 = tpu.memref_squeeze %dma_wait3A_250 : memref<1x128xi32, #tpu.memory_space<vmem>> -> memref<128xi32, #tpu.memory_space<vmem>>
    %dma_wait3A_252 = arith.constant 0 : i32
    %dma_wait3A_253 = tpu.memref_slice %arg16[%dma_wait3A_252] : memref<16656xi32, #tpu.memory_space<vmem_shared>> -> memref<16656xi32, #tpu.memory_space<vmem_shared>>
    tpu.wait_indirect_dma semaphore(%arg17 : memref<!tpu.dma_semaphore, #tpu.memory_space<semaphore_mem>>) src(%dma_wait3A_248 : memref<128xi32, #tpu.memory_space<vmem>>) dst(%dma_wait3A_253 : memref<16656xi32, #tpu.memory_space<vmem_shared>>)
    %dma_wait3A_254 = arith.constant 9 : i32
    %dma_wait3A_255 = arith.constant 9 : i32
    %dma_wait3A_256 = arith.constant 0 : i32
    %dma_wait3A_257 = tpu.memref_slice %arg7[%dma_wait3A_254, %dma_wait3A_256] : memref<16x128xi32, #tpu.memory_space<vmem>> -> memref<1x128xi32, #tpu.memory_space<vmem>>
    %dma_wait3A_258 = tpu.memref_squeeze %dma_wait3A_257 : memref<1x128xi32, #tpu.memory_space<vmem>> -> memref<128xi32, #tpu.memory_space<vmem>>
    %dma_wait3A_259 = arith.constant 0 : i32
    %dma_wait3A_260 = tpu.memref_slice %arg6[%dma_wait3A_255, %dma_wait3A_259] : memref<16x128xi32, #tpu.memory_space<vmem>> -> memref<1x128xi32, #tpu.memory_space<vmem>>
    %dma_wait3A_261 = tpu.memref_squeeze %dma_wait3A_260 : memref<1x128xi32, #tpu.memory_space<vmem>> -> memref<128xi32, #tpu.memory_space<vmem>>
    %dma_wait3A_262 = arith.constant 0 : i32
    %dma_wait3A_263 = tpu.memref_slice %arg16[%dma_wait3A_262] : memref<16656xi32, #tpu.memory_space<vmem_shared>> -> memref<16656xi32, #tpu.memory_space<vmem_shared>>
    tpu.wait_indirect_dma semaphore(%arg17 : memref<!tpu.dma_semaphore, #tpu.memory_space<semaphore_mem>>) src(%dma_wait3A_258 : memref<128xi32, #tpu.memory_space<vmem>>) dst(%dma_wait3A_263 : memref<16656xi32, #tpu.memory_space<vmem_shared>>)
    %dma_wait3A_264 = arith.constant 10 : i32
    %dma_wait3A_265 = arith.constant 10 : i32
    %dma_wait3A_266 = arith.constant 0 : i32
    %dma_wait3A_267 = tpu.memref_slice %arg7[%dma_wait3A_264, %dma_wait3A_266] : memref<16x128xi32, #tpu.memory_space<vmem>> -> memref<1x128xi32, #tpu.memory_space<vmem>>
    %dma_wait3A_268 = tpu.memref_squeeze %dma_wait3A_267 : memref<1x128xi32, #tpu.memory_space<vmem>> -> memref<128xi32, #tpu.memory_space<vmem>>
    %dma_wait3A_269 = arith.constant 0 : i32
    %dma_wait3A_270 = tpu.memref_slice %arg6[%dma_wait3A_265, %dma_wait3A_269] : memref<16x128xi32, #tpu.memory_space<vmem>> -> memref<1x128xi32, #tpu.memory_space<vmem>>
    %dma_wait3A_271 = tpu.memref_squeeze %dma_wait3A_270 : memref<1x128xi32, #tpu.memory_space<vmem>> -> memref<128xi32, #tpu.memory_space<vmem>>
    %dma_wait3A_272 = arith.constant 0 : i32
    %dma_wait3A_273 = tpu.memref_slice %arg16[%dma_wait3A_272] : memref<16656xi32, #tpu.memory_space<vmem_shared>> -> memref<16656xi32, #tpu.memory_space<vmem_shared>>
    tpu.wait_indirect_dma semaphore(%arg17 : memref<!tpu.dma_semaphore, #tpu.memory_space<semaphore_mem>>) src(%dma_wait3A_268 : memref<128xi32, #tpu.memory_space<vmem>>) dst(%dma_wait3A_273 : memref<16656xi32, #tpu.memory_space<vmem_shared>>)
    %dma_wait3A_274 = arith.constant 11 : i32
    %dma_wait3A_275 = arith.constant 11 : i32
    %dma_wait3A_276 = arith.constant 0 : i32
    %dma_wait3A_277 = tpu.memref_slice %arg7[%dma_wait3A_274, %dma_wait3A_276] : memref<16x128xi32, #tpu.memory_space<vmem>> -> memref<1x128xi32, #tpu.memory_space<vmem>>
    %dma_wait3A_278 = tpu.memref_squeeze %dma_wait3A_277 : memref<1x128xi32, #tpu.memory_space<vmem>> -> memref<128xi32, #tpu.memory_space<vmem>>
    %dma_wait3A_279 = arith.constant 0 : i32
    %dma_wait3A_280 = tpu.memref_slice %arg6[%dma_wait3A_275, %dma_wait3A_279] : memref<16x128xi32, #tpu.memory_space<vmem>> -> memref<1x128xi32, #tpu.memory_space<vmem>>
    %dma_wait3A_281 = tpu.memref_squeeze %dma_wait3A_280 : memref<1x128xi32, #tpu.memory_space<vmem>> -> memref<128xi32, #tpu.memory_space<vmem>>
    %dma_wait3A_282 = arith.constant 0 : i32
    %dma_wait3A_283 = tpu.memref_slice %arg16[%dma_wait3A_282] : memref<16656xi32, #tpu.memory_space<vmem_shared>> -> memref<16656xi32, #tpu.memory_space<vmem_shared>>
    tpu.wait_indirect_dma semaphore(%arg17 : memref<!tpu.dma_semaphore, #tpu.memory_space<semaphore_mem>>) src(%dma_wait3A_278 : memref<128xi32, #tpu.memory_space<vmem>>) dst(%dma_wait3A_283 : memref<16656xi32, #tpu.memory_space<vmem_shared>>)
    %dma_wait3A_284 = arith.constant 12 : i32
    %dma_wait3A_285 = arith.constant 12 : i32
    %dma_wait3A_286 = arith.constant 0 : i32
    %dma_wait3A_287 = tpu.memref_slice %arg7[%dma_wait3A_284, %dma_wait3A_286] : memref<16x128xi32, #tpu.memory_space<vmem>> -> memref<1x128xi32, #tpu.memory_space<vmem>>
    %dma_wait3A_288 = tpu.memref_squeeze %dma_wait3A_287 : memref<1x128xi32, #tpu.memory_space<vmem>> -> memref<128xi32, #tpu.memory_space<vmem>>
    %dma_wait3A_289 = arith.constant 0 : i32
    %dma_wait3A_290 = tpu.memref_slice %arg6[%dma_wait3A_285, %dma_wait3A_289] : memref<16x128xi32, #tpu.memory_space<vmem>> -> memref<1x128xi32, #tpu.memory_space<vmem>>
    %dma_wait3A_291 = tpu.memref_squeeze %dma_wait3A_290 : memref<1x128xi32, #tpu.memory_space<vmem>> -> memref<128xi32, #tpu.memory_space<vmem>>
    %dma_wait3A_292 = arith.constant 0 : i32
    %dma_wait3A_293 = tpu.memref_slice %arg16[%dma_wait3A_292] : memref<16656xi32, #tpu.memory_space<vmem_shared>> -> memref<16656xi32, #tpu.memory_space<vmem_shared>>
    tpu.wait_indirect_dma semaphore(%arg17 : memref<!tpu.dma_semaphore, #tpu.memory_space<semaphore_mem>>) src(%dma_wait3A_288 : memref<128xi32, #tpu.memory_space<vmem>>) dst(%dma_wait3A_293 : memref<16656xi32, #tpu.memory_space<vmem_shared>>)
    %dma_wait3A_294 = arith.constant 13 : i32
    %dma_wait3A_295 = arith.constant 13 : i32
    %dma_wait3A_296 = arith.constant 0 : i32
    %dma_wait3A_297 = tpu.memref_slice %arg7[%dma_wait3A_294, %dma_wait3A_296] : memref<16x128xi32, #tpu.memory_space<vmem>> -> memref<1x128xi32, #tpu.memory_space<vmem>>
    %dma_wait3A_298 = tpu.memref_squeeze %dma_wait3A_297 : memref<1x128xi32, #tpu.memory_space<vmem>> -> memref<128xi32, #tpu.memory_space<vmem>>
    %dma_wait3A_299 = arith.constant 0 : i32
    %dma_wait3A_300 = tpu.memref_slice %arg6[%dma_wait3A_295, %dma_wait3A_299] : memref<16x128xi32, #tpu.memory_space<vmem>> -> memref<1x128xi32, #tpu.memory_space<vmem>>
    %dma_wait3A_301 = tpu.memref_squeeze %dma_wait3A_300 : memref<1x128xi32, #tpu.memory_space<vmem>> -> memref<128xi32, #tpu.memory_space<vmem>>
    %dma_wait3A_302 = arith.constant 0 : i32
    %dma_wait3A_303 = tpu.memref_slice %arg16[%dma_wait3A_302] : memref<16656xi32, #tpu.memory_space<vmem_shared>> -> memref<16656xi32, #tpu.memory_space<vmem_shared>>
    tpu.wait_indirect_dma semaphore(%arg17 : memref<!tpu.dma_semaphore, #tpu.memory_space<semaphore_mem>>) src(%dma_wait3A_298 : memref<128xi32, #tpu.memory_space<vmem>>) dst(%dma_wait3A_303 : memref<16656xi32, #tpu.memory_space<vmem_shared>>)
    %dma_wait3A_304 = arith.constant 14 : i32
    %dma_wait3A_305 = arith.constant 14 : i32
    %dma_wait3A_306 = arith.constant 0 : i32
    %dma_wait3A_307 = tpu.memref_slice %arg7[%dma_wait3A_304, %dma_wait3A_306] : memref<16x128xi32, #tpu.memory_space<vmem>> -> memref<1x128xi32, #tpu.memory_space<vmem>>
    %dma_wait3A_308 = tpu.memref_squeeze %dma_wait3A_307 : memref<1x128xi32, #tpu.memory_space<vmem>> -> memref<128xi32, #tpu.memory_space<vmem>>
    %dma_wait3A_309 = arith.constant 0 : i32
    %dma_wait3A_310 = tpu.memref_slice %arg6[%dma_wait3A_305, %dma_wait3A_309] : memref<16x128xi32, #tpu.memory_space<vmem>> -> memref<1x128xi32, #tpu.memory_space<vmem>>
    %dma_wait3A_311 = tpu.memref_squeeze %dma_wait3A_310 : memref<1x128xi32, #tpu.memory_space<vmem>> -> memref<128xi32, #tpu.memory_space<vmem>>
    %dma_wait3A_312 = arith.constant 0 : i32
    %dma_wait3A_313 = tpu.memref_slice %arg16[%dma_wait3A_312] : memref<16656xi32, #tpu.memory_space<vmem_shared>> -> memref<16656xi32, #tpu.memory_space<vmem_shared>>
    tpu.wait_indirect_dma semaphore(%arg17 : memref<!tpu.dma_semaphore, #tpu.memory_space<semaphore_mem>>) src(%dma_wait3A_308 : memref<128xi32, #tpu.memory_space<vmem>>) dst(%dma_wait3A_313 : memref<16656xi32, #tpu.memory_space<vmem_shared>>)
    %dma_wait3A_314 = arith.constant 15 : i32
    %dma_wait3A_315 = arith.constant 15 : i32
    %dma_wait3A_316 = arith.constant 0 : i32
    %dma_wait3A_317 = tpu.memref_slice %arg7[%dma_wait3A_314, %dma_wait3A_316] : memref<16x128xi32, #tpu.memory_space<vmem>> -> memref<1x128xi32, #tpu.memory_space<vmem>>
    %dma_wait3A_318 = tpu.memref_squeeze %dma_wait3A_317 : memref<1x128xi32, #tpu.memory_space<vmem>> -> memref<128xi32, #tpu.memory_space<vmem>>
    %dma_wait3A_319 = arith.constant 0 : i32
    %dma_wait3A_320 = tpu.memref_slice %arg6[%dma_wait3A_315, %dma_wait3A_319] : memref<16x128xi32, #tpu.memory_space<vmem>> -> memref<1x128xi32, #tpu.memory_space<vmem>>
    %dma_wait3A_321 = tpu.memref_squeeze %dma_wait3A_320 : memref<1x128xi32, #tpu.memory_space<vmem>> -> memref<128xi32, #tpu.memory_space<vmem>>
    %dma_wait3A_322 = arith.constant 0 : i32
    %dma_wait3A_323 = tpu.memref_slice %arg16[%dma_wait3A_322] : memref<16656xi32, #tpu.memory_space<vmem_shared>> -> memref<16656xi32, #tpu.memory_space<vmem_shared>>
    tpu.wait_indirect_dma semaphore(%arg17 : memref<!tpu.dma_semaphore, #tpu.memory_space<semaphore_mem>>) src(%dma_wait3A_318 : memref<128xi32, #tpu.memory_space<vmem>>) dst(%dma_wait3A_323 : memref<16656xi32, #tpu.memory_space<vmem_shared>>)
    %mul3A_324 = arith.constant 2 : i32
    %mul3A_325 = arith.muli %arg1, %mul3A_324 : i32
    %add3A_326 = arith.constant 1 : i32
    %add3A_327 = arith.addi %mul3A_325, %add3A_326 : i32
    "tpu.region"() ({
      %run_scoped3A = tpu.sem_alloc : memref<!tpu.dma_semaphore, #tpu.memory_space<semaphore_mem>>
      %dma_start3A_1335 = arith.constant 0 : i32
      %dma_start3A_1336 = arith.constant 0 : i32
      %dma_start3A_1337 = tpu.memref_slice %arg2[%add3A_327, %dma_start3A_1335, %dma_start3A_1336] : memref<32x16x128xi32, #tpu.memory_space<hbm>> -> memref<1x16x128xi32, #tpu.memory_space<hbm>>
      %dma_start3A_1338 = tpu.memref_squeeze %dma_start3A_1337 : memref<1x16x128xi32, #tpu.memory_space<hbm>> -> memref<16x128xi32, #tpu.memory_space<hbm>>
      %dma_start3A_1339 = arith.constant 0 : i32
      %dma_start3A_1340 = arith.constant 0 : i32
      %dma_start3A_1341 = tpu.memref_slice %arg2[%add3A_327, %dma_start3A_1339, %dma_start3A_1340] : memref<32x16x128xi32, #tpu.memory_space<hbm>> -> memref<1x16x128xi32, #tpu.memory_space<hbm>>
      %dma_start3A_1342 = tpu.memref_squeeze %dma_start3A_1341 : memref<1x16x128xi32, #tpu.memory_space<hbm>> -> memref<16x128xi32, #tpu.memory_space<hbm>>
      tpu.enqueue_dma source(%dma_start3A_1342 : memref<16x128xi32, #tpu.memory_space<hbm>>) target(%arg6 : memref<16x128xi32, #tpu.memory_space<vmem>>) target_semaphore(%run_scoped3A : memref<!tpu.dma_semaphore, #tpu.memory_space<semaphore_mem>>)
      %dma_wait3A_1343 = arith.constant 0 : i32
      %dma_wait3A_1344 = arith.constant 0 : i32
      %dma_wait3A_1345 = tpu.memref_slice %arg2[%add3A_327, %dma_wait3A_1343, %dma_wait3A_1344] : memref<32x16x128xi32, #tpu.memory_space<hbm>> -> memref<1x16x128xi32, #tpu.memory_space<hbm>>
      %dma_wait3A_1346 = tpu.memref_squeeze %dma_wait3A_1345 : memref<1x16x128xi32, #tpu.memory_space<hbm>> -> memref<16x128xi32, #tpu.memory_space<hbm>>
      %dma_wait3A_1347 = arith.constant 0 : i32
      %dma_wait3A_1348 = arith.constant 0 : i32
      %dma_wait3A_1349 = tpu.memref_slice %arg2[%add3A_327, %dma_wait3A_1347, %dma_wait3A_1348] : memref<32x16x128xi32, #tpu.memory_space<hbm>> -> memref<1x16x128xi32, #tpu.memory_space<hbm>>
      %dma_wait3A_1350 = tpu.memref_squeeze %dma_wait3A_1349 : memref<1x16x128xi32, #tpu.memory_space<hbm>> -> memref<16x128xi32, #tpu.memory_space<hbm>>
      tpu.wait_dma2 semaphore(%run_scoped3A : memref<!tpu.dma_semaphore, #tpu.memory_space<semaphore_mem>>) src(%dma_wait3A_1350 : memref<16x128xi32, #tpu.memory_space<hbm>>) dst(%arg6 : memref<16x128xi32, #tpu.memory_space<vmem>>)
      tpu.yield
    }) : () -> ()
    %mul3A_328 = arith.constant 2 : i32
    %mul3A_329 = arith.muli %arg1, %mul3A_328 : i32
    %add3A_330 = arith.constant 1 : i32
    %add3A_331 = arith.addi %mul3A_329, %add3A_330 : i32
    "tpu.region"() ({
      %run_scoped3A = tpu.sem_alloc : memref<!tpu.dma_semaphore, #tpu.memory_space<semaphore_mem>>
      %dma_start3A_1335 = arith.constant 0 : i32
      %dma_start3A_1336 = arith.constant 0 : i32
      %dma_start3A_1337 = tpu.memref_slice %arg3[%add3A_331, %dma_start3A_1335, %dma_start3A_1336] : memref<32x16x128xi32, #tpu.memory_space<hbm>> -> memref<1x16x128xi32, #tpu.memory_space<hbm>>
      %dma_start3A_1338 = tpu.memref_squeeze %dma_start3A_1337 : memref<1x16x128xi32, #tpu.memory_space<hbm>> -> memref<16x128xi32, #tpu.memory_space<hbm>>
      %dma_start3A_1339 = arith.constant 0 : i32
      %dma_start3A_1340 = arith.constant 0 : i32
      %dma_start3A_1341 = tpu.memref_slice %arg3[%add3A_331, %dma_start3A_1339, %dma_start3A_1340] : memref<32x16x128xi32, #tpu.memory_space<hbm>> -> memref<1x16x128xi32, #tpu.memory_space<hbm>>
      %dma_start3A_1342 = tpu.memref_squeeze %dma_start3A_1341 : memref<1x16x128xi32, #tpu.memory_space<hbm>> -> memref<16x128xi32, #tpu.memory_space<hbm>>
      tpu.enqueue_dma source(%dma_start3A_1342 : memref<16x128xi32, #tpu.memory_space<hbm>>) target(%arg7 : memref<16x128xi32, #tpu.memory_space<vmem>>) target_semaphore(%run_scoped3A : memref<!tpu.dma_semaphore, #tpu.memory_space<semaphore_mem>>)
      %dma_wait3A_1343 = arith.constant 0 : i32
      %dma_wait3A_1344 = arith.constant 0 : i32
      %dma_wait3A_1345 = tpu.memref_slice %arg3[%add3A_331, %dma_wait3A_1343, %dma_wait3A_1344] : memref<32x16x128xi32, #tpu.memory_space<hbm>> -> memref<1x16x128xi32, #tpu.memory_space<hbm>>
      %dma_wait3A_1346 = tpu.memref_squeeze %dma_wait3A_1345 : memref<1x16x128xi32, #tpu.memory_space<hbm>> -> memref<16x128xi32, #tpu.memory_space<hbm>>
      %dma_wait3A_1347 = arith.constant 0 : i32
      %dma_wait3A_1348 = arith.constant 0 : i32
      %dma_wait3A_1349 = tpu.memref_slice %arg3[%add3A_331, %dma_wait3A_1347, %dma_wait3A_1348] : memref<32x16x128xi32, #tpu.memory_space<hbm>> -> memref<1x16x128xi32, #tpu.memory_space<hbm>>
      %dma_wait3A_1350 = tpu.memref_squeeze %dma_wait3A_1349 : memref<1x16x128xi32, #tpu.memory_space<hbm>> -> memref<16x128xi32, #tpu.memory_space<hbm>>
      tpu.wait_dma2 semaphore(%run_scoped3A : memref<!tpu.dma_semaphore, #tpu.memory_space<semaphore_mem>>) src(%dma_wait3A_1350 : memref<16x128xi32, #tpu.memory_space<hbm>>) dst(%arg7 : memref<16x128xi32, #tpu.memory_space<vmem>>)
      tpu.yield
    }) : () -> ()
    %dma_start3A_332 = arith.constant 0 : i32
    %dma_start3A_333 = arith.constant 0 : i32
    %dma_start3A_334 = arith.constant 0 : i32
    %dma_start3A_335 = tpu.memref_slice %arg7[%dma_start3A_332, %dma_start3A_334] : memref<16x128xi32, #tpu.memory_space<vmem>> -> memref<1x128xi32, #tpu.memory_space<vmem>>
    %dma_start3A_336 = tpu.memref_squeeze %dma_start3A_335 : memref<1x128xi32, #tpu.memory_space<vmem>> -> memref<128xi32, #tpu.memory_space<vmem>>
    %dma_start3A_337 = arith.constant 0 : i32
    %dma_start3A_338 = tpu.memref_slice %arg6[%dma_start3A_333, %dma_start3A_337] : memref<16x128xi32, #tpu.memory_space<vmem>> -> memref<1x128xi32, #tpu.memory_space<vmem>>
    %dma_start3A_339 = tpu.memref_squeeze %dma_start3A_338 : memref<1x128xi32, #tpu.memory_space<vmem>> -> memref<128xi32, #tpu.memory_space<vmem>>
    %dma_start3A_340 = arith.constant 0 : i32
    %dma_start3A_341 = tpu.memref_slice %arg16[%dma_start3A_340] : memref<16656xi32, #tpu.memory_space<vmem_shared>> -> memref<16656xi32, #tpu.memory_space<vmem_shared>>
    tpu.enqueue_indirect_dma source(%dma_start3A_336 : memref<128xi32, #tpu.memory_space<vmem>>) target(%dma_start3A_341 : memref<16656xi32, #tpu.memory_space<vmem_shared>>) offsets(%dma_start3A_339 : memref<128xi32, #tpu.memory_space<vmem>>) semaphore(%arg17 : memref<!tpu.dma_semaphore, #tpu.memory_space<semaphore_mem>>)
    %dma_start3A_342 = arith.constant 1 : i32
    %dma_start3A_343 = arith.constant 1 : i32
    %dma_start3A_344 = arith.constant 0 : i32
    %dma_start3A_345 = tpu.memref_slice %arg7[%dma_start3A_342, %dma_start3A_344] : memref<16x128xi32, #tpu.memory_space<vmem>> -> memref<1x128xi32, #tpu.memory_space<vmem>>
    %dma_start3A_346 = tpu.memref_squeeze %dma_start3A_345 : memref<1x128xi32, #tpu.memory_space<vmem>> -> memref<128xi32, #tpu.memory_space<vmem>>
    %dma_start3A_347 = arith.constant 0 : i32
    %dma_start3A_348 = tpu.memref_slice %arg6[%dma_start3A_343, %dma_start3A_347] : memref<16x128xi32, #tpu.memory_space<vmem>> -> memref<1x128xi32, #tpu.memory_space<vmem>>
    %dma_start3A_349 = tpu.memref_squeeze %dma_start3A_348 : memref<1x128xi32, #tpu.memory_space<vmem>> -> memref<128xi32, #tpu.memory_space<vmem>>
    %dma_start3A_350 = arith.constant 0 : i32
    %dma_start3A_351 = tpu.memref_slice %arg16[%dma_start3A_350] : memref<16656xi32, #tpu.memory_space<vmem_shared>> -> memref<16656xi32, #tpu.memory_space<vmem_shared>>
    tpu.enqueue_indirect_dma source(%dma_start3A_346 : memref<128xi32, #tpu.memory_space<vmem>>) target(%dma_start3A_351 : memref<16656xi32, #tpu.memory_space<vmem_shared>>) offsets(%dma_start3A_349 : memref<128xi32, #tpu.memory_space<vmem>>) semaphore(%arg17 : memref<!tpu.dma_semaphore, #tpu.memory_space<semaphore_mem>>)
    %dma_start3A_352 = arith.constant 2 : i32
    %dma_start3A_353 = arith.constant 2 : i32
    %dma_start3A_354 = arith.constant 0 : i32
    %dma_start3A_355 = tpu.memref_slice %arg7[%dma_start3A_352, %dma_start3A_354] : memref<16x128xi32, #tpu.memory_space<vmem>> -> memref<1x128xi32, #tpu.memory_space<vmem>>
    %dma_start3A_356 = tpu.memref_squeeze %dma_start3A_355 : memref<1x128xi32, #tpu.memory_space<vmem>> -> memref<128xi32, #tpu.memory_space<vmem>>
    %dma_start3A_357 = arith.constant 0 : i32
    %dma_start3A_358 = tpu.memref_slice %arg6[%dma_start3A_353, %dma_start3A_357] : memref<16x128xi32, #tpu.memory_space<vmem>> -> memref<1x128xi32, #tpu.memory_space<vmem>>
    %dma_start3A_359 = tpu.memref_squeeze %dma_start3A_358 : memref<1x128xi32, #tpu.memory_space<vmem>> -> memref<128xi32, #tpu.memory_space<vmem>>
    %dma_start3A_360 = arith.constant 0 : i32
    %dma_start3A_361 = tpu.memref_slice %arg16[%dma_start3A_360] : memref<16656xi32, #tpu.memory_space<vmem_shared>> -> memref<16656xi32, #tpu.memory_space<vmem_shared>>
    tpu.enqueue_indirect_dma source(%dma_start3A_356 : memref<128xi32, #tpu.memory_space<vmem>>) target(%dma_start3A_361 : memref<16656xi32, #tpu.memory_space<vmem_shared>>) offsets(%dma_start3A_359 : memref<128xi32, #tpu.memory_space<vmem>>) semaphore(%arg17 : memref<!tpu.dma_semaphore, #tpu.memory_space<semaphore_mem>>)
    %dma_start3A_362 = arith.constant 3 : i32
    %dma_start3A_363 = arith.constant 3 : i32
    %dma_start3A_364 = arith.constant 0 : i32
    %dma_start3A_365 = tpu.memref_slice %arg7[%dma_start3A_362, %dma_start3A_364] : memref<16x128xi32, #tpu.memory_space<vmem>> -> memref<1x128xi32, #tpu.memory_space<vmem>>
    %dma_start3A_366 = tpu.memref_squeeze %dma_start3A_365 : memref<1x128xi32, #tpu.memory_space<vmem>> -> memref<128xi32, #tpu.memory_space<vmem>>
    %dma_start3A_367 = arith.constant 0 : i32
    %dma_start3A_368 = tpu.memref_slice %arg6[%dma_start3A_363, %dma_start3A_367] : memref<16x128xi32, #tpu.memory_space<vmem>> -> memref<1x128xi32, #tpu.memory_space<vmem>>
    %dma_start3A_369 = tpu.memref_squeeze %dma_start3A_368 : memref<1x128xi32, #tpu.memory_space<vmem>> -> memref<128xi32, #tpu.memory_space<vmem>>
    %dma_start3A_370 = arith.constant 0 : i32
    %dma_start3A_371 = tpu.memref_slice %arg16[%dma_start3A_370] : memref<16656xi32, #tpu.memory_space<vmem_shared>> -> memref<16656xi32, #tpu.memory_space<vmem_shared>>
    tpu.enqueue_indirect_dma source(%dma_start3A_366 : memref<128xi32, #tpu.memory_space<vmem>>) target(%dma_start3A_371 : memref<16656xi32, #tpu.memory_space<vmem_shared>>) offsets(%dma_start3A_369 : memref<128xi32, #tpu.memory_space<vmem>>) semaphore(%arg17 : memref<!tpu.dma_semaphore, #tpu.memory_space<semaphore_mem>>)
    %dma_start3A_372 = arith.constant 4 : i32
    %dma_start3A_373 = arith.constant 4 : i32
    %dma_start3A_374 = arith.constant 0 : i32
    %dma_start3A_375 = tpu.memref_slice %arg7[%dma_start3A_372, %dma_start3A_374] : memref<16x128xi32, #tpu.memory_space<vmem>> -> memref<1x128xi32, #tpu.memory_space<vmem>>
    %dma_start3A_376 = tpu.memref_squeeze %dma_start3A_375 : memref<1x128xi32, #tpu.memory_space<vmem>> -> memref<128xi32, #tpu.memory_space<vmem>>
    %dma_start3A_377 = arith.constant 0 : i32
    %dma_start3A_378 = tpu.memref_slice %arg6[%dma_start3A_373, %dma_start3A_377] : memref<16x128xi32, #tpu.memory_space<vmem>> -> memref<1x128xi32, #tpu.memory_space<vmem>>
    %dma_start3A_379 = tpu.memref_squeeze %dma_start3A_378 : memref<1x128xi32, #tpu.memory_space<vmem>> -> memref<128xi32, #tpu.memory_space<vmem>>
    %dma_start3A_380 = arith.constant 0 : i32
    %dma_start3A_381 = tpu.memref_slice %arg16[%dma_start3A_380] : memref<16656xi32, #tpu.memory_space<vmem_shared>> -> memref<16656xi32, #tpu.memory_space<vmem_shared>>
    tpu.enqueue_indirect_dma source(%dma_start3A_376 : memref<128xi32, #tpu.memory_space<vmem>>) target(%dma_start3A_381 : memref<16656xi32, #tpu.memory_space<vmem_shared>>) offsets(%dma_start3A_379 : memref<128xi32, #tpu.memory_space<vmem>>) semaphore(%arg17 : memref<!tpu.dma_semaphore, #tpu.memory_space<semaphore_mem>>)
    %dma_start3A_382 = arith.constant 5 : i32
    %dma_start3A_383 = arith.constant 5 : i32
    %dma_start3A_384 = arith.constant 0 : i32
    %dma_start3A_385 = tpu.memref_slice %arg7[%dma_start3A_382, %dma_start3A_384] : memref<16x128xi32, #tpu.memory_space<vmem>> -> memref<1x128xi32, #tpu.memory_space<vmem>>
    %dma_start3A_386 = tpu.memref_squeeze %dma_start3A_385 : memref<1x128xi32, #tpu.memory_space<vmem>> -> memref<128xi32, #tpu.memory_space<vmem>>
    %dma_start3A_387 = arith.constant 0 : i32
    %dma_start3A_388 = tpu.memref_slice %arg6[%dma_start3A_383, %dma_start3A_387] : memref<16x128xi32, #tpu.memory_space<vmem>> -> memref<1x128xi32, #tpu.memory_space<vmem>>
    %dma_start3A_389 = tpu.memref_squeeze %dma_start3A_388 : memref<1x128xi32, #tpu.memory_space<vmem>> -> memref<128xi32, #tpu.memory_space<vmem>>
    %dma_start3A_390 = arith.constant 0 : i32
    %dma_start3A_391 = tpu.memref_slice %arg16[%dma_start3A_390] : memref<16656xi32, #tpu.memory_space<vmem_shared>> -> memref<16656xi32, #tpu.memory_space<vmem_shared>>
    tpu.enqueue_indirect_dma source(%dma_start3A_386 : memref<128xi32, #tpu.memory_space<vmem>>) target(%dma_start3A_391 : memref<16656xi32, #tpu.memory_space<vmem_shared>>) offsets(%dma_start3A_389 : memref<128xi32, #tpu.memory_space<vmem>>) semaphore(%arg17 : memref<!tpu.dma_semaphore, #tpu.memory_space<semaphore_mem>>)
    %dma_start3A_392 = arith.constant 6 : i32
    %dma_start3A_393 = arith.constant 6 : i32
    %dma_start3A_394 = arith.constant 0 : i32
    %dma_start3A_395 = tpu.memref_slice %arg7[%dma_start3A_392, %dma_start3A_394] : memref<16x128xi32, #tpu.memory_space<vmem>> -> memref<1x128xi32, #tpu.memory_space<vmem>>
    %dma_start3A_396 = tpu.memref_squeeze %dma_start3A_395 : memref<1x128xi32, #tpu.memory_space<vmem>> -> memref<128xi32, #tpu.memory_space<vmem>>
    %dma_start3A_397 = arith.constant 0 : i32
    %dma_start3A_398 = tpu.memref_slice %arg6[%dma_start3A_393, %dma_start3A_397] : memref<16x128xi32, #tpu.memory_space<vmem>> -> memref<1x128xi32, #tpu.memory_space<vmem>>
    %dma_start3A_399 = tpu.memref_squeeze %dma_start3A_398 : memref<1x128xi32, #tpu.memory_space<vmem>> -> memref<128xi32, #tpu.memory_space<vmem>>
    %dma_start3A_400 = arith.constant 0 : i32
    %dma_start3A_401 = tpu.memref_slice %arg16[%dma_start3A_400] : memref<16656xi32, #tpu.memory_space<vmem_shared>> -> memref<16656xi32, #tpu.memory_space<vmem_shared>>
    tpu.enqueue_indirect_dma source(%dma_start3A_396 : memref<128xi32, #tpu.memory_space<vmem>>) target(%dma_start3A_401 : memref<16656xi32, #tpu.memory_space<vmem_shared>>) offsets(%dma_start3A_399 : memref<128xi32, #tpu.memory_space<vmem>>) semaphore(%arg17 : memref<!tpu.dma_semaphore, #tpu.memory_space<semaphore_mem>>)
    %dma_start3A_402 = arith.constant 7 : i32
    %dma_start3A_403 = arith.constant 7 : i32
    %dma_start3A_404 = arith.constant 0 : i32
    %dma_start3A_405 = tpu.memref_slice %arg7[%dma_start3A_402, %dma_start3A_404] : memref<16x128xi32, #tpu.memory_space<vmem>> -> memref<1x128xi32, #tpu.memory_space<vmem>>
    %dma_start3A_406 = tpu.memref_squeeze %dma_start3A_405 : memref<1x128xi32, #tpu.memory_space<vmem>> -> memref<128xi32, #tpu.memory_space<vmem>>
    %dma_start3A_407 = arith.constant 0 : i32
    %dma_start3A_408 = tpu.memref_slice %arg6[%dma_start3A_403, %dma_start3A_407] : memref<16x128xi32, #tpu.memory_space<vmem>> -> memref<1x128xi32, #tpu.memory_space<vmem>>
    %dma_start3A_409 = tpu.memref_squeeze %dma_start3A_408 : memref<1x128xi32, #tpu.memory_space<vmem>> -> memref<128xi32, #tpu.memory_space<vmem>>
    %dma_start3A_410 = arith.constant 0 : i32
    %dma_start3A_411 = tpu.memref_slice %arg16[%dma_start3A_410] : memref<16656xi32, #tpu.memory_space<vmem_shared>> -> memref<16656xi32, #tpu.memory_space<vmem_shared>>
    tpu.enqueue_indirect_dma source(%dma_start3A_406 : memref<128xi32, #tpu.memory_space<vmem>>) target(%dma_start3A_411 : memref<16656xi32, #tpu.memory_space<vmem_shared>>) offsets(%dma_start3A_409 : memref<128xi32, #tpu.memory_space<vmem>>) semaphore(%arg17 : memref<!tpu.dma_semaphore, #tpu.memory_space<semaphore_mem>>)
    %dma_start3A_412 = arith.constant 8 : i32
    %dma_start3A_413 = arith.constant 8 : i32
    %dma_start3A_414 = arith.constant 0 : i32
    %dma_start3A_415 = tpu.memref_slice %arg7[%dma_start3A_412, %dma_start3A_414] : memref<16x128xi32, #tpu.memory_space<vmem>> -> memref<1x128xi32, #tpu.memory_space<vmem>>
    %dma_start3A_416 = tpu.memref_squeeze %dma_start3A_415 : memref<1x128xi32, #tpu.memory_space<vmem>> -> memref<128xi32, #tpu.memory_space<vmem>>
    %dma_start3A_417 = arith.constant 0 : i32
    %dma_start3A_418 = tpu.memref_slice %arg6[%dma_start3A_413, %dma_start3A_417] : memref<16x128xi32, #tpu.memory_space<vmem>> -> memref<1x128xi32, #tpu.memory_space<vmem>>
    %dma_start3A_419 = tpu.memref_squeeze %dma_start3A_418 : memref<1x128xi32, #tpu.memory_space<vmem>> -> memref<128xi32, #tpu.memory_space<vmem>>
    %dma_start3A_420 = arith.constant 0 : i32
    %dma_start3A_421 = tpu.memref_slice %arg16[%dma_start3A_420] : memref<16656xi32, #tpu.memory_space<vmem_shared>> -> memref<16656xi32, #tpu.memory_space<vmem_shared>>
    tpu.enqueue_indirect_dma source(%dma_start3A_416 : memref<128xi32, #tpu.memory_space<vmem>>) target(%dma_start3A_421 : memref<16656xi32, #tpu.memory_space<vmem_shared>>) offsets(%dma_start3A_419 : memref<128xi32, #tpu.memory_space<vmem>>) semaphore(%arg17 : memref<!tpu.dma_semaphore, #tpu.memory_space<semaphore_mem>>)
    %dma_start3A_422 = arith.constant 9 : i32
    %dma_start3A_423 = arith.constant 9 : i32
    %dma_start3A_424 = arith.constant 0 : i32
    %dma_start3A_425 = tpu.memref_slice %arg7[%dma_start3A_422, %dma_start3A_424] : memref<16x128xi32, #tpu.memory_space<vmem>> -> memref<1x128xi32, #tpu.memory_space<vmem>>
    %dma_start3A_426 = tpu.memref_squeeze %dma_start3A_425 : memref<1x128xi32, #tpu.memory_space<vmem>> -> memref<128xi32, #tpu.memory_space<vmem>>
    %dma_start3A_427 = arith.constant 0 : i32
    %dma_start3A_428 = tpu.memref_slice %arg6[%dma_start3A_423, %dma_start3A_427] : memref<16x128xi32, #tpu.memory_space<vmem>> -> memref<1x128xi32, #tpu.memory_space<vmem>>
    %dma_start3A_429 = tpu.memref_squeeze %dma_start3A_428 : memref<1x128xi32, #tpu.memory_space<vmem>> -> memref<128xi32, #tpu.memory_space<vmem>>
    %dma_start3A_430 = arith.constant 0 : i32
    %dma_start3A_431 = tpu.memref_slice %arg16[%dma_start3A_430] : memref<16656xi32, #tpu.memory_space<vmem_shared>> -> memref<16656xi32, #tpu.memory_space<vmem_shared>>
    tpu.enqueue_indirect_dma source(%dma_start3A_426 : memref<128xi32, #tpu.memory_space<vmem>>) target(%dma_start3A_431 : memref<16656xi32, #tpu.memory_space<vmem_shared>>) offsets(%dma_start3A_429 : memref<128xi32, #tpu.memory_space<vmem>>) semaphore(%arg17 : memref<!tpu.dma_semaphore, #tpu.memory_space<semaphore_mem>>)
    %dma_start3A_432 = arith.constant 10 : i32
    %dma_start3A_433 = arith.constant 10 : i32
    %dma_start3A_434 = arith.constant 0 : i32
    %dma_start3A_435 = tpu.memref_slice %arg7[%dma_start3A_432, %dma_start3A_434] : memref<16x128xi32, #tpu.memory_space<vmem>> -> memref<1x128xi32, #tpu.memory_space<vmem>>
    %dma_start3A_436 = tpu.memref_squeeze %dma_start3A_435 : memref<1x128xi32, #tpu.memory_space<vmem>> -> memref<128xi32, #tpu.memory_space<vmem>>
    %dma_start3A_437 = arith.constant 0 : i32
    %dma_start3A_438 = tpu.memref_slice %arg6[%dma_start3A_433, %dma_start3A_437] : memref<16x128xi32, #tpu.memory_space<vmem>> -> memref<1x128xi32, #tpu.memory_space<vmem>>
    %dma_start3A_439 = tpu.memref_squeeze %dma_start3A_438 : memref<1x128xi32, #tpu.memory_space<vmem>> -> memref<128xi32, #tpu.memory_space<vmem>>
    %dma_start3A_440 = arith.constant 0 : i32
    %dma_start3A_441 = tpu.memref_slice %arg16[%dma_start3A_440] : memref<16656xi32, #tpu.memory_space<vmem_shared>> -> memref<16656xi32, #tpu.memory_space<vmem_shared>>
    tpu.enqueue_indirect_dma source(%dma_start3A_436 : memref<128xi32, #tpu.memory_space<vmem>>) target(%dma_start3A_441 : memref<16656xi32, #tpu.memory_space<vmem_shared>>) offsets(%dma_start3A_439 : memref<128xi32, #tpu.memory_space<vmem>>) semaphore(%arg17 : memref<!tpu.dma_semaphore, #tpu.memory_space<semaphore_mem>>)
    %dma_start3A_442 = arith.constant 11 : i32
    %dma_start3A_443 = arith.constant 11 : i32
    %dma_start3A_444 = arith.constant 0 : i32
    %dma_start3A_445 = tpu.memref_slice %arg7[%dma_start3A_442, %dma_start3A_444] : memref<16x128xi32, #tpu.memory_space<vmem>> -> memref<1x128xi32, #tpu.memory_space<vmem>>
    %dma_start3A_446 = tpu.memref_squeeze %dma_start3A_445 : memref<1x128xi32, #tpu.memory_space<vmem>> -> memref<128xi32, #tpu.memory_space<vmem>>
    %dma_start3A_447 = arith.constant 0 : i32
    %dma_start3A_448 = tpu.memref_slice %arg6[%dma_start3A_443, %dma_start3A_447] : memref<16x128xi32, #tpu.memory_space<vmem>> -> memref<1x128xi32, #tpu.memory_space<vmem>>
    %dma_start3A_449 = tpu.memref_squeeze %dma_start3A_448 : memref<1x128xi32, #tpu.memory_space<vmem>> -> memref<128xi32, #tpu.memory_space<vmem>>
    %dma_start3A_450 = arith.constant 0 : i32
    %dma_start3A_451 = tpu.memref_slice %arg16[%dma_start3A_450] : memref<16656xi32, #tpu.memory_space<vmem_shared>> -> memref<16656xi32, #tpu.memory_space<vmem_shared>>
    tpu.enqueue_indirect_dma source(%dma_start3A_446 : memref<128xi32, #tpu.memory_space<vmem>>) target(%dma_start3A_451 : memref<16656xi32, #tpu.memory_space<vmem_shared>>) offsets(%dma_start3A_449 : memref<128xi32, #tpu.memory_space<vmem>>) semaphore(%arg17 : memref<!tpu.dma_semaphore, #tpu.memory_space<semaphore_mem>>)
    %dma_start3A_452 = arith.constant 12 : i32
    %dma_start3A_453 = arith.constant 12 : i32
    %dma_start3A_454 = arith.constant 0 : i32
    %dma_start3A_455 = tpu.memref_slice %arg7[%dma_start3A_452, %dma_start3A_454] : memref<16x128xi32, #tpu.memory_space<vmem>> -> memref<1x128xi32, #tpu.memory_space<vmem>>
    %dma_start3A_456 = tpu.memref_squeeze %dma_start3A_455 : memref<1x128xi32, #tpu.memory_space<vmem>> -> memref<128xi32, #tpu.memory_space<vmem>>
    %dma_start3A_457 = arith.constant 0 : i32
    %dma_start3A_458 = tpu.memref_slice %arg6[%dma_start3A_453, %dma_start3A_457] : memref<16x128xi32, #tpu.memory_space<vmem>> -> memref<1x128xi32, #tpu.memory_space<vmem>>
    %dma_start3A_459 = tpu.memref_squeeze %dma_start3A_458 : memref<1x128xi32, #tpu.memory_space<vmem>> -> memref<128xi32, #tpu.memory_space<vmem>>
    %dma_start3A_460 = arith.constant 0 : i32
    %dma_start3A_461 = tpu.memref_slice %arg16[%dma_start3A_460] : memref<16656xi32, #tpu.memory_space<vmem_shared>> -> memref<16656xi32, #tpu.memory_space<vmem_shared>>
    tpu.enqueue_indirect_dma source(%dma_start3A_456 : memref<128xi32, #tpu.memory_space<vmem>>) target(%dma_start3A_461 : memref<16656xi32, #tpu.memory_space<vmem_shared>>) offsets(%dma_start3A_459 : memref<128xi32, #tpu.memory_space<vmem>>) semaphore(%arg17 : memref<!tpu.dma_semaphore, #tpu.memory_space<semaphore_mem>>)
    %dma_start3A_462 = arith.constant 13 : i32
    %dma_start3A_463 = arith.constant 13 : i32
    %dma_start3A_464 = arith.constant 0 : i32
    %dma_start3A_465 = tpu.memref_slice %arg7[%dma_start3A_462, %dma_start3A_464] : memref<16x128xi32, #tpu.memory_space<vmem>> -> memref<1x128xi32, #tpu.memory_space<vmem>>
    %dma_start3A_466 = tpu.memref_squeeze %dma_start3A_465 : memref<1x128xi32, #tpu.memory_space<vmem>> -> memref<128xi32, #tpu.memory_space<vmem>>
    %dma_start3A_467 = arith.constant 0 : i32
    %dma_start3A_468 = tpu.memref_slice %arg6[%dma_start3A_463, %dma_start3A_467] : memref<16x128xi32, #tpu.memory_space<vmem>> -> memref<1x128xi32, #tpu.memory_space<vmem>>
    %dma_start3A_469 = tpu.memref_squeeze %dma_start3A_468 : memref<1x128xi32, #tpu.memory_space<vmem>> -> memref<128xi32, #tpu.memory_space<vmem>>
    %dma_start3A_470 = arith.constant 0 : i32
    %dma_start3A_471 = tpu.memref_slice %arg16[%dma_start3A_470] : memref<16656xi32, #tpu.memory_space<vmem_shared>> -> memref<16656xi32, #tpu.memory_space<vmem_shared>>
    tpu.enqueue_indirect_dma source(%dma_start3A_466 : memref<128xi32, #tpu.memory_space<vmem>>) target(%dma_start3A_471 : memref<16656xi32, #tpu.memory_space<vmem_shared>>) offsets(%dma_start3A_469 : memref<128xi32, #tpu.memory_space<vmem>>) semaphore(%arg17 : memref<!tpu.dma_semaphore, #tpu.memory_space<semaphore_mem>>)
    %dma_start3A_472 = arith.constant 14 : i32
    %dma_start3A_473 = arith.constant 14 : i32
    %dma_start3A_474 = arith.constant 0 : i32
    %dma_start3A_475 = tpu.memref_slice %arg7[%dma_start3A_472, %dma_start3A_474] : memref<16x128xi32, #tpu.memory_space<vmem>> -> memref<1x128xi32, #tpu.memory_space<vmem>>
    %dma_start3A_476 = tpu.memref_squeeze %dma_start3A_475 : memref<1x128xi32, #tpu.memory_space<vmem>> -> memref<128xi32, #tpu.memory_space<vmem>>
    %dma_start3A_477 = arith.constant 0 : i32
    %dma_start3A_478 = tpu.memref_slice %arg6[%dma_start3A_473, %dma_start3A_477] : memref<16x128xi32, #tpu.memory_space<vmem>> -> memref<1x128xi32, #tpu.memory_space<vmem>>
    %dma_start3A_479 = tpu.memref_squeeze %dma_start3A_478 : memref<1x128xi32, #tpu.memory_space<vmem>> -> memref<128xi32, #tpu.memory_space<vmem>>
    %dma_start3A_480 = arith.constant 0 : i32
    %dma_start3A_481 = tpu.memref_slice %arg16[%dma_start3A_480] : memref<16656xi32, #tpu.memory_space<vmem_shared>> -> memref<16656xi32, #tpu.memory_space<vmem_shared>>
    tpu.enqueue_indirect_dma source(%dma_start3A_476 : memref<128xi32, #tpu.memory_space<vmem>>) target(%dma_start3A_481 : memref<16656xi32, #tpu.memory_space<vmem_shared>>) offsets(%dma_start3A_479 : memref<128xi32, #tpu.memory_space<vmem>>) semaphore(%arg17 : memref<!tpu.dma_semaphore, #tpu.memory_space<semaphore_mem>>)
    %dma_start3A_482 = arith.constant 15 : i32
    %dma_start3A_483 = arith.constant 15 : i32
    %dma_start3A_484 = arith.constant 0 : i32
    %dma_start3A_485 = tpu.memref_slice %arg7[%dma_start3A_482, %dma_start3A_484] : memref<16x128xi32, #tpu.memory_space<vmem>> -> memref<1x128xi32, #tpu.memory_space<vmem>>
    %dma_start3A_486 = tpu.memref_squeeze %dma_start3A_485 : memref<1x128xi32, #tpu.memory_space<vmem>> -> memref<128xi32, #tpu.memory_space<vmem>>
    %dma_start3A_487 = arith.constant 0 : i32
    %dma_start3A_488 = tpu.memref_slice %arg6[%dma_start3A_483, %dma_start3A_487] : memref<16x128xi32, #tpu.memory_space<vmem>> -> memref<1x128xi32, #tpu.memory_space<vmem>>
    %dma_start3A_489 = tpu.memref_squeeze %dma_start3A_488 : memref<1x128xi32, #tpu.memory_space<vmem>> -> memref<128xi32, #tpu.memory_space<vmem>>
    %dma_start3A_490 = arith.constant 0 : i32
    %dma_start3A_491 = tpu.memref_slice %arg16[%dma_start3A_490] : memref<16656xi32, #tpu.memory_space<vmem_shared>> -> memref<16656xi32, #tpu.memory_space<vmem_shared>>
    tpu.enqueue_indirect_dma source(%dma_start3A_486 : memref<128xi32, #tpu.memory_space<vmem>>) target(%dma_start3A_491 : memref<16656xi32, #tpu.memory_space<vmem_shared>>) offsets(%dma_start3A_489 : memref<128xi32, #tpu.memory_space<vmem>>) semaphore(%arg17 : memref<!tpu.dma_semaphore, #tpu.memory_space<semaphore_mem>>)
    %dma_wait3A_492 = arith.constant 0 : i32
    %dma_wait3A_493 = arith.constant 0 : i32
    %dma_wait3A_494 = arith.constant 0 : i32
    %dma_wait3A_495 = tpu.memref_slice %arg7[%dma_wait3A_492, %dma_wait3A_494] : memref<16x128xi32, #tpu.memory_space<vmem>> -> memref<1x128xi32, #tpu.memory_space<vmem>>
    %dma_wait3A_496 = tpu.memref_squeeze %dma_wait3A_495 : memref<1x128xi32, #tpu.memory_space<vmem>> -> memref<128xi32, #tpu.memory_space<vmem>>
    %dma_wait3A_497 = arith.constant 0 : i32
    %dma_wait3A_498 = tpu.memref_slice %arg6[%dma_wait3A_493, %dma_wait3A_497] : memref<16x128xi32, #tpu.memory_space<vmem>> -> memref<1x128xi32, #tpu.memory_space<vmem>>
    %dma_wait3A_499 = tpu.memref_squeeze %dma_wait3A_498 : memref<1x128xi32, #tpu.memory_space<vmem>> -> memref<128xi32, #tpu.memory_space<vmem>>
    %dma_wait3A_500 = arith.constant 0 : i32
    %dma_wait3A_501 = tpu.memref_slice %arg16[%dma_wait3A_500] : memref<16656xi32, #tpu.memory_space<vmem_shared>> -> memref<16656xi32, #tpu.memory_space<vmem_shared>>
    tpu.wait_indirect_dma semaphore(%arg17 : memref<!tpu.dma_semaphore, #tpu.memory_space<semaphore_mem>>) src(%dma_wait3A_496 : memref<128xi32, #tpu.memory_space<vmem>>) dst(%dma_wait3A_501 : memref<16656xi32, #tpu.memory_space<vmem_shared>>)
    %dma_wait3A_502 = arith.constant 1 : i32
    %dma_wait3A_503 = arith.constant 1 : i32
    %dma_wait3A_504 = arith.constant 0 : i32
    %dma_wait3A_505 = tpu.memref_slice %arg7[%dma_wait3A_502, %dma_wait3A_504] : memref<16x128xi32, #tpu.memory_space<vmem>> -> memref<1x128xi32, #tpu.memory_space<vmem>>
    %dma_wait3A_506 = tpu.memref_squeeze %dma_wait3A_505 : memref<1x128xi32, #tpu.memory_space<vmem>> -> memref<128xi32, #tpu.memory_space<vmem>>
    %dma_wait3A_507 = arith.constant 0 : i32
    %dma_wait3A_508 = tpu.memref_slice %arg6[%dma_wait3A_503, %dma_wait3A_507] : memref<16x128xi32, #tpu.memory_space<vmem>> -> memref<1x128xi32, #tpu.memory_space<vmem>>
    %dma_wait3A_509 = tpu.memref_squeeze %dma_wait3A_508 : memref<1x128xi32, #tpu.memory_space<vmem>> -> memref<128xi32, #tpu.memory_space<vmem>>
    %dma_wait3A_510 = arith.constant 0 : i32
    %dma_wait3A_511 = tpu.memref_slice %arg16[%dma_wait3A_510] : memref<16656xi32, #tpu.memory_space<vmem_shared>> -> memref<16656xi32, #tpu.memory_space<vmem_shared>>
    tpu.wait_indirect_dma semaphore(%arg17 : memref<!tpu.dma_semaphore, #tpu.memory_space<semaphore_mem>>) src(%dma_wait3A_506 : memref<128xi32, #tpu.memory_space<vmem>>) dst(%dma_wait3A_511 : memref<16656xi32, #tpu.memory_space<vmem_shared>>)
    %dma_wait3A_512 = arith.constant 2 : i32
    %dma_wait3A_513 = arith.constant 2 : i32
    %dma_wait3A_514 = arith.constant 0 : i32
    %dma_wait3A_515 = tpu.memref_slice %arg7[%dma_wait3A_512, %dma_wait3A_514] : memref<16x128xi32, #tpu.memory_space<vmem>> -> memref<1x128xi32, #tpu.memory_space<vmem>>
    %dma_wait3A_516 = tpu.memref_squeeze %dma_wait3A_515 : memref<1x128xi32, #tpu.memory_space<vmem>> -> memref<128xi32, #tpu.memory_space<vmem>>
    %dma_wait3A_517 = arith.constant 0 : i32
    %dma_wait3A_518 = tpu.memref_slice %arg6[%dma_wait3A_513, %dma_wait3A_517] : memref<16x128xi32, #tpu.memory_space<vmem>> -> memref<1x128xi32, #tpu.memory_space<vmem>>
    %dma_wait3A_519 = tpu.memref_squeeze %dma_wait3A_518 : memref<1x128xi32, #tpu.memory_space<vmem>> -> memref<128xi32, #tpu.memory_space<vmem>>
    %dma_wait3A_520 = arith.constant 0 : i32
    %dma_wait3A_521 = tpu.memref_slice %arg16[%dma_wait3A_520] : memref<16656xi32, #tpu.memory_space<vmem_shared>> -> memref<16656xi32, #tpu.memory_space<vmem_shared>>
    tpu.wait_indirect_dma semaphore(%arg17 : memref<!tpu.dma_semaphore, #tpu.memory_space<semaphore_mem>>) src(%dma_wait3A_516 : memref<128xi32, #tpu.memory_space<vmem>>) dst(%dma_wait3A_521 : memref<16656xi32, #tpu.memory_space<vmem_shared>>)
    %dma_wait3A_522 = arith.constant 3 : i32
    %dma_wait3A_523 = arith.constant 3 : i32
    %dma_wait3A_524 = arith.constant 0 : i32
    %dma_wait3A_525 = tpu.memref_slice %arg7[%dma_wait3A_522, %dma_wait3A_524] : memref<16x128xi32, #tpu.memory_space<vmem>> -> memref<1x128xi32, #tpu.memory_space<vmem>>
    %dma_wait3A_526 = tpu.memref_squeeze %dma_wait3A_525 : memref<1x128xi32, #tpu.memory_space<vmem>> -> memref<128xi32, #tpu.memory_space<vmem>>
    %dma_wait3A_527 = arith.constant 0 : i32
    %dma_wait3A_528 = tpu.memref_slice %arg6[%dma_wait3A_523, %dma_wait3A_527] : memref<16x128xi32, #tpu.memory_space<vmem>> -> memref<1x128xi32, #tpu.memory_space<vmem>>
    %dma_wait3A_529 = tpu.memref_squeeze %dma_wait3A_528 : memref<1x128xi32, #tpu.memory_space<vmem>> -> memref<128xi32, #tpu.memory_space<vmem>>
    %dma_wait3A_530 = arith.constant 0 : i32
    %dma_wait3A_531 = tpu.memref_slice %arg16[%dma_wait3A_530] : memref<16656xi32, #tpu.memory_space<vmem_shared>> -> memref<16656xi32, #tpu.memory_space<vmem_shared>>
    tpu.wait_indirect_dma semaphore(%arg17 : memref<!tpu.dma_semaphore, #tpu.memory_space<semaphore_mem>>) src(%dma_wait3A_526 : memref<128xi32, #tpu.memory_space<vmem>>) dst(%dma_wait3A_531 : memref<16656xi32, #tpu.memory_space<vmem_shared>>)
    %dma_wait3A_532 = arith.constant 4 : i32
    %dma_wait3A_533 = arith.constant 4 : i32
    %dma_wait3A_534 = arith.constant 0 : i32
    %dma_wait3A_535 = tpu.memref_slice %arg7[%dma_wait3A_532, %dma_wait3A_534] : memref<16x128xi32, #tpu.memory_space<vmem>> -> memref<1x128xi32, #tpu.memory_space<vmem>>
    %dma_wait3A_536 = tpu.memref_squeeze %dma_wait3A_535 : memref<1x128xi32, #tpu.memory_space<vmem>> -> memref<128xi32, #tpu.memory_space<vmem>>
    %dma_wait3A_537 = arith.constant 0 : i32
    %dma_wait3A_538 = tpu.memref_slice %arg6[%dma_wait3A_533, %dma_wait3A_537] : memref<16x128xi32, #tpu.memory_space<vmem>> -> memref<1x128xi32, #tpu.memory_space<vmem>>
    %dma_wait3A_539 = tpu.memref_squeeze %dma_wait3A_538 : memref<1x128xi32, #tpu.memory_space<vmem>> -> memref<128xi32, #tpu.memory_space<vmem>>
    %dma_wait3A_540 = arith.constant 0 : i32
    %dma_wait3A_541 = tpu.memref_slice %arg16[%dma_wait3A_540] : memref<16656xi32, #tpu.memory_space<vmem_shared>> -> memref<16656xi32, #tpu.memory_space<vmem_shared>>
    tpu.wait_indirect_dma semaphore(%arg17 : memref<!tpu.dma_semaphore, #tpu.memory_space<semaphore_mem>>) src(%dma_wait3A_536 : memref<128xi32, #tpu.memory_space<vmem>>) dst(%dma_wait3A_541 : memref<16656xi32, #tpu.memory_space<vmem_shared>>)
    %dma_wait3A_542 = arith.constant 5 : i32
    %dma_wait3A_543 = arith.constant 5 : i32
    %dma_wait3A_544 = arith.constant 0 : i32
    %dma_wait3A_545 = tpu.memref_slice %arg7[%dma_wait3A_542, %dma_wait3A_544] : memref<16x128xi32, #tpu.memory_space<vmem>> -> memref<1x128xi32, #tpu.memory_space<vmem>>
    %dma_wait3A_546 = tpu.memref_squeeze %dma_wait3A_545 : memref<1x128xi32, #tpu.memory_space<vmem>> -> memref<128xi32, #tpu.memory_space<vmem>>
    %dma_wait3A_547 = arith.constant 0 : i32
    %dma_wait3A_548 = tpu.memref_slice %arg6[%dma_wait3A_543, %dma_wait3A_547] : memref<16x128xi32, #tpu.memory_space<vmem>> -> memref<1x128xi32, #tpu.memory_space<vmem>>
    %dma_wait3A_549 = tpu.memref_squeeze %dma_wait3A_548 : memref<1x128xi32, #tpu.memory_space<vmem>> -> memref<128xi32, #tpu.memory_space<vmem>>
    %dma_wait3A_550 = arith.constant 0 : i32
    %dma_wait3A_551 = tpu.memref_slice %arg16[%dma_wait3A_550] : memref<16656xi32, #tpu.memory_space<vmem_shared>> -> memref<16656xi32, #tpu.memory_space<vmem_shared>>
    tpu.wait_indirect_dma semaphore(%arg17 : memref<!tpu.dma_semaphore, #tpu.memory_space<semaphore_mem>>) src(%dma_wait3A_546 : memref<128xi32, #tpu.memory_space<vmem>>) dst(%dma_wait3A_551 : memref<16656xi32, #tpu.memory_space<vmem_shared>>)
    %dma_wait3A_552 = arith.constant 6 : i32
    %dma_wait3A_553 = arith.constant 6 : i32
    %dma_wait3A_554 = arith.constant 0 : i32
    %dma_wait3A_555 = tpu.memref_slice %arg7[%dma_wait3A_552, %dma_wait3A_554] : memref<16x128xi32, #tpu.memory_space<vmem>> -> memref<1x128xi32, #tpu.memory_space<vmem>>
    %dma_wait3A_556 = tpu.memref_squeeze %dma_wait3A_555 : memref<1x128xi32, #tpu.memory_space<vmem>> -> memref<128xi32, #tpu.memory_space<vmem>>
    %dma_wait3A_557 = arith.constant 0 : i32
    %dma_wait3A_558 = tpu.memref_slice %arg6[%dma_wait3A_553, %dma_wait3A_557] : memref<16x128xi32, #tpu.memory_space<vmem>> -> memref<1x128xi32, #tpu.memory_space<vmem>>
    %dma_wait3A_559 = tpu.memref_squeeze %dma_wait3A_558 : memref<1x128xi32, #tpu.memory_space<vmem>> -> memref<128xi32, #tpu.memory_space<vmem>>
    %dma_wait3A_560 = arith.constant 0 : i32
    %dma_wait3A_561 = tpu.memref_slice %arg16[%dma_wait3A_560] : memref<16656xi32, #tpu.memory_space<vmem_shared>> -> memref<16656xi32, #tpu.memory_space<vmem_shared>>
    tpu.wait_indirect_dma semaphore(%arg17 : memref<!tpu.dma_semaphore, #tpu.memory_space<semaphore_mem>>) src(%dma_wait3A_556 : memref<128xi32, #tpu.memory_space<vmem>>) dst(%dma_wait3A_561 : memref<16656xi32, #tpu.memory_space<vmem_shared>>)
    %dma_wait3A_562 = arith.constant 7 : i32
    %dma_wait3A_563 = arith.constant 7 : i32
    %dma_wait3A_564 = arith.constant 0 : i32
    %dma_wait3A_565 = tpu.memref_slice %arg7[%dma_wait3A_562, %dma_wait3A_564] : memref<16x128xi32, #tpu.memory_space<vmem>> -> memref<1x128xi32, #tpu.memory_space<vmem>>
    %dma_wait3A_566 = tpu.memref_squeeze %dma_wait3A_565 : memref<1x128xi32, #tpu.memory_space<vmem>> -> memref<128xi32, #tpu.memory_space<vmem>>
    %dma_wait3A_567 = arith.constant 0 : i32
    %dma_wait3A_568 = tpu.memref_slice %arg6[%dma_wait3A_563, %dma_wait3A_567] : memref<16x128xi32, #tpu.memory_space<vmem>> -> memref<1x128xi32, #tpu.memory_space<vmem>>
    %dma_wait3A_569 = tpu.memref_squeeze %dma_wait3A_568 : memref<1x128xi32, #tpu.memory_space<vmem>> -> memref<128xi32, #tpu.memory_space<vmem>>
    %dma_wait3A_570 = arith.constant 0 : i32
    %dma_wait3A_571 = tpu.memref_slice %arg16[%dma_wait3A_570] : memref<16656xi32, #tpu.memory_space<vmem_shared>> -> memref<16656xi32, #tpu.memory_space<vmem_shared>>
    tpu.wait_indirect_dma semaphore(%arg17 : memref<!tpu.dma_semaphore, #tpu.memory_space<semaphore_mem>>) src(%dma_wait3A_566 : memref<128xi32, #tpu.memory_space<vmem>>) dst(%dma_wait3A_571 : memref<16656xi32, #tpu.memory_space<vmem_shared>>)
    %dma_wait3A_572 = arith.constant 8 : i32
    %dma_wait3A_573 = arith.constant 8 : i32
    %dma_wait3A_574 = arith.constant 0 : i32
    %dma_wait3A_575 = tpu.memref_slice %arg7[%dma_wait3A_572, %dma_wait3A_574] : memref<16x128xi32, #tpu.memory_space<vmem>> -> memref<1x128xi32, #tpu.memory_space<vmem>>
    %dma_wait3A_576 = tpu.memref_squeeze %dma_wait3A_575 : memref<1x128xi32, #tpu.memory_space<vmem>> -> memref<128xi32, #tpu.memory_space<vmem>>
    %dma_wait3A_577 = arith.constant 0 : i32
    %dma_wait3A_578 = tpu.memref_slice %arg6[%dma_wait3A_573, %dma_wait3A_577] : memref<16x128xi32, #tpu.memory_space<vmem>> -> memref<1x128xi32, #tpu.memory_space<vmem>>
    %dma_wait3A_579 = tpu.memref_squeeze %dma_wait3A_578 : memref<1x128xi32, #tpu.memory_space<vmem>> -> memref<128xi32, #tpu.memory_space<vmem>>
    %dma_wait3A_580 = arith.constant 0 : i32
    %dma_wait3A_581 = tpu.memref_slice %arg16[%dma_wait3A_580] : memref<16656xi32, #tpu.memory_space<vmem_shared>> -> memref<16656xi32, #tpu.memory_space<vmem_shared>>
    tpu.wait_indirect_dma semaphore(%arg17 : memref<!tpu.dma_semaphore, #tpu.memory_space<semaphore_mem>>) src(%dma_wait3A_576 : memref<128xi32, #tpu.memory_space<vmem>>) dst(%dma_wait3A_581 : memref<16656xi32, #tpu.memory_space<vmem_shared>>)
    %dma_wait3A_582 = arith.constant 9 : i32
    %dma_wait3A_583 = arith.constant 9 : i32
    %dma_wait3A_584 = arith.constant 0 : i32
    %dma_wait3A_585 = tpu.memref_slice %arg7[%dma_wait3A_582, %dma_wait3A_584] : memref<16x128xi32, #tpu.memory_space<vmem>> -> memref<1x128xi32, #tpu.memory_space<vmem>>
    %dma_wait3A_586 = tpu.memref_squeeze %dma_wait3A_585 : memref<1x128xi32, #tpu.memory_space<vmem>> -> memref<128xi32, #tpu.memory_space<vmem>>
    %dma_wait3A_587 = arith.constant 0 : i32
    %dma_wait3A_588 = tpu.memref_slice %arg6[%dma_wait3A_583, %dma_wait3A_587] : memref<16x128xi32, #tpu.memory_space<vmem>> -> memref<1x128xi32, #tpu.memory_space<vmem>>
    %dma_wait3A_589 = tpu.memref_squeeze %dma_wait3A_588 : memref<1x128xi32, #tpu.memory_space<vmem>> -> memref<128xi32, #tpu.memory_space<vmem>>
    %dma_wait3A_590 = arith.constant 0 : i32
    %dma_wait3A_591 = tpu.memref_slice %arg16[%dma_wait3A_590] : memref<16656xi32, #tpu.memory_space<vmem_shared>> -> memref<16656xi32, #tpu.memory_space<vmem_shared>>
    tpu.wait_indirect_dma semaphore(%arg17 : memref<!tpu.dma_semaphore, #tpu.memory_space<semaphore_mem>>) src(%dma_wait3A_586 : memref<128xi32, #tpu.memory_space<vmem>>) dst(%dma_wait3A_591 : memref<16656xi32, #tpu.memory_space<vmem_shared>>)
    %dma_wait3A_592 = arith.constant 10 : i32
    %dma_wait3A_593 = arith.constant 10 : i32
    %dma_wait3A_594 = arith.constant 0 : i32
    %dma_wait3A_595 = tpu.memref_slice %arg7[%dma_wait3A_592, %dma_wait3A_594] : memref<16x128xi32, #tpu.memory_space<vmem>> -> memref<1x128xi32, #tpu.memory_space<vmem>>
    %dma_wait3A_596 = tpu.memref_squeeze %dma_wait3A_595 : memref<1x128xi32, #tpu.memory_space<vmem>> -> memref<128xi32, #tpu.memory_space<vmem>>
    %dma_wait3A_597 = arith.constant 0 : i32
    %dma_wait3A_598 = tpu.memref_slice %arg6[%dma_wait3A_593, %dma_wait3A_597] : memref<16x128xi32, #tpu.memory_space<vmem>> -> memref<1x128xi32, #tpu.memory_space<vmem>>
    %dma_wait3A_599 = tpu.memref_squeeze %dma_wait3A_598 : memref<1x128xi32, #tpu.memory_space<vmem>> -> memref<128xi32, #tpu.memory_space<vmem>>
    %dma_wait3A_600 = arith.constant 0 : i32
    %dma_wait3A_601 = tpu.memref_slice %arg16[%dma_wait3A_600] : memref<16656xi32, #tpu.memory_space<vmem_shared>> -> memref<16656xi32, #tpu.memory_space<vmem_shared>>
    tpu.wait_indirect_dma semaphore(%arg17 : memref<!tpu.dma_semaphore, #tpu.memory_space<semaphore_mem>>) src(%dma_wait3A_596 : memref<128xi32, #tpu.memory_space<vmem>>) dst(%dma_wait3A_601 : memref<16656xi32, #tpu.memory_space<vmem_shared>>)
    %dma_wait3A_602 = arith.constant 11 : i32
    %dma_wait3A_603 = arith.constant 11 : i32
    %dma_wait3A_604 = arith.constant 0 : i32
    %dma_wait3A_605 = tpu.memref_slice %arg7[%dma_wait3A_602, %dma_wait3A_604] : memref<16x128xi32, #tpu.memory_space<vmem>> -> memref<1x128xi32, #tpu.memory_space<vmem>>
    %dma_wait3A_606 = tpu.memref_squeeze %dma_wait3A_605 : memref<1x128xi32, #tpu.memory_space<vmem>> -> memref<128xi32, #tpu.memory_space<vmem>>
    %dma_wait3A_607 = arith.constant 0 : i32
    %dma_wait3A_608 = tpu.memref_slice %arg6[%dma_wait3A_603, %dma_wait3A_607] : memref<16x128xi32, #tpu.memory_space<vmem>> -> memref<1x128xi32, #tpu.memory_space<vmem>>
    %dma_wait3A_609 = tpu.memref_squeeze %dma_wait3A_608 : memref<1x128xi32, #tpu.memory_space<vmem>> -> memref<128xi32, #tpu.memory_space<vmem>>
    %dma_wait3A_610 = arith.constant 0 : i32
    %dma_wait3A_611 = tpu.memref_slice %arg16[%dma_wait3A_610] : memref<16656xi32, #tpu.memory_space<vmem_shared>> -> memref<16656xi32, #tpu.memory_space<vmem_shared>>
    tpu.wait_indirect_dma semaphore(%arg17 : memref<!tpu.dma_semaphore, #tpu.memory_space<semaphore_mem>>) src(%dma_wait3A_606 : memref<128xi32, #tpu.memory_space<vmem>>) dst(%dma_wait3A_611 : memref<16656xi32, #tpu.memory_space<vmem_shared>>)
    %dma_wait3A_612 = arith.constant 12 : i32
    %dma_wait3A_613 = arith.constant 12 : i32
    %dma_wait3A_614 = arith.constant 0 : i32
    %dma_wait3A_615 = tpu.memref_slice %arg7[%dma_wait3A_612, %dma_wait3A_614] : memref<16x128xi32, #tpu.memory_space<vmem>> -> memref<1x128xi32, #tpu.memory_space<vmem>>
    %dma_wait3A_616 = tpu.memref_squeeze %dma_wait3A_615 : memref<1x128xi32, #tpu.memory_space<vmem>> -> memref<128xi32, #tpu.memory_space<vmem>>
    %dma_wait3A_617 = arith.constant 0 : i32
    %dma_wait3A_618 = tpu.memref_slice %arg6[%dma_wait3A_613, %dma_wait3A_617] : memref<16x128xi32, #tpu.memory_space<vmem>> -> memref<1x128xi32, #tpu.memory_space<vmem>>
    %dma_wait3A_619 = tpu.memref_squeeze %dma_wait3A_618 : memref<1x128xi32, #tpu.memory_space<vmem>> -> memref<128xi32, #tpu.memory_space<vmem>>
    %dma_wait3A_620 = arith.constant 0 : i32
    %dma_wait3A_621 = tpu.memref_slice %arg16[%dma_wait3A_620] : memref<16656xi32, #tpu.memory_space<vmem_shared>> -> memref<16656xi32, #tpu.memory_space<vmem_shared>>
    tpu.wait_indirect_dma semaphore(%arg17 : memref<!tpu.dma_semaphore, #tpu.memory_space<semaphore_mem>>) src(%dma_wait3A_616 : memref<128xi32, #tpu.memory_space<vmem>>) dst(%dma_wait3A_621 : memref<16656xi32, #tpu.memory_space<vmem_shared>>)
    %dma_wait3A_622 = arith.constant 13 : i32
    %dma_wait3A_623 = arith.constant 13 : i32
    %dma_wait3A_624 = arith.constant 0 : i32
    %dma_wait3A_625 = tpu.memref_slice %arg7[%dma_wait3A_622, %dma_wait3A_624] : memref<16x128xi32, #tpu.memory_space<vmem>> -> memref<1x128xi32, #tpu.memory_space<vmem>>
    %dma_wait3A_626 = tpu.memref_squeeze %dma_wait3A_625 : memref<1x128xi32, #tpu.memory_space<vmem>> -> memref<128xi32, #tpu.memory_space<vmem>>
    %dma_wait3A_627 = arith.constant 0 : i32
    %dma_wait3A_628 = tpu.memref_slice %arg6[%dma_wait3A_623, %dma_wait3A_627] : memref<16x128xi32, #tpu.memory_space<vmem>> -> memref<1x128xi32, #tpu.memory_space<vmem>>
    %dma_wait3A_629 = tpu.memref_squeeze %dma_wait3A_628 : memref<1x128xi32, #tpu.memory_space<vmem>> -> memref<128xi32, #tpu.memory_space<vmem>>
    %dma_wait3A_630 = arith.constant 0 : i32
    %dma_wait3A_631 = tpu.memref_slice %arg16[%dma_wait3A_630] : memref<16656xi32, #tpu.memory_space<vmem_shared>> -> memref<16656xi32, #tpu.memory_space<vmem_shared>>
    tpu.wait_indirect_dma semaphore(%arg17 : memref<!tpu.dma_semaphore, #tpu.memory_space<semaphore_mem>>) src(%dma_wait3A_626 : memref<128xi32, #tpu.memory_space<vmem>>) dst(%dma_wait3A_631 : memref<16656xi32, #tpu.memory_space<vmem_shared>>)
    %dma_wait3A_632 = arith.constant 14 : i32
    %dma_wait3A_633 = arith.constant 14 : i32
    %dma_wait3A_634 = arith.constant 0 : i32
    %dma_wait3A_635 = tpu.memref_slice %arg7[%dma_wait3A_632, %dma_wait3A_634] : memref<16x128xi32, #tpu.memory_space<vmem>> -> memref<1x128xi32, #tpu.memory_space<vmem>>
    %dma_wait3A_636 = tpu.memref_squeeze %dma_wait3A_635 : memref<1x128xi32, #tpu.memory_space<vmem>> -> memref<128xi32, #tpu.memory_space<vmem>>
    %dma_wait3A_637 = arith.constant 0 : i32
    %dma_wait3A_638 = tpu.memref_slice %arg6[%dma_wait3A_633, %dma_wait3A_637] : memref<16x128xi32, #tpu.memory_space<vmem>> -> memref<1x128xi32, #tpu.memory_space<vmem>>
    %dma_wait3A_639 = tpu.memref_squeeze %dma_wait3A_638 : memref<1x128xi32, #tpu.memory_space<vmem>> -> memref<128xi32, #tpu.memory_space<vmem>>
    %dma_wait3A_640 = arith.constant 0 : i32
    %dma_wait3A_641 = tpu.memref_slice %arg16[%dma_wait3A_640] : memref<16656xi32, #tpu.memory_space<vmem_shared>> -> memref<16656xi32, #tpu.memory_space<vmem_shared>>
    tpu.wait_indirect_dma semaphore(%arg17 : memref<!tpu.dma_semaphore, #tpu.memory_space<semaphore_mem>>) src(%dma_wait3A_636 : memref<128xi32, #tpu.memory_space<vmem>>) dst(%dma_wait3A_641 : memref<16656xi32, #tpu.memory_space<vmem_shared>>)
    %dma_wait3A_642 = arith.constant 15 : i32
    %dma_wait3A_643 = arith.constant 15 : i32
    %dma_wait3A_644 = arith.constant 0 : i32
    %dma_wait3A_645 = tpu.memref_slice %arg7[%dma_wait3A_642, %dma_wait3A_644] : memref<16x128xi32, #tpu.memory_space<vmem>> -> memref<1x128xi32, #tpu.memory_space<vmem>>
    %dma_wait3A_646 = tpu.memref_squeeze %dma_wait3A_645 : memref<1x128xi32, #tpu.memory_space<vmem>> -> memref<128xi32, #tpu.memory_space<vmem>>
    %dma_wait3A_647 = arith.constant 0 : i32
    %dma_wait3A_648 = tpu.memref_slice %arg6[%dma_wait3A_643, %dma_wait3A_647] : memref<16x128xi32, #tpu.memory_space<vmem>> -> memref<1x128xi32, #tpu.memory_space<vmem>>
    %dma_wait3A_649 = tpu.memref_squeeze %dma_wait3A_648 : memref<1x128xi32, #tpu.memory_space<vmem>> -> memref<128xi32, #tpu.memory_space<vmem>>
    %dma_wait3A_650 = arith.constant 0 : i32
    %dma_wait3A_651 = tpu.memref_slice %arg16[%dma_wait3A_650] : memref<16656xi32, #tpu.memory_space<vmem_shared>> -> memref<16656xi32, #tpu.memory_space<vmem_shared>>
    tpu.wait_indirect_dma semaphore(%arg17 : memref<!tpu.dma_semaphore, #tpu.memory_space<semaphore_mem>>) src(%dma_wait3A_646 : memref<128xi32, #tpu.memory_space<vmem>>) dst(%dma_wait3A_651 : memref<16656xi32, #tpu.memory_space<vmem_shared>>)
    %barrier3A = arith.constant 0 : index
    tpu.barrier barrier_id(%barrier3A)
    %mul3A_652 = arith.constant 2 : i32
    %mul3A_653 = arith.muli %arg1, %mul3A_652 : i32
    %add3A_654 = arith.addi %mul3A_653, %arg0 : i32
    %mul3A_655 = arith.constant 520 : i32
    %mul3A_656 = arith.muli %add3A_654, %mul3A_655 : i32
    "tpu.region"() ({
      %run_scoped3A = tpu.sem_alloc : memref<!tpu.dma_semaphore, #tpu.memory_space<semaphore_mem>>
      %dma_start3A_1335 = tpu.memref_slice %arg16[%mul3A_656] : memref<16656xi32, #tpu.memory_space<vmem_shared>> -> memref<520xi32, #tpu.memory_space<vmem_shared>>
      %dma_start3A_1336 = tpu.memref_slice %arg16[%mul3A_656] : memref<16656xi32, #tpu.memory_space<vmem_shared>> -> memref<520xi32, #tpu.memory_space<vmem_shared>>
      tpu.enqueue_dma source(%dma_start3A_1336 : memref<520xi32, #tpu.memory_space<vmem_shared>>) target(%arg8 : memref<520xi32, #tpu.memory_space<vmem>>) target_semaphore(%run_scoped3A : memref<!tpu.dma_semaphore, #tpu.memory_space<semaphore_mem>>)
      %dma_wait3A_1337 = tpu.memref_slice %arg16[%mul3A_656] : memref<16656xi32, #tpu.memory_space<vmem_shared>> -> memref<520xi32, #tpu.memory_space<vmem_shared>>
      %dma_wait3A_1338 = tpu.memref_slice %arg16[%mul3A_656] : memref<16656xi32, #tpu.memory_space<vmem_shared>> -> memref<520xi32, #tpu.memory_space<vmem_shared>>
      tpu.wait_dma2 semaphore(%run_scoped3A : memref<!tpu.dma_semaphore, #tpu.memory_space<semaphore_mem>>) src(%dma_wait3A_1338 : memref<520xi32, #tpu.memory_space<vmem_shared>>) dst(%arg8 : memref<520xi32, #tpu.memory_space<vmem>>)
      tpu.yield
    }) : () -> ()
    %dma_start3A_657 = arith.constant 0 : i32
    %dma_start3A_658 = tpu.memref_slice %arg8[%dma_start3A_657] : memref<520xi32, #tpu.memory_space<vmem>> -> memref<16xi32, #tpu.memory_space<vmem>>
    %dma_start3A_659 = arith.constant 0 : i32
    %dma_start3A_660 = arith.constant 0 : i32
    %dma_start3A_661 = tpu.memref_slice %arg4[%dma_start3A_659, %dma_start3A_660] : memref<65536x1024xf32, #tpu.memory_space<hbm>> -> memref<65536x1024xf32, #tpu.memory_space<hbm>>
    tpu.enqueue_indirect_dma source(%dma_start3A_661 : memref<65536x1024xf32, #tpu.memory_space<hbm>>) target(%arg9 : memref<16x1024xf32, #tpu.memory_space<vmem>>) offsets(%dma_start3A_658 : memref<16xi32, #tpu.memory_space<vmem>>) semaphore(%arg17 : memref<!tpu.dma_semaphore, #tpu.memory_space<semaphore_mem>>)
    %dma_start3A_662 = arith.constant 16 : i32
    %dma_start3A_663 = tpu.memref_slice %arg8[%dma_start3A_662] : memref<520xi32, #tpu.memory_space<vmem>> -> memref<16xi32, #tpu.memory_space<vmem>>
    %dma_start3A_664 = arith.constant 0 : i32
    %dma_start3A_665 = arith.constant 0 : i32
    %dma_start3A_666 = tpu.memref_slice %arg4[%dma_start3A_664, %dma_start3A_665] : memref<65536x1024xf32, #tpu.memory_space<hbm>> -> memref<65536x1024xf32, #tpu.memory_space<hbm>>
    tpu.enqueue_indirect_dma source(%dma_start3A_666 : memref<65536x1024xf32, #tpu.memory_space<hbm>>) target(%arg10 : memref<16x1024xf32, #tpu.memory_space<vmem>>) offsets(%dma_start3A_663 : memref<16xi32, #tpu.memory_space<vmem>>) semaphore(%arg18 : memref<!tpu.dma_semaphore, #tpu.memory_space<semaphore_mem>>)
    %dma_start3A_667 = arith.constant 32 : i32
    %dma_start3A_668 = tpu.memref_slice %arg8[%dma_start3A_667] : memref<520xi32, #tpu.memory_space<vmem>> -> memref<16xi32, #tpu.memory_space<vmem>>
    %dma_start3A_669 = arith.constant 0 : i32
    %dma_start3A_670 = arith.constant 0 : i32
    %dma_start3A_671 = tpu.memref_slice %arg4[%dma_start3A_669, %dma_start3A_670] : memref<65536x1024xf32, #tpu.memory_space<hbm>> -> memref<65536x1024xf32, #tpu.memory_space<hbm>>
    tpu.enqueue_indirect_dma source(%dma_start3A_671 : memref<65536x1024xf32, #tpu.memory_space<hbm>>) target(%arg11 : memref<16x1024xf32, #tpu.memory_space<vmem>>) offsets(%dma_start3A_668 : memref<16xi32, #tpu.memory_space<vmem>>) semaphore(%arg19 : memref<!tpu.dma_semaphore, #tpu.memory_space<semaphore_mem>>)
    %dma_start3A_672 = arith.constant 48 : i32
    %dma_start3A_673 = tpu.memref_slice %arg8[%dma_start3A_672] : memref<520xi32, #tpu.memory_space<vmem>> -> memref<16xi32, #tpu.memory_space<vmem>>
    %dma_start3A_674 = arith.constant 0 : i32
    %dma_start3A_675 = arith.constant 0 : i32
    %dma_start3A_676 = tpu.memref_slice %arg4[%dma_start3A_674, %dma_start3A_675] : memref<65536x1024xf32, #tpu.memory_space<hbm>> -> memref<65536x1024xf32, #tpu.memory_space<hbm>>
    tpu.enqueue_indirect_dma source(%dma_start3A_676 : memref<65536x1024xf32, #tpu.memory_space<hbm>>) target(%arg12 : memref<16x1024xf32, #tpu.memory_space<vmem>>) offsets(%dma_start3A_673 : memref<16xi32, #tpu.memory_space<vmem>>) semaphore(%arg20 : memref<!tpu.dma_semaphore, #tpu.memory_space<semaphore_mem>>)
    %dma_start3A_677 = arith.constant 64 : i32
    %dma_start3A_678 = tpu.memref_slice %arg8[%dma_start3A_677] : memref<520xi32, #tpu.memory_space<vmem>> -> memref<16xi32, #tpu.memory_space<vmem>>
    %dma_start3A_679 = arith.constant 0 : i32
    %dma_start3A_680 = arith.constant 0 : i32
    %dma_start3A_681 = tpu.memref_slice %arg4[%dma_start3A_679, %dma_start3A_680] : memref<65536x1024xf32, #tpu.memory_space<hbm>> -> memref<65536x1024xf32, #tpu.memory_space<hbm>>
    tpu.enqueue_indirect_dma source(%dma_start3A_681 : memref<65536x1024xf32, #tpu.memory_space<hbm>>) target(%arg13 : memref<16x1024xf32, #tpu.memory_space<vmem>>) offsets(%dma_start3A_678 : memref<16xi32, #tpu.memory_space<vmem>>) semaphore(%arg21 : memref<!tpu.dma_semaphore, #tpu.memory_space<semaphore_mem>>)
    %dma_start3A_682 = arith.constant 80 : i32
    %dma_start3A_683 = tpu.memref_slice %arg8[%dma_start3A_682] : memref<520xi32, #tpu.memory_space<vmem>> -> memref<16xi32, #tpu.memory_space<vmem>>
    %dma_start3A_684 = arith.constant 0 : i32
    %dma_start3A_685 = arith.constant 0 : i32
    %dma_start3A_686 = tpu.memref_slice %arg4[%dma_start3A_684, %dma_start3A_685] : memref<65536x1024xf32, #tpu.memory_space<hbm>> -> memref<65536x1024xf32, #tpu.memory_space<hbm>>
    tpu.enqueue_indirect_dma source(%dma_start3A_686 : memref<65536x1024xf32, #tpu.memory_space<hbm>>) target(%arg14 : memref<16x1024xf32, #tpu.memory_space<vmem>>) offsets(%dma_start3A_683 : memref<16xi32, #tpu.memory_space<vmem>>) semaphore(%arg22 : memref<!tpu.dma_semaphore, #tpu.memory_space<semaphore_mem>>)
    %dma_start3A_687 = arith.constant 96 : i32
    %dma_start3A_688 = tpu.memref_slice %arg8[%dma_start3A_687] : memref<520xi32, #tpu.memory_space<vmem>> -> memref<16xi32, #tpu.memory_space<vmem>>
    %dma_start3A_689 = arith.constant 0 : i32
    %dma_start3A_690 = arith.constant 0 : i32
    %dma_start3A_691 = tpu.memref_slice %arg4[%dma_start3A_689, %dma_start3A_690] : memref<65536x1024xf32, #tpu.memory_space<hbm>> -> memref<65536x1024xf32, #tpu.memory_space<hbm>>
    tpu.enqueue_indirect_dma source(%dma_start3A_691 : memref<65536x1024xf32, #tpu.memory_space<hbm>>) target(%arg15 : memref<16x1024xf32, #tpu.memory_space<vmem>>) offsets(%dma_start3A_688 : memref<16xi32, #tpu.memory_space<vmem>>) semaphore(%arg23 : memref<!tpu.dma_semaphore, #tpu.memory_space<semaphore_mem>>)
    %dma_wait3A_692 = arith.constant 0 : i32
    %dma_wait3A_693 = tpu.memref_slice %arg8[%dma_wait3A_692] : memref<520xi32, #tpu.memory_space<vmem>> -> memref<16xi32, #tpu.memory_space<vmem>>
    %dma_wait3A_694 = arith.constant 0 : i32
    %dma_wait3A_695 = arith.constant 0 : i32
    %dma_wait3A_696 = tpu.memref_slice %arg4[%dma_wait3A_694, %dma_wait3A_695] : memref<65536x1024xf32, #tpu.memory_space<hbm>> -> memref<65536x1024xf32, #tpu.memory_space<hbm>>
    tpu.wait_indirect_dma semaphore(%arg17 : memref<!tpu.dma_semaphore, #tpu.memory_space<semaphore_mem>>) src(%dma_wait3A_696 : memref<65536x1024xf32, #tpu.memory_space<hbm>>) dst(%arg9 : memref<16x1024xf32, #tpu.memory_space<vmem>>)
    %add3A_697 = arith.constant 0 : i32
    %add3A_698 = arith.addi %mul3A_656, %add3A_697 : i32
    %dma_start3A_699 = arith.constant 0 : i32
    %dma_start3A_700 = tpu.memref_slice %arg5[%add3A_698, %dma_start3A_699] : memref<16640x1024xf32, #tpu.memory_space<hbm>> -> memref<16x1024xf32, #tpu.memory_space<hbm>>
    %dma_start3A_701 = arith.constant 0 : i32
    %dma_start3A_702 = tpu.memref_slice %arg5[%add3A_698, %dma_start3A_701] : memref<16640x1024xf32, #tpu.memory_space<hbm>> -> memref<16x1024xf32, #tpu.memory_space<hbm>>
    tpu.enqueue_dma source(%arg9 : memref<16x1024xf32, #tpu.memory_space<vmem>>) target(%dma_start3A_702 : memref<16x1024xf32, #tpu.memory_space<hbm>>) target_semaphore(%arg24 : memref<!tpu.dma_semaphore, #tpu.memory_space<semaphore_mem>>)
    %dma_wait3A_703 = arith.constant 0 : i32
    %dma_wait3A_704 = tpu.memref_slice %arg5[%add3A_698, %dma_wait3A_703] : memref<16640x1024xf32, #tpu.memory_space<hbm>> -> memref<16x1024xf32, #tpu.memory_space<hbm>>
    %dma_wait3A_705 = arith.constant 0 : i32
    %dma_wait3A_706 = tpu.memref_slice %arg5[%add3A_698, %dma_wait3A_705] : memref<16640x1024xf32, #tpu.memory_space<hbm>> -> memref<16x1024xf32, #tpu.memory_space<hbm>>
    tpu.wait_dma2 semaphore(%arg24 : memref<!tpu.dma_semaphore, #tpu.memory_space<semaphore_mem>>) src(%arg9 : memref<16x1024xf32, #tpu.memory_space<vmem>>) dst(%dma_wait3A_706 : memref<16x1024xf32, #tpu.memory_space<hbm>>)
    %dma_start3A_707 = arith.constant 112 : i32
    %dma_start3A_708 = tpu.memref_slice %arg8[%dma_start3A_707] : memref<520xi32, #tpu.memory_space<vmem>> -> memref<16xi32, #tpu.memory_space<vmem>>
    %dma_start3A_709 = arith.constant 0 : i32
    %dma_start3A_710 = arith.constant 0 : i32
    %dma_start3A_711 = tpu.memref_slice %arg4[%dma_start3A_709, %dma_start3A_710] : memref<65536x1024xf32, #tpu.memory_space<hbm>> -> memref<65536x1024xf32, #tpu.memory_space<hbm>>
    tpu.enqueue_indirect_dma source(%dma_start3A_711 : memref<65536x1024xf32, #tpu.memory_space<hbm>>) target(%arg9 : memref<16x1024xf32, #tpu.memory_space<vmem>>) offsets(%dma_start3A_708 : memref<16xi32, #tpu.memory_space<vmem>>) semaphore(%arg17 : memref<!tpu.dma_semaphore, #tpu.memory_space<semaphore_mem>>)
    %dma_wait3A_712 = arith.constant 16 : i32
    %dma_wait3A_713 = tpu.memref_slice %arg8[%dma_wait3A_712] : memref<520xi32, #tpu.memory_space<vmem>> -> memref<16xi32, #tpu.memory_space<vmem>>
    %dma_wait3A_714 = arith.constant 0 : i32
    %dma_wait3A_715 = arith.constant 0 : i32
    %dma_wait3A_716 = tpu.memref_slice %arg4[%dma_wait3A_714, %dma_wait3A_715] : memref<65536x1024xf32, #tpu.memory_space<hbm>> -> memref<65536x1024xf32, #tpu.memory_space<hbm>>
    tpu.wait_indirect_dma semaphore(%arg18 : memref<!tpu.dma_semaphore, #tpu.memory_space<semaphore_mem>>) src(%dma_wait3A_716 : memref<65536x1024xf32, #tpu.memory_space<hbm>>) dst(%arg10 : memref<16x1024xf32, #tpu.memory_space<vmem>>)
    %add3A_717 = arith.constant 16 : i32
    %add3A_718 = arith.addi %mul3A_656, %add3A_717 : i32
    %dma_start3A_719 = arith.constant 0 : i32
    %dma_start3A_720 = tpu.memref_slice %arg5[%add3A_718, %dma_start3A_719] : memref<16640x1024xf32, #tpu.memory_space<hbm>> -> memref<16x1024xf32, #tpu.memory_space<hbm>>
    %dma_start3A_721 = arith.constant 0 : i32
    %dma_start3A_722 = tpu.memref_slice %arg5[%add3A_718, %dma_start3A_721] : memref<16640x1024xf32, #tpu.memory_space<hbm>> -> memref<16x1024xf32, #tpu.memory_space<hbm>>
    tpu.enqueue_dma source(%arg10 : memref<16x1024xf32, #tpu.memory_space<vmem>>) target(%dma_start3A_722 : memref<16x1024xf32, #tpu.memory_space<hbm>>) target_semaphore(%arg25 : memref<!tpu.dma_semaphore, #tpu.memory_space<semaphore_mem>>)
    %dma_wait3A_723 = arith.constant 0 : i32
    %dma_wait3A_724 = tpu.memref_slice %arg5[%add3A_718, %dma_wait3A_723] : memref<16640x1024xf32, #tpu.memory_space<hbm>> -> memref<16x1024xf32, #tpu.memory_space<hbm>>
    %dma_wait3A_725 = arith.constant 0 : i32
    %dma_wait3A_726 = tpu.memref_slice %arg5[%add3A_718, %dma_wait3A_725] : memref<16640x1024xf32, #tpu.memory_space<hbm>> -> memref<16x1024xf32, #tpu.memory_space<hbm>>
    tpu.wait_dma2 semaphore(%arg25 : memref<!tpu.dma_semaphore, #tpu.memory_space<semaphore_mem>>) src(%arg10 : memref<16x1024xf32, #tpu.memory_space<vmem>>) dst(%dma_wait3A_726 : memref<16x1024xf32, #tpu.memory_space<hbm>>)
    %dma_start3A_727 = arith.constant 128 : i32
    %dma_start3A_728 = tpu.memref_slice %arg8[%dma_start3A_727] : memref<520xi32, #tpu.memory_space<vmem>> -> memref<16xi32, #tpu.memory_space<vmem>>
    %dma_start3A_729 = arith.constant 0 : i32
    %dma_start3A_730 = arith.constant 0 : i32
    %dma_start3A_731 = tpu.memref_slice %arg4[%dma_start3A_729, %dma_start3A_730] : memref<65536x1024xf32, #tpu.memory_space<hbm>> -> memref<65536x1024xf32, #tpu.memory_space<hbm>>
    tpu.enqueue_indirect_dma source(%dma_start3A_731 : memref<65536x1024xf32, #tpu.memory_space<hbm>>) target(%arg10 : memref<16x1024xf32, #tpu.memory_space<vmem>>) offsets(%dma_start3A_728 : memref<16xi32, #tpu.memory_space<vmem>>) semaphore(%arg18 : memref<!tpu.dma_semaphore, #tpu.memory_space<semaphore_mem>>)
    %dma_wait3A_732 = arith.constant 32 : i32
    %dma_wait3A_733 = tpu.memref_slice %arg8[%dma_wait3A_732] : memref<520xi32, #tpu.memory_space<vmem>> -> memref<16xi32, #tpu.memory_space<vmem>>
    %dma_wait3A_734 = arith.constant 0 : i32
    %dma_wait3A_735 = arith.constant 0 : i32
    %dma_wait3A_736 = tpu.memref_slice %arg4[%dma_wait3A_734, %dma_wait3A_735] : memref<65536x1024xf32, #tpu.memory_space<hbm>> -> memref<65536x1024xf32, #tpu.memory_space<hbm>>
    tpu.wait_indirect_dma semaphore(%arg19 : memref<!tpu.dma_semaphore, #tpu.memory_space<semaphore_mem>>) src(%dma_wait3A_736 : memref<65536x1024xf32, #tpu.memory_space<hbm>>) dst(%arg11 : memref<16x1024xf32, #tpu.memory_space<vmem>>)
    %add3A_737 = arith.constant 32 : i32
    %add3A_738 = arith.addi %mul3A_656, %add3A_737 : i32
    %dma_start3A_739 = arith.constant 0 : i32
    %dma_start3A_740 = tpu.memref_slice %arg5[%add3A_738, %dma_start3A_739] : memref<16640x1024xf32, #tpu.memory_space<hbm>> -> memref<16x1024xf32, #tpu.memory_space<hbm>>
    %dma_start3A_741 = arith.constant 0 : i32
    %dma_start3A_742 = tpu.memref_slice %arg5[%add3A_738, %dma_start3A_741] : memref<16640x1024xf32, #tpu.memory_space<hbm>> -> memref<16x1024xf32, #tpu.memory_space<hbm>>
    tpu.enqueue_dma source(%arg11 : memref<16x1024xf32, #tpu.memory_space<vmem>>) target(%dma_start3A_742 : memref<16x1024xf32, #tpu.memory_space<hbm>>) target_semaphore(%arg26 : memref<!tpu.dma_semaphore, #tpu.memory_space<semaphore_mem>>)
    %dma_wait3A_743 = arith.constant 0 : i32
    %dma_wait3A_744 = tpu.memref_slice %arg5[%add3A_738, %dma_wait3A_743] : memref<16640x1024xf32, #tpu.memory_space<hbm>> -> memref<16x1024xf32, #tpu.memory_space<hbm>>
    %dma_wait3A_745 = arith.constant 0 : i32
    %dma_wait3A_746 = tpu.memref_slice %arg5[%add3A_738, %dma_wait3A_745] : memref<16640x1024xf32, #tpu.memory_space<hbm>> -> memref<16x1024xf32, #tpu.memory_space<hbm>>
    tpu.wait_dma2 semaphore(%arg26 : memref<!tpu.dma_semaphore, #tpu.memory_space<semaphore_mem>>) src(%arg11 : memref<16x1024xf32, #tpu.memory_space<vmem>>) dst(%dma_wait3A_746 : memref<16x1024xf32, #tpu.memory_space<hbm>>)
    %dma_start3A_747 = arith.constant 144 : i32
    %dma_start3A_748 = tpu.memref_slice %arg8[%dma_start3A_747] : memref<520xi32, #tpu.memory_space<vmem>> -> memref<16xi32, #tpu.memory_space<vmem>>
    %dma_start3A_749 = arith.constant 0 : i32
    %dma_start3A_750 = arith.constant 0 : i32
    %dma_start3A_751 = tpu.memref_slice %arg4[%dma_start3A_749, %dma_start3A_750] : memref<65536x1024xf32, #tpu.memory_space<hbm>> -> memref<65536x1024xf32, #tpu.memory_space<hbm>>
    tpu.enqueue_indirect_dma source(%dma_start3A_751 : memref<65536x1024xf32, #tpu.memory_space<hbm>>) target(%arg11 : memref<16x1024xf32, #tpu.memory_space<vmem>>) offsets(%dma_start3A_748 : memref<16xi32, #tpu.memory_space<vmem>>) semaphore(%arg19 : memref<!tpu.dma_semaphore, #tpu.memory_space<semaphore_mem>>)
    %dma_wait3A_752 = arith.constant 48 : i32
    %dma_wait3A_753 = tpu.memref_slice %arg8[%dma_wait3A_752] : memref<520xi32, #tpu.memory_space<vmem>> -> memref<16xi32, #tpu.memory_space<vmem>>
    %dma_wait3A_754 = arith.constant 0 : i32
    %dma_wait3A_755 = arith.constant 0 : i32
    %dma_wait3A_756 = tpu.memref_slice %arg4[%dma_wait3A_754, %dma_wait3A_755] : memref<65536x1024xf32, #tpu.memory_space<hbm>> -> memref<65536x1024xf32, #tpu.memory_space<hbm>>
    tpu.wait_indirect_dma semaphore(%arg20 : memref<!tpu.dma_semaphore, #tpu.memory_space<semaphore_mem>>) src(%dma_wait3A_756 : memref<65536x1024xf32, #tpu.memory_space<hbm>>) dst(%arg12 : memref<16x1024xf32, #tpu.memory_space<vmem>>)
    %add3A_757 = arith.constant 48 : i32
    %add3A_758 = arith.addi %mul3A_656, %add3A_757 : i32
    %dma_start3A_759 = arith.constant 0 : i32
    %dma_start3A_760 = tpu.memref_slice %arg5[%add3A_758, %dma_start3A_759] : memref<16640x1024xf32, #tpu.memory_space<hbm>> -> memref<16x1024xf32, #tpu.memory_space<hbm>>
    %dma_start3A_761 = arith.constant 0 : i32
    %dma_start3A_762 = tpu.memref_slice %arg5[%add3A_758, %dma_start3A_761] : memref<16640x1024xf32, #tpu.memory_space<hbm>> -> memref<16x1024xf32, #tpu.memory_space<hbm>>
    tpu.enqueue_dma source(%arg12 : memref<16x1024xf32, #tpu.memory_space<vmem>>) target(%dma_start3A_762 : memref<16x1024xf32, #tpu.memory_space<hbm>>) target_semaphore(%arg27 : memref<!tpu.dma_semaphore, #tpu.memory_space<semaphore_mem>>)
    %dma_wait3A_763 = arith.constant 0 : i32
    %dma_wait3A_764 = tpu.memref_slice %arg5[%add3A_758, %dma_wait3A_763] : memref<16640x1024xf32, #tpu.memory_space<hbm>> -> memref<16x1024xf32, #tpu.memory_space<hbm>>
    %dma_wait3A_765 = arith.constant 0 : i32
    %dma_wait3A_766 = tpu.memref_slice %arg5[%add3A_758, %dma_wait3A_765] : memref<16640x1024xf32, #tpu.memory_space<hbm>> -> memref<16x1024xf32, #tpu.memory_space<hbm>>
    tpu.wait_dma2 semaphore(%arg27 : memref<!tpu.dma_semaphore, #tpu.memory_space<semaphore_mem>>) src(%arg12 : memref<16x1024xf32, #tpu.memory_space<vmem>>) dst(%dma_wait3A_766 : memref<16x1024xf32, #tpu.memory_space<hbm>>)
    %dma_start3A_767 = arith.constant 160 : i32
    %dma_start3A_768 = tpu.memref_slice %arg8[%dma_start3A_767] : memref<520xi32, #tpu.memory_space<vmem>> -> memref<16xi32, #tpu.memory_space<vmem>>
    %dma_start3A_769 = arith.constant 0 : i32
    %dma_start3A_770 = arith.constant 0 : i32
    %dma_start3A_771 = tpu.memref_slice %arg4[%dma_start3A_769, %dma_start3A_770] : memref<65536x1024xf32, #tpu.memory_space<hbm>> -> memref<65536x1024xf32, #tpu.memory_space<hbm>>
    tpu.enqueue_indirect_dma source(%dma_start3A_771 : memref<65536x1024xf32, #tpu.memory_space<hbm>>) target(%arg12 : memref<16x1024xf32, #tpu.memory_space<vmem>>) offsets(%dma_start3A_768 : memref<16xi32, #tpu.memory_space<vmem>>) semaphore(%arg20 : memref<!tpu.dma_semaphore, #tpu.memory_space<semaphore_mem>>)
    %dma_wait3A_772 = arith.constant 64 : i32
    %dma_wait3A_773 = tpu.memref_slice %arg8[%dma_wait3A_772] : memref<520xi32, #tpu.memory_space<vmem>> -> memref<16xi32, #tpu.memory_space<vmem>>
    %dma_wait3A_774 = arith.constant 0 : i32
    %dma_wait3A_775 = arith.constant 0 : i32
    %dma_wait3A_776 = tpu.memref_slice %arg4[%dma_wait3A_774, %dma_wait3A_775] : memref<65536x1024xf32, #tpu.memory_space<hbm>> -> memref<65536x1024xf32, #tpu.memory_space<hbm>>
    tpu.wait_indirect_dma semaphore(%arg21 : memref<!tpu.dma_semaphore, #tpu.memory_space<semaphore_mem>>) src(%dma_wait3A_776 : memref<65536x1024xf32, #tpu.memory_space<hbm>>) dst(%arg13 : memref<16x1024xf32, #tpu.memory_space<vmem>>)
    %add3A_777 = arith.constant 64 : i32
    %add3A_778 = arith.addi %mul3A_656, %add3A_777 : i32
    %dma_start3A_779 = arith.constant 0 : i32
    %dma_start3A_780 = tpu.memref_slice %arg5[%add3A_778, %dma_start3A_779] : memref<16640x1024xf32, #tpu.memory_space<hbm>> -> memref<16x1024xf32, #tpu.memory_space<hbm>>
    %dma_start3A_781 = arith.constant 0 : i32
    %dma_start3A_782 = tpu.memref_slice %arg5[%add3A_778, %dma_start3A_781] : memref<16640x1024xf32, #tpu.memory_space<hbm>> -> memref<16x1024xf32, #tpu.memory_space<hbm>>
    tpu.enqueue_dma source(%arg13 : memref<16x1024xf32, #tpu.memory_space<vmem>>) target(%dma_start3A_782 : memref<16x1024xf32, #tpu.memory_space<hbm>>) target_semaphore(%arg28 : memref<!tpu.dma_semaphore, #tpu.memory_space<semaphore_mem>>)
    %dma_wait3A_783 = arith.constant 0 : i32
    %dma_wait3A_784 = tpu.memref_slice %arg5[%add3A_778, %dma_wait3A_783] : memref<16640x1024xf32, #tpu.memory_space<hbm>> -> memref<16x1024xf32, #tpu.memory_space<hbm>>
    %dma_wait3A_785 = arith.constant 0 : i32
    %dma_wait3A_786 = tpu.memref_slice %arg5[%add3A_778, %dma_wait3A_785] : memref<16640x1024xf32, #tpu.memory_space<hbm>> -> memref<16x1024xf32, #tpu.memory_space<hbm>>
    tpu.wait_dma2 semaphore(%arg28 : memref<!tpu.dma_semaphore, #tpu.memory_space<semaphore_mem>>) src(%arg13 : memref<16x1024xf32, #tpu.memory_space<vmem>>) dst(%dma_wait3A_786 : memref<16x1024xf32, #tpu.memory_space<hbm>>)
    %dma_start3A_787 = arith.constant 176 : i32
    %dma_start3A_788 = tpu.memref_slice %arg8[%dma_start3A_787] : memref<520xi32, #tpu.memory_space<vmem>> -> memref<16xi32, #tpu.memory_space<vmem>>
    %dma_start3A_789 = arith.constant 0 : i32
    %dma_start3A_790 = arith.constant 0 : i32
    %dma_start3A_791 = tpu.memref_slice %arg4[%dma_start3A_789, %dma_start3A_790] : memref<65536x1024xf32, #tpu.memory_space<hbm>> -> memref<65536x1024xf32, #tpu.memory_space<hbm>>
    tpu.enqueue_indirect_dma source(%dma_start3A_791 : memref<65536x1024xf32, #tpu.memory_space<hbm>>) target(%arg13 : memref<16x1024xf32, #tpu.memory_space<vmem>>) offsets(%dma_start3A_788 : memref<16xi32, #tpu.memory_space<vmem>>) semaphore(%arg21 : memref<!tpu.dma_semaphore, #tpu.memory_space<semaphore_mem>>)
    %dma_wait3A_792 = arith.constant 80 : i32
    %dma_wait3A_793 = tpu.memref_slice %arg8[%dma_wait3A_792] : memref<520xi32, #tpu.memory_space<vmem>> -> memref<16xi32, #tpu.memory_space<vmem>>
    %dma_wait3A_794 = arith.constant 0 : i32
    %dma_wait3A_795 = arith.constant 0 : i32
    %dma_wait3A_796 = tpu.memref_slice %arg4[%dma_wait3A_794, %dma_wait3A_795] : memref<65536x1024xf32, #tpu.memory_space<hbm>> -> memref<65536x1024xf32, #tpu.memory_space<hbm>>
    tpu.wait_indirect_dma semaphore(%arg22 : memref<!tpu.dma_semaphore, #tpu.memory_space<semaphore_mem>>) src(%dma_wait3A_796 : memref<65536x1024xf32, #tpu.memory_space<hbm>>) dst(%arg14 : memref<16x1024xf32, #tpu.memory_space<vmem>>)
    %add3A_797 = arith.constant 80 : i32
    %add3A_798 = arith.addi %mul3A_656, %add3A_797 : i32
    %dma_start3A_799 = arith.constant 0 : i32
    %dma_start3A_800 = tpu.memref_slice %arg5[%add3A_798, %dma_start3A_799] : memref<16640x1024xf32, #tpu.memory_space<hbm>> -> memref<16x1024xf32, #tpu.memory_space<hbm>>
    %dma_start3A_801 = arith.constant 0 : i32
    %dma_start3A_802 = tpu.memref_slice %arg5[%add3A_798, %dma_start3A_801] : memref<16640x1024xf32, #tpu.memory_space<hbm>> -> memref<16x1024xf32, #tpu.memory_space<hbm>>
    tpu.enqueue_dma source(%arg14 : memref<16x1024xf32, #tpu.memory_space<vmem>>) target(%dma_start3A_802 : memref<16x1024xf32, #tpu.memory_space<hbm>>) target_semaphore(%arg29 : memref<!tpu.dma_semaphore, #tpu.memory_space<semaphore_mem>>)
    %dma_wait3A_803 = arith.constant 0 : i32
    %dma_wait3A_804 = tpu.memref_slice %arg5[%add3A_798, %dma_wait3A_803] : memref<16640x1024xf32, #tpu.memory_space<hbm>> -> memref<16x1024xf32, #tpu.memory_space<hbm>>
    %dma_wait3A_805 = arith.constant 0 : i32
    %dma_wait3A_806 = tpu.memref_slice %arg5[%add3A_798, %dma_wait3A_805] : memref<16640x1024xf32, #tpu.memory_space<hbm>> -> memref<16x1024xf32, #tpu.memory_space<hbm>>
    tpu.wait_dma2 semaphore(%arg29 : memref<!tpu.dma_semaphore, #tpu.memory_space<semaphore_mem>>) src(%arg14 : memref<16x1024xf32, #tpu.memory_space<vmem>>) dst(%dma_wait3A_806 : memref<16x1024xf32, #tpu.memory_space<hbm>>)
    %dma_start3A_807 = arith.constant 192 : i32
    %dma_start3A_808 = tpu.memref_slice %arg8[%dma_start3A_807] : memref<520xi32, #tpu.memory_space<vmem>> -> memref<16xi32, #tpu.memory_space<vmem>>
    %dma_start3A_809 = arith.constant 0 : i32
    %dma_start3A_810 = arith.constant 0 : i32
    %dma_start3A_811 = tpu.memref_slice %arg4[%dma_start3A_809, %dma_start3A_810] : memref<65536x1024xf32, #tpu.memory_space<hbm>> -> memref<65536x1024xf32, #tpu.memory_space<hbm>>
    tpu.enqueue_indirect_dma source(%dma_start3A_811 : memref<65536x1024xf32, #tpu.memory_space<hbm>>) target(%arg14 : memref<16x1024xf32, #tpu.memory_space<vmem>>) offsets(%dma_start3A_808 : memref<16xi32, #tpu.memory_space<vmem>>) semaphore(%arg22 : memref<!tpu.dma_semaphore, #tpu.memory_space<semaphore_mem>>)
    %dma_wait3A_812 = arith.constant 96 : i32
    %dma_wait3A_813 = tpu.memref_slice %arg8[%dma_wait3A_812] : memref<520xi32, #tpu.memory_space<vmem>> -> memref<16xi32, #tpu.memory_space<vmem>>
    %dma_wait3A_814 = arith.constant 0 : i32
    %dma_wait3A_815 = arith.constant 0 : i32
    %dma_wait3A_816 = tpu.memref_slice %arg4[%dma_wait3A_814, %dma_wait3A_815] : memref<65536x1024xf32, #tpu.memory_space<hbm>> -> memref<65536x1024xf32, #tpu.memory_space<hbm>>
    tpu.wait_indirect_dma semaphore(%arg23 : memref<!tpu.dma_semaphore, #tpu.memory_space<semaphore_mem>>) src(%dma_wait3A_816 : memref<65536x1024xf32, #tpu.memory_space<hbm>>) dst(%arg15 : memref<16x1024xf32, #tpu.memory_space<vmem>>)
    %add3A_817 = arith.constant 96 : i32
    %add3A_818 = arith.addi %mul3A_656, %add3A_817 : i32
    %dma_start3A_819 = arith.constant 0 : i32
    %dma_start3A_820 = tpu.memref_slice %arg5[%add3A_818, %dma_start3A_819] : memref<16640x1024xf32, #tpu.memory_space<hbm>> -> memref<16x1024xf32, #tpu.memory_space<hbm>>
    %dma_start3A_821 = arith.constant 0 : i32
    %dma_start3A_822 = tpu.memref_slice %arg5[%add3A_818, %dma_start3A_821] : memref<16640x1024xf32, #tpu.memory_space<hbm>> -> memref<16x1024xf32, #tpu.memory_space<hbm>>
    tpu.enqueue_dma source(%arg15 : memref<16x1024xf32, #tpu.memory_space<vmem>>) target(%dma_start3A_822 : memref<16x1024xf32, #tpu.memory_space<hbm>>) target_semaphore(%arg30 : memref<!tpu.dma_semaphore, #tpu.memory_space<semaphore_mem>>)
    %dma_wait3A_823 = arith.constant 0 : i32
    %dma_wait3A_824 = tpu.memref_slice %arg5[%add3A_818, %dma_wait3A_823] : memref<16640x1024xf32, #tpu.memory_space<hbm>> -> memref<16x1024xf32, #tpu.memory_space<hbm>>
    %dma_wait3A_825 = arith.constant 0 : i32
    %dma_wait3A_826 = tpu.memref_slice %arg5[%add3A_818, %dma_wait3A_825] : memref<16640x1024xf32, #tpu.memory_space<hbm>> -> memref<16x1024xf32, #tpu.memory_space<hbm>>
    tpu.wait_dma2 semaphore(%arg30 : memref<!tpu.dma_semaphore, #tpu.memory_space<semaphore_mem>>) src(%arg15 : memref<16x1024xf32, #tpu.memory_space<vmem>>) dst(%dma_wait3A_826 : memref<16x1024xf32, #tpu.memory_space<hbm>>)
    %dma_start3A_827 = arith.constant 208 : i32
    %dma_start3A_828 = tpu.memref_slice %arg8[%dma_start3A_827] : memref<520xi32, #tpu.memory_space<vmem>> -> memref<16xi32, #tpu.memory_space<vmem>>
    %dma_start3A_829 = arith.constant 0 : i32
    %dma_start3A_830 = arith.constant 0 : i32
    %dma_start3A_831 = tpu.memref_slice %arg4[%dma_start3A_829, %dma_start3A_830] : memref<65536x1024xf32, #tpu.memory_space<hbm>> -> memref<65536x1024xf32, #tpu.memory_space<hbm>>
    tpu.enqueue_indirect_dma source(%dma_start3A_831 : memref<65536x1024xf32, #tpu.memory_space<hbm>>) target(%arg15 : memref<16x1024xf32, #tpu.memory_space<vmem>>) offsets(%dma_start3A_828 : memref<16xi32, #tpu.memory_space<vmem>>) semaphore(%arg23 : memref<!tpu.dma_semaphore, #tpu.memory_space<semaphore_mem>>)
    %dma_wait3A_832 = arith.constant 112 : i32
    %dma_wait3A_833 = tpu.memref_slice %arg8[%dma_wait3A_832] : memref<520xi32, #tpu.memory_space<vmem>> -> memref<16xi32, #tpu.memory_space<vmem>>
    %dma_wait3A_834 = arith.constant 0 : i32
    %dma_wait3A_835 = arith.constant 0 : i32
    %dma_wait3A_836 = tpu.memref_slice %arg4[%dma_wait3A_834, %dma_wait3A_835] : memref<65536x1024xf32, #tpu.memory_space<hbm>> -> memref<65536x1024xf32, #tpu.memory_space<hbm>>
    tpu.wait_indirect_dma semaphore(%arg17 : memref<!tpu.dma_semaphore, #tpu.memory_space<semaphore_mem>>) src(%dma_wait3A_836 : memref<65536x1024xf32, #tpu.memory_space<hbm>>) dst(%arg9 : memref<16x1024xf32, #tpu.memory_space<vmem>>)
    %add3A_837 = arith.constant 112 : i32
    %add3A_838 = arith.addi %mul3A_656, %add3A_837 : i32
    %dma_start3A_839 = arith.constant 0 : i32
    %dma_start3A_840 = tpu.memref_slice %arg5[%add3A_838, %dma_start3A_839] : memref<16640x1024xf32, #tpu.memory_space<hbm>> -> memref<16x1024xf32, #tpu.memory_space<hbm>>
    %dma_start3A_841 = arith.constant 0 : i32
    %dma_start3A_842 = tpu.memref_slice %arg5[%add3A_838, %dma_start3A_841] : memref<16640x1024xf32, #tpu.memory_space<hbm>> -> memref<16x1024xf32, #tpu.memory_space<hbm>>
    tpu.enqueue_dma source(%arg9 : memref<16x1024xf32, #tpu.memory_space<vmem>>) target(%dma_start3A_842 : memref<16x1024xf32, #tpu.memory_space<hbm>>) target_semaphore(%arg24 : memref<!tpu.dma_semaphore, #tpu.memory_space<semaphore_mem>>)
    %dma_wait3A_843 = arith.constant 0 : i32
    %dma_wait3A_844 = tpu.memref_slice %arg5[%add3A_838, %dma_wait3A_843] : memref<16640x1024xf32, #tpu.memory_space<hbm>> -> memref<16x1024xf32, #tpu.memory_space<hbm>>
    %dma_wait3A_845 = arith.constant 0 : i32
    %dma_wait3A_846 = tpu.memref_slice %arg5[%add3A_838, %dma_wait3A_845] : memref<16640x1024xf32, #tpu.memory_space<hbm>> -> memref<16x1024xf32, #tpu.memory_space<hbm>>
    tpu.wait_dma2 semaphore(%arg24 : memref<!tpu.dma_semaphore, #tpu.memory_space<semaphore_mem>>) src(%arg9 : memref<16x1024xf32, #tpu.memory_space<vmem>>) dst(%dma_wait3A_846 : memref<16x1024xf32, #tpu.memory_space<hbm>>)
    %dma_start3A_847 = arith.constant 224 : i32
    %dma_start3A_848 = tpu.memref_slice %arg8[%dma_start3A_847] : memref<520xi32, #tpu.memory_space<vmem>> -> memref<16xi32, #tpu.memory_space<vmem>>
    %dma_start3A_849 = arith.constant 0 : i32
    %dma_start3A_850 = arith.constant 0 : i32
    %dma_start3A_851 = tpu.memref_slice %arg4[%dma_start3A_849, %dma_start3A_850] : memref<65536x1024xf32, #tpu.memory_space<hbm>> -> memref<65536x1024xf32, #tpu.memory_space<hbm>>
    tpu.enqueue_indirect_dma source(%dma_start3A_851 : memref<65536x1024xf32, #tpu.memory_space<hbm>>) target(%arg9 : memref<16x1024xf32, #tpu.memory_space<vmem>>) offsets(%dma_start3A_848 : memref<16xi32, #tpu.memory_space<vmem>>) semaphore(%arg17 : memref<!tpu.dma_semaphore, #tpu.memory_space<semaphore_mem>>)
    %dma_wait3A_852 = arith.constant 128 : i32
    %dma_wait3A_853 = tpu.memref_slice %arg8[%dma_wait3A_852] : memref<520xi32, #tpu.memory_space<vmem>> -> memref<16xi32, #tpu.memory_space<vmem>>
    %dma_wait3A_854 = arith.constant 0 : i32
    %dma_wait3A_855 = arith.constant 0 : i32
    %dma_wait3A_856 = tpu.memref_slice %arg4[%dma_wait3A_854, %dma_wait3A_855] : memref<65536x1024xf32, #tpu.memory_space<hbm>> -> memref<65536x1024xf32, #tpu.memory_space<hbm>>
    tpu.wait_indirect_dma semaphore(%arg18 : memref<!tpu.dma_semaphore, #tpu.memory_space<semaphore_mem>>) src(%dma_wait3A_856 : memref<65536x1024xf32, #tpu.memory_space<hbm>>) dst(%arg10 : memref<16x1024xf32, #tpu.memory_space<vmem>>)
    %add3A_857 = arith.constant 128 : i32
    %add3A_858 = arith.addi %mul3A_656, %add3A_857 : i32
    %dma_start3A_859 = arith.constant 0 : i32
    %dma_start3A_860 = tpu.memref_slice %arg5[%add3A_858, %dma_start3A_859] : memref<16640x1024xf32, #tpu.memory_space<hbm>> -> memref<16x1024xf32, #tpu.memory_space<hbm>>
    %dma_start3A_861 = arith.constant 0 : i32
    %dma_start3A_862 = tpu.memref_slice %arg5[%add3A_858, %dma_start3A_861] : memref<16640x1024xf32, #tpu.memory_space<hbm>> -> memref<16x1024xf32, #tpu.memory_space<hbm>>
    tpu.enqueue_dma source(%arg10 : memref<16x1024xf32, #tpu.memory_space<vmem>>) target(%dma_start3A_862 : memref<16x1024xf32, #tpu.memory_space<hbm>>) target_semaphore(%arg25 : memref<!tpu.dma_semaphore, #tpu.memory_space<semaphore_mem>>)
    %dma_wait3A_863 = arith.constant 0 : i32
    %dma_wait3A_864 = tpu.memref_slice %arg5[%add3A_858, %dma_wait3A_863] : memref<16640x1024xf32, #tpu.memory_space<hbm>> -> memref<16x1024xf32, #tpu.memory_space<hbm>>
    %dma_wait3A_865 = arith.constant 0 : i32
    %dma_wait3A_866 = tpu.memref_slice %arg5[%add3A_858, %dma_wait3A_865] : memref<16640x1024xf32, #tpu.memory_space<hbm>> -> memref<16x1024xf32, #tpu.memory_space<hbm>>
    tpu.wait_dma2 semaphore(%arg25 : memref<!tpu.dma_semaphore, #tpu.memory_space<semaphore_mem>>) src(%arg10 : memref<16x1024xf32, #tpu.memory_space<vmem>>) dst(%dma_wait3A_866 : memref<16x1024xf32, #tpu.memory_space<hbm>>)
    %dma_start3A_867 = arith.constant 240 : i32
    %dma_start3A_868 = tpu.memref_slice %arg8[%dma_start3A_867] : memref<520xi32, #tpu.memory_space<vmem>> -> memref<16xi32, #tpu.memory_space<vmem>>
    %dma_start3A_869 = arith.constant 0 : i32
    %dma_start3A_870 = arith.constant 0 : i32
    %dma_start3A_871 = tpu.memref_slice %arg4[%dma_start3A_869, %dma_start3A_870] : memref<65536x1024xf32, #tpu.memory_space<hbm>> -> memref<65536x1024xf32, #tpu.memory_space<hbm>>
    tpu.enqueue_indirect_dma source(%dma_start3A_871 : memref<65536x1024xf32, #tpu.memory_space<hbm>>) target(%arg10 : memref<16x1024xf32, #tpu.memory_space<vmem>>) offsets(%dma_start3A_868 : memref<16xi32, #tpu.memory_space<vmem>>) semaphore(%arg18 : memref<!tpu.dma_semaphore, #tpu.memory_space<semaphore_mem>>)
    %dma_wait3A_872 = arith.constant 144 : i32
    %dma_wait3A_873 = tpu.memref_slice %arg8[%dma_wait3A_872] : memref<520xi32, #tpu.memory_space<vmem>> -> memref<16xi32, #tpu.memory_space<vmem>>
    %dma_wait3A_874 = arith.constant 0 : i32
    %dma_wait3A_875 = arith.constant 0 : i32
    %dma_wait3A_876 = tpu.memref_slice %arg4[%dma_wait3A_874, %dma_wait3A_875] : memref<65536x1024xf32, #tpu.memory_space<hbm>> -> memref<65536x1024xf32, #tpu.memory_space<hbm>>
    tpu.wait_indirect_dma semaphore(%arg19 : memref<!tpu.dma_semaphore, #tpu.memory_space<semaphore_mem>>) src(%dma_wait3A_876 : memref<65536x1024xf32, #tpu.memory_space<hbm>>) dst(%arg11 : memref<16x1024xf32, #tpu.memory_space<vmem>>)
    %add3A_877 = arith.constant 144 : i32
    %add3A_878 = arith.addi %mul3A_656, %add3A_877 : i32
    %dma_start3A_879 = arith.constant 0 : i32
    %dma_start3A_880 = tpu.memref_slice %arg5[%add3A_878, %dma_start3A_879] : memref<16640x1024xf32, #tpu.memory_space<hbm>> -> memref<16x1024xf32, #tpu.memory_space<hbm>>
    %dma_start3A_881 = arith.constant 0 : i32
    %dma_start3A_882 = tpu.memref_slice %arg5[%add3A_878, %dma_start3A_881] : memref<16640x1024xf32, #tpu.memory_space<hbm>> -> memref<16x1024xf32, #tpu.memory_space<hbm>>
    tpu.enqueue_dma source(%arg11 : memref<16x1024xf32, #tpu.memory_space<vmem>>) target(%dma_start3A_882 : memref<16x1024xf32, #tpu.memory_space<hbm>>) target_semaphore(%arg26 : memref<!tpu.dma_semaphore, #tpu.memory_space<semaphore_mem>>)
    %dma_wait3A_883 = arith.constant 0 : i32
    %dma_wait3A_884 = tpu.memref_slice %arg5[%add3A_878, %dma_wait3A_883] : memref<16640x1024xf32, #tpu.memory_space<hbm>> -> memref<16x1024xf32, #tpu.memory_space<hbm>>
    %dma_wait3A_885 = arith.constant 0 : i32
    %dma_wait3A_886 = tpu.memref_slice %arg5[%add3A_878, %dma_wait3A_885] : memref<16640x1024xf32, #tpu.memory_space<hbm>> -> memref<16x1024xf32, #tpu.memory_space<hbm>>
    tpu.wait_dma2 semaphore(%arg26 : memref<!tpu.dma_semaphore, #tpu.memory_space<semaphore_mem>>) src(%arg11 : memref<16x1024xf32, #tpu.memory_space<vmem>>) dst(%dma_wait3A_886 : memref<16x1024xf32, #tpu.memory_space<hbm>>)
    %dma_start3A_887 = arith.constant 256 : i32
    %dma_start3A_888 = tpu.memref_slice %arg8[%dma_start3A_887] : memref<520xi32, #tpu.memory_space<vmem>> -> memref<16xi32, #tpu.memory_space<vmem>>
    %dma_start3A_889 = arith.constant 0 : i32
    %dma_start3A_890 = arith.constant 0 : i32
    %dma_start3A_891 = tpu.memref_slice %arg4[%dma_start3A_889, %dma_start3A_890] : memref<65536x1024xf32, #tpu.memory_space<hbm>> -> memref<65536x1024xf32, #tpu.memory_space<hbm>>
    tpu.enqueue_indirect_dma source(%dma_start3A_891 : memref<65536x1024xf32, #tpu.memory_space<hbm>>) target(%arg11 : memref<16x1024xf32, #tpu.memory_space<vmem>>) offsets(%dma_start3A_888 : memref<16xi32, #tpu.memory_space<vmem>>) semaphore(%arg19 : memref<!tpu.dma_semaphore, #tpu.memory_space<semaphore_mem>>)
    %dma_wait3A_892 = arith.constant 160 : i32
    %dma_wait3A_893 = tpu.memref_slice %arg8[%dma_wait3A_892] : memref<520xi32, #tpu.memory_space<vmem>> -> memref<16xi32, #tpu.memory_space<vmem>>
    %dma_wait3A_894 = arith.constant 0 : i32
    %dma_wait3A_895 = arith.constant 0 : i32
    %dma_wait3A_896 = tpu.memref_slice %arg4[%dma_wait3A_894, %dma_wait3A_895] : memref<65536x1024xf32, #tpu.memory_space<hbm>> -> memref<65536x1024xf32, #tpu.memory_space<hbm>>
    tpu.wait_indirect_dma semaphore(%arg20 : memref<!tpu.dma_semaphore, #tpu.memory_space<semaphore_mem>>) src(%dma_wait3A_896 : memref<65536x1024xf32, #tpu.memory_space<hbm>>) dst(%arg12 : memref<16x1024xf32, #tpu.memory_space<vmem>>)
    %add3A_897 = arith.constant 160 : i32
    %add3A_898 = arith.addi %mul3A_656, %add3A_897 : i32
    %dma_start3A_899 = arith.constant 0 : i32
    %dma_start3A_900 = tpu.memref_slice %arg5[%add3A_898, %dma_start3A_899] : memref<16640x1024xf32, #tpu.memory_space<hbm>> -> memref<16x1024xf32, #tpu.memory_space<hbm>>
    %dma_start3A_901 = arith.constant 0 : i32
    %dma_start3A_902 = tpu.memref_slice %arg5[%add3A_898, %dma_start3A_901] : memref<16640x1024xf32, #tpu.memory_space<hbm>> -> memref<16x1024xf32, #tpu.memory_space<hbm>>
    tpu.enqueue_dma source(%arg12 : memref<16x1024xf32, #tpu.memory_space<vmem>>) target(%dma_start3A_902 : memref<16x1024xf32, #tpu.memory_space<hbm>>) target_semaphore(%arg27 : memref<!tpu.dma_semaphore, #tpu.memory_space<semaphore_mem>>)
    %dma_wait3A_903 = arith.constant 0 : i32
    %dma_wait3A_904 = tpu.memref_slice %arg5[%add3A_898, %dma_wait3A_903] : memref<16640x1024xf32, #tpu.memory_space<hbm>> -> memref<16x1024xf32, #tpu.memory_space<hbm>>
    %dma_wait3A_905 = arith.constant 0 : i32
    %dma_wait3A_906 = tpu.memref_slice %arg5[%add3A_898, %dma_wait3A_905] : memref<16640x1024xf32, #tpu.memory_space<hbm>> -> memref<16x1024xf32, #tpu.memory_space<hbm>>
    tpu.wait_dma2 semaphore(%arg27 : memref<!tpu.dma_semaphore, #tpu.memory_space<semaphore_mem>>) src(%arg12 : memref<16x1024xf32, #tpu.memory_space<vmem>>) dst(%dma_wait3A_906 : memref<16x1024xf32, #tpu.memory_space<hbm>>)
    %dma_start3A_907 = arith.constant 272 : i32
    %dma_start3A_908 = tpu.memref_slice %arg8[%dma_start3A_907] : memref<520xi32, #tpu.memory_space<vmem>> -> memref<16xi32, #tpu.memory_space<vmem>>
    %dma_start3A_909 = arith.constant 0 : i32
    %dma_start3A_910 = arith.constant 0 : i32
    %dma_start3A_911 = tpu.memref_slice %arg4[%dma_start3A_909, %dma_start3A_910] : memref<65536x1024xf32, #tpu.memory_space<hbm>> -> memref<65536x1024xf32, #tpu.memory_space<hbm>>
    tpu.enqueue_indirect_dma source(%dma_start3A_911 : memref<65536x1024xf32, #tpu.memory_space<hbm>>) target(%arg12 : memref<16x1024xf32, #tpu.memory_space<vmem>>) offsets(%dma_start3A_908 : memref<16xi32, #tpu.memory_space<vmem>>) semaphore(%arg20 : memref<!tpu.dma_semaphore, #tpu.memory_space<semaphore_mem>>)
    %dma_wait3A_912 = arith.constant 176 : i32
    %dma_wait3A_913 = tpu.memref_slice %arg8[%dma_wait3A_912] : memref<520xi32, #tpu.memory_space<vmem>> -> memref<16xi32, #tpu.memory_space<vmem>>
    %dma_wait3A_914 = arith.constant 0 : i32
    %dma_wait3A_915 = arith.constant 0 : i32
    %dma_wait3A_916 = tpu.memref_slice %arg4[%dma_wait3A_914, %dma_wait3A_915] : memref<65536x1024xf32, #tpu.memory_space<hbm>> -> memref<65536x1024xf32, #tpu.memory_space<hbm>>
    tpu.wait_indirect_dma semaphore(%arg21 : memref<!tpu.dma_semaphore, #tpu.memory_space<semaphore_mem>>) src(%dma_wait3A_916 : memref<65536x1024xf32, #tpu.memory_space<hbm>>) dst(%arg13 : memref<16x1024xf32, #tpu.memory_space<vmem>>)
    %add3A_917 = arith.constant 176 : i32
    %add3A_918 = arith.addi %mul3A_656, %add3A_917 : i32
    %dma_start3A_919 = arith.constant 0 : i32
    %dma_start3A_920 = tpu.memref_slice %arg5[%add3A_918, %dma_start3A_919] : memref<16640x1024xf32, #tpu.memory_space<hbm>> -> memref<16x1024xf32, #tpu.memory_space<hbm>>
    %dma_start3A_921 = arith.constant 0 : i32
    %dma_start3A_922 = tpu.memref_slice %arg5[%add3A_918, %dma_start3A_921] : memref<16640x1024xf32, #tpu.memory_space<hbm>> -> memref<16x1024xf32, #tpu.memory_space<hbm>>
    tpu.enqueue_dma source(%arg13 : memref<16x1024xf32, #tpu.memory_space<vmem>>) target(%dma_start3A_922 : memref<16x1024xf32, #tpu.memory_space<hbm>>) target_semaphore(%arg28 : memref<!tpu.dma_semaphore, #tpu.memory_space<semaphore_mem>>)
    %dma_wait3A_923 = arith.constant 0 : i32
    %dma_wait3A_924 = tpu.memref_slice %arg5[%add3A_918, %dma_wait3A_923] : memref<16640x1024xf32, #tpu.memory_space<hbm>> -> memref<16x1024xf32, #tpu.memory_space<hbm>>
    %dma_wait3A_925 = arith.constant 0 : i32
    %dma_wait3A_926 = tpu.memref_slice %arg5[%add3A_918, %dma_wait3A_925] : memref<16640x1024xf32, #tpu.memory_space<hbm>> -> memref<16x1024xf32, #tpu.memory_space<hbm>>
    tpu.wait_dma2 semaphore(%arg28 : memref<!tpu.dma_semaphore, #tpu.memory_space<semaphore_mem>>) src(%arg13 : memref<16x1024xf32, #tpu.memory_space<vmem>>) dst(%dma_wait3A_926 : memref<16x1024xf32, #tpu.memory_space<hbm>>)
    %dma_start3A_927 = arith.constant 288 : i32
    %dma_start3A_928 = tpu.memref_slice %arg8[%dma_start3A_927] : memref<520xi32, #tpu.memory_space<vmem>> -> memref<16xi32, #tpu.memory_space<vmem>>
    %dma_start3A_929 = arith.constant 0 : i32
    %dma_start3A_930 = arith.constant 0 : i32
    %dma_start3A_931 = tpu.memref_slice %arg4[%dma_start3A_929, %dma_start3A_930] : memref<65536x1024xf32, #tpu.memory_space<hbm>> -> memref<65536x1024xf32, #tpu.memory_space<hbm>>
    tpu.enqueue_indirect_dma source(%dma_start3A_931 : memref<65536x1024xf32, #tpu.memory_space<hbm>>) target(%arg13 : memref<16x1024xf32, #tpu.memory_space<vmem>>) offsets(%dma_start3A_928 : memref<16xi32, #tpu.memory_space<vmem>>) semaphore(%arg21 : memref<!tpu.dma_semaphore, #tpu.memory_space<semaphore_mem>>)
    %dma_wait3A_932 = arith.constant 192 : i32
    %dma_wait3A_933 = tpu.memref_slice %arg8[%dma_wait3A_932] : memref<520xi32, #tpu.memory_space<vmem>> -> memref<16xi32, #tpu.memory_space<vmem>>
    %dma_wait3A_934 = arith.constant 0 : i32
    %dma_wait3A_935 = arith.constant 0 : i32
    %dma_wait3A_936 = tpu.memref_slice %arg4[%dma_wait3A_934, %dma_wait3A_935] : memref<65536x1024xf32, #tpu.memory_space<hbm>> -> memref<65536x1024xf32, #tpu.memory_space<hbm>>
    tpu.wait_indirect_dma semaphore(%arg22 : memref<!tpu.dma_semaphore, #tpu.memory_space<semaphore_mem>>) src(%dma_wait3A_936 : memref<65536x1024xf32, #tpu.memory_space<hbm>>) dst(%arg14 : memref<16x1024xf32, #tpu.memory_space<vmem>>)
    %add3A_937 = arith.constant 192 : i32
    %add3A_938 = arith.addi %mul3A_656, %add3A_937 : i32
    %dma_start3A_939 = arith.constant 0 : i32
    %dma_start3A_940 = tpu.memref_slice %arg5[%add3A_938, %dma_start3A_939] : memref<16640x1024xf32, #tpu.memory_space<hbm>> -> memref<16x1024xf32, #tpu.memory_space<hbm>>
    %dma_start3A_941 = arith.constant 0 : i32
    %dma_start3A_942 = tpu.memref_slice %arg5[%add3A_938, %dma_start3A_941] : memref<16640x1024xf32, #tpu.memory_space<hbm>> -> memref<16x1024xf32, #tpu.memory_space<hbm>>
    tpu.enqueue_dma source(%arg14 : memref<16x1024xf32, #tpu.memory_space<vmem>>) target(%dma_start3A_942 : memref<16x1024xf32, #tpu.memory_space<hbm>>) target_semaphore(%arg29 : memref<!tpu.dma_semaphore, #tpu.memory_space<semaphore_mem>>)
    %dma_wait3A_943 = arith.constant 0 : i32
    %dma_wait3A_944 = tpu.memref_slice %arg5[%add3A_938, %dma_wait3A_943] : memref<16640x1024xf32, #tpu.memory_space<hbm>> -> memref<16x1024xf32, #tpu.memory_space<hbm>>
    %dma_wait3A_945 = arith.constant 0 : i32
    %dma_wait3A_946 = tpu.memref_slice %arg5[%add3A_938, %dma_wait3A_945] : memref<16640x1024xf32, #tpu.memory_space<hbm>> -> memref<16x1024xf32, #tpu.memory_space<hbm>>
    tpu.wait_dma2 semaphore(%arg29 : memref<!tpu.dma_semaphore, #tpu.memory_space<semaphore_mem>>) src(%arg14 : memref<16x1024xf32, #tpu.memory_space<vmem>>) dst(%dma_wait3A_946 : memref<16x1024xf32, #tpu.memory_space<hbm>>)
    %dma_start3A_947 = arith.constant 304 : i32
    %dma_start3A_948 = tpu.memref_slice %arg8[%dma_start3A_947] : memref<520xi32, #tpu.memory_space<vmem>> -> memref<16xi32, #tpu.memory_space<vmem>>
    %dma_start3A_949 = arith.constant 0 : i32
    %dma_start3A_950 = arith.constant 0 : i32
    %dma_start3A_951 = tpu.memref_slice %arg4[%dma_start3A_949, %dma_start3A_950] : memref<65536x1024xf32, #tpu.memory_space<hbm>> -> memref<65536x1024xf32, #tpu.memory_space<hbm>>
    tpu.enqueue_indirect_dma source(%dma_start3A_951 : memref<65536x1024xf32, #tpu.memory_space<hbm>>) target(%arg14 : memref<16x1024xf32, #tpu.memory_space<vmem>>) offsets(%dma_start3A_948 : memref<16xi32, #tpu.memory_space<vmem>>) semaphore(%arg22 : memref<!tpu.dma_semaphore, #tpu.memory_space<semaphore_mem>>)
    %dma_wait3A_952 = arith.constant 208 : i32
    %dma_wait3A_953 = tpu.memref_slice %arg8[%dma_wait3A_952] : memref<520xi32, #tpu.memory_space<vmem>> -> memref<16xi32, #tpu.memory_space<vmem>>
    %dma_wait3A_954 = arith.constant 0 : i32
    %dma_wait3A_955 = arith.constant 0 : i32
    %dma_wait3A_956 = tpu.memref_slice %arg4[%dma_wait3A_954, %dma_wait3A_955] : memref<65536x1024xf32, #tpu.memory_space<hbm>> -> memref<65536x1024xf32, #tpu.memory_space<hbm>>
    tpu.wait_indirect_dma semaphore(%arg23 : memref<!tpu.dma_semaphore, #tpu.memory_space<semaphore_mem>>) src(%dma_wait3A_956 : memref<65536x1024xf32, #tpu.memory_space<hbm>>) dst(%arg15 : memref<16x1024xf32, #tpu.memory_space<vmem>>)
    %add3A_957 = arith.constant 208 : i32
    %add3A_958 = arith.addi %mul3A_656, %add3A_957 : i32
    %dma_start3A_959 = arith.constant 0 : i32
    %dma_start3A_960 = tpu.memref_slice %arg5[%add3A_958, %dma_start3A_959] : memref<16640x1024xf32, #tpu.memory_space<hbm>> -> memref<16x1024xf32, #tpu.memory_space<hbm>>
    %dma_start3A_961 = arith.constant 0 : i32
    %dma_start3A_962 = tpu.memref_slice %arg5[%add3A_958, %dma_start3A_961] : memref<16640x1024xf32, #tpu.memory_space<hbm>> -> memref<16x1024xf32, #tpu.memory_space<hbm>>
    tpu.enqueue_dma source(%arg15 : memref<16x1024xf32, #tpu.memory_space<vmem>>) target(%dma_start3A_962 : memref<16x1024xf32, #tpu.memory_space<hbm>>) target_semaphore(%arg30 : memref<!tpu.dma_semaphore, #tpu.memory_space<semaphore_mem>>)
    %dma_wait3A_963 = arith.constant 0 : i32
    %dma_wait3A_964 = tpu.memref_slice %arg5[%add3A_958, %dma_wait3A_963] : memref<16640x1024xf32, #tpu.memory_space<hbm>> -> memref<16x1024xf32, #tpu.memory_space<hbm>>
    %dma_wait3A_965 = arith.constant 0 : i32
    %dma_wait3A_966 = tpu.memref_slice %arg5[%add3A_958, %dma_wait3A_965] : memref<16640x1024xf32, #tpu.memory_space<hbm>> -> memref<16x1024xf32, #tpu.memory_space<hbm>>
    tpu.wait_dma2 semaphore(%arg30 : memref<!tpu.dma_semaphore, #tpu.memory_space<semaphore_mem>>) src(%arg15 : memref<16x1024xf32, #tpu.memory_space<vmem>>) dst(%dma_wait3A_966 : memref<16x1024xf32, #tpu.memory_space<hbm>>)
    %dma_start3A_967 = arith.constant 320 : i32
    %dma_start3A_968 = tpu.memref_slice %arg8[%dma_start3A_967] : memref<520xi32, #tpu.memory_space<vmem>> -> memref<16xi32, #tpu.memory_space<vmem>>
    %dma_start3A_969 = arith.constant 0 : i32
    %dma_start3A_970 = arith.constant 0 : i32
    %dma_start3A_971 = tpu.memref_slice %arg4[%dma_start3A_969, %dma_start3A_970] : memref<65536x1024xf32, #tpu.memory_space<hbm>> -> memref<65536x1024xf32, #tpu.memory_space<hbm>>
    tpu.enqueue_indirect_dma source(%dma_start3A_971 : memref<65536x1024xf32, #tpu.memory_space<hbm>>) target(%arg15 : memref<16x1024xf32, #tpu.memory_space<vmem>>) offsets(%dma_start3A_968 : memref<16xi32, #tpu.memory_space<vmem>>) semaphore(%arg23 : memref<!tpu.dma_semaphore, #tpu.memory_space<semaphore_mem>>)
    %dma_wait3A_972 = arith.constant 224 : i32
    %dma_wait3A_973 = tpu.memref_slice %arg8[%dma_wait3A_972] : memref<520xi32, #tpu.memory_space<vmem>> -> memref<16xi32, #tpu.memory_space<vmem>>
    %dma_wait3A_974 = arith.constant 0 : i32
    %dma_wait3A_975 = arith.constant 0 : i32
    %dma_wait3A_976 = tpu.memref_slice %arg4[%dma_wait3A_974, %dma_wait3A_975] : memref<65536x1024xf32, #tpu.memory_space<hbm>> -> memref<65536x1024xf32, #tpu.memory_space<hbm>>
    tpu.wait_indirect_dma semaphore(%arg17 : memref<!tpu.dma_semaphore, #tpu.memory_space<semaphore_mem>>) src(%dma_wait3A_976 : memref<65536x1024xf32, #tpu.memory_space<hbm>>) dst(%arg9 : memref<16x1024xf32, #tpu.memory_space<vmem>>)
    %add3A_977 = arith.constant 224 : i32
    %add3A_978 = arith.addi %mul3A_656, %add3A_977 : i32
    %dma_start3A_979 = arith.constant 0 : i32
    %dma_start3A_980 = tpu.memref_slice %arg5[%add3A_978, %dma_start3A_979] : memref<16640x1024xf32, #tpu.memory_space<hbm>> -> memref<16x1024xf32, #tpu.memory_space<hbm>>
    %dma_start3A_981 = arith.constant 0 : i32
    %dma_start3A_982 = tpu.memref_slice %arg5[%add3A_978, %dma_start3A_981] : memref<16640x1024xf32, #tpu.memory_space<hbm>> -> memref<16x1024xf32, #tpu.memory_space<hbm>>
    tpu.enqueue_dma source(%arg9 : memref<16x1024xf32, #tpu.memory_space<vmem>>) target(%dma_start3A_982 : memref<16x1024xf32, #tpu.memory_space<hbm>>) target_semaphore(%arg24 : memref<!tpu.dma_semaphore, #tpu.memory_space<semaphore_mem>>)
    %dma_wait3A_983 = arith.constant 0 : i32
    %dma_wait3A_984 = tpu.memref_slice %arg5[%add3A_978, %dma_wait3A_983] : memref<16640x1024xf32, #tpu.memory_space<hbm>> -> memref<16x1024xf32, #tpu.memory_space<hbm>>
    %dma_wait3A_985 = arith.constant 0 : i32
    %dma_wait3A_986 = tpu.memref_slice %arg5[%add3A_978, %dma_wait3A_985] : memref<16640x1024xf32, #tpu.memory_space<hbm>> -> memref<16x1024xf32, #tpu.memory_space<hbm>>
    tpu.wait_dma2 semaphore(%arg24 : memref<!tpu.dma_semaphore, #tpu.memory_space<semaphore_mem>>) src(%arg9 : memref<16x1024xf32, #tpu.memory_space<vmem>>) dst(%dma_wait3A_986 : memref<16x1024xf32, #tpu.memory_space<hbm>>)
    %dma_start3A_987 = arith.constant 336 : i32
    %dma_start3A_988 = tpu.memref_slice %arg8[%dma_start3A_987] : memref<520xi32, #tpu.memory_space<vmem>> -> memref<16xi32, #tpu.memory_space<vmem>>
    %dma_start3A_989 = arith.constant 0 : i32
    %dma_start3A_990 = arith.constant 0 : i32
    %dma_start3A_991 = tpu.memref_slice %arg4[%dma_start3A_989, %dma_start3A_990] : memref<65536x1024xf32, #tpu.memory_space<hbm>> -> memref<65536x1024xf32, #tpu.memory_space<hbm>>
    tpu.enqueue_indirect_dma source(%dma_start3A_991 : memref<65536x1024xf32, #tpu.memory_space<hbm>>) target(%arg9 : memref<16x1024xf32, #tpu.memory_space<vmem>>) offsets(%dma_start3A_988 : memref<16xi32, #tpu.memory_space<vmem>>) semaphore(%arg17 : memref<!tpu.dma_semaphore, #tpu.memory_space<semaphore_mem>>)
    %dma_wait3A_992 = arith.constant 240 : i32
    %dma_wait3A_993 = tpu.memref_slice %arg8[%dma_wait3A_992] : memref<520xi32, #tpu.memory_space<vmem>> -> memref<16xi32, #tpu.memory_space<vmem>>
    %dma_wait3A_994 = arith.constant 0 : i32
    %dma_wait3A_995 = arith.constant 0 : i32
    %dma_wait3A_996 = tpu.memref_slice %arg4[%dma_wait3A_994, %dma_wait3A_995] : memref<65536x1024xf32, #tpu.memory_space<hbm>> -> memref<65536x1024xf32, #tpu.memory_space<hbm>>
    tpu.wait_indirect_dma semaphore(%arg18 : memref<!tpu.dma_semaphore, #tpu.memory_space<semaphore_mem>>) src(%dma_wait3A_996 : memref<65536x1024xf32, #tpu.memory_space<hbm>>) dst(%arg10 : memref<16x1024xf32, #tpu.memory_space<vmem>>)
    %add3A_997 = arith.constant 240 : i32
    %add3A_998 = arith.addi %mul3A_656, %add3A_997 : i32
    %dma_start3A_999 = arith.constant 0 : i32
    %dma_start3A_1000 = tpu.memref_slice %arg5[%add3A_998, %dma_start3A_999] : memref<16640x1024xf32, #tpu.memory_space<hbm>> -> memref<16x1024xf32, #tpu.memory_space<hbm>>
    %dma_start3A_1001 = arith.constant 0 : i32
    %dma_start3A_1002 = tpu.memref_slice %arg5[%add3A_998, %dma_start3A_1001] : memref<16640x1024xf32, #tpu.memory_space<hbm>> -> memref<16x1024xf32, #tpu.memory_space<hbm>>
    tpu.enqueue_dma source(%arg10 : memref<16x1024xf32, #tpu.memory_space<vmem>>) target(%dma_start3A_1002 : memref<16x1024xf32, #tpu.memory_space<hbm>>) target_semaphore(%arg25 : memref<!tpu.dma_semaphore, #tpu.memory_space<semaphore_mem>>)
    %dma_wait3A_1003 = arith.constant 0 : i32
    %dma_wait3A_1004 = tpu.memref_slice %arg5[%add3A_998, %dma_wait3A_1003] : memref<16640x1024xf32, #tpu.memory_space<hbm>> -> memref<16x1024xf32, #tpu.memory_space<hbm>>
    %dma_wait3A_1005 = arith.constant 0 : i32
    %dma_wait3A_1006 = tpu.memref_slice %arg5[%add3A_998, %dma_wait3A_1005] : memref<16640x1024xf32, #tpu.memory_space<hbm>> -> memref<16x1024xf32, #tpu.memory_space<hbm>>
    tpu.wait_dma2 semaphore(%arg25 : memref<!tpu.dma_semaphore, #tpu.memory_space<semaphore_mem>>) src(%arg10 : memref<16x1024xf32, #tpu.memory_space<vmem>>) dst(%dma_wait3A_1006 : memref<16x1024xf32, #tpu.memory_space<hbm>>)
    %dma_start3A_1007 = arith.constant 352 : i32
    %dma_start3A_1008 = tpu.memref_slice %arg8[%dma_start3A_1007] : memref<520xi32, #tpu.memory_space<vmem>> -> memref<16xi32, #tpu.memory_space<vmem>>
    %dma_start3A_1009 = arith.constant 0 : i32
    %dma_start3A_1010 = arith.constant 0 : i32
    %dma_start3A_1011 = tpu.memref_slice %arg4[%dma_start3A_1009, %dma_start3A_1010] : memref<65536x1024xf32, #tpu.memory_space<hbm>> -> memref<65536x1024xf32, #tpu.memory_space<hbm>>
    tpu.enqueue_indirect_dma source(%dma_start3A_1011 : memref<65536x1024xf32, #tpu.memory_space<hbm>>) target(%arg10 : memref<16x1024xf32, #tpu.memory_space<vmem>>) offsets(%dma_start3A_1008 : memref<16xi32, #tpu.memory_space<vmem>>) semaphore(%arg18 : memref<!tpu.dma_semaphore, #tpu.memory_space<semaphore_mem>>)
    %dma_wait3A_1012 = arith.constant 256 : i32
    %dma_wait3A_1013 = tpu.memref_slice %arg8[%dma_wait3A_1012] : memref<520xi32, #tpu.memory_space<vmem>> -> memref<16xi32, #tpu.memory_space<vmem>>
    %dma_wait3A_1014 = arith.constant 0 : i32
    %dma_wait3A_1015 = arith.constant 0 : i32
    %dma_wait3A_1016 = tpu.memref_slice %arg4[%dma_wait3A_1014, %dma_wait3A_1015] : memref<65536x1024xf32, #tpu.memory_space<hbm>> -> memref<65536x1024xf32, #tpu.memory_space<hbm>>
    tpu.wait_indirect_dma semaphore(%arg19 : memref<!tpu.dma_semaphore, #tpu.memory_space<semaphore_mem>>) src(%dma_wait3A_1016 : memref<65536x1024xf32, #tpu.memory_space<hbm>>) dst(%arg11 : memref<16x1024xf32, #tpu.memory_space<vmem>>)
    %add3A_1017 = arith.constant 256 : i32
    %add3A_1018 = arith.addi %mul3A_656, %add3A_1017 : i32
    %dma_start3A_1019 = arith.constant 0 : i32
    %dma_start3A_1020 = tpu.memref_slice %arg5[%add3A_1018, %dma_start3A_1019] : memref<16640x1024xf32, #tpu.memory_space<hbm>> -> memref<16x1024xf32, #tpu.memory_space<hbm>>
    %dma_start3A_1021 = arith.constant 0 : i32
    %dma_start3A_1022 = tpu.memref_slice %arg5[%add3A_1018, %dma_start3A_1021] : memref<16640x1024xf32, #tpu.memory_space<hbm>> -> memref<16x1024xf32, #tpu.memory_space<hbm>>
    tpu.enqueue_dma source(%arg11 : memref<16x1024xf32, #tpu.memory_space<vmem>>) target(%dma_start3A_1022 : memref<16x1024xf32, #tpu.memory_space<hbm>>) target_semaphore(%arg26 : memref<!tpu.dma_semaphore, #tpu.memory_space<semaphore_mem>>)
    %dma_wait3A_1023 = arith.constant 0 : i32
    %dma_wait3A_1024 = tpu.memref_slice %arg5[%add3A_1018, %dma_wait3A_1023] : memref<16640x1024xf32, #tpu.memory_space<hbm>> -> memref<16x1024xf32, #tpu.memory_space<hbm>>
    %dma_wait3A_1025 = arith.constant 0 : i32
    %dma_wait3A_1026 = tpu.memref_slice %arg5[%add3A_1018, %dma_wait3A_1025] : memref<16640x1024xf32, #tpu.memory_space<hbm>> -> memref<16x1024xf32, #tpu.memory_space<hbm>>
    tpu.wait_dma2 semaphore(%arg26 : memref<!tpu.dma_semaphore, #tpu.memory_space<semaphore_mem>>) src(%arg11 : memref<16x1024xf32, #tpu.memory_space<vmem>>) dst(%dma_wait3A_1026 : memref<16x1024xf32, #tpu.memory_space<hbm>>)
    %dma_start3A_1027 = arith.constant 368 : i32
    %dma_start3A_1028 = tpu.memref_slice %arg8[%dma_start3A_1027] : memref<520xi32, #tpu.memory_space<vmem>> -> memref<16xi32, #tpu.memory_space<vmem>>
    %dma_start3A_1029 = arith.constant 0 : i32
    %dma_start3A_1030 = arith.constant 0 : i32
    %dma_start3A_1031 = tpu.memref_slice %arg4[%dma_start3A_1029, %dma_start3A_1030] : memref<65536x1024xf32, #tpu.memory_space<hbm>> -> memref<65536x1024xf32, #tpu.memory_space<hbm>>
    tpu.enqueue_indirect_dma source(%dma_start3A_1031 : memref<65536x1024xf32, #tpu.memory_space<hbm>>) target(%arg11 : memref<16x1024xf32, #tpu.memory_space<vmem>>) offsets(%dma_start3A_1028 : memref<16xi32, #tpu.memory_space<vmem>>) semaphore(%arg19 : memref<!tpu.dma_semaphore, #tpu.memory_space<semaphore_mem>>)
    %dma_wait3A_1032 = arith.constant 272 : i32
    %dma_wait3A_1033 = tpu.memref_slice %arg8[%dma_wait3A_1032] : memref<520xi32, #tpu.memory_space<vmem>> -> memref<16xi32, #tpu.memory_space<vmem>>
    %dma_wait3A_1034 = arith.constant 0 : i32
    %dma_wait3A_1035 = arith.constant 0 : i32
    %dma_wait3A_1036 = tpu.memref_slice %arg4[%dma_wait3A_1034, %dma_wait3A_1035] : memref<65536x1024xf32, #tpu.memory_space<hbm>> -> memref<65536x1024xf32, #tpu.memory_space<hbm>>
    tpu.wait_indirect_dma semaphore(%arg20 : memref<!tpu.dma_semaphore, #tpu.memory_space<semaphore_mem>>) src(%dma_wait3A_1036 : memref<65536x1024xf32, #tpu.memory_space<hbm>>) dst(%arg12 : memref<16x1024xf32, #tpu.memory_space<vmem>>)
    %add3A_1037 = arith.constant 272 : i32
    %add3A_1038 = arith.addi %mul3A_656, %add3A_1037 : i32
    %dma_start3A_1039 = arith.constant 0 : i32
    %dma_start3A_1040 = tpu.memref_slice %arg5[%add3A_1038, %dma_start3A_1039] : memref<16640x1024xf32, #tpu.memory_space<hbm>> -> memref<16x1024xf32, #tpu.memory_space<hbm>>
    %dma_start3A_1041 = arith.constant 0 : i32
    %dma_start3A_1042 = tpu.memref_slice %arg5[%add3A_1038, %dma_start3A_1041] : memref<16640x1024xf32, #tpu.memory_space<hbm>> -> memref<16x1024xf32, #tpu.memory_space<hbm>>
    tpu.enqueue_dma source(%arg12 : memref<16x1024xf32, #tpu.memory_space<vmem>>) target(%dma_start3A_1042 : memref<16x1024xf32, #tpu.memory_space<hbm>>) target_semaphore(%arg27 : memref<!tpu.dma_semaphore, #tpu.memory_space<semaphore_mem>>)
    %dma_wait3A_1043 = arith.constant 0 : i32
    %dma_wait3A_1044 = tpu.memref_slice %arg5[%add3A_1038, %dma_wait3A_1043] : memref<16640x1024xf32, #tpu.memory_space<hbm>> -> memref<16x1024xf32, #tpu.memory_space<hbm>>
    %dma_wait3A_1045 = arith.constant 0 : i32
    %dma_wait3A_1046 = tpu.memref_slice %arg5[%add3A_1038, %dma_wait3A_1045] : memref<16640x1024xf32, #tpu.memory_space<hbm>> -> memref<16x1024xf32, #tpu.memory_space<hbm>>
    tpu.wait_dma2 semaphore(%arg27 : memref<!tpu.dma_semaphore, #tpu.memory_space<semaphore_mem>>) src(%arg12 : memref<16x1024xf32, #tpu.memory_space<vmem>>) dst(%dma_wait3A_1046 : memref<16x1024xf32, #tpu.memory_space<hbm>>)
    %dma_start3A_1047 = arith.constant 384 : i32
    %dma_start3A_1048 = tpu.memref_slice %arg8[%dma_start3A_1047] : memref<520xi32, #tpu.memory_space<vmem>> -> memref<16xi32, #tpu.memory_space<vmem>>
    %dma_start3A_1049 = arith.constant 0 : i32
    %dma_start3A_1050 = arith.constant 0 : i32
    %dma_start3A_1051 = tpu.memref_slice %arg4[%dma_start3A_1049, %dma_start3A_1050] : memref<65536x1024xf32, #tpu.memory_space<hbm>> -> memref<65536x1024xf32, #tpu.memory_space<hbm>>
    tpu.enqueue_indirect_dma source(%dma_start3A_1051 : memref<65536x1024xf32, #tpu.memory_space<hbm>>) target(%arg12 : memref<16x1024xf32, #tpu.memory_space<vmem>>) offsets(%dma_start3A_1048 : memref<16xi32, #tpu.memory_space<vmem>>) semaphore(%arg20 : memref<!tpu.dma_semaphore, #tpu.memory_space<semaphore_mem>>)
    %dma_wait3A_1052 = arith.constant 288 : i32
    %dma_wait3A_1053 = tpu.memref_slice %arg8[%dma_wait3A_1052] : memref<520xi32, #tpu.memory_space<vmem>> -> memref<16xi32, #tpu.memory_space<vmem>>
    %dma_wait3A_1054 = arith.constant 0 : i32
    %dma_wait3A_1055 = arith.constant 0 : i32
    %dma_wait3A_1056 = tpu.memref_slice %arg4[%dma_wait3A_1054, %dma_wait3A_1055] : memref<65536x1024xf32, #tpu.memory_space<hbm>> -> memref<65536x1024xf32, #tpu.memory_space<hbm>>
    tpu.wait_indirect_dma semaphore(%arg21 : memref<!tpu.dma_semaphore, #tpu.memory_space<semaphore_mem>>) src(%dma_wait3A_1056 : memref<65536x1024xf32, #tpu.memory_space<hbm>>) dst(%arg13 : memref<16x1024xf32, #tpu.memory_space<vmem>>)
    %add3A_1057 = arith.constant 288 : i32
    %add3A_1058 = arith.addi %mul3A_656, %add3A_1057 : i32
    %dma_start3A_1059 = arith.constant 0 : i32
    %dma_start3A_1060 = tpu.memref_slice %arg5[%add3A_1058, %dma_start3A_1059] : memref<16640x1024xf32, #tpu.memory_space<hbm>> -> memref<16x1024xf32, #tpu.memory_space<hbm>>
    %dma_start3A_1061 = arith.constant 0 : i32
    %dma_start3A_1062 = tpu.memref_slice %arg5[%add3A_1058, %dma_start3A_1061] : memref<16640x1024xf32, #tpu.memory_space<hbm>> -> memref<16x1024xf32, #tpu.memory_space<hbm>>
    tpu.enqueue_dma source(%arg13 : memref<16x1024xf32, #tpu.memory_space<vmem>>) target(%dma_start3A_1062 : memref<16x1024xf32, #tpu.memory_space<hbm>>) target_semaphore(%arg28 : memref<!tpu.dma_semaphore, #tpu.memory_space<semaphore_mem>>)
    %dma_wait3A_1063 = arith.constant 0 : i32
    %dma_wait3A_1064 = tpu.memref_slice %arg5[%add3A_1058, %dma_wait3A_1063] : memref<16640x1024xf32, #tpu.memory_space<hbm>> -> memref<16x1024xf32, #tpu.memory_space<hbm>>
    %dma_wait3A_1065 = arith.constant 0 : i32
    %dma_wait3A_1066 = tpu.memref_slice %arg5[%add3A_1058, %dma_wait3A_1065] : memref<16640x1024xf32, #tpu.memory_space<hbm>> -> memref<16x1024xf32, #tpu.memory_space<hbm>>
    tpu.wait_dma2 semaphore(%arg28 : memref<!tpu.dma_semaphore, #tpu.memory_space<semaphore_mem>>) src(%arg13 : memref<16x1024xf32, #tpu.memory_space<vmem>>) dst(%dma_wait3A_1066 : memref<16x1024xf32, #tpu.memory_space<hbm>>)
    %dma_start3A_1067 = arith.constant 400 : i32
    %dma_start3A_1068 = tpu.memref_slice %arg8[%dma_start3A_1067] : memref<520xi32, #tpu.memory_space<vmem>> -> memref<16xi32, #tpu.memory_space<vmem>>
    %dma_start3A_1069 = arith.constant 0 : i32
    %dma_start3A_1070 = arith.constant 0 : i32
    %dma_start3A_1071 = tpu.memref_slice %arg4[%dma_start3A_1069, %dma_start3A_1070] : memref<65536x1024xf32, #tpu.memory_space<hbm>> -> memref<65536x1024xf32, #tpu.memory_space<hbm>>
    tpu.enqueue_indirect_dma source(%dma_start3A_1071 : memref<65536x1024xf32, #tpu.memory_space<hbm>>) target(%arg13 : memref<16x1024xf32, #tpu.memory_space<vmem>>) offsets(%dma_start3A_1068 : memref<16xi32, #tpu.memory_space<vmem>>) semaphore(%arg21 : memref<!tpu.dma_semaphore, #tpu.memory_space<semaphore_mem>>)
    %dma_wait3A_1072 = arith.constant 304 : i32
    %dma_wait3A_1073 = tpu.memref_slice %arg8[%dma_wait3A_1072] : memref<520xi32, #tpu.memory_space<vmem>> -> memref<16xi32, #tpu.memory_space<vmem>>
    %dma_wait3A_1074 = arith.constant 0 : i32
    %dma_wait3A_1075 = arith.constant 0 : i32
    %dma_wait3A_1076 = tpu.memref_slice %arg4[%dma_wait3A_1074, %dma_wait3A_1075] : memref<65536x1024xf32, #tpu.memory_space<hbm>> -> memref<65536x1024xf32, #tpu.memory_space<hbm>>
    tpu.wait_indirect_dma semaphore(%arg22 : memref<!tpu.dma_semaphore, #tpu.memory_space<semaphore_mem>>) src(%dma_wait3A_1076 : memref<65536x1024xf32, #tpu.memory_space<hbm>>) dst(%arg14 : memref<16x1024xf32, #tpu.memory_space<vmem>>)
    %add3A_1077 = arith.constant 304 : i32
    %add3A_1078 = arith.addi %mul3A_656, %add3A_1077 : i32
    %dma_start3A_1079 = arith.constant 0 : i32
    %dma_start3A_1080 = tpu.memref_slice %arg5[%add3A_1078, %dma_start3A_1079] : memref<16640x1024xf32, #tpu.memory_space<hbm>> -> memref<16x1024xf32, #tpu.memory_space<hbm>>
    %dma_start3A_1081 = arith.constant 0 : i32
    %dma_start3A_1082 = tpu.memref_slice %arg5[%add3A_1078, %dma_start3A_1081] : memref<16640x1024xf32, #tpu.memory_space<hbm>> -> memref<16x1024xf32, #tpu.memory_space<hbm>>
    tpu.enqueue_dma source(%arg14 : memref<16x1024xf32, #tpu.memory_space<vmem>>) target(%dma_start3A_1082 : memref<16x1024xf32, #tpu.memory_space<hbm>>) target_semaphore(%arg29 : memref<!tpu.dma_semaphore, #tpu.memory_space<semaphore_mem>>)
    %dma_wait3A_1083 = arith.constant 0 : i32
    %dma_wait3A_1084 = tpu.memref_slice %arg5[%add3A_1078, %dma_wait3A_1083] : memref<16640x1024xf32, #tpu.memory_space<hbm>> -> memref<16x1024xf32, #tpu.memory_space<hbm>>
    %dma_wait3A_1085 = arith.constant 0 : i32
    %dma_wait3A_1086 = tpu.memref_slice %arg5[%add3A_1078, %dma_wait3A_1085] : memref<16640x1024xf32, #tpu.memory_space<hbm>> -> memref<16x1024xf32, #tpu.memory_space<hbm>>
    tpu.wait_dma2 semaphore(%arg29 : memref<!tpu.dma_semaphore, #tpu.memory_space<semaphore_mem>>) src(%arg14 : memref<16x1024xf32, #tpu.memory_space<vmem>>) dst(%dma_wait3A_1086 : memref<16x1024xf32, #tpu.memory_space<hbm>>)
    %dma_start3A_1087 = arith.constant 416 : i32
    %dma_start3A_1088 = tpu.memref_slice %arg8[%dma_start3A_1087] : memref<520xi32, #tpu.memory_space<vmem>> -> memref<16xi32, #tpu.memory_space<vmem>>
    %dma_start3A_1089 = arith.constant 0 : i32
    %dma_start3A_1090 = arith.constant 0 : i32
    %dma_start3A_1091 = tpu.memref_slice %arg4[%dma_start3A_1089, %dma_start3A_1090] : memref<65536x1024xf32, #tpu.memory_space<hbm>> -> memref<65536x1024xf32, #tpu.memory_space<hbm>>
    tpu.enqueue_indirect_dma source(%dma_start3A_1091 : memref<65536x1024xf32, #tpu.memory_space<hbm>>) target(%arg14 : memref<16x1024xf32, #tpu.memory_space<vmem>>) offsets(%dma_start3A_1088 : memref<16xi32, #tpu.memory_space<vmem>>) semaphore(%arg22 : memref<!tpu.dma_semaphore, #tpu.memory_space<semaphore_mem>>)
    %dma_wait3A_1092 = arith.constant 320 : i32
    %dma_wait3A_1093 = tpu.memref_slice %arg8[%dma_wait3A_1092] : memref<520xi32, #tpu.memory_space<vmem>> -> memref<16xi32, #tpu.memory_space<vmem>>
    %dma_wait3A_1094 = arith.constant 0 : i32
    %dma_wait3A_1095 = arith.constant 0 : i32
    %dma_wait3A_1096 = tpu.memref_slice %arg4[%dma_wait3A_1094, %dma_wait3A_1095] : memref<65536x1024xf32, #tpu.memory_space<hbm>> -> memref<65536x1024xf32, #tpu.memory_space<hbm>>
    tpu.wait_indirect_dma semaphore(%arg23 : memref<!tpu.dma_semaphore, #tpu.memory_space<semaphore_mem>>) src(%dma_wait3A_1096 : memref<65536x1024xf32, #tpu.memory_space<hbm>>) dst(%arg15 : memref<16x1024xf32, #tpu.memory_space<vmem>>)
    %add3A_1097 = arith.constant 320 : i32
    %add3A_1098 = arith.addi %mul3A_656, %add3A_1097 : i32
    %dma_start3A_1099 = arith.constant 0 : i32
    %dma_start3A_1100 = tpu.memref_slice %arg5[%add3A_1098, %dma_start3A_1099] : memref<16640x1024xf32, #tpu.memory_space<hbm>> -> memref<16x1024xf32, #tpu.memory_space<hbm>>
    %dma_start3A_1101 = arith.constant 0 : i32
    %dma_start3A_1102 = tpu.memref_slice %arg5[%add3A_1098, %dma_start3A_1101] : memref<16640x1024xf32, #tpu.memory_space<hbm>> -> memref<16x1024xf32, #tpu.memory_space<hbm>>
    tpu.enqueue_dma source(%arg15 : memref<16x1024xf32, #tpu.memory_space<vmem>>) target(%dma_start3A_1102 : memref<16x1024xf32, #tpu.memory_space<hbm>>) target_semaphore(%arg30 : memref<!tpu.dma_semaphore, #tpu.memory_space<semaphore_mem>>)
    %dma_wait3A_1103 = arith.constant 0 : i32
    %dma_wait3A_1104 = tpu.memref_slice %arg5[%add3A_1098, %dma_wait3A_1103] : memref<16640x1024xf32, #tpu.memory_space<hbm>> -> memref<16x1024xf32, #tpu.memory_space<hbm>>
    %dma_wait3A_1105 = arith.constant 0 : i32
    %dma_wait3A_1106 = tpu.memref_slice %arg5[%add3A_1098, %dma_wait3A_1105] : memref<16640x1024xf32, #tpu.memory_space<hbm>> -> memref<16x1024xf32, #tpu.memory_space<hbm>>
    tpu.wait_dma2 semaphore(%arg30 : memref<!tpu.dma_semaphore, #tpu.memory_space<semaphore_mem>>) src(%arg15 : memref<16x1024xf32, #tpu.memory_space<vmem>>) dst(%dma_wait3A_1106 : memref<16x1024xf32, #tpu.memory_space<hbm>>)
    %dma_start3A_1107 = arith.constant 432 : i32
    %dma_start3A_1108 = tpu.memref_slice %arg8[%dma_start3A_1107] : memref<520xi32, #tpu.memory_space<vmem>> -> memref<16xi32, #tpu.memory_space<vmem>>
    %dma_start3A_1109 = arith.constant 0 : i32
    %dma_start3A_1110 = arith.constant 0 : i32
    %dma_start3A_1111 = tpu.memref_slice %arg4[%dma_start3A_1109, %dma_start3A_1110] : memref<65536x1024xf32, #tpu.memory_space<hbm>> -> memref<65536x1024xf32, #tpu.memory_space<hbm>>
    tpu.enqueue_indirect_dma source(%dma_start3A_1111 : memref<65536x1024xf32, #tpu.memory_space<hbm>>) target(%arg15 : memref<16x1024xf32, #tpu.memory_space<vmem>>) offsets(%dma_start3A_1108 : memref<16xi32, #tpu.memory_space<vmem>>) semaphore(%arg23 : memref<!tpu.dma_semaphore, #tpu.memory_space<semaphore_mem>>)
    %dma_wait3A_1112 = arith.constant 336 : i32
    %dma_wait3A_1113 = tpu.memref_slice %arg8[%dma_wait3A_1112] : memref<520xi32, #tpu.memory_space<vmem>> -> memref<16xi32, #tpu.memory_space<vmem>>
    %dma_wait3A_1114 = arith.constant 0 : i32
    %dma_wait3A_1115 = arith.constant 0 : i32
    %dma_wait3A_1116 = tpu.memref_slice %arg4[%dma_wait3A_1114, %dma_wait3A_1115] : memref<65536x1024xf32, #tpu.memory_space<hbm>> -> memref<65536x1024xf32, #tpu.memory_space<hbm>>
    tpu.wait_indirect_dma semaphore(%arg17 : memref<!tpu.dma_semaphore, #tpu.memory_space<semaphore_mem>>) src(%dma_wait3A_1116 : memref<65536x1024xf32, #tpu.memory_space<hbm>>) dst(%arg9 : memref<16x1024xf32, #tpu.memory_space<vmem>>)
    %add3A_1117 = arith.constant 336 : i32
    %add3A_1118 = arith.addi %mul3A_656, %add3A_1117 : i32
    %dma_start3A_1119 = arith.constant 0 : i32
    %dma_start3A_1120 = tpu.memref_slice %arg5[%add3A_1118, %dma_start3A_1119] : memref<16640x1024xf32, #tpu.memory_space<hbm>> -> memref<16x1024xf32, #tpu.memory_space<hbm>>
    %dma_start3A_1121 = arith.constant 0 : i32
    %dma_start3A_1122 = tpu.memref_slice %arg5[%add3A_1118, %dma_start3A_1121] : memref<16640x1024xf32, #tpu.memory_space<hbm>> -> memref<16x1024xf32, #tpu.memory_space<hbm>>
    tpu.enqueue_dma source(%arg9 : memref<16x1024xf32, #tpu.memory_space<vmem>>) target(%dma_start3A_1122 : memref<16x1024xf32, #tpu.memory_space<hbm>>) target_semaphore(%arg24 : memref<!tpu.dma_semaphore, #tpu.memory_space<semaphore_mem>>)
    %dma_wait3A_1123 = arith.constant 0 : i32
    %dma_wait3A_1124 = tpu.memref_slice %arg5[%add3A_1118, %dma_wait3A_1123] : memref<16640x1024xf32, #tpu.memory_space<hbm>> -> memref<16x1024xf32, #tpu.memory_space<hbm>>
    %dma_wait3A_1125 = arith.constant 0 : i32
    %dma_wait3A_1126 = tpu.memref_slice %arg5[%add3A_1118, %dma_wait3A_1125] : memref<16640x1024xf32, #tpu.memory_space<hbm>> -> memref<16x1024xf32, #tpu.memory_space<hbm>>
    tpu.wait_dma2 semaphore(%arg24 : memref<!tpu.dma_semaphore, #tpu.memory_space<semaphore_mem>>) src(%arg9 : memref<16x1024xf32, #tpu.memory_space<vmem>>) dst(%dma_wait3A_1126 : memref<16x1024xf32, #tpu.memory_space<hbm>>)
    %dma_start3A_1127 = arith.constant 448 : i32
    %dma_start3A_1128 = tpu.memref_slice %arg8[%dma_start3A_1127] : memref<520xi32, #tpu.memory_space<vmem>> -> memref<16xi32, #tpu.memory_space<vmem>>
    %dma_start3A_1129 = arith.constant 0 : i32
    %dma_start3A_1130 = arith.constant 0 : i32
    %dma_start3A_1131 = tpu.memref_slice %arg4[%dma_start3A_1129, %dma_start3A_1130] : memref<65536x1024xf32, #tpu.memory_space<hbm>> -> memref<65536x1024xf32, #tpu.memory_space<hbm>>
    tpu.enqueue_indirect_dma source(%dma_start3A_1131 : memref<65536x1024xf32, #tpu.memory_space<hbm>>) target(%arg9 : memref<16x1024xf32, #tpu.memory_space<vmem>>) offsets(%dma_start3A_1128 : memref<16xi32, #tpu.memory_space<vmem>>) semaphore(%arg17 : memref<!tpu.dma_semaphore, #tpu.memory_space<semaphore_mem>>)
    %dma_wait3A_1132 = arith.constant 352 : i32
    %dma_wait3A_1133 = tpu.memref_slice %arg8[%dma_wait3A_1132] : memref<520xi32, #tpu.memory_space<vmem>> -> memref<16xi32, #tpu.memory_space<vmem>>
    %dma_wait3A_1134 = arith.constant 0 : i32
    %dma_wait3A_1135 = arith.constant 0 : i32
    %dma_wait3A_1136 = tpu.memref_slice %arg4[%dma_wait3A_1134, %dma_wait3A_1135] : memref<65536x1024xf32, #tpu.memory_space<hbm>> -> memref<65536x1024xf32, #tpu.memory_space<hbm>>
    tpu.wait_indirect_dma semaphore(%arg18 : memref<!tpu.dma_semaphore, #tpu.memory_space<semaphore_mem>>) src(%dma_wait3A_1136 : memref<65536x1024xf32, #tpu.memory_space<hbm>>) dst(%arg10 : memref<16x1024xf32, #tpu.memory_space<vmem>>)
    %add3A_1137 = arith.constant 352 : i32
    %add3A_1138 = arith.addi %mul3A_656, %add3A_1137 : i32
    %dma_start3A_1139 = arith.constant 0 : i32
    %dma_start3A_1140 = tpu.memref_slice %arg5[%add3A_1138, %dma_start3A_1139] : memref<16640x1024xf32, #tpu.memory_space<hbm>> -> memref<16x1024xf32, #tpu.memory_space<hbm>>
    %dma_start3A_1141 = arith.constant 0 : i32
    %dma_start3A_1142 = tpu.memref_slice %arg5[%add3A_1138, %dma_start3A_1141] : memref<16640x1024xf32, #tpu.memory_space<hbm>> -> memref<16x1024xf32, #tpu.memory_space<hbm>>
    tpu.enqueue_dma source(%arg10 : memref<16x1024xf32, #tpu.memory_space<vmem>>) target(%dma_start3A_1142 : memref<16x1024xf32, #tpu.memory_space<hbm>>) target_semaphore(%arg25 : memref<!tpu.dma_semaphore, #tpu.memory_space<semaphore_mem>>)
    %dma_wait3A_1143 = arith.constant 0 : i32
    %dma_wait3A_1144 = tpu.memref_slice %arg5[%add3A_1138, %dma_wait3A_1143] : memref<16640x1024xf32, #tpu.memory_space<hbm>> -> memref<16x1024xf32, #tpu.memory_space<hbm>>
    %dma_wait3A_1145 = arith.constant 0 : i32
    %dma_wait3A_1146 = tpu.memref_slice %arg5[%add3A_1138, %dma_wait3A_1145] : memref<16640x1024xf32, #tpu.memory_space<hbm>> -> memref<16x1024xf32, #tpu.memory_space<hbm>>
    tpu.wait_dma2 semaphore(%arg25 : memref<!tpu.dma_semaphore, #tpu.memory_space<semaphore_mem>>) src(%arg10 : memref<16x1024xf32, #tpu.memory_space<vmem>>) dst(%dma_wait3A_1146 : memref<16x1024xf32, #tpu.memory_space<hbm>>)
    %dma_start3A_1147 = arith.constant 464 : i32
    %dma_start3A_1148 = tpu.memref_slice %arg8[%dma_start3A_1147] : memref<520xi32, #tpu.memory_space<vmem>> -> memref<16xi32, #tpu.memory_space<vmem>>
    %dma_start3A_1149 = arith.constant 0 : i32
    %dma_start3A_1150 = arith.constant 0 : i32
    %dma_start3A_1151 = tpu.memref_slice %arg4[%dma_start3A_1149, %dma_start3A_1150] : memref<65536x1024xf32, #tpu.memory_space<hbm>> -> memref<65536x1024xf32, #tpu.memory_space<hbm>>
    tpu.enqueue_indirect_dma source(%dma_start3A_1151 : memref<65536x1024xf32, #tpu.memory_space<hbm>>) target(%arg10 : memref<16x1024xf32, #tpu.memory_space<vmem>>) offsets(%dma_start3A_1148 : memref<16xi32, #tpu.memory_space<vmem>>) semaphore(%arg18 : memref<!tpu.dma_semaphore, #tpu.memory_space<semaphore_mem>>)
    %dma_wait3A_1152 = arith.constant 368 : i32
    %dma_wait3A_1153 = tpu.memref_slice %arg8[%dma_wait3A_1152] : memref<520xi32, #tpu.memory_space<vmem>> -> memref<16xi32, #tpu.memory_space<vmem>>
    %dma_wait3A_1154 = arith.constant 0 : i32
    %dma_wait3A_1155 = arith.constant 0 : i32
    %dma_wait3A_1156 = tpu.memref_slice %arg4[%dma_wait3A_1154, %dma_wait3A_1155] : memref<65536x1024xf32, #tpu.memory_space<hbm>> -> memref<65536x1024xf32, #tpu.memory_space<hbm>>
    tpu.wait_indirect_dma semaphore(%arg19 : memref<!tpu.dma_semaphore, #tpu.memory_space<semaphore_mem>>) src(%dma_wait3A_1156 : memref<65536x1024xf32, #tpu.memory_space<hbm>>) dst(%arg11 : memref<16x1024xf32, #tpu.memory_space<vmem>>)
    %add3A_1157 = arith.constant 368 : i32
    %add3A_1158 = arith.addi %mul3A_656, %add3A_1157 : i32
    %dma_start3A_1159 = arith.constant 0 : i32
    %dma_start3A_1160 = tpu.memref_slice %arg5[%add3A_1158, %dma_start3A_1159] : memref<16640x1024xf32, #tpu.memory_space<hbm>> -> memref<16x1024xf32, #tpu.memory_space<hbm>>
    %dma_start3A_1161 = arith.constant 0 : i32
    %dma_start3A_1162 = tpu.memref_slice %arg5[%add3A_1158, %dma_start3A_1161] : memref<16640x1024xf32, #tpu.memory_space<hbm>> -> memref<16x1024xf32, #tpu.memory_space<hbm>>
    tpu.enqueue_dma source(%arg11 : memref<16x1024xf32, #tpu.memory_space<vmem>>) target(%dma_start3A_1162 : memref<16x1024xf32, #tpu.memory_space<hbm>>) target_semaphore(%arg26 : memref<!tpu.dma_semaphore, #tpu.memory_space<semaphore_mem>>)
    %dma_wait3A_1163 = arith.constant 0 : i32
    %dma_wait3A_1164 = tpu.memref_slice %arg5[%add3A_1158, %dma_wait3A_1163] : memref<16640x1024xf32, #tpu.memory_space<hbm>> -> memref<16x1024xf32, #tpu.memory_space<hbm>>
    %dma_wait3A_1165 = arith.constant 0 : i32
    %dma_wait3A_1166 = tpu.memref_slice %arg5[%add3A_1158, %dma_wait3A_1165] : memref<16640x1024xf32, #tpu.memory_space<hbm>> -> memref<16x1024xf32, #tpu.memory_space<hbm>>
    tpu.wait_dma2 semaphore(%arg26 : memref<!tpu.dma_semaphore, #tpu.memory_space<semaphore_mem>>) src(%arg11 : memref<16x1024xf32, #tpu.memory_space<vmem>>) dst(%dma_wait3A_1166 : memref<16x1024xf32, #tpu.memory_space<hbm>>)
    %dma_start3A_1167 = arith.constant 480 : i32
    %dma_start3A_1168 = tpu.memref_slice %arg8[%dma_start3A_1167] : memref<520xi32, #tpu.memory_space<vmem>> -> memref<16xi32, #tpu.memory_space<vmem>>
    %dma_start3A_1169 = arith.constant 0 : i32
    %dma_start3A_1170 = arith.constant 0 : i32
    %dma_start3A_1171 = tpu.memref_slice %arg4[%dma_start3A_1169, %dma_start3A_1170] : memref<65536x1024xf32, #tpu.memory_space<hbm>> -> memref<65536x1024xf32, #tpu.memory_space<hbm>>
    tpu.enqueue_indirect_dma source(%dma_start3A_1171 : memref<65536x1024xf32, #tpu.memory_space<hbm>>) target(%arg11 : memref<16x1024xf32, #tpu.memory_space<vmem>>) offsets(%dma_start3A_1168 : memref<16xi32, #tpu.memory_space<vmem>>) semaphore(%arg19 : memref<!tpu.dma_semaphore, #tpu.memory_space<semaphore_mem>>)
    %dma_wait3A_1172 = arith.constant 384 : i32
    %dma_wait3A_1173 = tpu.memref_slice %arg8[%dma_wait3A_1172] : memref<520xi32, #tpu.memory_space<vmem>> -> memref<16xi32, #tpu.memory_space<vmem>>
    %dma_wait3A_1174 = arith.constant 0 : i32
    %dma_wait3A_1175 = arith.constant 0 : i32
    %dma_wait3A_1176 = tpu.memref_slice %arg4[%dma_wait3A_1174, %dma_wait3A_1175] : memref<65536x1024xf32, #tpu.memory_space<hbm>> -> memref<65536x1024xf32, #tpu.memory_space<hbm>>
    tpu.wait_indirect_dma semaphore(%arg20 : memref<!tpu.dma_semaphore, #tpu.memory_space<semaphore_mem>>) src(%dma_wait3A_1176 : memref<65536x1024xf32, #tpu.memory_space<hbm>>) dst(%arg12 : memref<16x1024xf32, #tpu.memory_space<vmem>>)
    %add3A_1177 = arith.constant 384 : i32
    %add3A_1178 = arith.addi %mul3A_656, %add3A_1177 : i32
    %dma_start3A_1179 = arith.constant 0 : i32
    %dma_start3A_1180 = tpu.memref_slice %arg5[%add3A_1178, %dma_start3A_1179] : memref<16640x1024xf32, #tpu.memory_space<hbm>> -> memref<16x1024xf32, #tpu.memory_space<hbm>>
    %dma_start3A_1181 = arith.constant 0 : i32
    %dma_start3A_1182 = tpu.memref_slice %arg5[%add3A_1178, %dma_start3A_1181] : memref<16640x1024xf32, #tpu.memory_space<hbm>> -> memref<16x1024xf32, #tpu.memory_space<hbm>>
    tpu.enqueue_dma source(%arg12 : memref<16x1024xf32, #tpu.memory_space<vmem>>) target(%dma_start3A_1182 : memref<16x1024xf32, #tpu.memory_space<hbm>>) target_semaphore(%arg27 : memref<!tpu.dma_semaphore, #tpu.memory_space<semaphore_mem>>)
    %dma_wait3A_1183 = arith.constant 0 : i32
    %dma_wait3A_1184 = tpu.memref_slice %arg5[%add3A_1178, %dma_wait3A_1183] : memref<16640x1024xf32, #tpu.memory_space<hbm>> -> memref<16x1024xf32, #tpu.memory_space<hbm>>
    %dma_wait3A_1185 = arith.constant 0 : i32
    %dma_wait3A_1186 = tpu.memref_slice %arg5[%add3A_1178, %dma_wait3A_1185] : memref<16640x1024xf32, #tpu.memory_space<hbm>> -> memref<16x1024xf32, #tpu.memory_space<hbm>>
    tpu.wait_dma2 semaphore(%arg27 : memref<!tpu.dma_semaphore, #tpu.memory_space<semaphore_mem>>) src(%arg12 : memref<16x1024xf32, #tpu.memory_space<vmem>>) dst(%dma_wait3A_1186 : memref<16x1024xf32, #tpu.memory_space<hbm>>)
    %dma_start3A_1187 = arith.constant 496 : i32
    %dma_start3A_1188 = tpu.memref_slice %arg8[%dma_start3A_1187] : memref<520xi32, #tpu.memory_space<vmem>> -> memref<16xi32, #tpu.memory_space<vmem>>
    %dma_start3A_1189 = arith.constant 0 : i32
    %dma_start3A_1190 = arith.constant 0 : i32
    %dma_start3A_1191 = tpu.memref_slice %arg4[%dma_start3A_1189, %dma_start3A_1190] : memref<65536x1024xf32, #tpu.memory_space<hbm>> -> memref<65536x1024xf32, #tpu.memory_space<hbm>>
    tpu.enqueue_indirect_dma source(%dma_start3A_1191 : memref<65536x1024xf32, #tpu.memory_space<hbm>>) target(%arg12 : memref<16x1024xf32, #tpu.memory_space<vmem>>) offsets(%dma_start3A_1188 : memref<16xi32, #tpu.memory_space<vmem>>) semaphore(%arg20 : memref<!tpu.dma_semaphore, #tpu.memory_space<semaphore_mem>>)
    %dma_wait3A_1192 = arith.constant 400 : i32
    %dma_wait3A_1193 = tpu.memref_slice %arg8[%dma_wait3A_1192] : memref<520xi32, #tpu.memory_space<vmem>> -> memref<16xi32, #tpu.memory_space<vmem>>
    %dma_wait3A_1194 = arith.constant 0 : i32
    %dma_wait3A_1195 = arith.constant 0 : i32
    %dma_wait3A_1196 = tpu.memref_slice %arg4[%dma_wait3A_1194, %dma_wait3A_1195] : memref<65536x1024xf32, #tpu.memory_space<hbm>> -> memref<65536x1024xf32, #tpu.memory_space<hbm>>
    tpu.wait_indirect_dma semaphore(%arg21 : memref<!tpu.dma_semaphore, #tpu.memory_space<semaphore_mem>>) src(%dma_wait3A_1196 : memref<65536x1024xf32, #tpu.memory_space<hbm>>) dst(%arg13 : memref<16x1024xf32, #tpu.memory_space<vmem>>)
    %add3A_1197 = arith.constant 400 : i32
    %add3A_1198 = arith.addi %mul3A_656, %add3A_1197 : i32
    %dma_start3A_1199 = arith.constant 0 : i32
    %dma_start3A_1200 = tpu.memref_slice %arg5[%add3A_1198, %dma_start3A_1199] : memref<16640x1024xf32, #tpu.memory_space<hbm>> -> memref<16x1024xf32, #tpu.memory_space<hbm>>
    %dma_start3A_1201 = arith.constant 0 : i32
    %dma_start3A_1202 = tpu.memref_slice %arg5[%add3A_1198, %dma_start3A_1201] : memref<16640x1024xf32, #tpu.memory_space<hbm>> -> memref<16x1024xf32, #tpu.memory_space<hbm>>
    tpu.enqueue_dma source(%arg13 : memref<16x1024xf32, #tpu.memory_space<vmem>>) target(%dma_start3A_1202 : memref<16x1024xf32, #tpu.memory_space<hbm>>) target_semaphore(%arg28 : memref<!tpu.dma_semaphore, #tpu.memory_space<semaphore_mem>>)
    %dma_wait3A_1203 = arith.constant 0 : i32
    %dma_wait3A_1204 = tpu.memref_slice %arg5[%add3A_1198, %dma_wait3A_1203] : memref<16640x1024xf32, #tpu.memory_space<hbm>> -> memref<16x1024xf32, #tpu.memory_space<hbm>>
    %dma_wait3A_1205 = arith.constant 0 : i32
    %dma_wait3A_1206 = tpu.memref_slice %arg5[%add3A_1198, %dma_wait3A_1205] : memref<16640x1024xf32, #tpu.memory_space<hbm>> -> memref<16x1024xf32, #tpu.memory_space<hbm>>
    tpu.wait_dma2 semaphore(%arg28 : memref<!tpu.dma_semaphore, #tpu.memory_space<semaphore_mem>>) src(%arg13 : memref<16x1024xf32, #tpu.memory_space<vmem>>) dst(%dma_wait3A_1206 : memref<16x1024xf32, #tpu.memory_space<hbm>>)
    %dma_start3A_1207 = arith.constant 0 : i32
    %dma_start3A_1208 = arith.constant 0 : i32
    %dma_start3A_1209 = tpu.memref_slice %arg13[%dma_start3A_1207, %dma_start3A_1208] : memref<16x1024xf32, #tpu.memory_space<vmem>> -> memref<8x1024xf32, #tpu.memory_space<vmem>>
    %dma_start3A_1210 = arith.constant 512 : i32
    %dma_start3A_1211 = tpu.memref_slice %arg8[%dma_start3A_1210] : memref<520xi32, #tpu.memory_space<vmem>> -> memref<8xi32, #tpu.memory_space<vmem>>
    %dma_start3A_1212 = arith.constant 0 : i32
    %dma_start3A_1213 = arith.constant 0 : i32
    %dma_start3A_1214 = tpu.memref_slice %arg4[%dma_start3A_1212, %dma_start3A_1213] : memref<65536x1024xf32, #tpu.memory_space<hbm>> -> memref<65536x1024xf32, #tpu.memory_space<hbm>>
    tpu.enqueue_indirect_dma source(%dma_start3A_1214 : memref<65536x1024xf32, #tpu.memory_space<hbm>>) target(%dma_start3A_1209 : memref<8x1024xf32, #tpu.memory_space<vmem>>) offsets(%dma_start3A_1211 : memref<8xi32, #tpu.memory_space<vmem>>) semaphore(%arg21 : memref<!tpu.dma_semaphore, #tpu.memory_space<semaphore_mem>>)
    %dma_wait3A_1215 = arith.constant 416 : i32
    %dma_wait3A_1216 = tpu.memref_slice %arg8[%dma_wait3A_1215] : memref<520xi32, #tpu.memory_space<vmem>> -> memref<16xi32, #tpu.memory_space<vmem>>
    %dma_wait3A_1217 = arith.constant 0 : i32
    %dma_wait3A_1218 = arith.constant 0 : i32
    %dma_wait3A_1219 = tpu.memref_slice %arg4[%dma_wait3A_1217, %dma_wait3A_1218] : memref<65536x1024xf32, #tpu.memory_space<hbm>> -> memref<65536x1024xf32, #tpu.memory_space<hbm>>
    tpu.wait_indirect_dma semaphore(%arg22 : memref<!tpu.dma_semaphore, #tpu.memory_space<semaphore_mem>>) src(%dma_wait3A_1219 : memref<65536x1024xf32, #tpu.memory_space<hbm>>) dst(%arg14 : memref<16x1024xf32, #tpu.memory_space<vmem>>)
    %add3A_1220 = arith.constant 416 : i32
    %add3A_1221 = arith.addi %mul3A_656, %add3A_1220 : i32
    %dma_start3A_1222 = arith.constant 0 : i32
    %dma_start3A_1223 = tpu.memref_slice %arg5[%add3A_1221, %dma_start3A_1222] : memref<16640x1024xf32, #tpu.memory_space<hbm>> -> memref<16x1024xf32, #tpu.memory_space<hbm>>
    %dma_start3A_1224 = arith.constant 0 : i32
    %dma_start3A_1225 = tpu.memref_slice %arg5[%add3A_1221, %dma_start3A_1224] : memref<16640x1024xf32, #tpu.memory_space<hbm>> -> memref<16x1024xf32, #tpu.memory_space<hbm>>
    tpu.enqueue_dma source(%arg14 : memref<16x1024xf32, #tpu.memory_space<vmem>>) target(%dma_start3A_1225 : memref<16x1024xf32, #tpu.memory_space<hbm>>) target_semaphore(%arg29 : memref<!tpu.dma_semaphore, #tpu.memory_space<semaphore_mem>>)
    %dma_wait3A_1226 = arith.constant 432 : i32
    %dma_wait3A_1227 = tpu.memref_slice %arg8[%dma_wait3A_1226] : memref<520xi32, #tpu.memory_space<vmem>> -> memref<16xi32, #tpu.memory_space<vmem>>
    %dma_wait3A_1228 = arith.constant 0 : i32
    %dma_wait3A_1229 = arith.constant 0 : i32
    %dma_wait3A_1230 = tpu.memref_slice %arg4[%dma_wait3A_1228, %dma_wait3A_1229] : memref<65536x1024xf32, #tpu.memory_space<hbm>> -> memref<65536x1024xf32, #tpu.memory_space<hbm>>
    tpu.wait_indirect_dma semaphore(%arg23 : memref<!tpu.dma_semaphore, #tpu.memory_space<semaphore_mem>>) src(%dma_wait3A_1230 : memref<65536x1024xf32, #tpu.memory_space<hbm>>) dst(%arg15 : memref<16x1024xf32, #tpu.memory_space<vmem>>)
    %add3A_1231 = arith.constant 432 : i32
    %add3A_1232 = arith.addi %mul3A_656, %add3A_1231 : i32
    %dma_start3A_1233 = arith.constant 0 : i32
    %dma_start3A_1234 = tpu.memref_slice %arg5[%add3A_1232, %dma_start3A_1233] : memref<16640x1024xf32, #tpu.memory_space<hbm>> -> memref<16x1024xf32, #tpu.memory_space<hbm>>
    %dma_start3A_1235 = arith.constant 0 : i32
    %dma_start3A_1236 = tpu.memref_slice %arg5[%add3A_1232, %dma_start3A_1235] : memref<16640x1024xf32, #tpu.memory_space<hbm>> -> memref<16x1024xf32, #tpu.memory_space<hbm>>
    tpu.enqueue_dma source(%arg15 : memref<16x1024xf32, #tpu.memory_space<vmem>>) target(%dma_start3A_1236 : memref<16x1024xf32, #tpu.memory_space<hbm>>) target_semaphore(%arg30 : memref<!tpu.dma_semaphore, #tpu.memory_space<semaphore_mem>>)
    %dma_wait3A_1237 = arith.constant 448 : i32
    %dma_wait3A_1238 = tpu.memref_slice %arg8[%dma_wait3A_1237] : memref<520xi32, #tpu.memory_space<vmem>> -> memref<16xi32, #tpu.memory_space<vmem>>
    %dma_wait3A_1239 = arith.constant 0 : i32
    %dma_wait3A_1240 = arith.constant 0 : i32
    %dma_wait3A_1241 = tpu.memref_slice %arg4[%dma_wait3A_1239, %dma_wait3A_1240] : memref<65536x1024xf32, #tpu.memory_space<hbm>> -> memref<65536x1024xf32, #tpu.memory_space<hbm>>
    tpu.wait_indirect_dma semaphore(%arg17 : memref<!tpu.dma_semaphore, #tpu.memory_space<semaphore_mem>>) src(%dma_wait3A_1241 : memref<65536x1024xf32, #tpu.memory_space<hbm>>) dst(%arg9 : memref<16x1024xf32, #tpu.memory_space<vmem>>)
    %add3A_1242 = arith.constant 448 : i32
    %add3A_1243 = arith.addi %mul3A_656, %add3A_1242 : i32
    %dma_start3A_1244 = arith.constant 0 : i32
    %dma_start3A_1245 = tpu.memref_slice %arg5[%add3A_1243, %dma_start3A_1244] : memref<16640x1024xf32, #tpu.memory_space<hbm>> -> memref<16x1024xf32, #tpu.memory_space<hbm>>
    %dma_start3A_1246 = arith.constant 0 : i32
    %dma_start3A_1247 = tpu.memref_slice %arg5[%add3A_1243, %dma_start3A_1246] : memref<16640x1024xf32, #tpu.memory_space<hbm>> -> memref<16x1024xf32, #tpu.memory_space<hbm>>
    tpu.enqueue_dma source(%arg9 : memref<16x1024xf32, #tpu.memory_space<vmem>>) target(%dma_start3A_1247 : memref<16x1024xf32, #tpu.memory_space<hbm>>) target_semaphore(%arg24 : memref<!tpu.dma_semaphore, #tpu.memory_space<semaphore_mem>>)
    %dma_wait3A_1248 = arith.constant 464 : i32
    %dma_wait3A_1249 = tpu.memref_slice %arg8[%dma_wait3A_1248] : memref<520xi32, #tpu.memory_space<vmem>> -> memref<16xi32, #tpu.memory_space<vmem>>
    %dma_wait3A_1250 = arith.constant 0 : i32
    %dma_wait3A_1251 = arith.constant 0 : i32
    %dma_wait3A_1252 = tpu.memref_slice %arg4[%dma_wait3A_1250, %dma_wait3A_1251] : memref<65536x1024xf32, #tpu.memory_space<hbm>> -> memref<65536x1024xf32, #tpu.memory_space<hbm>>
    tpu.wait_indirect_dma semaphore(%arg18 : memref<!tpu.dma_semaphore, #tpu.memory_space<semaphore_mem>>) src(%dma_wait3A_1252 : memref<65536x1024xf32, #tpu.memory_space<hbm>>) dst(%arg10 : memref<16x1024xf32, #tpu.memory_space<vmem>>)
    %add3A_1253 = arith.constant 464 : i32
    %add3A_1254 = arith.addi %mul3A_656, %add3A_1253 : i32
    %dma_start3A_1255 = arith.constant 0 : i32
    %dma_start3A_1256 = tpu.memref_slice %arg5[%add3A_1254, %dma_start3A_1255] : memref<16640x1024xf32, #tpu.memory_space<hbm>> -> memref<16x1024xf32, #tpu.memory_space<hbm>>
    %dma_start3A_1257 = arith.constant 0 : i32
    %dma_start3A_1258 = tpu.memref_slice %arg5[%add3A_1254, %dma_start3A_1257] : memref<16640x1024xf32, #tpu.memory_space<hbm>> -> memref<16x1024xf32, #tpu.memory_space<hbm>>
    tpu.enqueue_dma source(%arg10 : memref<16x1024xf32, #tpu.memory_space<vmem>>) target(%dma_start3A_1258 : memref<16x1024xf32, #tpu.memory_space<hbm>>) target_semaphore(%arg25 : memref<!tpu.dma_semaphore, #tpu.memory_space<semaphore_mem>>)
    %dma_wait3A_1259 = arith.constant 480 : i32
    %dma_wait3A_1260 = tpu.memref_slice %arg8[%dma_wait3A_1259] : memref<520xi32, #tpu.memory_space<vmem>> -> memref<16xi32, #tpu.memory_space<vmem>>
    %dma_wait3A_1261 = arith.constant 0 : i32
    %dma_wait3A_1262 = arith.constant 0 : i32
    %dma_wait3A_1263 = tpu.memref_slice %arg4[%dma_wait3A_1261, %dma_wait3A_1262] : memref<65536x1024xf32, #tpu.memory_space<hbm>> -> memref<65536x1024xf32, #tpu.memory_space<hbm>>
    tpu.wait_indirect_dma semaphore(%arg19 : memref<!tpu.dma_semaphore, #tpu.memory_space<semaphore_mem>>) src(%dma_wait3A_1263 : memref<65536x1024xf32, #tpu.memory_space<hbm>>) dst(%arg11 : memref<16x1024xf32, #tpu.memory_space<vmem>>)
    %add3A_1264 = arith.constant 480 : i32
    %add3A_1265 = arith.addi %mul3A_656, %add3A_1264 : i32
    %dma_start3A_1266 = arith.constant 0 : i32
    %dma_start3A_1267 = tpu.memref_slice %arg5[%add3A_1265, %dma_start3A_1266] : memref<16640x1024xf32, #tpu.memory_space<hbm>> -> memref<16x1024xf32, #tpu.memory_space<hbm>>
    %dma_start3A_1268 = arith.constant 0 : i32
    %dma_start3A_1269 = tpu.memref_slice %arg5[%add3A_1265, %dma_start3A_1268] : memref<16640x1024xf32, #tpu.memory_space<hbm>> -> memref<16x1024xf32, #tpu.memory_space<hbm>>
    tpu.enqueue_dma source(%arg11 : memref<16x1024xf32, #tpu.memory_space<vmem>>) target(%dma_start3A_1269 : memref<16x1024xf32, #tpu.memory_space<hbm>>) target_semaphore(%arg26 : memref<!tpu.dma_semaphore, #tpu.memory_space<semaphore_mem>>)
    %dma_wait3A_1270 = arith.constant 496 : i32
    %dma_wait3A_1271 = tpu.memref_slice %arg8[%dma_wait3A_1270] : memref<520xi32, #tpu.memory_space<vmem>> -> memref<16xi32, #tpu.memory_space<vmem>>
    %dma_wait3A_1272 = arith.constant 0 : i32
    %dma_wait3A_1273 = arith.constant 0 : i32
    %dma_wait3A_1274 = tpu.memref_slice %arg4[%dma_wait3A_1272, %dma_wait3A_1273] : memref<65536x1024xf32, #tpu.memory_space<hbm>> -> memref<65536x1024xf32, #tpu.memory_space<hbm>>
    tpu.wait_indirect_dma semaphore(%arg20 : memref<!tpu.dma_semaphore, #tpu.memory_space<semaphore_mem>>) src(%dma_wait3A_1274 : memref<65536x1024xf32, #tpu.memory_space<hbm>>) dst(%arg12 : memref<16x1024xf32, #tpu.memory_space<vmem>>)
    %add3A_1275 = arith.constant 496 : i32
    %add3A_1276 = arith.addi %mul3A_656, %add3A_1275 : i32
    %dma_start3A_1277 = arith.constant 0 : i32
    %dma_start3A_1278 = tpu.memref_slice %arg5[%add3A_1276, %dma_start3A_1277] : memref<16640x1024xf32, #tpu.memory_space<hbm>> -> memref<16x1024xf32, #tpu.memory_space<hbm>>
    %dma_start3A_1279 = arith.constant 0 : i32
    %dma_start3A_1280 = tpu.memref_slice %arg5[%add3A_1276, %dma_start3A_1279] : memref<16640x1024xf32, #tpu.memory_space<hbm>> -> memref<16x1024xf32, #tpu.memory_space<hbm>>
    tpu.enqueue_dma source(%arg12 : memref<16x1024xf32, #tpu.memory_space<vmem>>) target(%dma_start3A_1280 : memref<16x1024xf32, #tpu.memory_space<hbm>>) target_semaphore(%arg27 : memref<!tpu.dma_semaphore, #tpu.memory_space<semaphore_mem>>)
    %dma_wait3A_1281 = arith.constant 0 : i32
    %dma_wait3A_1282 = arith.constant 0 : i32
    %dma_wait3A_1283 = tpu.memref_slice %arg13[%dma_wait3A_1281, %dma_wait3A_1282] : memref<16x1024xf32, #tpu.memory_space<vmem>> -> memref<8x1024xf32, #tpu.memory_space<vmem>>
    %dma_wait3A_1284 = arith.constant 512 : i32
    %dma_wait3A_1285 = tpu.memref_slice %arg8[%dma_wait3A_1284] : memref<520xi32, #tpu.memory_space<vmem>> -> memref<8xi32, #tpu.memory_space<vmem>>
    %dma_wait3A_1286 = arith.constant 0 : i32
    %dma_wait3A_1287 = arith.constant 0 : i32
    %dma_wait3A_1288 = tpu.memref_slice %arg4[%dma_wait3A_1286, %dma_wait3A_1287] : memref<65536x1024xf32, #tpu.memory_space<hbm>> -> memref<65536x1024xf32, #tpu.memory_space<hbm>>
    tpu.wait_indirect_dma semaphore(%arg21 : memref<!tpu.dma_semaphore, #tpu.memory_space<semaphore_mem>>) src(%dma_wait3A_1288 : memref<65536x1024xf32, #tpu.memory_space<hbm>>) dst(%dma_wait3A_1283 : memref<8x1024xf32, #tpu.memory_space<vmem>>)
    %add3A_1289 = arith.constant 512 : i32
    %add3A_1290 = arith.addi %mul3A_656, %add3A_1289 : i32
    %dma_start3A_1291 = arith.constant 0 : i32
    %dma_start3A_1292 = arith.constant 0 : i32
    %dma_start3A_1293 = tpu.memref_slice %arg13[%dma_start3A_1291, %dma_start3A_1292] : memref<16x1024xf32, #tpu.memory_space<vmem>> -> memref<8x1024xf32, #tpu.memory_space<vmem>>
    %dma_start3A_1294 = arith.constant 0 : i32
    %dma_start3A_1295 = tpu.memref_slice %arg5[%add3A_1290, %dma_start3A_1294] : memref<16640x1024xf32, #tpu.memory_space<hbm>> -> memref<8x1024xf32, #tpu.memory_space<hbm>>
    %dma_start3A_1296 = arith.constant 0 : i32
    %dma_start3A_1297 = tpu.memref_slice %arg5[%add3A_1290, %dma_start3A_1296] : memref<16640x1024xf32, #tpu.memory_space<hbm>> -> memref<8x1024xf32, #tpu.memory_space<hbm>>
    %dma_start3A_1298 = arith.constant 0 : i32
    %dma_start3A_1299 = arith.constant 0 : i32
    %dma_start3A_1300 = tpu.memref_slice %arg13[%dma_start3A_1298, %dma_start3A_1299] : memref<16x1024xf32, #tpu.memory_space<vmem>> -> memref<8x1024xf32, #tpu.memory_space<vmem>>
    tpu.enqueue_dma source(%dma_start3A_1300 : memref<8x1024xf32, #tpu.memory_space<vmem>>) target(%dma_start3A_1297 : memref<8x1024xf32, #tpu.memory_space<hbm>>) target_semaphore(%arg28 : memref<!tpu.dma_semaphore, #tpu.memory_space<semaphore_mem>>)
    %dma_wait3A_1301 = arith.constant 0 : i32
    %dma_wait3A_1302 = tpu.memref_slice %arg5[%add3A_1243, %dma_wait3A_1301] : memref<16640x1024xf32, #tpu.memory_space<hbm>> -> memref<16x1024xf32, #tpu.memory_space<hbm>>
    %dma_wait3A_1303 = arith.constant 0 : i32
    %dma_wait3A_1304 = tpu.memref_slice %arg5[%add3A_1243, %dma_wait3A_1303] : memref<16640x1024xf32, #tpu.memory_space<hbm>> -> memref<16x1024xf32, #tpu.memory_space<hbm>>
    tpu.wait_dma2 semaphore(%arg24 : memref<!tpu.dma_semaphore, #tpu.memory_space<semaphore_mem>>) src(%arg9 : memref<16x1024xf32, #tpu.memory_space<vmem>>) dst(%dma_wait3A_1304 : memref<16x1024xf32, #tpu.memory_space<hbm>>)
    %dma_wait3A_1305 = arith.constant 0 : i32
    %dma_wait3A_1306 = tpu.memref_slice %arg5[%add3A_1254, %dma_wait3A_1305] : memref<16640x1024xf32, #tpu.memory_space<hbm>> -> memref<16x1024xf32, #tpu.memory_space<hbm>>
    %dma_wait3A_1307 = arith.constant 0 : i32
    %dma_wait3A_1308 = tpu.memref_slice %arg5[%add3A_1254, %dma_wait3A_1307] : memref<16640x1024xf32, #tpu.memory_space<hbm>> -> memref<16x1024xf32, #tpu.memory_space<hbm>>
    tpu.wait_dma2 semaphore(%arg25 : memref<!tpu.dma_semaphore, #tpu.memory_space<semaphore_mem>>) src(%arg10 : memref<16x1024xf32, #tpu.memory_space<vmem>>) dst(%dma_wait3A_1308 : memref<16x1024xf32, #tpu.memory_space<hbm>>)
    %dma_wait3A_1309 = arith.constant 0 : i32
    %dma_wait3A_1310 = tpu.memref_slice %arg5[%add3A_1265, %dma_wait3A_1309] : memref<16640x1024xf32, #tpu.memory_space<hbm>> -> memref<16x1024xf32, #tpu.memory_space<hbm>>
    %dma_wait3A_1311 = arith.constant 0 : i32
    %dma_wait3A_1312 = tpu.memref_slice %arg5[%add3A_1265, %dma_wait3A_1311] : memref<16640x1024xf32, #tpu.memory_space<hbm>> -> memref<16x1024xf32, #tpu.memory_space<hbm>>
    tpu.wait_dma2 semaphore(%arg26 : memref<!tpu.dma_semaphore, #tpu.memory_space<semaphore_mem>>) src(%arg11 : memref<16x1024xf32, #tpu.memory_space<vmem>>) dst(%dma_wait3A_1312 : memref<16x1024xf32, #tpu.memory_space<hbm>>)
    %dma_wait3A_1313 = arith.constant 0 : i32
    %dma_wait3A_1314 = tpu.memref_slice %arg5[%add3A_1276, %dma_wait3A_1313] : memref<16640x1024xf32, #tpu.memory_space<hbm>> -> memref<16x1024xf32, #tpu.memory_space<hbm>>
    %dma_wait3A_1315 = arith.constant 0 : i32
    %dma_wait3A_1316 = tpu.memref_slice %arg5[%add3A_1276, %dma_wait3A_1315] : memref<16640x1024xf32, #tpu.memory_space<hbm>> -> memref<16x1024xf32, #tpu.memory_space<hbm>>
    tpu.wait_dma2 semaphore(%arg27 : memref<!tpu.dma_semaphore, #tpu.memory_space<semaphore_mem>>) src(%arg12 : memref<16x1024xf32, #tpu.memory_space<vmem>>) dst(%dma_wait3A_1316 : memref<16x1024xf32, #tpu.memory_space<hbm>>)
    %dma_wait3A_1317 = arith.constant 0 : i32
    %dma_wait3A_1318 = arith.constant 0 : i32
    %dma_wait3A_1319 = tpu.memref_slice %arg13[%dma_wait3A_1317, %dma_wait3A_1318] : memref<16x1024xf32, #tpu.memory_space<vmem>> -> memref<8x1024xf32, #tpu.memory_space<vmem>>
    %dma_wait3A_1320 = arith.constant 0 : i32
    %dma_wait3A_1321 = tpu.memref_slice %arg5[%add3A_1290, %dma_wait3A_1320] : memref<16640x1024xf32, #tpu.memory_space<hbm>> -> memref<8x1024xf32, #tpu.memory_space<hbm>>
    %dma_wait3A_1322 = arith.constant 0 : i32
    %dma_wait3A_1323 = tpu.memref_slice %arg5[%add3A_1290, %dma_wait3A_1322] : memref<16640x1024xf32, #tpu.memory_space<hbm>> -> memref<8x1024xf32, #tpu.memory_space<hbm>>
    %dma_wait3A_1324 = arith.constant 0 : i32
    %dma_wait3A_1325 = arith.constant 0 : i32
    %dma_wait3A_1326 = tpu.memref_slice %arg13[%dma_wait3A_1324, %dma_wait3A_1325] : memref<16x1024xf32, #tpu.memory_space<vmem>> -> memref<8x1024xf32, #tpu.memory_space<vmem>>
    tpu.wait_dma2 semaphore(%arg28 : memref<!tpu.dma_semaphore, #tpu.memory_space<semaphore_mem>>) src(%dma_wait3A_1326 : memref<8x1024xf32, #tpu.memory_space<vmem>>) dst(%dma_wait3A_1323 : memref<8x1024xf32, #tpu.memory_space<hbm>>)
    %dma_wait3A_1327 = arith.constant 0 : i32
    %dma_wait3A_1328 = tpu.memref_slice %arg5[%add3A_1221, %dma_wait3A_1327] : memref<16640x1024xf32, #tpu.memory_space<hbm>> -> memref<16x1024xf32, #tpu.memory_space<hbm>>
    %dma_wait3A_1329 = arith.constant 0 : i32
    %dma_wait3A_1330 = tpu.memref_slice %arg5[%add3A_1221, %dma_wait3A_1329] : memref<16640x1024xf32, #tpu.memory_space<hbm>> -> memref<16x1024xf32, #tpu.memory_space<hbm>>
    tpu.wait_dma2 semaphore(%arg29 : memref<!tpu.dma_semaphore, #tpu.memory_space<semaphore_mem>>) src(%arg14 : memref<16x1024xf32, #tpu.memory_space<vmem>>) dst(%dma_wait3A_1330 : memref<16x1024xf32, #tpu.memory_space<hbm>>)
    %dma_wait3A_1331 = arith.constant 0 : i32
    %dma_wait3A_1332 = tpu.memref_slice %arg5[%add3A_1232, %dma_wait3A_1331] : memref<16640x1024xf32, #tpu.memory_space<hbm>> -> memref<16x1024xf32, #tpu.memory_space<hbm>>
    %dma_wait3A_1333 = arith.constant 0 : i32
    %dma_wait3A_1334 = tpu.memref_slice %arg5[%add3A_1232, %dma_wait3A_1333] : memref<16640x1024xf32, #tpu.memory_space<hbm>> -> memref<16x1024xf32, #tpu.memory_space<hbm>>
    tpu.wait_dma2 semaphore(%arg30 : memref<!tpu.dma_semaphore, #tpu.memory_space<semaphore_mem>>) src(%arg15 : memref<16x1024xf32, #tpu.memory_space<vmem>>) dst(%dma_wait3A_1334 : memref<16x1024xf32, #tpu.memory_space<hbm>>)
    return
  }
}

module attributes {stable_mosaic.version = 14 : i64} {
  func.func @_select_kernel(%arg0: memref<512x128xf32, #tpu.memory_space<vmem>>, %arg1: memref<512x128xi32, #tpu.memory_space<vmem>>, %arg2: memref<512x128xi32, #tpu.memory_space<vmem>>) attributes {dimension_semantics = [], scalar_prefetch = 0 : i64, scratch_operands = 0 : i64, tpu.core_type = #tpu.core_type<tc>} {
    %get3A = arith.constant 0 : index
    %get3A_0 = arith.constant 0 : index
    %get3A_1 = vector.load %arg0[%get3A, %get3A_0] : memref<512x128xf32, #tpu.memory_space<vmem>>, vector<512x128xf32>
    %bitcast_convert_type3A = tpu.bitcast %get3A_1 : vector<512x128xf32> -> vector<512x128xi32>
    %lt3A = arith.constant 0 : i32
    %lt3A_2 = vector.broadcast %lt3A : i32 to vector<512x128xi32>
    %lt3A_3 = arith.cmpi slt, %bitcast_convert_type3A, %lt3A_2 : vector<512x128xi32>
    %not3A = arith.constant dense<-1> : vector<512x128xi32>
    %not3A_4 = arith.xori %bitcast_convert_type3A, %not3A : vector<512x128xi32>
    %xor3A = arith.constant -2147483648 : i32
    %xor3A_5 = vector.broadcast %xor3A : i32 to vector<512x128xi32>
    %xor3A_6 = arith.xori %not3A_4, %xor3A_5 : vector<512x128xi32>
    %select_n3A = arith.select %lt3A_3, %xor3A_6, %bitcast_convert_type3A : vector<512x128xi1>, vector<512x128xi32>
    %scan3A = arith.constant 0 : i32
    %scan3A_7 = arith.constant 0 : i32
    %scan3A_8 = arith.constant 16 : i32
    %scan3A_9 = arith.addi %scan3A_7, %scan3A_8 : i32
    %scan3A_10 = arith.constant 1 : i32
    %scan3A_11 = scf.for %scan3A_144 = %scan3A_7 to %scan3A_9 step %scan3A_10 iter_args(%scan3A_145 = %scan3A) -> (i32)  : i32 {
      %sub3A_146 = arith.constant 31 : i32
      %sub3A_147 = arith.subi %sub3A_146, %scan3A_144 : i32
      %shift_left3A = arith.constant 1 : i32
      %shift_left3A_148 = arith.shli %shift_left3A, %sub3A_147 : i32
      %or3A_149 = arith.ori %scan3A_145, %shift_left3A_148 : i32
      %xor3A_150 = arith.constant -2147483648 : i32
      %xor3A_151 = arith.xori %or3A_149, %xor3A_150 : i32
      %ge3A_152 = vector.broadcast %xor3A_151 : i32 to vector<512x128xi32>
      %ge3A_153 = arith.cmpi sge, %select_n3A, %ge3A_152 : vector<512x128xi32>
      %convert_element_type3A_154 = arith.extui %ge3A_153 : vector<512x128xi1> to vector<512x128xi32>
      %reduce_sum3A_155 = vector.shape_cast %convert_element_type3A_154 : vector<512x128xi32> to vector<1x512x128xi32>
      %reduce_sum3A_156 = arith.constant dense<0> : vector<1xi32>
      %reduce_sum3A_157 = vector.multi_reduction <add>, %reduce_sum3A_155, %reduce_sum3A_156 [1, 2] : vector<1x512x128xi32> to vector<1xi32>
      %reduce_sum3A_158 = vector.shape_cast %reduce_sum3A_157 : vector<1xi32> to vector<1x1x1xi32>
      %reduce_sum3A_159 = vector.extract %reduce_sum3A_158[0, 0, 0] : i32 from vector<1x1x1xi32>
      %ge3A_160 = arith.constant 16384 : i32
      %ge3A_161 = arith.cmpi sge, %reduce_sum3A_159, %ge3A_160 : i32
      %select_n3A_162 = arith.select %ge3A_161, %or3A_149, %scan3A_145 : i32
      scf.yield %select_n3A_162 : i32
    }
    %scan3A_12 = arith.constant 16 : i32
    %xor3A_13 = arith.constant -2147483648 : i32
    %xor3A_14 = arith.xori %scan3A_11, %xor3A_13 : i32
    %eq3A = arith.constant -65536 : i32
    %eq3A_15 = arith.cmpi eq, %scan3A_11, %eq3A : i32
    %add3A = arith.constant 65536 : i32
    %add3A_16 = arith.addi %scan3A_11, %add3A : i32
    %xor3A_17 = arith.constant -2147483648 : i32
    %xor3A_18 = arith.xori %add3A_16, %xor3A_17 : i32
    %ge3A = vector.broadcast %xor3A_18 : i32 to vector<512x128xi32>
    %ge3A_19 = arith.cmpi sge, %select_n3A, %ge3A : vector<512x128xi32>
    %not3A_20 = arith.constant true
    %not3A_21 = arith.xori %eq3A_15, %not3A_20 : i1
    %and3A = vector.broadcast %not3A_21 : i1 to vector<512x128xi1>
    %and3A_22 = arith.andi %ge3A_19, %and3A : vector<512x128xi1>
    %convert_element_type3A = arith.extui %and3A_22 : vector<512x128xi1> to vector<512x128xi32>
    %reduce_sum3A = vector.shape_cast %convert_element_type3A : vector<512x128xi32> to vector<1x512x128xi32>
    %reduce_sum3A_23 = arith.constant dense<0> : vector<1xi32>
    %reduce_sum3A_24 = vector.multi_reduction <add>, %reduce_sum3A, %reduce_sum3A_23 [1, 2] : vector<1x512x128xi32> to vector<1xi32>
    %reduce_sum3A_25 = vector.shape_cast %reduce_sum3A_24 : vector<1xi32> to vector<1x1x1xi32>
    %reduce_sum3A_26 = vector.extract %reduce_sum3A_25[0, 0, 0] : i32 from vector<1x1x1xi32>
    %ge3A_27 = vector.broadcast %xor3A_14 : i32 to vector<512x128xi32>
    %ge3A_28 = arith.cmpi sge, %select_n3A, %ge3A_27 : vector<512x128xi32>
    %convert_element_type3A_29 = arith.extui %ge3A_28 : vector<512x128xi1> to vector<512x128xi32>
    %reduce_sum3A_30 = vector.shape_cast %convert_element_type3A_29 : vector<512x128xi32> to vector<1x512x128xi32>
    %reduce_sum3A_31 = arith.constant dense<0> : vector<1xi32>
    %reduce_sum3A_32 = vector.multi_reduction <add>, %reduce_sum3A_30, %reduce_sum3A_31 [1, 2] : vector<1x512x128xi32> to vector<1xi32>
    %reduce_sum3A_33 = vector.shape_cast %reduce_sum3A_32 : vector<1xi32> to vector<1x1x1xi32>
    %reduce_sum3A_34 = vector.extract %reduce_sum3A_33[0, 0, 0] : i32 from vector<1x1x1xi32>
    %sub3A = arith.constant 16384 : i32
    %sub3A_35 = arith.subi %sub3A, %reduce_sum3A_26 : i32
    %sub3A_36 = arith.subi %reduce_sum3A_34, %reduce_sum3A_26 : i32
    %ge3A_37 = vector.broadcast %xor3A_14 : i32 to vector<512x128xi32>
    %ge3A_38 = arith.cmpi sge, %select_n3A, %ge3A_37 : vector<512x128xi32>
    %not3A_39 = arith.constant dense<true> : vector<512x128xi1>
    %not3A_40 = arith.xori %and3A_22, %not3A_39 : vector<512x128xi1>
    %and3A_41 = arith.andi %ge3A_38, %not3A_40 : vector<512x128xi1>
    %eq3A_42 = arith.cmpi eq, %sub3A_35, %sub3A_36 : i32
    %convert_element_type3A_43 = arith.extui %eq3A_42 : i1 to i32
    %cond3A = arith.constant 0 : i32
    %cond3A_44 = arith.cmpi ne, %convert_element_type3A_43, %cond3A : i32
    %cond3A_45 = scf.if %cond3A_44 -> (i32) {
      %jit3A_144 = arith.constant 2147483647 : i32
      %broadcast_in_dim3A_145 = vector.broadcast %jit3A_144 : i32 to vector<512x128xi32>
      %select_n3A_146 = arith.select %and3A_41, %select_n3A, %broadcast_in_dim3A_145 : vector<512x128xi1>, vector<512x128xi32>
      %reduce_min3A = vector.shape_cast %select_n3A_146 : vector<512x128xi32> to vector<1x512x128xi32>
      %reduce_min3A_147 = arith.constant dense<2147483647> : vector<1xi32>
      %reduce_min3A_148 = vector.multi_reduction <minsi>, %reduce_min3A, %reduce_min3A_147 [1, 2] : vector<1x512x128xi32> to vector<1xi32>
      %reduce_min3A_149 = vector.shape_cast %reduce_min3A_148 : vector<1xi32> to vector<1x1x1xi32>
      %reduce_min3A_150 = vector.extract %reduce_min3A_149[0, 0, 0] : i32 from vector<1x1x1xi32>
      scf.yield %reduce_min3A_150 : i32
    } else {
      %scan3A_144 = arith.constant 16 : i32
      %scan3A_145 = arith.constant 16 : i32
      %scan3A_146 = arith.addi %scan3A_144, %scan3A_145 : i32
      %scan3A_147 = arith.constant 1 : i32
      %scan3A_148 = scf.for %scan3A_152 = %scan3A_144 to %scan3A_146 step %scan3A_147 iter_args(%scan3A_153 = %scan3A_11) -> (i32)  : i32 {
        %sub3A_154 = arith.constant 31 : i32
        %sub3A_155 = arith.subi %sub3A_154, %scan3A_152 : i32
        %shift_left3A = arith.constant 1 : i32
        %shift_left3A_156 = arith.shli %shift_left3A, %sub3A_155 : i32
        %or3A_157 = arith.ori %scan3A_153, %shift_left3A_156 : i32
        %xor3A_158 = arith.constant -2147483648 : i32
        %xor3A_159 = arith.xori %or3A_157, %xor3A_158 : i32
        %ge3A_160 = vector.broadcast %xor3A_159 : i32 to vector<512x128xi32>
        %ge3A_161 = arith.cmpi sge, %select_n3A, %ge3A_160 : vector<512x128xi32>
        %convert_element_type3A_162 = arith.extui %ge3A_161 : vector<512x128xi1> to vector<512x128xi32>
        %reduce_sum3A_163 = vector.shape_cast %convert_element_type3A_162 : vector<512x128xi32> to vector<1x512x128xi32>
        %reduce_sum3A_164 = arith.constant dense<0> : vector<1xi32>
        %reduce_sum3A_165 = vector.multi_reduction <add>, %reduce_sum3A_163, %reduce_sum3A_164 [1, 2] : vector<1x512x128xi32> to vector<1xi32>
        %reduce_sum3A_166 = vector.shape_cast %reduce_sum3A_165 : vector<1xi32> to vector<1x1x1xi32>
        %reduce_sum3A_167 = vector.extract %reduce_sum3A_166[0, 0, 0] : i32 from vector<1x1x1xi32>
        %ge3A_168 = arith.constant 16384 : i32
        %ge3A_169 = arith.cmpi sge, %reduce_sum3A_167, %ge3A_168 : i32
        %select_n3A_170 = arith.select %ge3A_169, %or3A_157, %scan3A_153 : i32
        scf.yield %select_n3A_170 : i32
      }
      %scan3A_149 = arith.constant 16 : i32
      %xor3A_150 = arith.constant -2147483648 : i32
      %xor3A_151 = arith.xori %scan3A_148, %xor3A_150 : i32
      scf.yield %xor3A_151 : i32
    }
    %gt3A = vector.broadcast %cond3A_45 : i32 to vector<512x128xi32>
    %gt3A_46 = arith.cmpi sgt, %select_n3A, %gt3A : vector<512x128xi32>
    %convert_element_type3A_47 = arith.extui %gt3A_46 : vector<512x128xi1> to vector<512x128xi32>
    %reduce_sum3A_48 = vector.shape_cast %convert_element_type3A_47 : vector<512x128xi32> to vector<1x512x128xi32>
    %reduce_sum3A_49 = arith.constant dense<0> : vector<1xi32>
    %reduce_sum3A_50 = vector.multi_reduction <add>, %reduce_sum3A_48, %reduce_sum3A_49 [1, 2] : vector<1x512x128xi32> to vector<1xi32>
    %reduce_sum3A_51 = vector.shape_cast %reduce_sum3A_50 : vector<1xi32> to vector<1x1x1xi32>
    %reduce_sum3A_52 = vector.extract %reduce_sum3A_51[0, 0, 0] : i32 from vector<1x1x1xi32>
    %sub3A_53 = arith.constant 16384 : i32
    %sub3A_54 = arith.subi %sub3A_53, %reduce_sum3A_52 : i32
    %eq3A_55 = vector.broadcast %cond3A_45 : i32 to vector<512x128xi32>
    %eq3A_56 = arith.cmpi eq, %select_n3A, %eq3A_55 : vector<512x128xi32>
    %convert_element_type3A_57 = arith.extui %eq3A_56 : vector<512x128xi1> to vector<512x128xi32>
    %reduce_sum3A_58 = vector.shape_cast %convert_element_type3A_57 : vector<512x128xi32> to vector<1x512x128xi32>
    %reduce_sum3A_59 = arith.constant dense<0> : vector<1xi32>
    %reduce_sum3A_60 = vector.multi_reduction <add>, %reduce_sum3A_58, %reduce_sum3A_59 [1, 2] : vector<1x512x128xi32> to vector<1xi32>
    %reduce_sum3A_61 = vector.shape_cast %reduce_sum3A_60 : vector<1xi32> to vector<1x1x1xi32>
    %reduce_sum3A_62 = vector.extract %reduce_sum3A_61[0, 0, 0] : i32 from vector<1x1x1xi32>
    %iota3A = tpu.iota {dimensions = array<i32: 0>} : vector<512x128xi32>
    %iota3A_63 = tpu.iota {dimensions = array<i32: 1>} : vector<512x128xi32>
    %mul3A = arith.constant 128 : i32
    %mul3A_64 = vector.broadcast %mul3A : i32 to vector<512x128xi32>
    %mul3A_65 = arith.muli %iota3A, %mul3A_64 : vector<512x128xi32>
    %add3A_66 = arith.addi %mul3A_65, %iota3A_63 : vector<512x128xi32>
    %eq3A_67 = arith.cmpi eq, %sub3A_54, %reduce_sum3A_62 : i32
    %convert_element_type3A_68 = arith.extui %eq3A_67 : i1 to i32
    %cond3A_69 = arith.constant 0 : i32
    %cond3A_70 = arith.cmpi ne, %convert_element_type3A_68, %cond3A_69 : i32
    %cond3A_71 = scf.if %cond3A_70 -> (i32) {
      %cond3A_144 = arith.constant 65535 : i32
      scf.yield %cond3A_144 : i32
    } else {
      %scan3A_144 = arith.constant 0 : i32
      %scan3A_145 = arith.constant 0 : i32
      %scan3A_146 = arith.constant 16 : i32
      %scan3A_147 = arith.addi %scan3A_145, %scan3A_146 : i32
      %scan3A_148 = arith.constant 1 : i32
      %scan3A_149 = scf.for %scan3A_151 = %scan3A_145 to %scan3A_147 step %scan3A_148 iter_args(%scan3A_152 = %scan3A_144) -> (i32)  : i32 {
        %sub3A_153 = arith.constant 15 : i32
        %sub3A_154 = arith.subi %sub3A_153, %scan3A_151 : i32
        %shift_left3A = arith.constant 1 : i32
        %shift_left3A_155 = arith.shli %shift_left3A, %sub3A_154 : i32
        %add3A_156 = arith.addi %scan3A_152, %shift_left3A_155 : i32
        %lt3A_157 = vector.broadcast %add3A_156 : i32 to vector<512x128xi32>
        %lt3A_158 = arith.cmpi slt, %add3A_66, %lt3A_157 : vector<512x128xi32>
        %and3A_159 = arith.andi %lt3A_158, %eq3A_56 : vector<512x128xi1>
        %convert_element_type3A_160 = arith.extui %and3A_159 : vector<512x128xi1> to vector<512x128xi32>
        %reduce_sum3A_161 = vector.shape_cast %convert_element_type3A_160 : vector<512x128xi32> to vector<1x512x128xi32>
        %reduce_sum3A_162 = arith.constant dense<0> : vector<1xi32>
        %reduce_sum3A_163 = vector.multi_reduction <add>, %reduce_sum3A_161, %reduce_sum3A_162 [1, 2] : vector<1x512x128xi32> to vector<1xi32>
        %reduce_sum3A_164 = vector.shape_cast %reduce_sum3A_163 : vector<1xi32> to vector<1x1x1xi32>
        %reduce_sum3A_165 = vector.extract %reduce_sum3A_164[0, 0, 0] : i32 from vector<1x1x1xi32>
        %lt3A_166 = arith.cmpi slt, %reduce_sum3A_165, %sub3A_54 : i32
        %select_n3A_167 = arith.select %lt3A_166, %add3A_156, %scan3A_152 : i32
        scf.yield %select_n3A_167 : i32
      }
      %scan3A_150 = arith.constant 16 : i32
      scf.yield %scan3A_149 : i32
    }
    %gt3A_72 = vector.broadcast %cond3A_45 : i32 to vector<512x128xi32>
    %gt3A_73 = arith.cmpi sgt, %select_n3A, %gt3A_72 : vector<512x128xi32>
    %le3A = vector.broadcast %cond3A_71 : i32 to vector<512x128xi32>
    %le3A_74 = arith.cmpi sle, %add3A_66, %le3A : vector<512x128xi32>
    %and3A_75 = arith.andi %eq3A_56, %le3A_74 : vector<512x128xi1>
    %or3A = arith.ori %gt3A_73, %and3A_75 : vector<512x128xi1>
    %jit3A = arith.constant 256 : i32
    %eq3A_76 = arith.constant 0 : i32
    %eq3A_77 = arith.cmpi eq, %jit3A, %eq3A_76 : i32
    %jit3A_78 = arith.constant 1 : i32
    %select_n3A_79 = arith.select %eq3A_77, %jit3A_78, %jit3A : i32
    %rem3A = vector.broadcast %select_n3A_79 : i32 to vector<512x128xi32>
    %rem3A_80 = arith.remsi %add3A_66, %rem3A : vector<512x128xi32>
    %ne3A = arith.constant 0 : i32
    %ne3A_81 = vector.broadcast %ne3A : i32 to vector<512x128xi32>
    %ne3A_82 = arith.cmpi ne, %rem3A_80, %ne3A_81 : vector<512x128xi32>
    %lt3A_83 = arith.constant 0 : i32
    %lt3A_84 = vector.broadcast %lt3A_83 : i32 to vector<512x128xi32>
    %lt3A_85 = arith.cmpi slt, %rem3A_80, %lt3A_84 : vector<512x128xi32>
    %lt3A_86 = arith.constant 0 : i32
    %lt3A_87 = arith.cmpi slt, %select_n3A_79, %lt3A_86 : i32
    %ne3A_88 = vector.broadcast %lt3A_87 : i1 to vector<512x128xi1>
    %ne3A_89 = vector.broadcast %ne3A_88 : vector<512x128xi1> to vector<512x128xi1>
    %ne3A_90 = arith.xori %lt3A_85, %ne3A_89 : vector<512x128xi1>
    %and3A_91 = arith.andi %ne3A_90, %ne3A_82 : vector<512x128xi1>
    %add3A_92 = vector.broadcast %select_n3A_79 : i32 to vector<512x128xi32>
    %add3A_93 = arith.addi %rem3A_80, %add3A_92 : vector<512x128xi32>
    %select_n3A_94 = arith.select %and3A_91, %add3A_93, %rem3A_80 : vector<512x128xi1>, vector<512x128xi32>
    %eq3A_95 = arith.constant 255 : i32
    %eq3A_96 = vector.broadcast %eq3A_95 : i32 to vector<512x128xi32>
    %eq3A_97 = arith.cmpi eq, %select_n3A_94, %eq3A_96 : vector<512x128xi32>
    %or3A_98 = arith.ori %or3A, %eq3A_97 : vector<512x128xi1>
    %convert_element_type3A_99 = arith.extui %or3A_98 : vector<512x128xi1> to vector<512x128xi32>
    %convert_element_type3A_100 = arith.sitofp %convert_element_type3A_99 : vector<512x128xi32> to vector<512x128xf32>
    %iota3A_101 = tpu.iota {dimensions = array<i32: 0>} : vector<128x128xi32>
    %iota3A_102 = tpu.iota {dimensions = array<i32: 1>} : vector<128x128xi32>
    %le3A_103 = arith.cmpi sle, %iota3A_101, %iota3A_102 : vector<128x128xi32>
    %convert_element_type3A_104 = arith.extui %le3A_103 : vector<128x128xi1> to vector<128x128xi32>
    %convert_element_type3A_105 = arith.sitofp %convert_element_type3A_104 : vector<128x128xi32> to vector<128x128xf32>
    %dot_general3A = arith.constant dense<0.000000e+00> : vector<512x128xf32>
    %dot_general3A_106 = tpu.matmul %convert_element_type3A_100, %convert_element_type3A_105, %dot_general3A {dimension_numbers = #tpu.dot_dimension_numbers<[1], [0], [0], [1], [0, 0, 1, 1], [], []>, transpose_lhs_hint = false} : vector<512x128xf32>, vector<128x128xf32>, vector<512x128xf32> -> vector<512x128xf32>
    %slice3A = vector.extract_strided_slice %dot_general3A_106 {offsets = [0, 127], sizes = [512, 1], strides = [1, 1]} : vector<512x128xf32> to vector<512x1xf32>
    %iota3A_107 = tpu.iota {dimensions = array<i32: 0>} : vector<512x512xi32>
    %iota3A_108 = tpu.iota {dimensions = array<i32: 1>} : vector<512x512xi32>
    %lt3A_109 = arith.cmpi slt, %iota3A_108, %iota3A_107 : vector<512x512xi32>
    %convert_element_type3A_110 = arith.extui %lt3A_109 : vector<512x512xi1> to vector<512x512xi32>
    %convert_element_type3A_111 = arith.sitofp %convert_element_type3A_110 : vector<512x512xi32> to vector<512x512xf32>
    %dot_general3A_112 = arith.constant dense<0.000000e+00> : vector<512x1xf32>
    %dot_general3A_113 = tpu.matmul %convert_element_type3A_111, %slice3A, %dot_general3A_112 {dimension_numbers = #tpu.dot_dimension_numbers<[1], [0], [0], [1], [0, 0, 1, 1], [], []>, transpose_lhs_hint = false} : vector<512x512xf32>, vector<512x1xf32>, vector<512x1xf32> -> vector<512x1xf32>
    %add3A_114 = vector.broadcast %dot_general3A_113 : vector<512x1xf32> to vector<512x128xf32>
    %add3A_115 = arith.addf %dot_general3A_106, %add3A_114 : vector<512x128xf32>
    %sub3A_116 = arith.subf %add3A_115, %convert_element_type3A_100 : vector<512x128xf32>
    %convert_element_type3A_117 = arith.fptosi %sub3A_116 : vector<512x128xf32> to vector<512x128xi32>
    %reduce_sum3A_118 = vector.shape_cast %convert_element_type3A_100 : vector<512x128xf32> to vector<1x512x128xf32>
    %reduce_sum3A_119 = arith.constant dense<0.000000e+00> : vector<1xf32>
    %reduce_sum3A_120 = vector.multi_reduction <add>, %reduce_sum3A_118, %reduce_sum3A_119 [1, 2] : vector<1x512x128xf32> to vector<1xf32>
    %reduce_sum3A_121 = vector.shape_cast %reduce_sum3A_120 : vector<1xf32> to vector<1x1x1xf32>
    %reduce_sum3A_122 = vector.extract %reduce_sum3A_121[0, 0, 0] : f32 from vector<1x1x1xf32>
    %convert_element_type3A_123 = arith.fptosi %reduce_sum3A_122 : f32 to i32
    %sub3A_124 = arith.subi %add3A_66, %convert_element_type3A_117 : vector<512x128xi32>
    %add3A_125 = vector.broadcast %convert_element_type3A_123 : i32 to vector<512x128xi32>
    %add3A_126 = arith.addi %add3A_125, %sub3A_124 : vector<512x128xi32>
    %lt3A_127 = arith.constant 16640 : i32
    %lt3A_128 = vector.broadcast %lt3A_127 : i32 to vector<512x128xi32>
    %lt3A_129 = arith.cmpi slt, %add3A_126, %lt3A_128 : vector<512x128xi32>
    %shift_right_arithmetic3A = arith.constant 12 : i32
    %shift_right_arithmetic3A_130 = vector.broadcast %shift_right_arithmetic3A : i32 to vector<512x128xi32>
    %shift_right_arithmetic3A_131 = arith.shrsi %add3A_66, %shift_right_arithmetic3A_130 : vector<512x128xi32>
    %add3A_132 = arith.constant 16640 : i32
    %add3A_133 = vector.broadcast %add3A_132 : i32 to vector<512x128xi32>
    %add3A_134 = arith.addi %add3A_133, %shift_right_arithmetic3A_131 : vector<512x128xi32>
    %select_n3A_135 = arith.select %lt3A_129, %add3A_126, %add3A_134 : vector<512x128xi1>, vector<512x128xi32>
    %select_n3A_136 = arith.select %or3A_98, %convert_element_type3A_117, %select_n3A_135 : vector<512x128xi1>, vector<512x128xi32>
    %swap3A = arith.constant 0 : index
    %swap3A_137 = arith.constant 0 : index
    %swap3A_138 = vector.load %arg1[%swap3A, %swap3A_137] : memref<512x128xi32, #tpu.memory_space<vmem>>, vector<512x128xi32>
    tpu.vector_store %arg1[%swap3A, %swap3A_137], %select_n3A_136 {strides = array<i32>} : memref<512x128xi32, #tpu.memory_space<vmem>>, vector<512x128xi32>,
    %jit3A_139 = arith.constant 65535 : i32
    %broadcast_in_dim3A = vector.broadcast %jit3A_139 : i32 to vector<512x128xi32>
    %select_n3A_140 = arith.select %or3A_98, %add3A_66, %broadcast_in_dim3A : vector<512x128xi1>, vector<512x128xi32>
    %swap3A_141 = arith.constant 0 : index
    %swap3A_142 = arith.constant 0 : index
    %swap3A_143 = vector.load %arg2[%swap3A_141, %swap3A_142] : memref<512x128xi32, #tpu.memory_space<vmem>>, vector<512x128xi32>
    tpu.vector_store %arg2[%swap3A_141, %swap3A_142], %select_n3A_140 {strides = array<i32>} : memref<512x128xi32, #tpu.memory_space<vmem>>, vector<512x128xi32>,
    return
  }
}

</mosaic_0001>

<sc_bundles>
// kernel: kernel.4.cloned.1.call-start
scs
__scs_entry_jumppad:
0x0: {  	(pc) =	sbr.rel $0x88, $3  }
0x1: {  	(tag) =	ssettag $0x0;
	lr =	simm.s32 $0x1  }
0x2: {  	[smem:$0x3F9F] =	sst lr;
	_ =	strace $0xD0000000  }
0x3: {  	_ = 	snop  }
0x4: {  	_ = 	snop  }
0x5: {  	_ = 	snop  }
0x6: {  	_ = 	snop  }
0x7: {  	_ = 	snop  }
__scs_overlays_trampoline_lowered:
0x8: {  	[smem:$0x3FAE] =	sst s0  }
0x9: {  	[smem:$0x3FAF] =	sst s1  }
0xa: {  	[smem:$0x3FB0] =	sst s2  }
0xb: {  	[smem:$0x3FB1] =	sst s3  }
0xc: {  	[smem:$0x3FB2] =	sst s4  }
0xd: {  	[smem:$0x3FB3] =	sst s5  }
0xe: {  	[smem:$0x3FB4] =	sst s6  }
0xf: {  	[smem:$0x3FB5] =	sst s7  }
0x10: {  	[smem:$0x3FB6] =	sst s8  }
0x11: {  	[smem:$0x3FB7] =	sst s9;
	s0 =	simm.s32 @!p0 $0x0  }
0x12: {  	s1 =	sld [smem:$0x3F9D];
	s0 =	simm.s32 @p0 $0x1  }
0x13: {  	[smem:$0x3FB8] =	sst s0;
	s0 =	simm.s32 @!p1 $0x0  }
0x14: {  	s2 =	sld [smem:$0x3F9C];
	s0 =	simm.s32 @p1 $0x1  }
0x15: {  	[smem:$0x3FB9] =	sst s0;
	s0 =	simm.s32 @!p2 $0x0  }
0x16: {  	s3 =	sld [smem:$0x3FDB];
	s0 =	simm.s32 @p2 $0x1  }
0x17: {  	s4 =	simm.s32 $0x1BF5;
	[smem:$0x3FBB] =	sst s0  }
0x18: {  	s0 =	sld [smem:$0x3F9E];
	_ =	swait.ge [sflag:s4], $0x0  }
0x19: {  	s7 =	sld [smem:$0x3F9F]  }
0x1a: {  	s8 =	sadd.s32 $0xFFFFE003, lr  }
0x1b: {  	s9 =	sadd.s32 $0xFFFFFEF7, lr;
	s5 =	simm.s32 $0xFFFFFFFF;
	p2 =	slt.u32 s8, $0xFFFFF086  }
0x1c: {  	p1 =	slt.u32 s9, $0xF7A;
	s5 =	simm.s32 @!p2 $0x0  }
0x1d: {  	s5 =	simm.s32 @p1 $0x1;
	p0 =	seq.s32 s7, s2  }
0x1e: {  	s7 =	smul.u32 @!p0 $0xF7A, s2;
	p2 =	seq.s32 @!p0 s5, $0x0  }
0x1f: {  	s9 =	smul.u32 $0xF7A, s1;
	s8 =	simm.s32 @!p0 $0x1BF5;
	p2 =	por !p2, p0  }
0x20: {  	[sflag:s8] =	ssyncset.s32 @!p0 $0xFFFFF086;
	s6 =	sadd.s32 @!p0 s3, s7;
	s7 =	simm.s32 @!p0 $0x108  }
0x21: {  	s3 =	sadd.s32 s3, s9;
	s6 =	sadd.s32 @!p0 $0x88, s6;
	s7 =	simm.s32 @p2 $0x1082  }
0x22: {  	[simem:s7], [sflag:s8] =	dma.local @!p0 [hbm:s6], $0xF7A  }
0x23: {  	s9 =	sor.u32 $0xD0000000, s2;
	s6 =	simm.s32 $0x108;
	_ =	swait.ge @!p0 [sflag:s8], $0x0  }
0x24: {  	s3 =	sadd.s32 $0x88, s3;
	s6 =	simm.s32 @!p1 $0x1082;
	[sflag:s4] =	ssyncset.s32 $0xFFFFF086  }
0x25: {  	[simem:s6], [sflag:s4] =	dma.local [hbm:s3], $0xF7A  }
0x26: {  	[smem:$0x3F9F] =	sst s1;
	(tag) =	ssettag s2;
	_ =	strace s9  }
0x27: {  	s1 =	sld [smem:$0x3FAF]  }
0x28: {  	s2 =	sld [smem:$0x3FB0]  }
0x29: {  	s4 =	sld [smem:$0x3FB2]  }
0x2a: {  	p0 =	seq.s32 s5, $0x0;
	s5 =	sld [smem:$0x3FB3]  }
0x2b: {  	s6 =	sld [smem:$0x3FB4]  }
0x2c: {  	s7 =	sld [smem:$0x3FB5]  }
0x2d: {  	s3 =	simm.s32 $0x108;
	s8 =	sld [smem:$0x3FB6]  }
0x2e: {  	s3 =	simm.s32 @!p0 $0x1082;
	s9 =	sld [smem:$0x3FB7]  }
0x2f: {  	lr =	sadd.s32 s0, s3;
	s0 =	sld [smem:$0x3FAE]  }
0x30: {  	s3 =	sld [smem:$0x3FB1]  }
0x31: {  	[smem:$0x3FBA] =	sst s10  }
0x32: {  	s10 =	sld [smem:$0x3FB8];
	_ =	sdelay $0x3  }
0x33: {  	p0 =	seq.s32 s10, $0x1;
	s10 =	sld [smem:$0x3FBA];
	_ =	sdelay $0x3  }
0x34: {  	[smem:$0x3FBA] =	sst s10  }
0x35: {  	s10 =	sld [smem:$0x3FB9];
	_ =	sdelay $0x3  }
0x36: {  	p1 =	seq.s32 s10, $0x1;
	s10 =	sld [smem:$0x3FBA];
	_ =	sdelay $0x3  }
0x37: {  	[smem:$0x3FBA] =	sst s10  }
0x38: {  	s10 =	sld [smem:$0x3FBB]  }
0x39: {  	_ = 	snop;
	(pc) =	sbr.ind lr, $3  }
0x3a: {  	_ = 	snop  }
0x3b: {  	_ = 	snop  }
0x3c: {  	p2 =	seq.s32 s10, $0x1;
	s10 =	sld [smem:$0x3FBA]  }
0x3d: {  	_ =	shalt  }
0x3e: {  	_ =	shalt  }
0x3f: {  	_ =	shalt  }
0x40: {  	_ =	shalt  }
0x41: {  	_ =	shalt  }
0x42: {  	_ =	shalt  }
0x43: {  	_ =	shalt  }
0x44: {  	_ =	shalt  }
0x45: {  	_ =	shalt  }
0x46: {  	_ =	shalt  }
0x47: {  	_ =	shalt  }
0x48: {  	_ =	shalt  }
0x49: {  	_ =	shalt  }
0x4a: {  	_ =	shalt  }
0x4b: {  	_ =	shalt  }
0x4c: {  	_ =	shalt  }
0x4d: {  	_ =	shalt  }
0x4e: {  	_ =	shalt  }
0x4f: {  	_ =	shalt  }
0x50: {  	_ =	shalt  }
0x51: {  	_ =	shalt  }
0x52: {  	_ =	shalt  }
0x53: {  	_ =	shalt  }
0x54: {  	_ =	shalt  }
0x55: {  	_ =	shalt  }
0x56: {  	_ =	shalt  }
0x57: {  	_ =	shalt  }
0x58: {  	_ =	shalt  }
0x59: {  	_ =	shalt  }
0x5a: {  	_ =	shalt  }
0x5b: {  	_ =	shalt  }
0x5c: {  	_ =	shalt  }
0x5d: {  	_ =	shalt  }
0x5e: {  	_ =	shalt  }
0x5f: {  	_ =	shalt  }
0x60: {  	_ =	shalt  }
0x61: {  	_ =	shalt  }
0x62: {  	_ =	shalt  }
0x63: {  	_ =	shalt  }
0x64: {  	_ =	shalt  }
0x65: {  	_ =	shalt  }
0x66: {  	_ =	shalt  }
0x67: {  	_ =	shalt  }
0x68: {  	_ =	shalt  }
0x69: {  	_ =	shalt  }
0x6a: {  	_ =	shalt  }
0x6b: {  	_ =	shalt  }
0x6c: {  	_ =	shalt  }
0x6d: {  	_ =	shalt  }
0x6e: {  	_ =	shalt  }
0x6f: {  	_ =	shalt  }
0x70: {  	_ =	shalt  }
0x71: {  	_ =	shalt  }
0x72: {  	_ =	shalt  }
0x73: {  	_ =	shalt  }
0x74: {  	_ =	shalt  }
0x75: {  	_ =	shalt  }
0x76: {  	_ =	shalt  }
0x77: {  	_ =	shalt  }
0x78: {  	_ =	shalt  }
0x79: {  	_ =	shalt  }
0x7a: {  	_ =	shalt  }
0x7b: {  	_ =	shalt  }
0x7c: {  	_ =	shalt  }
0x7d: {  	_ =	shalt  }
0x7e: {  	_ =	shalt  }
0x7f: {  	_ =	shalt  }
0x80: {  	_ =	shalt  }
0x81: {  	_ =	shalt  }
0x82: {  	_ =	shalt  }
0x83: {  	_ =	shalt  }
0x84: {  	_ =	shalt  }
0x85: {  	_ =	shalt  }
0x86: {  	_ =	shalt  }
0x87: {  	_ =	shalt  }
.Lfunc_end0:
.L_simem_size_0:
called_computation_lowered:
.L_overlay_start_0:
0x88: {  	s2 =	sld [smem:$0x3FD9]  }
0x89: {  	s3 =	sld [smem:$0x3FFE];
	_ =	sdelay $0x1  }
0x8a: {  	s1 =	srdreg.scid  }
0x8b: {  	s0 =	sand.u32 $0x1, s1  }
0x8c: {  	s17 =	sshll.u32 s0, $0xA;
	s2 =	sadd.s32 s3, s2  }
0x8d: {  	s2 =	sadd.s32 s2, s17  }
0x8e: {  	[smem:$0x3FC6] =	sst s2  }
0x8f: {  	_ = 	snop  }
0x90: {  	s2 =	sld [smem:$0x3FC8]  }
0x91: {  	s18 =	sld [smem:$0x3FD0];
	(tm) =	ssettm $0x1  }
0x92: {  	s4 =	sld [smem:$0x3FFB];
	_ =	sdelay $0x3  }
0x93: {  	_ =	strace s4  }
0x94: {  	s4 =	sld [smem:$0x3FFC];
	_ =	sdelay $0x3  }
0x95: {  	_ =	strace s4  }
0x96: {  	s4 =	sld [smem:$0x3FFD];
	_ =	sdelay $0x3  }
0x97: {  	_ =	strace s4  }
0x98: {  	_ =	strace $0x8FFFFFFF  }
0x99: {  	s19 =	sld [smem:$0x3FDB];
	_ =	sdelay $0x1  }
0x9a: {  	s5 =	simm.s32 $_scs_section_size  }
0x9b: {  	s6 =	simm.s32 $_size__tile_overlayer_lowered;
	s7 =	simm.s32 $_tile_overlayer_lowered  }
0x9c: {  	s22 =	simm.s32 $0x1BFF;
	s21 =	sshll.u32 s7, $0x1;
	s4 =	sadd.s32 s5, s19  }
0x9d: {  	s8 =	simm.s32 $0x0;
	s20 =	sshll.u32 s6, $0x1;
	s6 =	sadd.s32 s21, s4  }
0x9e: {  	[timem:s8], [sflag:s22] =	dma.local [hbm:s6], s20  }
0x9f: {  	_ =	swait.ge [sflag:s22], s20  }
0xa0: {  	s5 =	ssub.s32 $0x0, s20;
	[sflag:s22] =	ssyncset.done $0x0  }
0xa1: {  	[sflag:s22] =	ssyncadd.s32 s5;
	_ =	sdelay $0x1  }
0xa2: {  	s23 =	simm.s32 $0x1B8B  }
0xa3: {  	_ =	swait.ge [sflag:s23], $0x1  }
0xa4: {  	[sflag:s23] =	ssyncset.done $0x0  }
0xa5: {  	s25 =	simm.s32 $0x1B8E;
	s24 =	sld [smem:$0x3FFE];
	[sflag:s23] =	ssyncadd.s32 $0xFFFFFFFF  }
0xa6: {  	s26 =	simm.s32 $execute0_lowered;
	[smem:$0x3FD2] =	sst s25  }
0xa7: {  	s6 =	sshll.u32 s26, $0x1;
	_ =	strace $0x80000046;
	[dreg:$0x1] =	wrdreg $0xFFFFFFFF  }
0xa8: {  	s28 =	simm.s32 $_size_execute0_lowered;
	s4 =	sadd.s32 s4, s6;
	[dreg:$0x0] =	wrdreg $0x0  }
0xa9: {  	s6 =	sshll.u32 s28, $0x1;
	[dreg:$0x2] =	wrdreg s4  }
0xaa: {  	[dreg:$0x3] =	wrdreg s6  }
0xab: {  	[dreg:$0x4] =	wrdreg $0xC0  }
0xac: {  	_ =	task [dreg:s8], $0x5FFFF  }
0xad: {  	[dreg:$0x1] =	wrdreg $0xFFFFFFFF  }
0xae: {  	[dreg:$0x0] =	wrdreg $0x60  }
0xaf: {  	[dreg:$0x2] =	wrdreg s24  }
0xb0: {  	[dreg:$0x3] =	wrdreg s2  }
0xb1: {  	[dreg:$0x4] =	wrdreg s18  }
0xb2: {  	[dreg:$0x5] =	wrdreg $0x1D2800  }
0xb3: {  	[dreg:$0x6] =	wrdreg $0x9  }
0xb4: {  	_ =	task.clear_ibuf [dreg:s8], $0x7FFFF;
	_ =	strace $0x90000046  }
0xb5: {  	s29 =	simm.s32 $0x9;
	_ =	strace $0x80000048  }
0xb6: {  	_ =	swait.ge [sflag:s29], $0x1  }
0xb7: {  	[sflag:s29] =	ssyncadd.s32 $0xFFFFFFFF  }
0xb8: {  	_ =	strace $0x90000048  }
0xb9: {  	_ =	sfence  }
0xba: {  	s30 =	sld [smem:$0x0];
	_ =	sdelay $0x2  }
0xbb: {  	s31 =	sshll.u32 s1, $0xD;
	s1 =	sshrl.u32 s1, $0x2  }
0xbc: {  	s3 =	sand.u32 $0x4000, s31;
	s1 =	sadd.s32 s1, s30  }
0xbd: {  	s0 =	sor.u32 s3, s0;
	s1 =	sshll.u32 s1, $0x11  }
0xbe: {  	s0 =	sor.u32 s1, s0  }
0xbf: {  	s0 =	sadd.s32 $0x8F2B, s0  }
0xc0: {  	[sflag:s0] =	ssyncadd.remote.s32 $0x1  }
0xc1: {  	_ =	sfence.sel $0xFFFF  }
0xc2: {  	[dreg:$0x0] =	wrdreg $0xFFFFFFFF;
	(pc) =	sbr.abs _section_cstart, $3  }
0xc3: {  	[dreg:$0x1] =	wrdreg $0xFFFFFFFF  }
0xc4: {  	_ =	task.clear_ibuf [dreg:s8], $0x2FFFF;
	_ =	strace $0x9FFFFFFF  }
0xc5: {  	(tm) =	ssettm $0x7FFFFFFF  }
tec
execute0_lowered:
.L_overlay_start_1:
0x0: {  	(tag) =	ssettag $0x1  }
0x1: {  	s0 =	rddreg [dreg:$0x0]  }
0x2: {  	s1 =	rddreg [dreg:$0x1]  }
0x3: {  	s2 =	rddreg [dreg:$0x2]  }
0x4: {  	s3 =	rddreg [dreg:$0x3];
	s4 =	simm.s32 $0x0;
	s9 =	stileid.u32  }
0x5: {  	s17 =	srdreg.scid;
	[smem:$0x7FF] =	sst s4  }
0x6: {  	s5 =	sadd.s32 $0xC00, s0;
	s6 =	sshll.u32 s9, $0x9;
	s7 =	sadd.s32 $0x2C00, s0  }
0x7: {  	s0 =	sand.u32 $0x1, s17;
	s9 =	sshll.u32 s9, $0x1;
	_ =	strace $0x80000047  }
0x8: {  	s8 =	sadd.s32 s5, s6;
	s18 =	sadd.s32 s7, s6;
	s9 =	sor.u32 s0, s9  }
0x9: {  	s6 =	sor.u32 $0x100, s6;
	[dreg:$0x5] =	wrdreg s8;
	s19 =	smul.u32 $0x820, s9  }
0xa: {  	[dreg:$0x6] =	wrdreg s18;
	s5 =	sadd.s32 s5, s6;
	s20 =	smul.u32 $0x82000, s9  }
0xb: {  	s6 =	sadd.s32 s7, s6;
	s22 =	smul.u32 $0x10400, s9;
	[dreg:$0x7] =	wrdreg s5  }
0xc: {  	[dreg:$0x8] =	wrdreg s6  }
0xd: {  	s21 =	sshrl.u32 s19, $0x2;
	s5 =	sshrl.u32 s20, $0x3;
	s24 =	sadd.s32 s2, s22  }
0xe: {  	s23 =	sadd.s32 s21, s3;
	s2 =	sadd.s32 s2, s5;
	[dreg:$0xa] =	wrdreg s24  }
0xf: {  	[dreg:$0x9] =	wrdreg s23;
	s5 =	sadd.s32 $0x800, s2  }
0x10: {  	s25 =	sadd.s32 $0x1000, s2;
	[dreg:$0xb] =	wrdreg s5  }
0x11: {  	s26 =	sadd.s32 $0x1800, s2;
	[dreg:$0xc] =	wrdreg s25  }
0x12: {  	s28 =	sadd.s32 $0x2000, s2;
	[dreg:$0xd] =	wrdreg s26  }
0x13: {  	s29 =	sadd.s32 $0x2800, s2;
	[dreg:$0xe] =	wrdreg s28  }
0x14: {  	s30 =	sadd.s32 $0x3000, s2;
	[dreg:$0xf] =	wrdreg s29  }
0x15: {  	s31 =	sadd.s32 $0x3800, s2;
	[dreg:$0x10] =	wrdreg s30  }
0x16: {  	s3 =	sadd.s32 $0x4000, s2;
	[dreg:$0x11] =	wrdreg s31  }
0x17: {  	s6 =	sadd.s32 $0x4800, s2;
	[dreg:$0x12] =	wrdreg s3  }
0x18: {  	s7 =	sadd.s32 $0x5000, s2;
	[dreg:$0x13] =	wrdreg s6  }
0x19: {  	s8 =	sadd.s32 $0x5800, s2;
	[dreg:$0x14] =	wrdreg s7  }
0x1a: {  	s9 =	sadd.s32 $0x6000, s2;
	[dreg:$0x15] =	wrdreg s8  }
0x1b: {  	s10 =	sadd.s32 $0x6800, s2;
	[dreg:$0x16] =	wrdreg s9  }
0x1c: {  	s11 =	sadd.s32 $0x7000, s2;
	[dreg:$0x17] =	wrdreg s10  }
0x1d: {  	s12 =	sadd.s32 $0x7800, s2;
	[dreg:$0x18] =	wrdreg s11  }
0x1e: {  	s13 =	sadd.s32 $0x8000, s2;
	[dreg:$0x19] =	wrdreg s12  }
0x1f: {  	s14 =	sadd.s32 $0x8800, s2;
	[dreg:$0x1a] =	wrdreg s13  }
0x20: {  	s15 =	sadd.s32 $0x9000, s2;
	[dreg:$0x1b] =	wrdreg s14  }
0x21: {  	s16 =	sadd.s32 $0x9800, s2;
	[dreg:$0x1c] =	wrdreg s15  }
0x22: {  	s17 =	sadd.s32 $0xA000, s2;
	[dreg:$0x1d] =	wrdreg s16  }
0x23: {  	s18 =	sadd.s32 $0xA800, s2;
	[dreg:$0x1e] =	wrdreg s17  }
0x24: {  	s19 =	sadd.s32 $0xB000, s2;
	[dreg:$0x1f] =	wrdreg s18  }
0x25: {  	s20 =	sadd.s32 $0xB800, s2;
	[smem:$0x7F2] =	sst s19  }
0x26: {  	s21 =	sadd.s32 $0xC000, s2;
	[smem:$0x7F3] =	sst s20  }
0x27: {  	s22 =	sadd.s32 $0xC800, s2;
	[smem:$0x7F4] =	sst s21  }
0x28: {  	s23 =	sadd.s32 $0xD000, s2;
	[smem:$0x7F5] =	sst s22  }
0x29: {  	s24 =	sadd.s32 $0xD800, s2;
	[smem:$0x7F6] =	sst s23  }
0x2a: {  	s0 =	ssub.s32 $0x2, s0;
	[smem:$0x7F7] =	sst s24;
	s25 =	sadd.s32 $0xE000, s2  }
0x2b: {  	s26 =	sadd.s32 $0xE800, s2;
	s28 =	sshrl.u32 s0, $0x1;
	[smem:$0x7F8] =	sst s25  }
0x2c: {  	s29 =	sadd.s32 $0xF000, s2;
	s30 =	sadd.s32 $0xF800, s2;
	[smem:$0x7F9] =	sst s26  }
0x2d: {  	s5 =	sadd.s32 $0x100, s1;
	s2 =	sadd.s32 $0x10000, s2;
	[smem:$0x7FA] =	sst s29  }
0x2e: {  	v2 =	vlaneseq.u32;
	s6 =	sadd.s32 $0x200, s1;
	s7 =	sadd.s32 $0x300, s1;
	[smem:$0x7FB] =	sst s30  }
0x2f: {  	vm0 =	vmmov $0xffff;
	v1 =	vshrl.u32 v2, $0x3;
	s31 =	simm.s32 $0x1000;
	s0 =	ssub.s32 s0, s28;
	[smem:$0x7FC] =	sst s2  }
0x30: {  	v0 =	vand.u32 $0x7, v2;
	v2 =	vor.u32 $0x8, v2;
	v1 =	vmul.u32 $0x8, v1;
	s20 =	simm.s32 $0x1;
	[smem:$0x7FD] =	sst s31;
	s2 =	smax.u32 s0, $0x1  }
.LBB2_1:
0x31: {  	[smem:$0x7F1] =	sst s2  }
0x32: {  	s17 =	rddreg [dreg:$0x5];
	s10 =	simm.s32 $0xF  }
0x33: {  	[tilespmem:s4], [sflag:$0xF] =	stream.linear.gather [hbm4b:s17+s4], $0x800, $0x38;
	[tilespmem:$0x1D698] =	vst v63  }
0x34: {  	_ =	swait.ge [sflag:s10], $0x800  }
0x35: {  	[sflag:s10] =	ssyncset.done $0x0  }
0x36: {  	s18 =	simm.s32 $0x800;
	s30 =	rddreg [dreg:$0x6];
	[sflag:s10] =	ssyncadd.s32 $0xFFFFF800  }
0x37: {  	[tilespmem:s18], [sflag:$0xF] =	stream.linear.gather [hbm4b:s30+s4], $0x800, $0x38;
	[tilespmem:$0x1D698] =	vst v63  }
0x38: {  	_ =	swait.ge [sflag:s10], $0x800  }
0x39: {  	[sflag:s10] =	ssyncset.done $0x0  }
0x3a: {  	[sflag:s10] =	ssyncadd.s32 $0xFFFFF800  }
0x3b: {  	s0 =	simm.s32 $0x80;
	s11 =	rddreg [dreg:$0x3]  }
0x3c: {  	[spmem:s11] =	stream.indirect.scatter [tilespmem:s18], [sflag:$0x1], $0x1, s4, s0, $0xb8;
	[tilespmem:$0x1D698] =	vst v63  }
0x3d: {  	s2 =	simm.s32 $0x880  }
0x3e: {  	[spmem:s11] =	stream.indirect.scatter [tilespmem:s2], [sflag:$0x1], $0x1, s0, s0, $0xb8;
	[tilespmem:$0x1D698] =	vst v63  }
0x3f: {  	s3 =	simm.s32 $0x100;
	s30 =	simm.s32 $0x900  }
0x40: {  	[spmem:s11] =	stream.indirect.scatter [tilespmem:s30], [sflag:$0x1], $0x1, s3, s0, $0xb8;
	[tilespmem:$0x1D698] =	vst v63  }
0x41: {  	s31 =	simm.s32 $0x180;
	s8 =	simm.s32 $0x980  }
0x42: {  	[spmem:s11] =	stream.indirect.scatter [tilespmem:s8], [sflag:$0x1], $0x1, s31, s0, $0xb8;
	[tilespmem:$0x1D698] =	vst v63  }
0x43: {  	s9 =	simm.s32 $0x200;
	s12 =	simm.s32 $0xA00  }
0x44: {  	[spmem:s11] =	stream.indirect.scatter [tilespmem:s12], [sflag:$0x1], $0x1, s9, s0, $0xb8;
	[tilespmem:$0x1D698] =	vst v63  }
0x45: {  	s13 =	simm.s32 $0x280;
	s14 =	simm.s32 $0xA80  }
0x46: {  	[spmem:s11] =	stream.indirect.scatter [tilespmem:s14], [sflag:$0x1], $0x1, s13, s0, $0xb8;
	[tilespmem:$0x1D698] =	vst v63  }
0x47: {  	s15 =	simm.s32 $0x300;
	s16 =	simm.s32 $0xB00  }
0x48: {  	[spmem:s11] =	stream.indirect.scatter [tilespmem:s16], [sflag:$0x1], $0x1, s15, s0, $0xb8;
	[tilespmem:$0x1D698] =	vst v63  }
0x49: {  	s25 =	simm.s32 $0x380;
	s23 =	simm.s32 $0xB80  }
0x4a: {  	[spmem:s11] =	stream.indirect.scatter [tilespmem:s23], [sflag:$0x1], $0x1, s25, s0, $0xb8;
	[tilespmem:$0x1D698] =	vst v63  }
0x4b: {  	s24 =	simm.s32 $0x400;
	s26 =	simm.s32 $0xC00  }
0x4c: {  	[spmem:s11] =	stream.indirect.scatter [tilespmem:s26], [sflag:$0x1], $0x1, s24, s0, $0xb8;
	[tilespmem:$0x1D698] =	vst v63  }
0x4d: {  	s28 =	simm.s32 $0x480;
	s29 =	simm.s32 $0xC80  }
0x4e: {  	[spmem:s11] =	stream.indirect.scatter [tilespmem:s29], [sflag:$0x1], $0x1, s28, s0, $0xb8;
	[tilespmem:$0x1D698] =	vst v63  }
0x4f: {  	s31 =	simm.s32 $0x500;
	s16 =	simm.s32 $0xD00  }
0x50: {  	[spmem:s11] =	stream.indirect.scatter [tilespmem:s16], [sflag:$0x1], $0x1, s31, s0, $0xb8;
	[tilespmem:$0x1D698] =	vst v63  }
0x51: {  	s22 =	simm.s32 $0x580;
	s14 =	simm.s32 $0xD80  }
0x52: {  	[spmem:s11] =	stream.indirect.scatter [tilespmem:s14], [sflag:$0x1], $0x1, s22, s0, $0xb8;
	[tilespmem:$0x1D698] =	vst v63  }
0x53: {  	s19 =	simm.s32 $0x600;
	s12 =	simm.s32 $0xE00  }
0x54: {  	[spmem:s11] =	stream.indirect.scatter [tilespmem:s12], [sflag:$0x1], $0x1, s19, s0, $0xb8;
	[tilespmem:$0x1D698] =	vst v63  }
0x55: {  	s8 =	simm.s32 $0xE80;
	s13 =	simm.s32 $0x680  }
0x56: {  	[spmem:s11] =	stream.indirect.scatter [tilespmem:s8], [sflag:$0x1], $0x1, s13, s0, $0xb8;
	[tilespmem:$0x1D698] =	vst v63  }
0x57: {  	s3 =	simm.s32 $0xF00;
	s9 =	simm.s32 $0x700  }
0x58: {  	[spmem:s11] =	stream.indirect.scatter [tilespmem:s3], [sflag:$0x1], $0x1, s9, s0, $0xb8;
	[tilespmem:$0x1D698] =	vst v63  }
0x59: {  	s21 =	simm.s32 $0x780;
	s15 =	simm.s32 $0xF80  }
0x5a: {  	[spmem:s11] =	stream.indirect.scatter [tilespmem:s15], [sflag:$0x1], $0x1, s21, s0, $0xb8;
	[tilespmem:$0x1D698] =	vst v63  }
0x5b: {  	_ =	swait.ge [sflag:s20], $0x80  }
0x5c: {  	[sflag:s20] =	ssyncset.done $0x0  }
0x5d: {  	[sflag:s20] =	ssyncadd.s32 $0xFFFFFF80  }
0x5e: {  	_ =	swait.ge [sflag:s20], $0x80  }
0x5f: {  	[sflag:s20] =	ssyncset.done $0x0  }
0x60: {  	[sflag:s20] =	ssyncadd.s32 $0xFFFFFF80  }
0x61: {  	_ =	swait.ge [sflag:s20], $0x80  }
0x62: {  	[sflag:s20] =	ssyncset.done $0x0  }
0x63: {  	[sflag:s20] =	ssyncadd.s32 $0xFFFFFF80  }
0x64: {  	_ =	swait.ge [sflag:s20], $0x80  }
0x65: {  	[sflag:s20] =	ssyncset.done $0x0  }
0x66: {  	[sflag:s20] =	ssyncadd.s32 $0xFFFFFF80  }
0x67: {  	_ =	swait.ge [sflag:s20], $0x80  }
0x68: {  	[sflag:s20] =	ssyncset.done $0x0  }
0x69: {  	[sflag:s20] =	ssyncadd.s32 $0xFFFFFF80  }
0x6a: {  	_ =	swait.ge [sflag:s20], $0x80  }
0x6b: {  	[sflag:s20] =	ssyncset.done $0x0  }
0x6c: {  	[sflag:s20] =	ssyncadd.s32 $0xFFFFFF80  }
0x6d: {  	_ =	swait.ge [sflag:s20], $0x80  }
0x6e: {  	[sflag:s20] =	ssyncset.done $0x0  }
0x6f: {  	[sflag:s20] =	ssyncadd.s32 $0xFFFFFF80  }
0x70: {  	_ =	swait.ge [sflag:s20], $0x80  }
0x71: {  	[sflag:s20] =	ssyncset.done $0x0  }
0x72: {  	[sflag:s20] =	ssyncadd.s32 $0xFFFFFF80  }
0x73: {  	_ =	swait.ge [sflag:s20], $0x80  }
0x74: {  	[sflag:s20] =	ssyncset.done $0x0  }
0x75: {  	[sflag:s20] =	ssyncadd.s32 $0xFFFFFF80  }
0x76: {  	_ =	swait.ge [sflag:s20], $0x80  }
0x77: {  	[sflag:s20] =	ssyncset.done $0x0  }
0x78: {  	[sflag:s20] =	ssyncadd.s32 $0xFFFFFF80  }
0x79: {  	_ =	swait.ge [sflag:s20], $0x80  }
0x7a: {  	[sflag:s20] =	ssyncset.done $0x0  }
0x7b: {  	[sflag:s20] =	ssyncadd.s32 $0xFFFFFF80  }
0x7c: {  	_ =	swait.ge [sflag:s20], $0x80  }
0x7d: {  	[sflag:s20] =	ssyncset.done $0x0  }
0x7e: {  	[sflag:s20] =	ssyncadd.s32 $0xFFFFFF80  }
0x7f: {  	_ =	swait.ge [sflag:s20], $0x80  }
0x80: {  	[sflag:s20] =	ssyncset.done $0x0  }
0x81: {  	[sflag:s20] =	ssyncadd.s32 $0xFFFFFF80  }
0x82: {  	_ =	swait.ge [sflag:s20], $0x80  }
0x83: {  	[sflag:s20] =	ssyncset.done $0x0  }
0x84: {  	[sflag:s20] =	ssyncadd.s32 $0xFFFFFF80  }
0x85: {  	_ =	swait.ge [sflag:s20], $0x80  }
0x86: {  	[sflag:s20] =	ssyncset.done $0x0  }
0x87: {  	[sflag:s20] =	ssyncadd.s32 $0xFFFFFF80  }
0x88: {  	_ =	swait.ge [sflag:s20], $0x80  }
0x89: {  	[sflag:s20] =	ssyncset.done $0x0  }
0x8a: {  	s17 =	rddreg [dreg:$0x7];
	[sflag:s20] =	ssyncadd.s32 $0xFFFFFF80  }
0x8b: {  	[tilespmem:s4], [sflag:$0xF] =	stream.linear.gather [hbm4b:s17+s4], $0x800, $0x38;
	[tilespmem:$0x1D698] =	vst v63  }
0x8c: {  	_ =	swait.ge [sflag:s10], $0x800  }
0x8d: {  	[sflag:s10] =	ssyncset.done $0x0  }
0x8e: {  	s17 =	rddreg [dreg:$0x8];
	[sflag:s10] =	ssyncadd.s32 $0xFFFFF800  }
0x8f: {  	[tilespmem:s18], [sflag:$0xF] =	stream.linear.gather [hbm4b:s17+s4], $0x800, $0x38;
	[tilespmem:$0x1D698] =	vst v63  }
0x90: {  	_ =	swait.ge [sflag:s10], $0x800  }
0x91: {  	[sflag:s10] =	ssyncset.done $0x0  }
0x92: {  	[sflag:s10] =	ssyncadd.s32 $0xFFFFF800  }
0x93: {  	[spmem:s11] =	stream.indirect.scatter [tilespmem:s18], [sflag:$0x1], $0x1, s4, s0, $0xb8;
	[tilespmem:$0x1D698] =	vst v63  }
0x94: {  	_ = 	snop  }
0x95: {  	[spmem:s11] =	stream.indirect.scatter [tilespmem:s2], [sflag:$0x1], $0x1, s0, s0, $0xb8;
	[tilespmem:$0x1D698] =	vst v63  }
0x96: {  	s17 =	simm.s32 $0x100  }
0x97: {  	[spmem:s11] =	stream.indirect.scatter [tilespmem:s30], [sflag:$0x1], $0x1, s17, s0, $0xb8;
	[tilespmem:$0x1D698] =	vst v63  }
0x98: {  	s18 =	simm.s32 $0x180;
	s30 =	simm.s32 $0x980  }
0x99: {  	[spmem:s11] =	stream.indirect.scatter [tilespmem:s30], [sflag:$0x1], $0x1, s18, s0, $0xb8;
	[tilespmem:$0x1D698] =	vst v63  }
0x9a: {  	s18 =	simm.s32 $0xA00;
	s30 =	simm.s32 $0x200  }
0x9b: {  	[spmem:s11] =	stream.indirect.scatter [tilespmem:s18], [sflag:$0x1], $0x1, s30, s0, $0xb8;
	[tilespmem:$0x1D698] =	vst v63  }
0x9c: {  	s18 =	simm.s32 $0x280;
	s30 =	simm.s32 $0xA80  }
0x9d: {  	[spmem:s11] =	stream.indirect.scatter [tilespmem:s30], [sflag:$0x1], $0x1, s18, s0, $0xb8;
	[tilespmem:$0x1D698] =	vst v63  }
0x9e: {  	s17 =	simm.s32 $0x300;
	s18 =	simm.s32 $0xB00  }
0x9f: {  	[spmem:s11] =	stream.indirect.scatter [tilespmem:s18], [sflag:$0x1], $0x1, s17, s0, $0xb8;
	[tilespmem:$0x1D698] =	vst v63  }
0xa0: {  	_ = 	snop  }
0xa1: {  	[spmem:s11] =	stream.indirect.scatter [tilespmem:s23], [sflag:$0x1], $0x1, s25, s0, $0xb8;
	[tilespmem:$0x1D698] =	vst v63  }
0xa2: {  	_ = 	snop  }
0xa3: {  	[spmem:s11] =	stream.indirect.scatter [tilespmem:s26], [sflag:$0x1], $0x1, s24, s0, $0xb8;
	[tilespmem:$0x1D698] =	vst v63  }
0xa4: {  	_ = 	snop  }
0xa5: {  	[spmem:s11] =	stream.indirect.scatter [tilespmem:s29], [sflag:$0x1], $0x1, s28, s0, $0xb8;
	[tilespmem:$0x1D698] =	vst v63  }
0xa6: {  	_ = 	snop  }
0xa7: {  	[spmem:s11] =	stream.indirect.scatter [tilespmem:s16], [sflag:$0x1], $0x1, s31, s0, $0xb8;
	[tilespmem:$0x1D698] =	vst v63  }
0xa8: {  	_ = 	snop  }
0xa9: {  	[spmem:s11] =	stream.indirect.scatter [tilespmem:s14], [sflag:$0x1], $0x1, s22, s0, $0xb8;
	[tilespmem:$0x1D698] =	vst v63  }
0xaa: {  	_ = 	snop  }
0xab: {  	[spmem:s11] =	stream.indirect.scatter [tilespmem:s12], [sflag:$0x1], $0x1, s19, s0, $0xb8;
	[tilespmem:$0x1D698] =	vst v63  }
0xac: {  	_ = 	snop  }
0xad: {  	[spmem:s11] =	stream.indirect.scatter [tilespmem:s8], [sflag:$0x1], $0x1, s13, s0, $0xb8;
	[tilespmem:$0x1D698] =	vst v63  }
0xae: {  	_ = 	snop  }
0xaf: {  	[spmem:s11] =	stream.indirect.scatter [tilespmem:s3], [sflag:$0x1], $0x1, s9, s0, $0xb8;
	[tilespmem:$0x1D698] =	vst v63  }
0xb0: {  	_ = 	snop  }
0xb1: {  	[spmem:s11] =	stream.indirect.scatter [tilespmem:s15], [sflag:$0x1], $0x1, s21, s0, $0xb8;
	[tilespmem:$0x1D698] =	vst v63  }
0xb2: {  	_ =	swait.ge [sflag:s20], $0x80  }
0xb3: {  	[sflag:s20] =	ssyncset.done $0x0  }
0xb4: {  	[sflag:s20] =	ssyncadd.s32 $0xFFFFFF80  }
0xb5: {  	_ =	swait.ge [sflag:s20], $0x80  }
0xb6: {  	[sflag:s20] =	ssyncset.done $0x0  }
0xb7: {  	[sflag:s20] =	ssyncadd.s32 $0xFFFFFF80  }
0xb8: {  	_ =	swait.ge [sflag:s20], $0x80  }
0xb9: {  	[sflag:s20] =	ssyncset.done $0x0  }
0xba: {  	[sflag:s20] =	ssyncadd.s32 $0xFFFFFF80  }
0xbb: {  	_ =	swait.ge [sflag:s20], $0x80  }
0xbc: {  	[sflag:s20] =	ssyncset.done $0x0  }
0xbd: {  	[sflag:s20] =	ssyncadd.s32 $0xFFFFFF80  }
0xbe: {  	_ =	swait.ge [sflag:s20], $0x80  }
0xbf: {  	[sflag:s20] =	ssyncset.done $0x0  }
0xc0: {  	[sflag:s20] =	ssyncadd.s32 $0xFFFFFF80  }
0xc1: {  	_ =	swait.ge [sflag:s20], $0x80  }
0xc2: {  	[sflag:s20] =	ssyncset.done $0x0  }
0xc3: {  	[sflag:s20] =	ssyncadd.s32 $0xFFFFFF80  }
0xc4: {  	_ =	swait.ge [sflag:s20], $0x80  }
0xc5: {  	[sflag:s20] =	ssyncset.done $0x0  }
0xc6: {  	[sflag:s20] =	ssyncadd.s32 $0xFFFFFF80  }
0xc7: {  	_ =	swait.ge [sflag:s20], $0x80  }
0xc8: {  	[sflag:s20] =	ssyncset.done $0x0  }
0xc9: {  	[sflag:s20] =	ssyncadd.s32 $0xFFFFFF80  }
0xca: {  	_ =	swait.ge [sflag:s20], $0x80  }
0xcb: {  	[sflag:s20] =	ssyncset.done $0x0  }
0xcc: {  	[sflag:s20] =	ssyncadd.s32 $0xFFFFFF80  }
0xcd: {  	_ =	swait.ge [sflag:s20], $0x80  }
0xce: {  	[sflag:s20] =	ssyncset.done $0x0  }
0xcf: {  	[sflag:s20] =	ssyncadd.s32 $0xFFFFFF80  }
0xd0: {  	_ =	swait.ge [sflag:s20], $0x80  }
0xd1: {  	[sflag:s20] =	ssyncset.done $0x0  }
0xd2: {  	[sflag:s20] =	ssyncadd.s32 $0xFFFFFF80  }
0xd3: {  	_ =	swait.ge [sflag:s20], $0x80  }
0xd4: {  	[sflag:s20] =	ssyncset.done $0x0  }
0xd5: {  	[sflag:s20] =	ssyncadd.s32 $0xFFFFFF80  }
0xd6: {  	_ =	swait.ge [sflag:s20], $0x80  }
0xd7: {  	[sflag:s20] =	ssyncset.done $0x0  }
0xd8: {  	[sflag:s20] =	ssyncadd.s32 $0xFFFFFF80  }
0xd9: {  	_ =	swait.ge [sflag:s20], $0x80  }
0xda: {  	[sflag:s20] =	ssyncset.done $0x0  }
0xdb: {  	[sflag:s20] =	ssyncadd.s32 $0xFFFFFF80  }
0xdc: {  	_ =	swait.ge [sflag:s20], $0x80  }
0xdd: {  	[sflag:s20] =	ssyncset.done $0x0  }
0xde: {  	[sflag:s20] =	ssyncadd.s32 $0xFFFFFF80  }
0xdf: {  	_ =	swait.ge [sflag:s20], $0x80  }
0xe0: {  	[sflag:s20] =	ssyncset.done $0x0  }
0xe1: {  	[sflag:s20] =	ssyncadd.s32 $0xFFFFFF80  }
0xe2: {  	[bflag:$0x0] =	sbarrier.arrive $0xFFFF  }
0xe3: {  	s26 =	sld [smem:$0x7FD];
	_ =	sdelay $0x1  }
0xe4: {  	s25 =	rddreg [dreg:$0x9]  }
0xe5: {  	[tilespmem:s26], [sflag:$0xF] =	stream.linear.gather [spmem:s25], $0x208, $0x38;
	[tilespmem:$0x1D698] =	vst v63  }
0xe6: {  	_ =	swait.ge [sflag:s10], $0x208  }
0xe7: {  	[sflag:s10] =	ssyncset.done $0x0  }
0xe8: {  	[sflag:s10] =	ssyncadd.s32 $0xFFFFFDF8  }
0xe9: {  	v3 =	vld [tilespmem:$0x1000];
	_ =	sdelay $0x4  }
0xea: {  	v4 =	vshll.u32 v3, $0x3  }
0xeb: {  	v3 =	vand.u32 $0x7, v3;
	v4 =	vand.u32 $0xFFFFFFC0, v4  }
0xec: {  	v3 =	vor.u32 v3, v4  }
0xed: {  	v4 =	vperm.xlane v3, v0;
	_ =	sdelay $0x1  }
0xee: {  	v4 =	vadd.s32 v1, v4;
	_ =	sdelay $0x3  }
0xef: {  	s23 =	simm.s32 $0x1280  }
0xf0: {  	[tilespmem:s23], [sflag:$0x1] =	stream.indirect_vreg.gather [hbm4b:s1+s4], $0x80, v4, vm0, $0xb8;
	[tilespmem:$0x1D698] =	vst v63  }
0xf1: {  	s28 =	simm.s32 $0x1A80;
	v3 =	vperm.xlane v3, v2  }
0xf2: {  	[tilespmem:s28], [sflag:$0x1] =	stream.indirect_vreg.gather [hbm4b:s5+s4], $0x80, v4, vm0, $0xb8;
	[tilespmem:$0x1D698] =	vst v63  }
0xf3: {  	s29 =	simm.s32 $0x2280;
	v3 =	vadd.s32 v1, v3  }
0xf4: {  	[tilespmem:s29], [sflag:$0x1] =	stream.indirect_vreg.gather [hbm4b:s6+s4], $0x80, v4, vm0, $0xb8;
	[tilespmem:$0x1D698] =	vst v63  }
0xf5: {  	s30 =	simm.s32 $0x2A80  }
0xf6: {  	[tilespmem:s30], [sflag:$0x1] =	stream.indirect_vreg.gather [hbm4b:s7+s4], $0x80, v4, vm0, $0xb8;
	[tilespmem:$0x1D698] =	vst v63  }
0xf7: {  	s31 =	simm.s32 $0x3280  }
0xf8: {  	[tilespmem:s31], [sflag:$0x1] =	stream.indirect_vreg.gather [hbm4b:s1+s4], $0x80, v3, vm0, $0xb8;
	[tilespmem:$0x1D698] =	vst v63  }
0xf9: {  	s3 =	simm.s32 $0x3A80  }
0xfa: {  	[tilespmem:s3], [sflag:$0x1] =	stream.indirect_vreg.gather [hbm4b:s5+s4], $0x80, v3, vm0, $0xb8;
	[tilespmem:$0x1D698] =	vst v63  }
0xfb: {  	s8 =	simm.s32 $0x4280  }
0xfc: {  	[tilespmem:s8], [sflag:$0x1] =	stream.indirect_vreg.gather [hbm4b:s6+s4], $0x80, v3, vm0, $0xb8;
	[tilespmem:$0x1D698] =	vst v63  }
0xfd: {  	s11 =	simm.s32 $0x4A80  }
0xfe: {  	[tilespmem:s11], [sflag:$0x1] =	stream.indirect_vreg.gather [hbm4b:s7+s4], $0x80, v3, vm0, $0xb8;
	[tilespmem:$0x1D698] =	vst v63  }
0xff: {  	v3 =	vld [tilespmem:$0x1010];
	_ =	sdelay $0x4  }
0x100: {  	v32 =	vshll.u32 v3, $0x3  }
0x101: {  	v3 =	vand.u32 $0x7, v3;
	v4 =	vand.u32 $0xFFFFFFC0, v32  }
0x102: {  	v3 =	vor.u32 v3, v4  }
0x103: {  	v4 =	vperm.xlane v3, v0;
	_ =	sdelay $0x1  }
0x104: {  	v4 =	vadd.s32 v1, v4;
	_ =	sdelay $0x3  }
0x105: {  	s22 =	simm.s32 $0x5280  }
0x106: {  	[tilespmem:s22], [sflag:$0x2] =	stream.indirect_vreg.gather [hbm4b:s1+s4], $0x80, v4, vm0, $0xb8;
	[tilespmem:$0x1D698] =	vst v63  }
0x107: {  	s13 =	simm.s32 $0x5A80;
	v3 =	vperm.xlane v3, v2  }
0x108: {  	[tilespmem:s13], [sflag:$0x2] =	stream.indirect_vreg.gather [hbm4b:s5+s4], $0x80, v4, vm0, $0xb8;
	[tilespmem:$0x1D698] =	vst v63  }
0x109: {  	s15 =	simm.s32 $0x6280;
	v3 =	vadd.s32 v1, v3  }
0x10a: {  	[tilespmem:s15], [sflag:$0x2] =	stream.indirect_vreg.gather [hbm4b:s6+s4], $0x80, v4, vm0, $0xb8;
	[tilespmem:$0x1D698] =	vst v63  }
0x10b: {  	s16 =	simm.s32 $0x6A80  }
0x10c: {  	[tilespmem:s16], [sflag:$0x2] =	stream.indirect_vreg.gather [hbm4b:s7+s4], $0x80, v4, vm0, $0xb8;
	[tilespmem:$0x1D698] =	vst v63  }
0x10d: {  	s17 =	simm.s32 $0x7280  }
0x10e: {  	[tilespmem:s17], [sflag:$0x2] =	stream.indirect_vreg.gather [hbm4b:s1+s4], $0x80, v3, vm0, $0xb8;
	[tilespmem:$0x1D698] =	vst v63  }
0x10f: {  	s19 =	simm.s32 $0x7A80  }
0x110: {  	[tilespmem:s19], [sflag:$0x2] =	stream.indirect_vreg.gather [hbm4b:s5+s4], $0x80, v3, vm0, $0xb8;
	[tilespmem:$0x1D698] =	vst v63  }
0x111: {  	s21 =	simm.s32 $0x8280  }
0x112: {  	[tilespmem:s21], [sflag:$0x2] =	stream.indirect_vreg.gather [hbm4b:s6+s4], $0x80, v3, vm0, $0xb8;
	[tilespmem:$0x1D698] =	vst v63  }
0x113: {  	s24 =	simm.s32 $0x8A80  }
0x114: {  	[tilespmem:s24], [sflag:$0x2] =	stream.indirect_vreg.gather [hbm4b:s7+s4], $0x80, v3, vm0, $0xb8;
	[tilespmem:$0x1D698] =	vst v63  }
0x115: {  	v3 =	vld [tilespmem:$0x1020];
	_ =	sdelay $0x4  }
0x116: {  	v33 =	vshll.u32 v3, $0x3  }
0x117: {  	v3 =	vand.u32 $0x7, v3;
	v4 =	vand.u32 $0xFFFFFFC0, v33  }
0x118: {  	v3 =	vor.u32 v3, v4  }
0x119: {  	v4 =	vperm.xlane v3, v0;
	_ =	sdelay $0x1  }
0x11a: {  	v4 =	vadd.s32 v1, v4;
	_ =	sdelay $0x3  }
0x11b: {  	s24 =	simm.s32 $0x9280  }
0x11c: {  	[tilespmem:s24], [sflag:$0x3] =	stream.indirect_vreg.gather [hbm4b:s1+s4], $0x80, v4, vm0, $0xb8;
	[tilespmem:$0x1D698] =	vst v63  }
0x11d: {  	s25 =	simm.s32 $0x9A80;
	v3 =	vperm.xlane v3, v2  }
0x11e: {  	[tilespmem:s25], [sflag:$0x3] =	stream.indirect_vreg.gather [hbm4b:s5+s4], $0x80, v4, vm0, $0xb8;
	[tilespmem:$0x1D698] =	vst v63  }
0x11f: {  	s26 =	simm.s32 $0xA280;
	v3 =	vadd.s32 v1, v3  }
0x120: {  	[tilespmem:s26], [sflag:$0x3] =	stream.indirect_vreg.gather [hbm4b:s6+s4], $0x80, v4, vm0, $0xb8;
	[tilespmem:$0x1D698] =	vst v63  }
0x121: {  	s15 =	simm.s32 $0xAA80  }
0x122: {  	[tilespmem:s15], [sflag:$0x3] =	stream.indirect_vreg.gather [hbm4b:s7+s4], $0x80, v4, vm0, $0xb8;
	[tilespmem:$0x1D698] =	vst v63  }
0x123: {  	s17 =	simm.s32 $0xB280  }
0x124: {  	[tilespmem:s17], [sflag:$0x3] =	stream.indirect_vreg.gather [hbm4b:s1+s4], $0x80, v3, vm0, $0xb8;
	[tilespmem:$0x1D698] =	vst v63  }
0x125: {  	s19 =	simm.s32 $0xBA80  }
0x126: {  	[tilespmem:s19], [sflag:$0x3] =	stream.indirect_vreg.gather [hbm4b:s5+s4], $0x80, v3, vm0, $0xb8;
	[tilespmem:$0x1D698] =	vst v63  }
0x127: {  	s21 =	simm.s32 $0xC280  }
0x128: {  	[tilespmem:s21], [sflag:$0x3] =	stream.indirect_vreg.gather [hbm4b:s6+s4], $0x80, v3, vm0, $0xb8;
	[tilespmem:$0x1D698] =	vst v63  }
0x129: {  	s25 =	simm.s32 $0xCA80  }
0x12a: {  	[tilespmem:s25], [sflag:$0x3] =	stream.indirect_vreg.gather [hbm4b:s7+s4], $0x80, v3, vm0, $0xb8;
	[tilespmem:$0x1D698] =	vst v63  }
0x12b: {  	v3 =	vld [tilespmem:$0x1030];
	_ =	sdelay $0x4  }
0x12c: {  	v34 =	vshll.u32 v3, $0x3  }
0x12d: {  	v3 =	vand.u32 $0x7, v3;
	v4 =	vand.u32 $0xFFFFFFC0, v34  }
0x12e: {  	v3 =	vor.u32 v3, v4  }
0x12f: {  	v4 =	vperm.xlane v3, v0;
	_ =	sdelay $0x1  }
0x130: {  	v4 =	vadd.s32 v1, v4;
	_ =	sdelay $0x3  }
0x131: {  	s21 =	simm.s32 $0xD280  }
0x132: {  	[tilespmem:s21], [sflag:$0x4] =	stream.indirect_vreg.gather [hbm4b:s1+s4], $0x80, v4, vm0, $0xb8;
	[tilespmem:$0x1D698] =	vst v63  }
0x133: {  	s26 =	simm.s32 $0xDA80;
	v3 =	vperm.xlane v3, v2  }
0x134: {  	[tilespmem:s26], [sflag:$0x4] =	stream.indirect_vreg.gather [hbm4b:s5+s4], $0x80, v4, vm0, $0xb8;
	[tilespmem:$0x1D698] =	vst v63  }
0x135: {  	s15 =	simm.s32 $0xE280;
	v3 =	vadd.s32 v1, v3  }
0x136: {  	[tilespmem:s15], [sflag:$0x4] =	stream.indirect_vreg.gather [hbm4b:s6+s4], $0x80, v4, vm0, $0xb8;
	[tilespmem:$0x1D698] =	vst v63  }
0x137: {  	s17 =	simm.s32 $0xEA80  }
0x138: {  	[tilespmem:s17], [sflag:$0x4] =	stream.indirect_vreg.gather [hbm4b:s7+s4], $0x80, v4, vm0, $0xb8;
	[tilespmem:$0x1D698] =	vst v63  }
0x139: {  	s19 =	simm.s32 $0xF280  }
0x13a: {  	[tilespmem:s19], [sflag:$0x4] =	stream.indirect_vreg.gather [hbm4b:s1+s4], $0x80, v3, vm0, $0xb8;
	[tilespmem:$0x1D698] =	vst v63  }
0x13b: {  	s25 =	simm.s32 $0xFA80  }
0x13c: {  	[tilespmem:s25], [sflag:$0x4] =	stream.indirect_vreg.gather [hbm4b:s5+s4], $0x80, v3, vm0, $0xb8;
	[tilespmem:$0x1D698] =	vst v63  }
0x13d: {  	s26 =	simm.s32 $0x10280  }
0x13e: {  	[tilespmem:s26], [sflag:$0x4] =	stream.indirect_vreg.gather [hbm4b:s6+s4], $0x80, v3, vm0, $0xb8;
	[tilespmem:$0x1D698] =	vst v63  }
0x13f: {  	s15 =	simm.s32 $0x10A80  }
0x140: {  	[tilespmem:s15], [sflag:$0x4] =	stream.indirect_vreg.gather [hbm4b:s7+s4], $0x80, v3, vm0, $0xb8;
	[tilespmem:$0x1D698] =	vst v63  }
0x141: {  	v3 =	vld [tilespmem:$0x1040];
	_ =	sdelay $0x4  }
0x142: {  	v35 =	vshll.u32 v3, $0x3  }
0x143: {  	v3 =	vand.u32 $0x7, v3;
	v4 =	vand.u32 $0xFFFFFFC0, v35  }
0x144: {  	v3 =	vor.u32 v3, v4  }
0x145: {  	v4 =	vperm.xlane v3, v0;
	_ =	sdelay $0x1  }
0x146: {  	v4 =	vadd.s32 v1, v4;
	_ =	sdelay $0x3  }
0x147: {  	s19 =	simm.s32 $0x11280  }
0x148: {  	[tilespmem:s19], [sflag:$0x5] =	stream.indirect_vreg.gather [hbm4b:s1+s4], $0x80, v4, vm0, $0xb8;
	[tilespmem:$0x1D698] =	vst v63  }
0x149: {  	s17 =	simm.s32 $0x11A80;
	v3 =	vperm.xlane v3, v2  }
0x14a: {  	[tilespmem:s17], [sflag:$0x5] =	stream.indirect_vreg.gather [hbm4b:s5+s4], $0x80, v4, vm0, $0xb8;
	[tilespmem:$0x1D698] =	vst v63  }
0x14b: {  	s25 =	simm.s32 $0x12280;
	v3 =	vadd.s32 v1, v3  }
0x14c: {  	[tilespmem:s25], [sflag:$0x5] =	stream.indirect_vreg.gather [hbm4b:s6+s4], $0x80, v4, vm0, $0xb8;
	[tilespmem:$0x1D698] =	vst v63  }
0x14d: {  	s26 =	simm.s32 $0x12A80  }
0x14e: {  	[tilespmem:s26], [sflag:$0x5] =	stream.indirect_vreg.gather [hbm4b:s7+s4], $0x80, v4, vm0, $0xb8;
	[tilespmem:$0x1D698] =	vst v63  }
0x14f: {  	s15 =	simm.s32 $0x13280  }
0x150: {  	[tilespmem:s15], [sflag:$0x5] =	stream.indirect_vreg.gather [hbm4b:s1+s4], $0x80, v3, vm0, $0xb8;
	[tilespmem:$0x1D698] =	vst v63  }
0x151: {  	s17 =	simm.s32 $0x13A80  }
0x152: {  	[tilespmem:s17], [sflag:$0x5] =	stream.indirect_vreg.gather [hbm4b:s5+s4], $0x80, v3, vm0, $0xb8;
	[tilespmem:$0x1D698] =	vst v63  }
0x153: {  	s25 =	simm.s32 $0x14280  }
0x154: {  	[tilespmem:s25], [sflag:$0x5] =	stream.indirect_vreg.gather [hbm4b:s6+s4], $0x80, v3, vm0, $0xb8;
	[tilespmem:$0x1D698] =	vst v63  }
0x155: {  	s26 =	simm.s32 $0x14A80  }
0x156: {  	[tilespmem:s26], [sflag:$0x5] =	stream.indirect_vreg.gather [hbm4b:s7+s4], $0x80, v3, vm0, $0xb8;
	[tilespmem:$0x1D698] =	vst v63  }
0x157: {  	v3 =	vld [tilespmem:$0x1050];
	_ =	sdelay $0x4  }
0x158: {  	v36 =	vshll.u32 v3, $0x3  }
0x159: {  	v3 =	vand.u32 $0x7, v3;
	v4 =	vand.u32 $0xFFFFFFC0, v36  }
0x15a: {  	v3 =	vor.u32 v3, v4  }
0x15b: {  	v4 =	vperm.xlane v3, v0;
	_ =	sdelay $0x1  }
0x15c: {  	v4 =	vadd.s32 v1, v4;
	_ =	sdelay $0x3  }
0x15d: {  	s26 =	simm.s32 $0x15280  }
0x15e: {  	[tilespmem:s26], [sflag:$0x6] =	stream.indirect_vreg.gather [hbm4b:s1+s4], $0x80, v4, vm0, $0xb8;
	[tilespmem:$0x1D698] =	vst v63  }
0x15f: {  	s15 =	simm.s32 $0x15A80;
	v3 =	vperm.xlane v3, v2  }
0x160: {  	[tilespmem:s15], [sflag:$0x6] =	stream.indirect_vreg.gather [hbm4b:s5+s4], $0x80, v4, vm0, $0xb8;
	[tilespmem:$0x1D698] =	vst v63  }
0x161: {  	s17 =	simm.s32 $0x16280;
	v3 =	vadd.s32 v1, v3  }
0x162: {  	[tilespmem:s17], [sflag:$0x6] =	stream.indirect_vreg.gather [hbm4b:s6+s4], $0x80, v4, vm0, $0xb8;
	[tilespmem:$0x1D698] =	vst v63  }
0x163: {  	s25 =	simm.s32 $0x16A80  }
0x164: {  	[tilespmem:s25], [sflag:$0x6] =	stream.indirect_vreg.gather [hbm4b:s7+s4], $0x80, v4, vm0, $0xb8;
	[tilespmem:$0x1D698] =	vst v63  }
0x165: {  	s15 =	simm.s32 $0x17280  }
0x166: {  	[tilespmem:s15], [sflag:$0x6] =	stream.indirect_vreg.gather [hbm4b:s1+s4], $0x80, v3, vm0, $0xb8;
	[tilespmem:$0x1D698] =	vst v63  }
0x167: {  	s17 =	simm.s32 $0x17A80  }
0x168: {  	[tilespmem:s17], [sflag:$0x6] =	stream.indirect_vreg.gather [hbm4b:s5+s4], $0x80, v3, vm0, $0xb8;
	[tilespmem:$0x1D698] =	vst v63  }
0x169: {  	s25 =	simm.s32 $0x18280  }
0x16a: {  	[tilespmem:s25], [sflag:$0x6] =	stream.indirect_vreg.gather [hbm4b:s6+s4], $0x80, v3, vm0, $0xb8;
	[tilespmem:$0x1D698] =	vst v63  }
0x16b: {  	s15 =	simm.s32 $0x18A80  }
0x16c: {  	[tilespmem:s15], [sflag:$0x6] =	stream.indirect_vreg.gather [hbm4b:s7+s4], $0x80, v3, vm0, $0xb8;
	[tilespmem:$0x1D698] =	vst v63  }
0x16d: {  	v3 =	vld [tilespmem:$0x1060];
	_ =	sdelay $0x4  }
0x16e: {  	v37 =	vshll.u32 v3, $0x3  }
0x16f: {  	v3 =	vand.u32 $0x7, v3;
	v4 =	vand.u32 $0xFFFFFFC0, v37  }
0x170: {  	v3 =	vor.u32 v3, v4  }
0x171: {  	v4 =	vperm.xlane v3, v0;
	_ =	sdelay $0x1  }
0x172: {  	v4 =	vadd.s32 v1, v4;
	_ =	sdelay $0x3  }
0x173: {  	s25 =	simm.s32 $0x19280  }
0x174: {  	[tilespmem:s25], [sflag:$0x7] =	stream.indirect_vreg.gather [hbm4b:s1+s4], $0x80, v4, vm0, $0xb8;
	[tilespmem:$0x1D698] =	vst v63  }
0x175: {  	s17 =	simm.s32 $0x19A80;
	v3 =	vperm.xlane v3, v2  }
0x176: {  	[tilespmem:s17], [sflag:$0x7] =	stream.indirect_vreg.gather [hbm4b:s5+s4], $0x80, v4, vm0, $0xb8;
	[tilespmem:$0x1D698] =	vst v63  }
0x177: {  	s15 =	simm.s32 $0x1A280;
	v3 =	vadd.s32 v1, v3  }
0x178: {  	[tilespmem:s15], [sflag:$0x7] =	stream.indirect_vreg.gather [hbm4b:s6+s4], $0x80, v4, vm0, $0xb8;
	[tilespmem:$0x1D698] =	vst v63  }
0x179: {  	s17 =	simm.s32 $0x1AA80  }
0x17a: {  	[tilespmem:s17], [sflag:$0x7] =	stream.indirect_vreg.gather [hbm4b:s7+s4], $0x80, v4, vm0, $0xb8;
	[tilespmem:$0x1D698] =	vst v63  }
0x17b: {  	s15 =	simm.s32 $0x1B280  }
0x17c: {  	[tilespmem:s15], [sflag:$0x7] =	stream.indirect_vreg.gather [hbm4b:s1+s4], $0x80, v3, vm0, $0xb8;
	[tilespmem:$0x1D698] =	vst v63  }
0x17d: {  	s17 =	simm.s32 $0x1BA80  }
0x17e: {  	[tilespmem:s17], [sflag:$0x7] =	stream.indirect_vreg.gather [hbm4b:s5+s4], $0x80, v3, vm0, $0xb8;
	[tilespmem:$0x1D698] =	vst v63  }
0x17f: {  	s15 =	simm.s32 $0x1C280  }
0x180: {  	[tilespmem:s15], [sflag:$0x7] =	stream.indirect_vreg.gather [hbm4b:s6+s4], $0x80, v3, vm0, $0xb8;
	[tilespmem:$0x1D698] =	vst v63  }
0x181: {  	s17 =	simm.s32 $0x1CA80  }
0x182: {  	[tilespmem:s17], [sflag:$0x7] =	stream.indirect_vreg.gather [hbm4b:s7+s4], $0x80, v3, vm0, $0xb8;
	[tilespmem:$0x1D698] =	vst v63  }
0x183: {  	_ =	swait.ge [sflag:s20], $0x4000  }
0x184: {  	[sflag:s20] =	ssyncset.done $0x0  }
0x185: {  	s15 =	rddreg [dreg:$0xa];
	[sflag:s20] =	ssyncadd.s32 $0xFFFFC000  }
0x186: {  	[hbm4b:s15+s4] =	stream.linear.scatter [tilespmem:s23], [sflag:$0x8], $0x4000, $0x38;
	[tilespmem:$0x1D698] =	vst v63  }
0x187: {  	s15 =	simm.s32 $0x8  }
0x188: {  	_ =	swait.ge [sflag:s15], $0x4000  }
0x189: {  	[sflag:s15] =	ssyncset.done $0x0  }
0x18a: {  	[sflag:s15] =	ssyncadd.s32 $0xFFFFC000  }
0x18b: {  	v3 =	vld [tilespmem:$0x1070];
	_ =	sdelay $0x4  }
0x18c: {  	v38 =	vshll.u32 v3, $0x3  }
0x18d: {  	v3 =	vand.u32 $0x7, v3;
	v4 =	vand.u32 $0xFFFFFFC0, v38  }
0x18e: {  	v3 =	vor.u32 v3, v4  }
0x18f: {  	v4 =	vperm.xlane v3, v0;
	_ =	sdelay $0x1  }
0x190: {  	v4 =	vadd.s32 v1, v4;
	_ =	sdelay $0x4  }
0x191: {  	[tilespmem:s23], [sflag:$0x1] =	stream.indirect_vreg.gather [hbm4b:s1+s4], $0x80, v4, vm0, $0xb8;
	[tilespmem:$0x1D698] =	vst v63  }
0x192: {  	s2 =	simm.s32 $0x1A80;
	v3 =	vperm.xlane v3, v2  }
0x193: {  	[tilespmem:s2], [sflag:$0x1] =	stream.indirect_vreg.gather [hbm4b:s5+s4], $0x80, v4, vm0, $0xb8;
	[tilespmem:$0x1D698] =	vst v63  }
0x194: {  	s12 =	simm.s32 $0x2280;
	v3 =	vadd.s32 v1, v3  }
0x195: {  	[tilespmem:s12], [sflag:$0x1] =	stream.indirect_vreg.gather [hbm4b:s6+s4], $0x80, v4, vm0, $0xb8;
	[tilespmem:$0x1D698] =	vst v63  }
0x196: {  	s14 =	simm.s32 $0x2A80  }
0x197: {  	[tilespmem:s14], [sflag:$0x1] =	stream.indirect_vreg.gather [hbm4b:s7+s4], $0x80, v4, vm0, $0xb8;
	[tilespmem:$0x1D698] =	vst v63  }
0x198: {  	s9 =	simm.s32 $0x3280  }
0x199: {  	[tilespmem:s9], [sflag:$0x1] =	stream.indirect_vreg.gather [hbm4b:s1+s4], $0x80, v3, vm0, $0xb8;
	[tilespmem:$0x1D698] =	vst v63  }
0x19a: {  	s10 =	simm.s32 $0x3A80  }
0x19b: {  	[tilespmem:s10], [sflag:$0x1] =	stream.indirect_vreg.gather [hbm4b:s5+s4], $0x80, v3, vm0, $0xb8;
	[tilespmem:$0x1D698] =	vst v63  }
0x19c: {  	s8 =	simm.s32 $0x4280  }
0x19d: {  	[tilespmem:s8], [sflag:$0x1] =	stream.indirect_vreg.gather [hbm4b:s6+s4], $0x80, v3, vm0, $0xb8;
	[tilespmem:$0x1D698] =	vst v63  }
0x19e: {  	s3 =	simm.s32 $0x4A80;
	s12 =	simm.s32 $0x2  }
0x19f: {  	[tilespmem:s3], [sflag:$0x1] =	stream.indirect_vreg.gather [hbm4b:s7+s4], $0x80, v3, vm0, $0xb8;
	[tilespmem:$0x1D698] =	vst v63  }
0x1a0: {  	_ =	swait.ge [sflag:s12], $0x4000  }
0x1a1: {  	[sflag:s12] =	ssyncset.done $0x0  }
0x1a2: {  	s14 =	simm.s32 $0x9;
	s0 =	rddreg [dreg:$0xb];
	[sflag:s12] =	ssyncadd.s32 $0xFFFFC000  }
0x1a3: {  	[hbm4b:s0+s4] =	stream.linear.scatter [tilespmem:s22], [sflag:$0x9], $0x4000, $0x38;
	[tilespmem:$0x1D698] =	vst v63  }
0x1a4: {  	_ =	swait.ge [sflag:s14], $0x4000  }
0x1a5: {  	[sflag:s14] =	ssyncset.done $0x0  }
0x1a6: {  	[sflag:s14] =	ssyncadd.s32 $0xFFFFC000  }
0x1a7: {  	v3 =	vld [tilespmem:$0x1080];
	_ =	sdelay $0x4  }
0x1a8: {  	v39 =	vshll.u32 v3, $0x3  }
0x1a9: {  	v3 =	vand.u32 $0x7, v3;
	v4 =	vand.u32 $0xFFFFFFC0, v39  }
0x1aa: {  	v3 =	vor.u32 v3, v4  }
0x1ab: {  	v4 =	vperm.xlane v3, v0;
	_ =	sdelay $0x1  }
0x1ac: {  	v4 =	vadd.s32 v1, v4;
	_ =	sdelay $0x4  }
0x1ad: {  	[tilespmem:s22], [sflag:$0x2] =	stream.indirect_vreg.gather [hbm4b:s1+s4], $0x80, v4, vm0, $0xb8;
	[tilespmem:$0x1D698] =	vst v63  }
0x1ae: {  	s13 =	simm.s32 $0x5A80;
	v3 =	vperm.xlane v3, v2  }
0x1af: {  	[tilespmem:s13], [sflag:$0x2] =	stream.indirect_vreg.gather [hbm4b:s5+s4], $0x80, v4, vm0, $0xb8;
	[tilespmem:$0x1D698] =	vst v63  }
0x1b0: {  	s18 =	simm.s32 $0x6280;
	v3 =	vadd.s32 v1, v3  }
0x1b1: {  	[tilespmem:s18], [sflag:$0x2] =	stream.indirect_vreg.gather [hbm4b:s6+s4], $0x80, v4, vm0, $0xb8;
	[tilespmem:$0x1D698] =	vst v63  }
0x1b2: {  	s29 =	simm.s32 $0x6A80  }
0x1b3: {  	[tilespmem:s29], [sflag:$0x2] =	stream.indirect_vreg.gather [hbm4b:s7+s4], $0x80, v4, vm0, $0xb8;
	[tilespmem:$0x1D698] =	vst v63  }
0x1b4: {  	s28 =	simm.s32 $0x7280  }
0x1b5: {  	[tilespmem:s28], [sflag:$0x2] =	stream.indirect_vreg.gather [hbm4b:s1+s4], $0x80, v3, vm0, $0xb8;
	[tilespmem:$0x1D698] =	vst v63  }
0x1b6: {  	s30 =	simm.s32 $0x7A80  }
0x1b7: {  	[tilespmem:s30], [sflag:$0x2] =	stream.indirect_vreg.gather [hbm4b:s5+s4], $0x80, v3, vm0, $0xb8;
	[tilespmem:$0x1D698] =	vst v63  }
0x1b8: {  	s16 =	simm.s32 $0x8280  }
0x1b9: {  	[tilespmem:s16], [sflag:$0x2] =	stream.indirect_vreg.gather [hbm4b:s6+s4], $0x80, v3, vm0, $0xb8;
	[tilespmem:$0x1D698] =	vst v63  }
0x1ba: {  	s11 =	simm.s32 $0x8A80;
	s9 =	simm.s32 $0x3  }
0x1bb: {  	[tilespmem:s11], [sflag:$0x2] =	stream.indirect_vreg.gather [hbm4b:s7+s4], $0x80, v3, vm0, $0xb8;
	[tilespmem:$0x1D698] =	vst v63  }
0x1bc: {  	_ =	swait.ge [sflag:s9], $0x4000  }
0x1bd: {  	[sflag:s9] =	ssyncset.done $0x0  }
0x1be: {  	s11 =	simm.s32 $0xA;
	s2 =	rddreg [dreg:$0xc];
	[sflag:s9] =	ssyncadd.s32 $0xFFFFC000  }
0x1bf: {  	[hbm4b:s2+s4] =	stream.linear.scatter [tilespmem:s24], [sflag:$0xA], $0x4000, $0x38;
	[tilespmem:$0x1D698] =	vst v63  }
0x1c0: {  	_ =	swait.ge [sflag:s11], $0x4000  }
0x1c1: {  	[sflag:s11] =	ssyncset.done $0x0  }
0x1c2: {  	[sflag:s11] =	ssyncadd.s32 $0xFFFFC000  }
0x1c3: {  	v3 =	vld [tilespmem:$0x1090];
	_ =	sdelay $0x4  }
0x1c4: {  	v40 =	vshll.u32 v3, $0x3  }
0x1c5: {  	v3 =	vand.u32 $0x7, v3;
	v4 =	vand.u32 $0xFFFFFFC0, v40  }
0x1c6: {  	v3 =	vor.u32 v3, v4  }
0x1c7: {  	v4 =	vperm.xlane v3, v0;
	_ =	sdelay $0x1  }
0x1c8: {  	v4 =	vadd.s32 v1, v4;
	_ =	sdelay $0x4  }
0x1c9: {  	[tilespmem:s24], [sflag:$0x3] =	stream.indirect_vreg.gather [hbm4b:s1+s4], $0x80, v4, vm0, $0xb8;
	[tilespmem:$0x1D698] =	vst v63  }
0x1ca: {  	s31 =	simm.s32 $0x9A80;
	v3 =	vperm.xlane v3, v2  }
0x1cb: {  	[tilespmem:s31], [sflag:$0x3] =	stream.indirect_vreg.gather [hbm4b:s5+s4], $0x80, v4, vm0, $0xb8;
	[tilespmem:$0x1D698] =	vst v63  }
0x1cc: {  	s3 =	simm.s32 $0xA280;
	v3 =	vadd.s32 v1, v3  }
0x1cd: {  	[tilespmem:s3], [sflag:$0x3] =	stream.indirect_vreg.gather [hbm4b:s6+s4], $0x80, v4, vm0, $0xb8;
	[tilespmem:$0x1D698] =	vst v63  }
0x1ce: {  	s8 =	simm.s32 $0xAA80  }
0x1cf: {  	[tilespmem:s8], [sflag:$0x3] =	stream.indirect_vreg.gather [hbm4b:s7+s4], $0x80, v4, vm0, $0xb8;
	[tilespmem:$0x1D698] =	vst v63  }
0x1d0: {  	s10 =	simm.s32 $0xB280  }
0x1d1: {  	[tilespmem:s10], [sflag:$0x3] =	stream.indirect_vreg.gather [hbm4b:s1+s4], $0x80, v3, vm0, $0xb8;
	[tilespmem:$0x1D698] =	vst v63  }
0x1d2: {  	s13 =	simm.s32 $0xBA80  }
0x1d3: {  	[tilespmem:s13], [sflag:$0x3] =	stream.indirect_vreg.gather [hbm4b:s5+s4], $0x80, v3, vm0, $0xb8;
	[tilespmem:$0x1D698] =	vst v63  }
0x1d4: {  	s16 =	simm.s32 $0xC280  }
0x1d5: {  	[tilespmem:s16], [sflag:$0x3] =	stream.indirect_vreg.gather [hbm4b:s6+s4], $0x80, v3, vm0, $0xb8;
	[tilespmem:$0x1D698] =	vst v63  }
0x1d6: {  	s17 =	simm.s32 $0xCA80;
	s3 =	simm.s32 $0x4  }
0x1d7: {  	[tilespmem:s17], [sflag:$0x3] =	stream.indirect_vreg.gather [hbm4b:s7+s4], $0x80, v3, vm0, $0xb8;
	[tilespmem:$0x1D698] =	vst v63  }
0x1d8: {  	_ =	swait.ge [sflag:s3], $0x4000  }
0x1d9: {  	[sflag:s3] =	ssyncset.done $0x0  }
0x1da: {  	s8 =	simm.s32 $0xB;
	s18 =	rddreg [dreg:$0xd];
	[sflag:s3] =	ssyncadd.s32 $0xFFFFC000  }
0x1db: {  	[hbm4b:s18+s4] =	stream.linear.scatter [tilespmem:s21], [sflag:$0xB], $0x4000, $0x38;
	[tilespmem:$0x1D698] =	vst v63  }
0x1dc: {  	_ =	swait.ge [sflag:s8], $0x4000  }
0x1dd: {  	[sflag:s8] =	ssyncset.done $0x0  }
0x1de: {  	[sflag:s8] =	ssyncadd.s32 $0xFFFFC000  }
0x1df: {  	v3 =	vld [tilespmem:$0x10A0];
	_ =	sdelay $0x4  }
0x1e0: {  	v41 =	vshll.u32 v3, $0x3  }
0x1e1: {  	v3 =	vand.u32 $0x7, v3;
	v4 =	vand.u32 $0xFFFFFFC0, v41  }
0x1e2: {  	v3 =	vor.u32 v3, v4  }
0x1e3: {  	v4 =	vperm.xlane v3, v0;
	_ =	sdelay $0x1  }
0x1e4: {  	v4 =	vadd.s32 v1, v4;
	_ =	sdelay $0x4  }
0x1e5: {  	[tilespmem:s21], [sflag:$0x4] =	stream.indirect_vreg.gather [hbm4b:s1+s4], $0x80, v4, vm0, $0xb8;
	[tilespmem:$0x1D698] =	vst v63  }
0x1e6: {  	s28 =	simm.s32 $0xDA80;
	v3 =	vperm.xlane v3, v2  }
0x1e7: {  	[tilespmem:s28], [sflag:$0x4] =	stream.indirect_vreg.gather [hbm4b:s5+s4], $0x80, v4, vm0, $0xb8;
	[tilespmem:$0x1D698] =	vst v63  }
0x1e8: {  	s29 =	simm.s32 $0xE280;
	v3 =	vadd.s32 v1, v3  }
0x1e9: {  	[tilespmem:s29], [sflag:$0x4] =	stream.indirect_vreg.gather [hbm4b:s6+s4], $0x80, v4, vm0, $0xb8;
	[tilespmem:$0x1D698] =	vst v63  }
0x1ea: {  	s30 =	simm.s32 $0xEA80  }
0x1eb: {  	[tilespmem:s30], [sflag:$0x4] =	stream.indirect_vreg.gather [hbm4b:s7+s4], $0x80, v4, vm0, $0xb8;
	[tilespmem:$0x1D698] =	vst v63  }
0x1ec: {  	s31 =	simm.s32 $0xF280  }
0x1ed: {  	[tilespmem:s31], [sflag:$0x4] =	stream.indirect_vreg.gather [hbm4b:s1+s4], $0x80, v3, vm0, $0xb8;
	[tilespmem:$0x1D698] =	vst v63  }
0x1ee: {  	s2 =	simm.s32 $0xFA80  }
0x1ef: {  	[tilespmem:s2], [sflag:$0x4] =	stream.indirect_vreg.gather [hbm4b:s5+s4], $0x80, v3, vm0, $0xb8;
	[tilespmem:$0x1D698] =	vst v63  }
0x1f0: {  	s10 =	simm.s32 $0x10280  }
0x1f1: {  	[tilespmem:s10], [sflag:$0x4] =	stream.indirect_vreg.gather [hbm4b:s6+s4], $0x80, v3, vm0, $0xb8;
	[tilespmem:$0x1D698] =	vst v63  }
0x1f2: {  	s0 =	simm.s32 $0x5;
	s13 =	simm.s32 $0x10A80  }
0x1f3: {  	[tilespmem:s13], [sflag:$0x4] =	stream.indirect_vreg.gather [hbm4b:s7+s4], $0x80, v3, vm0, $0xb8;
	[tilespmem:$0x1D698] =	vst v63  }
0x1f4: {  	_ =	swait.ge [sflag:s0], $0x4000  }
0x1f5: {  	[sflag:s0] =	ssyncset.done $0x0  }
0x1f6: {  	s2 =	simm.s32 $0xC;
	s16 =	rddreg [dreg:$0xe];
	[sflag:s0] =	ssyncadd.s32 $0xFFFFC000  }
0x1f7: {  	[hbm4b:s16+s4] =	stream.linear.scatter [tilespmem:s19], [sflag:$0xC], $0x4000, $0x38;
	[tilespmem:$0x1D698] =	vst v63  }
0x1f8: {  	_ =	swait.ge [sflag:s2], $0x4000  }
0x1f9: {  	[sflag:s2] =	ssyncset.done $0x0  }
0x1fa: {  	[sflag:s2] =	ssyncadd.s32 $0xFFFFC000  }
0x1fb: {  	v3 =	vld [tilespmem:$0x10B0];
	_ =	sdelay $0x4  }
0x1fc: {  	v42 =	vshll.u32 v3, $0x3  }
0x1fd: {  	v3 =	vand.u32 $0x7, v3;
	v4 =	vand.u32 $0xFFFFFFC0, v42  }
0x1fe: {  	v3 =	vor.u32 v3, v4  }
0x1ff: {  	v4 =	vperm.xlane v3, v0;
	_ =	sdelay $0x1  }
0x200: {  	v4 =	vadd.s32 v1, v4;
	_ =	sdelay $0x4  }
0x201: {  	[tilespmem:s19], [sflag:$0x5] =	stream.indirect_vreg.gather [hbm4b:s1+s4], $0x80, v4, vm0, $0xb8;
	[tilespmem:$0x1D698] =	vst v63  }
0x202: {  	s17 =	simm.s32 $0x11A80;
	v3 =	vperm.xlane v3, v2  }
0x203: {  	[tilespmem:s17], [sflag:$0x5] =	stream.indirect_vreg.gather [hbm4b:s5+s4], $0x80, v4, vm0, $0xb8;
	[tilespmem:$0x1D698] =	vst v63  }
0x204: {  	s18 =	simm.s32 $0x12280;
	v3 =	vadd.s32 v1, v3  }
0x205: {  	[tilespmem:s18], [sflag:$0x5] =	stream.indirect_vreg.gather [hbm4b:s6+s4], $0x80, v4, vm0, $0xb8;
	[tilespmem:$0x1D698] =	vst v63  }
0x206: {  	s13 =	simm.s32 $0x12A80  }
0x207: {  	[tilespmem:s13], [sflag:$0x5] =	stream.indirect_vreg.gather [hbm4b:s7+s4], $0x80, v4, vm0, $0xb8;
	[tilespmem:$0x1D698] =	vst v63  }
0x208: {  	s16 =	simm.s32 $0x13280  }
0x209: {  	[tilespmem:s16], [sflag:$0x5] =	stream.indirect_vreg.gather [hbm4b:s1+s4], $0x80, v3, vm0, $0xb8;
	[tilespmem:$0x1D698] =	vst v63  }
0x20a: {  	s17 =	simm.s32 $0x13A80  }
0x20b: {  	[tilespmem:s17], [sflag:$0x5] =	stream.indirect_vreg.gather [hbm4b:s5+s4], $0x80, v3, vm0, $0xb8;
	[tilespmem:$0x1D698] =	vst v63  }
0x20c: {  	s18 =	simm.s32 $0x14280  }
0x20d: {  	[tilespmem:s18], [sflag:$0x5] =	stream.indirect_vreg.gather [hbm4b:s6+s4], $0x80, v3, vm0, $0xb8;
	[tilespmem:$0x1D698] =	vst v63  }
0x20e: {  	s13 =	simm.s32 $0x14A80  }
0x20f: {  	[tilespmem:s13], [sflag:$0x5] =	stream.indirect_vreg.gather [hbm4b:s7+s4], $0x80, v3, vm0, $0xb8;
	[tilespmem:$0x1D698] =	vst v63  }
0x210: {  	s13 =	simm.s32 $0x6  }
0x211: {  	_ =	swait.ge [sflag:s13], $0x4000  }
0x212: {  	[sflag:s13] =	ssyncset.done $0x0  }
0x213: {  	s18 =	simm.s32 $0xD;
	s16 =	rddreg [dreg:$0xf];
	[sflag:s13] =	ssyncadd.s32 $0xFFFFC000  }
0x214: {  	[hbm4b:s16+s4] =	stream.linear.scatter [tilespmem:s26], [sflag:$0xD], $0x4000, $0x38;
	[tilespmem:$0x1D698] =	vst v63  }
0x215: {  	_ =	swait.ge [sflag:s18], $0x4000  }
0x216: {  	[sflag:s18] =	ssyncset.done $0x0  }
0x217: {  	[sflag:s18] =	ssyncadd.s32 $0xFFFFC000  }
0x218: {  	v3 =	vld [tilespmem:$0x10C0];
	_ =	sdelay $0x4  }
0x219: {  	v43 =	vshll.u32 v3, $0x3  }
0x21a: {  	v3 =	vand.u32 $0x7, v3;
	v4 =	vand.u32 $0xFFFFFFC0, v43  }
0x21b: {  	v3 =	vor.u32 v3, v4  }
0x21c: {  	v4 =	vperm.xlane v3, v0;
	_ =	sdelay $0x1  }
0x21d: {  	v4 =	vadd.s32 v1, v4;
	_ =	sdelay $0x4  }
0x21e: {  	[tilespmem:s26], [sflag:$0x6] =	stream.indirect_vreg.gather [hbm4b:s1+s4], $0x80, v4, vm0, $0xb8;
	[tilespmem:$0x1D698] =	vst v63  }
0x21f: {  	s17 =	simm.s32 $0x15A80;
	v3 =	vperm.xlane v3, v2  }
0x220: {  	[tilespmem:s17], [sflag:$0x6] =	stream.indirect_vreg.gather [hbm4b:s5+s4], $0x80, v4, vm0, $0xb8;
	[tilespmem:$0x1D698] =	vst v63  }
0x221: {  	s16 =	simm.s32 $0x16280;
	v3 =	vadd.s32 v1, v3  }
0x222: {  	[tilespmem:s16], [sflag:$0x6] =	stream.indirect_vreg.gather [hbm4b:s6+s4], $0x80, v4, vm0, $0xb8;
	[tilespmem:$0x1D698] =	vst v63  }
0x223: {  	s17 =	simm.s32 $0x16A80  }
0x224: {  	[tilespmem:s17], [sflag:$0x6] =	stream.indirect_vreg.gather [hbm4b:s7+s4], $0x80, v4, vm0, $0xb8;
	[tilespmem:$0x1D698] =	vst v63  }
0x225: {  	s16 =	simm.s32 $0x17280  }
0x226: {  	[tilespmem:s16], [sflag:$0x6] =	stream.indirect_vreg.gather [hbm4b:s1+s4], $0x80, v3, vm0, $0xb8;
	[tilespmem:$0x1D698] =	vst v63  }
0x227: {  	s17 =	simm.s32 $0x17A80  }
0x228: {  	[tilespmem:s17], [sflag:$0x6] =	stream.indirect_vreg.gather [hbm4b:s5+s4], $0x80, v3, vm0, $0xb8;
	[tilespmem:$0x1D698] =	vst v63  }
0x229: {  	s16 =	simm.s32 $0x18280  }
0x22a: {  	[tilespmem:s16], [sflag:$0x6] =	stream.indirect_vreg.gather [hbm4b:s6+s4], $0x80, v3, vm0, $0xb8;
	[tilespmem:$0x1D698] =	vst v63  }
0x22b: {  	s10 =	simm.s32 $0x7;
	s17 =	simm.s32 $0x18A80  }
0x22c: {  	[tilespmem:s17], [sflag:$0x6] =	stream.indirect_vreg.gather [hbm4b:s7+s4], $0x80, v3, vm0, $0xb8;
	[tilespmem:$0x1D698] =	vst v63  }
0x22d: {  	_ =	swait.ge [sflag:s10], $0x4000  }
0x22e: {  	[sflag:s10] =	ssyncset.done $0x0  }
0x22f: {  	s16 =	rddreg [dreg:$0x10];
	[sflag:s10] =	ssyncadd.s32 $0xFFFFC000  }
0x230: {  	[hbm4b:s16+s4] =	stream.linear.scatter [tilespmem:s25], [sflag:$0xE], $0x4000, $0x38;
	[tilespmem:$0x1D698] =	vst v63  }
0x231: {  	s16 =	simm.s32 $0xE  }
0x232: {  	_ =	swait.ge [sflag:s16], $0x4000  }
0x233: {  	[sflag:s16] =	ssyncset.done $0x0  }
0x234: {  	[sflag:s16] =	ssyncadd.s32 $0xFFFFC000  }
0x235: {  	v3 =	vld [tilespmem:$0x10D0];
	_ =	sdelay $0x4  }
0x236: {  	v44 =	vshll.u32 v3, $0x3  }
0x237: {  	v3 =	vand.u32 $0x7, v3;
	v4 =	vand.u32 $0xFFFFFFC0, v44  }
0x238: {  	v3 =	vor.u32 v3, v4  }
0x239: {  	v4 =	vperm.xlane v3, v0;
	_ =	sdelay $0x1  }
0x23a: {  	v4 =	vadd.s32 v1, v4;
	_ =	sdelay $0x4  }
0x23b: {  	[tilespmem:s25], [sflag:$0x7] =	stream.indirect_vreg.gather [hbm4b:s1+s4], $0x80, v4, vm0, $0xb8;
	[tilespmem:$0x1D698] =	vst v63  }
0x23c: {  	s17 =	simm.s32 $0x19A80;
	v3 =	vperm.xlane v3, v2  }
0x23d: {  	[tilespmem:s17], [sflag:$0x7] =	stream.indirect_vreg.gather [hbm4b:s5+s4], $0x80, v4, vm0, $0xb8;
	[tilespmem:$0x1D698] =	vst v63  }
0x23e: {  	v3 =	vadd.s32 v1, v3;
	s17 =	simm.s32 $0x1A280  }
0x23f: {  	[tilespmem:s17], [sflag:$0x7] =	stream.indirect_vreg.gather [hbm4b:s6+s4], $0x80, v4, vm0, $0xb8;
	[tilespmem:$0x1D698] =	vst v63  }
0x240: {  	s17 =	simm.s32 $0x1AA80  }
0x241: {  	[tilespmem:s17], [sflag:$0x7] =	stream.indirect_vreg.gather [hbm4b:s7+s4], $0x80, v4, vm0, $0xb8;
	[tilespmem:$0x1D698] =	vst v63  }
0x242: {  	s17 =	simm.s32 $0x1B280  }
0x243: {  	[tilespmem:s17], [sflag:$0x7] =	stream.indirect_vreg.gather [hbm4b:s1+s4], $0x80, v3, vm0, $0xb8;
	[tilespmem:$0x1D698] =	vst v63  }
0x244: {  	s17 =	simm.s32 $0x1BA80  }
0x245: {  	[tilespmem:s17], [sflag:$0x7] =	stream.indirect_vreg.gather [hbm4b:s5+s4], $0x80, v3, vm0, $0xb8;
	[tilespmem:$0x1D698] =	vst v63  }
0x246: {  	s17 =	simm.s32 $0x1C280  }
0x247: {  	[tilespmem:s17], [sflag:$0x7] =	stream.indirect_vreg.gather [hbm4b:s6+s4], $0x80, v3, vm0, $0xb8;
	[tilespmem:$0x1D698] =	vst v63  }
0x248: {  	s17 =	simm.s32 $0x1CA80  }
0x249: {  	[tilespmem:s17], [sflag:$0x7] =	stream.indirect_vreg.gather [hbm4b:s7+s4], $0x80, v3, vm0, $0xb8;
	[tilespmem:$0x1D698] =	vst v63  }
0x24a: {  	_ =	swait.ge [sflag:s20], $0x4000  }
0x24b: {  	[sflag:s20] =	ssyncset.done $0x0  }
0x24c: {  	s17 =	rddreg [dreg:$0x11];
	[sflag:s20] =	ssyncadd.s32 $0xFFFFC000  }
0x24d: {  	[hbm4b:s17+s4] =	stream.linear.scatter [tilespmem:s23], [sflag:$0x8], $0x4000, $0x38;
	[tilespmem:$0x1D698] =	vst v63  }
0x24e: {  	_ =	swait.ge [sflag:s15], $0x4000  }
0x24f: {  	[sflag:s15] =	ssyncset.done $0x0  }
0x250: {  	[sflag:s15] =	ssyncadd.s32 $0xFFFFC000  }
0x251: {  	v3 =	vld [tilespmem:$0x10E0];
	_ =	sdelay $0x4  }
0x252: {  	v45 =	vshll.u32 v3, $0x3  }
0x253: {  	v3 =	vand.u32 $0x7, v3;
	v4 =	vand.u32 $0xFFFFFFC0, v45  }
0x254: {  	v3 =	vor.u32 v3, v4  }
0x255: {  	v4 =	vperm.xlane v3, v0;
	_ =	sdelay $0x1  }
0x256: {  	v4 =	vadd.s32 v1, v4;
	_ =	sdelay $0x4  }
0x257: {  	[tilespmem:s23], [sflag:$0x1] =	stream.indirect_vreg.gather [hbm4b:s1+s4], $0x80, v4, vm0, $0xb8;
	[tilespmem:$0x1D698] =	vst v63  }
0x258: {  	s17 =	simm.s32 $0x1A80;
	v3 =	vperm.xlane v3, v2  }
0x259: {  	[tilespmem:s17], [sflag:$0x1] =	stream.indirect_vreg.gather [hbm4b:s5+s4], $0x80, v4, vm0, $0xb8;
	[tilespmem:$0x1D698] =	vst v63  }
0x25a: {  	v3 =	vadd.s32 v1, v3;
	s17 =	simm.s32 $0x2280  }
0x25b: {  	[tilespmem:s17], [sflag:$0x1] =	stream.indirect_vreg.gather [hbm4b:s6+s4], $0x80, v4, vm0, $0xb8;
	[tilespmem:$0x1D698] =	vst v63  }
0x25c: {  	s17 =	simm.s32 $0x2A80  }
0x25d: {  	[tilespmem:s17], [sflag:$0x1] =	stream.indirect_vreg.gather [hbm4b:s7+s4], $0x80, v4, vm0, $0xb8;
	[tilespmem:$0x1D698] =	vst v63  }
0x25e: {  	s17 =	simm.s32 $0x3280  }
0x25f: {  	[tilespmem:s17], [sflag:$0x1] =	stream.indirect_vreg.gather [hbm4b:s1+s4], $0x80, v3, vm0, $0xb8;
	[tilespmem:$0x1D698] =	vst v63  }
0x260: {  	s17 =	simm.s32 $0x3A80  }
0x261: {  	[tilespmem:s17], [sflag:$0x1] =	stream.indirect_vreg.gather [hbm4b:s5+s4], $0x80, v3, vm0, $0xb8;
	[tilespmem:$0x1D698] =	vst v63  }
0x262: {  	s17 =	simm.s32 $0x4280  }
0x263: {  	[tilespmem:s17], [sflag:$0x1] =	stream.indirect_vreg.gather [hbm4b:s6+s4], $0x80, v3, vm0, $0xb8;
	[tilespmem:$0x1D698] =	vst v63  }
0x264: {  	s17 =	simm.s32 $0x4A80  }
0x265: {  	[tilespmem:s17], [sflag:$0x1] =	stream.indirect_vreg.gather [hbm4b:s7+s4], $0x80, v3, vm0, $0xb8;
	[tilespmem:$0x1D698] =	vst v63  }
0x266: {  	_ =	swait.ge [sflag:s12], $0x4000  }
0x267: {  	[sflag:s12] =	ssyncset.done $0x0  }
0x268: {  	s17 =	rddreg [dreg:$0x12];
	[sflag:s12] =	ssyncadd.s32 $0xFFFFC000  }
0x269: {  	[hbm4b:s17+s4] =	stream.linear.scatter [tilespmem:s22], [sflag:$0x9], $0x4000, $0x38;
	[tilespmem:$0x1D698] =	vst v63  }
0x26a: {  	_ =	swait.ge [sflag:s14], $0x4000  }
0x26b: {  	[sflag:s14] =	ssyncset.done $0x0  }
0x26c: {  	[sflag:s14] =	ssyncadd.s32 $0xFFFFC000  }
0x26d: {  	v3 =	vld [tilespmem:$0x10F0];
	_ =	sdelay $0x4  }
0x26e: {  	v46 =	vshll.u32 v3, $0x3  }
0x26f: {  	v3 =	vand.u32 $0x7, v3;
	v4 =	vand.u32 $0xFFFFFFC0, v46  }
0x270: {  	v3 =	vor.u32 v3, v4  }
0x271: {  	v4 =	vperm.xlane v3, v0;
	_ =	sdelay $0x1  }
0x272: {  	v4 =	vadd.s32 v1, v4;
	_ =	sdelay $0x4  }
0x273: {  	[tilespmem:s22], [sflag:$0x2] =	stream.indirect_vreg.gather [hbm4b:s1+s4], $0x80, v4, vm0, $0xb8;
	[tilespmem:$0x1D698] =	vst v63  }
0x274: {  	s17 =	simm.s32 $0x5A80;
	v3 =	vperm.xlane v3, v2  }
0x275: {  	[tilespmem:s17], [sflag:$0x2] =	stream.indirect_vreg.gather [hbm4b:s5+s4], $0x80, v4, vm0, $0xb8;
	[tilespmem:$0x1D698] =	vst v63  }
0x276: {  	v3 =	vadd.s32 v1, v3;
	s17 =	simm.s32 $0x6280  }
0x277: {  	[tilespmem:s17], [sflag:$0x2] =	stream.indirect_vreg.gather [hbm4b:s6+s4], $0x80, v4, vm0, $0xb8;
	[tilespmem:$0x1D698] =	vst v63  }
0x278: {  	s17 =	simm.s32 $0x6A80  }
0x279: {  	[tilespmem:s17], [sflag:$0x2] =	stream.indirect_vreg.gather [hbm4b:s7+s4], $0x80, v4, vm0, $0xb8;
	[tilespmem:$0x1D698] =	vst v63  }
0x27a: {  	s17 =	simm.s32 $0x7280  }
0x27b: {  	[tilespmem:s17], [sflag:$0x2] =	stream.indirect_vreg.gather [hbm4b:s1+s4], $0x80, v3, vm0, $0xb8;
	[tilespmem:$0x1D698] =	vst v63  }
0x27c: {  	s17 =	simm.s32 $0x7A80  }
0x27d: {  	[tilespmem:s17], [sflag:$0x2] =	stream.indirect_vreg.gather [hbm4b:s5+s4], $0x80, v3, vm0, $0xb8;
	[tilespmem:$0x1D698] =	vst v63  }
0x27e: {  	s17 =	simm.s32 $0x8280  }
0x27f: {  	[tilespmem:s17], [sflag:$0x2] =	stream.indirect_vreg.gather [hbm4b:s6+s4], $0x80, v3, vm0, $0xb8;
	[tilespmem:$0x1D698] =	vst v63  }
0x280: {  	s17 =	simm.s32 $0x8A80  }
0x281: {  	[tilespmem:s17], [sflag:$0x2] =	stream.indirect_vreg.gather [hbm4b:s7+s4], $0x80, v3, vm0, $0xb8;
	[tilespmem:$0x1D698] =	vst v63  }
0x282: {  	_ =	swait.ge [sflag:s9], $0x4000  }
0x283: {  	[sflag:s9] =	ssyncset.done $0x0  }
0x284: {  	s17 =	rddreg [dreg:$0x13];
	[sflag:s9] =	ssyncadd.s32 $0xFFFFC000  }
0x285: {  	[hbm4b:s17+s4] =	stream.linear.scatter [tilespmem:s24], [sflag:$0xA], $0x4000, $0x38;
	[tilespmem:$0x1D698] =	vst v63  }
0x286: {  	_ =	swait.ge [sflag:s11], $0x4000  }
0x287: {  	[sflag:s11] =	ssyncset.done $0x0  }
0x288: {  	[sflag:s11] =	ssyncadd.s32 $0xFFFFC000  }
0x289: {  	v3 =	vld [tilespmem:$0x1100];
	_ =	sdelay $0x4  }
0x28a: {  	v47 =	vshll.u32 v3, $0x3  }
0x28b: {  	v3 =	vand.u32 $0x7, v3;
	v4 =	vand.u32 $0xFFFFFFC0, v47  }
0x28c: {  	v3 =	vor.u32 v3, v4  }
0x28d: {  	v4 =	vperm.xlane v3, v0;
	_ =	sdelay $0x1  }
0x28e: {  	v4 =	vadd.s32 v1, v4;
	_ =	sdelay $0x4  }
0x28f: {  	[tilespmem:s24], [sflag:$0x3] =	stream.indirect_vreg.gather [hbm4b:s1+s4], $0x80, v4, vm0, $0xb8;
	[tilespmem:$0x1D698] =	vst v63  }
0x290: {  	s17 =	simm.s32 $0x9A80;
	v3 =	vperm.xlane v3, v2  }
0x291: {  	[tilespmem:s17], [sflag:$0x3] =	stream.indirect_vreg.gather [hbm4b:s5+s4], $0x80, v4, vm0, $0xb8;
	[tilespmem:$0x1D698] =	vst v63  }
0x292: {  	v3 =	vadd.s32 v1, v3;
	s17 =	simm.s32 $0xA280  }
0x293: {  	[tilespmem:s17], [sflag:$0x3] =	stream.indirect_vreg.gather [hbm4b:s6+s4], $0x80, v4, vm0, $0xb8;
	[tilespmem:$0x1D698] =	vst v63  }
0x294: {  	s17 =	simm.s32 $0xAA80  }
0x295: {  	[tilespmem:s17], [sflag:$0x3] =	stream.indirect_vreg.gather [hbm4b:s7+s4], $0x80, v4, vm0, $0xb8;
	[tilespmem:$0x1D698] =	vst v63  }
0x296: {  	s17 =	simm.s32 $0xB280  }
0x297: {  	[tilespmem:s17], [sflag:$0x3] =	stream.indirect_vreg.gather [hbm4b:s1+s4], $0x80, v3, vm0, $0xb8;
	[tilespmem:$0x1D698] =	vst v63  }
0x298: {  	s17 =	simm.s32 $0xBA80  }
0x299: {  	[tilespmem:s17], [sflag:$0x3] =	stream.indirect_vreg.gather [hbm4b:s5+s4], $0x80, v3, vm0, $0xb8;
	[tilespmem:$0x1D698] =	vst v63  }
0x29a: {  	s17 =	simm.s32 $0xC280  }
0x29b: {  	[tilespmem:s17], [sflag:$0x3] =	stream.indirect_vreg.gather [hbm4b:s6+s4], $0x80, v3, vm0, $0xb8;
	[tilespmem:$0x1D698] =	vst v63  }
0x29c: {  	s17 =	simm.s32 $0xCA80  }
0x29d: {  	[tilespmem:s17], [sflag:$0x3] =	stream.indirect_vreg.gather [hbm4b:s7+s4], $0x80, v3, vm0, $0xb8;
	[tilespmem:$0x1D698] =	vst v63  }
0x29e: {  	_ =	swait.ge [sflag:s3], $0x4000  }
0x29f: {  	[sflag:s3] =	ssyncset.done $0x0  }
0x2a0: {  	s17 =	rddreg [dreg:$0x14];
	[sflag:s3] =	ssyncadd.s32 $0xFFFFC000  }
0x2a1: {  	[hbm4b:s17+s4] =	stream.linear.scatter [tilespmem:s21], [sflag:$0xB], $0x4000, $0x38;
	[tilespmem:$0x1D698] =	vst v63  }
0x2a2: {  	_ =	swait.ge [sflag:s8], $0x4000  }
0x2a3: {  	[sflag:s8] =	ssyncset.done $0x0  }
0x2a4: {  	[sflag:s8] =	ssyncadd.s32 $0xFFFFC000  }
0x2a5: {  	v3 =	vld [tilespmem:$0x1110];
	_ =	sdelay $0x4  }
0x2a6: {  	v48 =	vshll.u32 v3, $0x3  }
0x2a7: {  	v3 =	vand.u32 $0x7, v3;
	v4 =	vand.u32 $0xFFFFFFC0, v48  }
0x2a8: {  	v3 =	vor.u32 v3, v4  }
0x2a9: {  	v4 =	vperm.xlane v3, v0;
	_ =	sdelay $0x1  }
0x2aa: {  	v4 =	vadd.s32 v1, v4;
	_ =	sdelay $0x4  }
0x2ab: {  	[tilespmem:s21], [sflag:$0x4] =	stream.indirect_vreg.gather [hbm4b:s1+s4], $0x80, v4, vm0, $0xb8;
	[tilespmem:$0x1D698] =	vst v63  }
0x2ac: {  	s17 =	simm.s32 $0xDA80;
	v3 =	vperm.xlane v3, v2  }
0x2ad: {  	[tilespmem:s17], [sflag:$0x4] =	stream.indirect_vreg.gather [hbm4b:s5+s4], $0x80, v4, vm0, $0xb8;
	[tilespmem:$0x1D698] =	vst v63  }
0x2ae: {  	s28 =	simm.s32 $0xE280;
	v3 =	vadd.s32 v1, v3  }
0x2af: {  	[tilespmem:s28], [sflag:$0x4] =	stream.indirect_vreg.gather [hbm4b:s6+s4], $0x80, v4, vm0, $0xb8;
	[tilespmem:$0x1D698] =	vst v63  }
0x2b0: {  	s29 =	simm.s32 $0xEA80  }
0x2b1: {  	[tilespmem:s29], [sflag:$0x4] =	stream.indirect_vreg.gather [hbm4b:s7+s4], $0x80, v4, vm0, $0xb8;
	[tilespmem:$0x1D698] =	vst v63  }
0x2b2: {  	s30 =	simm.s32 $0xF280  }
0x2b3: {  	[tilespmem:s30], [sflag:$0x4] =	stream.indirect_vreg.gather [hbm4b:s1+s4], $0x80, v3, vm0, $0xb8;
	[tilespmem:$0x1D698] =	vst v63  }
0x2b4: {  	s31 =	simm.s32 $0xFA80  }
0x2b5: {  	[tilespmem:s31], [sflag:$0x4] =	stream.indirect_vreg.gather [hbm4b:s5+s4], $0x80, v3, vm0, $0xb8;
	[tilespmem:$0x1D698] =	vst v63  }
0x2b6: {  	s31 =	simm.s32 $0x10280  }
0x2b7: {  	[tilespmem:s31], [sflag:$0x4] =	stream.indirect_vreg.gather [hbm4b:s6+s4], $0x80, v3, vm0, $0xb8;
	[tilespmem:$0x1D698] =	vst v63  }
0x2b8: {  	s28 =	simm.s32 $0x10A80  }
0x2b9: {  	[tilespmem:s28], [sflag:$0x4] =	stream.indirect_vreg.gather [hbm4b:s7+s4], $0x80, v3, vm0, $0xb8;
	[tilespmem:$0x1D698] =	vst v63  }
0x2ba: {  	_ =	swait.ge [sflag:s0], $0x4000  }
0x2bb: {  	[sflag:s0] =	ssyncset.done $0x0  }
0x2bc: {  	s29 =	rddreg [dreg:$0x15];
	[sflag:s0] =	ssyncadd.s32 $0xFFFFC000  }
0x2bd: {  	[hbm4b:s29+s4] =	stream.linear.scatter [tilespmem:s19], [sflag:$0xC], $0x4000, $0x38;
	[tilespmem:$0x1D698] =	vst v63  }
0x2be: {  	_ =	swait.ge [sflag:s2], $0x4000  }
0x2bf: {  	[sflag:s2] =	ssyncset.done $0x0  }
0x2c0: {  	[sflag:s2] =	ssyncadd.s32 $0xFFFFC000  }
0x2c1: {  	v3 =	vld [tilespmem:$0x1120];
	_ =	sdelay $0x4  }
0x2c2: {  	v49 =	vshll.u32 v3, $0x3  }
0x2c3: {  	v3 =	vand.u32 $0x7, v3;
	v4 =	vand.u32 $0xFFFFFFC0, v49  }
0x2c4: {  	v3 =	vor.u32 v3, v4  }
0x2c5: {  	v4 =	vperm.xlane v3, v0;
	_ =	sdelay $0x1  }
0x2c6: {  	v4 =	vadd.s32 v1, v4;
	_ =	sdelay $0x4  }
0x2c7: {  	[tilespmem:s19], [sflag:$0x5] =	stream.indirect_vreg.gather [hbm4b:s1+s4], $0x80, v4, vm0, $0xb8;
	[tilespmem:$0x1D698] =	vst v63  }
0x2c8: {  	s30 =	simm.s32 $0x11A80;
	v3 =	vperm.xlane v3, v2  }
0x2c9: {  	[tilespmem:s30], [sflag:$0x5] =	stream.indirect_vreg.gather [hbm4b:s5+s4], $0x80, v4, vm0, $0xb8;
	[tilespmem:$0x1D698] =	vst v63  }
0x2ca: {  	s31 =	simm.s32 $0x12280;
	v3 =	vadd.s32 v1, v3  }
0x2cb: {  	[tilespmem:s31], [sflag:$0x5] =	stream.indirect_vreg.gather [hbm4b:s6+s4], $0x80, v4, vm0, $0xb8;
	[tilespmem:$0x1D698] =	vst v63  }
0x2cc: {  	s28 =	simm.s32 $0x12A80  }
0x2cd: {  	[tilespmem:s28], [sflag:$0x5] =	stream.indirect_vreg.gather [hbm4b:s7+s4], $0x80, v4, vm0, $0xb8;
	[tilespmem:$0x1D698] =	vst v63  }
0x2ce: {  	s29 =	simm.s32 $0x13280  }
0x2cf: {  	[tilespmem:s29], [sflag:$0x5] =	stream.indirect_vreg.gather [hbm4b:s1+s4], $0x80, v3, vm0, $0xb8;
	[tilespmem:$0x1D698] =	vst v63  }
0x2d0: {  	s30 =	simm.s32 $0x13A80  }
0x2d1: {  	[tilespmem:s30], [sflag:$0x5] =	stream.indirect_vreg.gather [hbm4b:s5+s4], $0x80, v3, vm0, $0xb8;
	[tilespmem:$0x1D698] =	vst v63  }
0x2d2: {  	s31 =	simm.s32 $0x14280  }
0x2d3: {  	[tilespmem:s31], [sflag:$0x5] =	stream.indirect_vreg.gather [hbm4b:s6+s4], $0x80, v3, vm0, $0xb8;
	[tilespmem:$0x1D698] =	vst v63  }
0x2d4: {  	s28 =	simm.s32 $0x14A80  }
0x2d5: {  	[tilespmem:s28], [sflag:$0x5] =	stream.indirect_vreg.gather [hbm4b:s7+s4], $0x80, v3, vm0, $0xb8;
	[tilespmem:$0x1D698] =	vst v63  }
0x2d6: {  	_ =	swait.ge [sflag:s13], $0x4000  }
0x2d7: {  	[sflag:s13] =	ssyncset.done $0x0  }
0x2d8: {  	s29 =	rddreg [dreg:$0x16];
	[sflag:s13] =	ssyncadd.s32 $0xFFFFC000  }
0x2d9: {  	[hbm4b:s29+s4] =	stream.linear.scatter [tilespmem:s26], [sflag:$0xD], $0x4000, $0x38;
	[tilespmem:$0x1D698] =	vst v63  }
0x2da: {  	_ =	swait.ge [sflag:s18], $0x4000  }
0x2db: {  	[sflag:s18] =	ssyncset.done $0x0  }
0x2dc: {  	[sflag:s18] =	ssyncadd.s32 $0xFFFFC000  }
0x2dd: {  	v3 =	vld [tilespmem:$0x1130];
	_ =	sdelay $0x4  }
0x2de: {  	v50 =	vshll.u32 v3, $0x3  }
0x2df: {  	v3 =	vand.u32 $0x7, v3;
	v4 =	vand.u32 $0xFFFFFFC0, v50  }
0x2e0: {  	v3 =	vor.u32 v3, v4  }
0x2e1: {  	v4 =	vperm.xlane v3, v0;
	_ =	sdelay $0x1  }
0x2e2: {  	v4 =	vadd.s32 v1, v4;
	_ =	sdelay $0x4  }
0x2e3: {  	[tilespmem:s26], [sflag:$0x6] =	stream.indirect_vreg.gather [hbm4b:s1+s4], $0x80, v4, vm0, $0xb8;
	[tilespmem:$0x1D698] =	vst v63  }
0x2e4: {  	s30 =	simm.s32 $0x15A80;
	v3 =	vperm.xlane v3, v2  }
0x2e5: {  	[tilespmem:s30], [sflag:$0x6] =	stream.indirect_vreg.gather [hbm4b:s5+s4], $0x80, v4, vm0, $0xb8;
	[tilespmem:$0x1D698] =	vst v63  }
0x2e6: {  	s31 =	simm.s32 $0x16280;
	v3 =	vadd.s32 v1, v3  }
0x2e7: {  	[tilespmem:s31], [sflag:$0x6] =	stream.indirect_vreg.gather [hbm4b:s6+s4], $0x80, v4, vm0, $0xb8;
	[tilespmem:$0x1D698] =	vst v63  }
0x2e8: {  	s28 =	simm.s32 $0x16A80  }
0x2e9: {  	[tilespmem:s28], [sflag:$0x6] =	stream.indirect_vreg.gather [hbm4b:s7+s4], $0x80, v4, vm0, $0xb8;
	[tilespmem:$0x1D698] =	vst v63  }
0x2ea: {  	s29 =	simm.s32 $0x17280  }
0x2eb: {  	[tilespmem:s29], [sflag:$0x6] =	stream.indirect_vreg.gather [hbm4b:s1+s4], $0x80, v3, vm0, $0xb8;
	[tilespmem:$0x1D698] =	vst v63  }
0x2ec: {  	s30 =	simm.s32 $0x17A80  }
0x2ed: {  	[tilespmem:s30], [sflag:$0x6] =	stream.indirect_vreg.gather [hbm4b:s5+s4], $0x80, v3, vm0, $0xb8;
	[tilespmem:$0x1D698] =	vst v63  }
0x2ee: {  	s31 =	simm.s32 $0x18280  }
0x2ef: {  	[tilespmem:s31], [sflag:$0x6] =	stream.indirect_vreg.gather [hbm4b:s6+s4], $0x80, v3, vm0, $0xb8;
	[tilespmem:$0x1D698] =	vst v63  }
0x2f0: {  	s28 =	simm.s32 $0x18A80  }
0x2f1: {  	[tilespmem:s28], [sflag:$0x6] =	stream.indirect_vreg.gather [hbm4b:s7+s4], $0x80, v3, vm0, $0xb8;
	[tilespmem:$0x1D698] =	vst v63  }
0x2f2: {  	_ =	swait.ge [sflag:s10], $0x4000  }
0x2f3: {  	[sflag:s10] =	ssyncset.done $0x0  }
0x2f4: {  	s29 =	rddreg [dreg:$0x17];
	[sflag:s10] =	ssyncadd.s32 $0xFFFFC000  }
0x2f5: {  	[hbm4b:s29+s4] =	stream.linear.scatter [tilespmem:s25], [sflag:$0xE], $0x4000, $0x38;
	[tilespmem:$0x1D698] =	vst v63  }
0x2f6: {  	_ =	swait.ge [sflag:s16], $0x4000  }
0x2f7: {  	[sflag:s16] =	ssyncset.done $0x0  }
0x2f8: {  	[sflag:s16] =	ssyncadd.s32 $0xFFFFC000  }
0x2f9: {  	v3 =	vld [tilespmem:$0x1140];
	_ =	sdelay $0x4  }
0x2fa: {  	v51 =	vshll.u32 v3, $0x3  }
0x2fb: {  	v3 =	vand.u32 $0x7, v3;
	v4 =	vand.u32 $0xFFFFFFC0, v51  }
0x2fc: {  	v3 =	vor.u32 v3, v4  }
0x2fd: {  	v4 =	vperm.xlane v3, v0;
	_ =	sdelay $0x1  }
0x2fe: {  	v4 =	vadd.s32 v1, v4;
	_ =	sdelay $0x4  }
0x2ff: {  	[tilespmem:s25], [sflag:$0x7] =	stream.indirect_vreg.gather [hbm4b:s1+s4], $0x80, v4, vm0, $0xb8;
	[tilespmem:$0x1D698] =	vst v63  }
0x300: {  	s30 =	simm.s32 $0x19A80;
	v3 =	vperm.xlane v3, v2  }
0x301: {  	[tilespmem:s30], [sflag:$0x7] =	stream.indirect_vreg.gather [hbm4b:s5+s4], $0x80, v4, vm0, $0xb8;
	[tilespmem:$0x1D698] =	vst v63  }
0x302: {  	s31 =	simm.s32 $0x1A280;
	v3 =	vadd.s32 v1, v3  }
0x303: {  	[tilespmem:s31], [sflag:$0x7] =	stream.indirect_vreg.gather [hbm4b:s6+s4], $0x80, v4, vm0, $0xb8;
	[tilespmem:$0x1D698] =	vst v63  }
0x304: {  	s28 =	simm.s32 $0x1AA80  }
0x305: {  	[tilespmem:s28], [sflag:$0x7] =	stream.indirect_vreg.gather [hbm4b:s7+s4], $0x80, v4, vm0, $0xb8;
	[tilespmem:$0x1D698] =	vst v63  }
0x306: {  	s29 =	simm.s32 $0x1B280  }
0x307: {  	[tilespmem:s29], [sflag:$0x7] =	stream.indirect_vreg.gather [hbm4b:s1+s4], $0x80, v3, vm0, $0xb8;
	[tilespmem:$0x1D698] =	vst v63  }
0x308: {  	s30 =	simm.s32 $0x1BA80  }
0x309: {  	[tilespmem:s30], [sflag:$0x7] =	stream.indirect_vreg.gather [hbm4b:s5+s4], $0x80, v3, vm0, $0xb8;
	[tilespmem:$0x1D698] =	vst v63  }
0x30a: {  	s28 =	simm.s32 $0x1C280  }
0x30b: {  	[tilespmem:s28], [sflag:$0x7] =	stream.indirect_vreg.gather [hbm4b:s6+s4], $0x80, v3, vm0, $0xb8;
	[tilespmem:$0x1D698] =	vst v63  }
0x30c: {  	s29 =	simm.s32 $0x1CA80  }
0x30d: {  	[tilespmem:s29], [sflag:$0x7] =	stream.indirect_vreg.gather [hbm4b:s7+s4], $0x80, v3, vm0, $0xb8;
	[tilespmem:$0x1D698] =	vst v63  }
0x30e: {  	_ =	swait.ge [sflag:s20], $0x4000  }
0x30f: {  	[sflag:s20] =	ssyncset.done $0x0  }
0x310: {  	s30 =	rddreg [dreg:$0x18];
	[sflag:s20] =	ssyncadd.s32 $0xFFFFC000  }
0x311: {  	[hbm4b:s30+s4] =	stream.linear.scatter [tilespmem:s23], [sflag:$0x8], $0x4000, $0x38;
	[tilespmem:$0x1D698] =	vst v63  }
0x312: {  	_ =	swait.ge [sflag:s15], $0x4000  }
0x313: {  	[sflag:s15] =	ssyncset.done $0x0  }
0x314: {  	[sflag:s15] =	ssyncadd.s32 $0xFFFFC000  }
0x315: {  	v3 =	vld [tilespmem:$0x1150];
	_ =	sdelay $0x4  }
0x316: {  	v52 =	vshll.u32 v3, $0x3  }
0x317: {  	v3 =	vand.u32 $0x7, v3;
	v4 =	vand.u32 $0xFFFFFFC0, v52  }
0x318: {  	v3 =	vor.u32 v3, v4  }
0x319: {  	v4 =	vperm.xlane v3, v0;
	_ =	sdelay $0x1  }
0x31a: {  	v4 =	vadd.s32 v1, v4;
	_ =	sdelay $0x4  }
0x31b: {  	[tilespmem:s23], [sflag:$0x1] =	stream.indirect_vreg.gather [hbm4b:s1+s4], $0x80, v4, vm0, $0xb8;
	[tilespmem:$0x1D698] =	vst v63  }
0x31c: {  	s28 =	simm.s32 $0x1A80;
	v3 =	vperm.xlane v3, v2  }
0x31d: {  	[tilespmem:s28], [sflag:$0x1] =	stream.indirect_vreg.gather [hbm4b:s5+s4], $0x80, v4, vm0, $0xb8;
	[tilespmem:$0x1D698] =	vst v63  }
0x31e: {  	s29 =	simm.s32 $0x2280;
	v3 =	vadd.s32 v1, v3  }
0x31f: {  	[tilespmem:s29], [sflag:$0x1] =	stream.indirect_vreg.gather [hbm4b:s6+s4], $0x80, v4, vm0, $0xb8;
	[tilespmem:$0x1D698] =	vst v63  }
0x320: {  	s30 =	simm.s32 $0x2A80  }
0x321: {  	[tilespmem:s30], [sflag:$0x1] =	stream.indirect_vreg.gather [hbm4b:s7+s4], $0x80, v4, vm0, $0xb8;
	[tilespmem:$0x1D698] =	vst v63  }
0x322: {  	s28 =	simm.s32 $0x3280  }
0x323: {  	[tilespmem:s28], [sflag:$0x1] =	stream.indirect_vreg.gather [hbm4b:s1+s4], $0x80, v3, vm0, $0xb8;
	[tilespmem:$0x1D698] =	vst v63  }
0x324: {  	s29 =	simm.s32 $0x3A80  }
0x325: {  	[tilespmem:s29], [sflag:$0x1] =	stream.indirect_vreg.gather [hbm4b:s5+s4], $0x80, v3, vm0, $0xb8;
	[tilespmem:$0x1D698] =	vst v63  }
0x326: {  	s30 =	simm.s32 $0x4280  }
0x327: {  	[tilespmem:s30], [sflag:$0x1] =	stream.indirect_vreg.gather [hbm4b:s6+s4], $0x80, v3, vm0, $0xb8;
	[tilespmem:$0x1D698] =	vst v63  }
0x328: {  	s28 =	simm.s32 $0x4A80  }
0x329: {  	[tilespmem:s28], [sflag:$0x1] =	stream.indirect_vreg.gather [hbm4b:s7+s4], $0x80, v3, vm0, $0xb8;
	[tilespmem:$0x1D698] =	vst v63  }
0x32a: {  	_ =	swait.ge [sflag:s12], $0x4000  }
0x32b: {  	[sflag:s12] =	ssyncset.done $0x0  }
0x32c: {  	s29 =	rddreg [dreg:$0x19];
	[sflag:s12] =	ssyncadd.s32 $0xFFFFC000  }
0x32d: {  	[hbm4b:s29+s4] =	stream.linear.scatter [tilespmem:s22], [sflag:$0x9], $0x4000, $0x38;
	[tilespmem:$0x1D698] =	vst v63  }
0x32e: {  	_ =	swait.ge [sflag:s14], $0x4000  }
0x32f: {  	[sflag:s14] =	ssyncset.done $0x0  }
0x330: {  	[sflag:s14] =	ssyncadd.s32 $0xFFFFC000  }
0x331: {  	v3 =	vld [tilespmem:$0x1160];
	_ =	sdelay $0x4  }
0x332: {  	v53 =	vshll.u32 v3, $0x3  }
0x333: {  	v3 =	vand.u32 $0x7, v3;
	v4 =	vand.u32 $0xFFFFFFC0, v53  }
0x334: {  	v3 =	vor.u32 v3, v4  }
0x335: {  	v4 =	vperm.xlane v3, v0;
	_ =	sdelay $0x1  }
0x336: {  	v4 =	vadd.s32 v1, v4;
	_ =	sdelay $0x4  }
0x337: {  	[tilespmem:s22], [sflag:$0x2] =	stream.indirect_vreg.gather [hbm4b:s1+s4], $0x80, v4, vm0, $0xb8;
	[tilespmem:$0x1D698] =	vst v63  }
0x338: {  	s30 =	simm.s32 $0x5A80;
	v3 =	vperm.xlane v3, v2  }
0x339: {  	[tilespmem:s30], [sflag:$0x2] =	stream.indirect_vreg.gather [hbm4b:s5+s4], $0x80, v4, vm0, $0xb8;
	[tilespmem:$0x1D698] =	vst v63  }
0x33a: {  	s28 =	simm.s32 $0x6280;
	v3 =	vadd.s32 v1, v3  }
0x33b: {  	[tilespmem:s28], [sflag:$0x2] =	stream.indirect_vreg.gather [hbm4b:s6+s4], $0x80, v4, vm0, $0xb8;
	[tilespmem:$0x1D698] =	vst v63  }
0x33c: {  	s29 =	simm.s32 $0x6A80  }
0x33d: {  	[tilespmem:s29], [sflag:$0x2] =	stream.indirect_vreg.gather [hbm4b:s7+s4], $0x80, v4, vm0, $0xb8;
	[tilespmem:$0x1D698] =	vst v63  }
0x33e: {  	s30 =	simm.s32 $0x7280  }
0x33f: {  	[tilespmem:s30], [sflag:$0x2] =	stream.indirect_vreg.gather [hbm4b:s1+s4], $0x80, v3, vm0, $0xb8;
	[tilespmem:$0x1D698] =	vst v63  }
0x340: {  	s28 =	simm.s32 $0x7A80  }
0x341: {  	[tilespmem:s28], [sflag:$0x2] =	stream.indirect_vreg.gather [hbm4b:s5+s4], $0x80, v3, vm0, $0xb8;
	[tilespmem:$0x1D698] =	vst v63  }
0x342: {  	s29 =	simm.s32 $0x8280  }
0x343: {  	[tilespmem:s29], [sflag:$0x2] =	stream.indirect_vreg.gather [hbm4b:s6+s4], $0x80, v3, vm0, $0xb8;
	[tilespmem:$0x1D698] =	vst v63  }
0x344: {  	s30 =	simm.s32 $0x8A80  }
0x345: {  	[tilespmem:s30], [sflag:$0x2] =	stream.indirect_vreg.gather [hbm4b:s7+s4], $0x80, v3, vm0, $0xb8;
	[tilespmem:$0x1D698] =	vst v63  }
0x346: {  	_ =	swait.ge [sflag:s9], $0x4000  }
0x347: {  	[sflag:s9] =	ssyncset.done $0x0  }
0x348: {  	s28 =	rddreg [dreg:$0x1a];
	[sflag:s9] =	ssyncadd.s32 $0xFFFFC000  }
0x349: {  	[hbm4b:s28+s4] =	stream.linear.scatter [tilespmem:s24], [sflag:$0xA], $0x4000, $0x38;
	[tilespmem:$0x1D698] =	vst v63  }
0x34a: {  	_ =	swait.ge [sflag:s11], $0x4000  }
0x34b: {  	[sflag:s11] =	ssyncset.done $0x0  }
0x34c: {  	[sflag:s11] =	ssyncadd.s32 $0xFFFFC000  }
0x34d: {  	v3 =	vld [tilespmem:$0x1170];
	_ =	sdelay $0x4  }
0x34e: {  	v54 =	vshll.u32 v3, $0x3  }
0x34f: {  	v3 =	vand.u32 $0x7, v3;
	v4 =	vand.u32 $0xFFFFFFC0, v54  }
0x350: {  	v3 =	vor.u32 v3, v4  }
0x351: {  	v4 =	vperm.xlane v3, v0;
	_ =	sdelay $0x1  }
0x352: {  	v4 =	vadd.s32 v1, v4;
	_ =	sdelay $0x4  }
0x353: {  	[tilespmem:s24], [sflag:$0x3] =	stream.indirect_vreg.gather [hbm4b:s1+s4], $0x80, v4, vm0, $0xb8;
	[tilespmem:$0x1D698] =	vst v63  }
0x354: {  	s29 =	simm.s32 $0x9A80;
	v3 =	vperm.xlane v3, v2  }
0x355: {  	[tilespmem:s29], [sflag:$0x3] =	stream.indirect_vreg.gather [hbm4b:s5+s4], $0x80, v4, vm0, $0xb8;
	[tilespmem:$0x1D698] =	vst v63  }
0x356: {  	s30 =	simm.s32 $0xA280;
	v3 =	vadd.s32 v1, v3  }
0x357: {  	[tilespmem:s30], [sflag:$0x3] =	stream.indirect_vreg.gather [hbm4b:s6+s4], $0x80, v4, vm0, $0xb8;
	[tilespmem:$0x1D698] =	vst v63  }
0x358: {  	s28 =	simm.s32 $0xAA80  }
0x359: {  	[tilespmem:s28], [sflag:$0x3] =	stream.indirect_vreg.gather [hbm4b:s7+s4], $0x80, v4, vm0, $0xb8;
	[tilespmem:$0x1D698] =	vst v63  }
0x35a: {  	s29 =	simm.s32 $0xB280  }
0x35b: {  	[tilespmem:s29], [sflag:$0x3] =	stream.indirect_vreg.gather [hbm4b:s1+s4], $0x80, v3, vm0, $0xb8;
	[tilespmem:$0x1D698] =	vst v63  }
0x35c: {  	s30 =	simm.s32 $0xBA80  }
0x35d: {  	[tilespmem:s30], [sflag:$0x3] =	stream.indirect_vreg.gather [hbm4b:s5+s4], $0x80, v3, vm0, $0xb8;
	[tilespmem:$0x1D698] =	vst v63  }
0x35e: {  	s28 =	simm.s32 $0xC280  }
0x35f: {  	[tilespmem:s28], [sflag:$0x3] =	stream.indirect_vreg.gather [hbm4b:s6+s4], $0x80, v3, vm0, $0xb8;
	[tilespmem:$0x1D698] =	vst v63  }
0x360: {  	s29 =	simm.s32 $0xCA80  }
0x361: {  	[tilespmem:s29], [sflag:$0x3] =	stream.indirect_vreg.gather [hbm4b:s7+s4], $0x80, v3, vm0, $0xb8;
	[tilespmem:$0x1D698] =	vst v63  }
0x362: {  	_ =	swait.ge [sflag:s3], $0x4000  }
0x363: {  	[sflag:s3] =	ssyncset.done $0x0  }
0x364: {  	s30 =	rddreg [dreg:$0x1b];
	[sflag:s3] =	ssyncadd.s32 $0xFFFFC000  }
0x365: {  	[hbm4b:s30+s4] =	stream.linear.scatter [tilespmem:s21], [sflag:$0xB], $0x4000, $0x38;
	[tilespmem:$0x1D698] =	vst v63  }
0x366: {  	_ =	swait.ge [sflag:s8], $0x4000  }
0x367: {  	[sflag:s8] =	ssyncset.done $0x0  }
0x368: {  	[sflag:s8] =	ssyncadd.s32 $0xFFFFC000  }
0x369: {  	v3 =	vld [tilespmem:$0x1180];
	_ =	sdelay $0x4  }
0x36a: {  	v55 =	vshll.u32 v3, $0x3  }
0x36b: {  	v3 =	vand.u32 $0x7, v3;
	v4 =	vand.u32 $0xFFFFFFC0, v55  }
0x36c: {  	v3 =	vor.u32 v3, v4  }
0x36d: {  	v4 =	vperm.xlane v3, v0;
	_ =	sdelay $0x1  }
0x36e: {  	v4 =	vadd.s32 v1, v4;
	_ =	sdelay $0x4  }
0x36f: {  	[tilespmem:s21], [sflag:$0x4] =	stream.indirect_vreg.gather [hbm4b:s1+s4], $0x80, v4, vm0, $0xb8;
	[tilespmem:$0x1D698] =	vst v63  }
0x370: {  	s28 =	simm.s32 $0xDA80;
	v3 =	vperm.xlane v3, v2  }
0x371: {  	[tilespmem:s28], [sflag:$0x4] =	stream.indirect_vreg.gather [hbm4b:s5+s4], $0x80, v4, vm0, $0xb8;
	[tilespmem:$0x1D698] =	vst v63  }
0x372: {  	s29 =	simm.s32 $0xE280;
	v3 =	vadd.s32 v1, v3  }
0x373: {  	[tilespmem:s29], [sflag:$0x4] =	stream.indirect_vreg.gather [hbm4b:s6+s4], $0x80, v4, vm0, $0xb8;
	[tilespmem:$0x1D698] =	vst v63  }
0x374: {  	s30 =	simm.s32 $0xEA80  }
0x375: {  	[tilespmem:s30], [sflag:$0x4] =	stream.indirect_vreg.gather [hbm4b:s7+s4], $0x80, v4, vm0, $0xb8;
	[tilespmem:$0x1D698] =	vst v63  }
0x376: {  	s28 =	simm.s32 $0xF280  }
0x377: {  	[tilespmem:s28], [sflag:$0x4] =	stream.indirect_vreg.gather [hbm4b:s1+s4], $0x80, v3, vm0, $0xb8;
	[tilespmem:$0x1D698] =	vst v63  }
0x378: {  	s29 =	simm.s32 $0xFA80  }
0x379: {  	[tilespmem:s29], [sflag:$0x4] =	stream.indirect_vreg.gather [hbm4b:s5+s4], $0x80, v3, vm0, $0xb8;
	[tilespmem:$0x1D698] =	vst v63  }
0x37a: {  	s30 =	simm.s32 $0x10280  }
0x37b: {  	[tilespmem:s30], [sflag:$0x4] =	stream.indirect_vreg.gather [hbm4b:s6+s4], $0x80, v3, vm0, $0xb8;
	[tilespmem:$0x1D698] =	vst v63  }
0x37c: {  	s28 =	simm.s32 $0x10A80  }
0x37d: {  	[tilespmem:s28], [sflag:$0x4] =	stream.indirect_vreg.gather [hbm4b:s7+s4], $0x80, v3, vm0, $0xb8;
	[tilespmem:$0x1D698] =	vst v63  }
0x37e: {  	_ =	swait.ge [sflag:s0], $0x4000  }
0x37f: {  	[sflag:s0] =	ssyncset.done $0x0  }
0x380: {  	s29 =	rddreg [dreg:$0x1c];
	[sflag:s0] =	ssyncadd.s32 $0xFFFFC000  }
0x381: {  	[hbm4b:s29+s4] =	stream.linear.scatter [tilespmem:s19], [sflag:$0xC], $0x4000, $0x38;
	[tilespmem:$0x1D698] =	vst v63  }
0x382: {  	_ =	swait.ge [sflag:s2], $0x4000  }
0x383: {  	[sflag:s2] =	ssyncset.done $0x0  }
0x384: {  	[sflag:s2] =	ssyncadd.s32 $0xFFFFC000  }
0x385: {  	v3 =	vld [tilespmem:$0x1190];
	_ =	sdelay $0x4  }
0x386: {  	v56 =	vshll.u32 v3, $0x3  }
0x387: {  	v3 =	vand.u32 $0x7, v3;
	v4 =	vand.u32 $0xFFFFFFC0, v56  }
0x388: {  	v3 =	vor.u32 v3, v4  }
0x389: {  	v4 =	vperm.xlane v3, v0;
	_ =	sdelay $0x1  }
0x38a: {  	v4 =	vadd.s32 v1, v4;
	_ =	sdelay $0x4  }
0x38b: {  	[tilespmem:s19], [sflag:$0x5] =	stream.indirect_vreg.gather [hbm4b:s1+s4], $0x80, v4, vm0, $0xb8;
	[tilespmem:$0x1D698] =	vst v63  }
0x38c: {  	s30 =	simm.s32 $0x11A80;
	v3 =	vperm.xlane v3, v2  }
0x38d: {  	[tilespmem:s30], [sflag:$0x5] =	stream.indirect_vreg.gather [hbm4b:s5+s4], $0x80, v4, vm0, $0xb8;
	[tilespmem:$0x1D698] =	vst v63  }
0x38e: {  	s28 =	simm.s32 $0x12280;
	v3 =	vadd.s32 v1, v3  }
0x38f: {  	[tilespmem:s28], [sflag:$0x5] =	stream.indirect_vreg.gather [hbm4b:s6+s4], $0x80, v4, vm0, $0xb8;
	[tilespmem:$0x1D698] =	vst v63  }
0x390: {  	s29 =	simm.s32 $0x12A80  }
0x391: {  	[tilespmem:s29], [sflag:$0x5] =	stream.indirect_vreg.gather [hbm4b:s7+s4], $0x80, v4, vm0, $0xb8;
	[tilespmem:$0x1D698] =	vst v63  }
0x392: {  	s17 =	simm.s32 $0x13280  }
0x393: {  	[tilespmem:s17], [sflag:$0x5] =	stream.indirect_vreg.gather [hbm4b:s1+s4], $0x80, v3, vm0, $0xb8;
	[tilespmem:$0x1D698] =	vst v63  }
0x394: {  	s17 =	simm.s32 $0x13A80  }
0x395: {  	[tilespmem:s17], [sflag:$0x5] =	stream.indirect_vreg.gather [hbm4b:s5+s4], $0x80, v3, vm0, $0xb8;
	[tilespmem:$0x1D698] =	vst v63  }
0x396: {  	s17 =	simm.s32 $0x14280  }
0x397: {  	[tilespmem:s17], [sflag:$0x5] =	stream.indirect_vreg.gather [hbm4b:s6+s4], $0x80, v3, vm0, $0xb8;
	[tilespmem:$0x1D698] =	vst v63  }
0x398: {  	s17 =	simm.s32 $0x14A80  }
0x399: {  	[tilespmem:s17], [sflag:$0x5] =	stream.indirect_vreg.gather [hbm4b:s7+s4], $0x80, v3, vm0, $0xb8;
	[tilespmem:$0x1D698] =	vst v63  }
0x39a: {  	_ =	swait.ge [sflag:s13], $0x4000  }
0x39b: {  	[sflag:s13] =	ssyncset.done $0x0  }
0x39c: {  	s17 =	rddreg [dreg:$0x1d];
	[sflag:s13] =	ssyncadd.s32 $0xFFFFC000  }
0x39d: {  	[hbm4b:s17+s4] =	stream.linear.scatter [tilespmem:s26], [sflag:$0xD], $0x4000, $0x38;
	[tilespmem:$0x1D698] =	vst v63  }
0x39e: {  	_ =	swait.ge [sflag:s18], $0x4000  }
0x39f: {  	[sflag:s18] =	ssyncset.done $0x0  }
0x3a0: {  	[sflag:s18] =	ssyncadd.s32 $0xFFFFC000  }
0x3a1: {  	v3 =	vld [tilespmem:$0x11A0];
	_ =	sdelay $0x4  }
0x3a2: {  	v57 =	vshll.u32 v3, $0x3  }
0x3a3: {  	v3 =	vand.u32 $0x7, v3;
	v4 =	vand.u32 $0xFFFFFFC0, v57  }
0x3a4: {  	v3 =	vor.u32 v3, v4  }
0x3a5: {  	v4 =	vperm.xlane v3, v0;
	_ =	sdelay $0x1  }
0x3a6: {  	v4 =	vadd.s32 v1, v4;
	_ =	sdelay $0x4  }
0x3a7: {  	[tilespmem:s26], [sflag:$0x6] =	stream.indirect_vreg.gather [hbm4b:s1+s4], $0x80, v4, vm0, $0xb8;
	[tilespmem:$0x1D698] =	vst v63  }
0x3a8: {  	s17 =	simm.s32 $0x15A80;
	v3 =	vperm.xlane v3, v2  }
0x3a9: {  	[tilespmem:s17], [sflag:$0x6] =	stream.indirect_vreg.gather [hbm4b:s5+s4], $0x80, v4, vm0, $0xb8;
	[tilespmem:$0x1D698] =	vst v63  }
0x3aa: {  	v3 =	vadd.s32 v1, v3;
	s17 =	simm.s32 $0x16280  }
0x3ab: {  	[tilespmem:s17], [sflag:$0x6] =	stream.indirect_vreg.gather [hbm4b:s6+s4], $0x80, v4, vm0, $0xb8;
	[tilespmem:$0x1D698] =	vst v63  }
0x3ac: {  	s17 =	simm.s32 $0x16A80  }
0x3ad: {  	[tilespmem:s17], [sflag:$0x6] =	stream.indirect_vreg.gather [hbm4b:s7+s4], $0x80, v4, vm0, $0xb8;
	[tilespmem:$0x1D698] =	vst v63  }
0x3ae: {  	s17 =	simm.s32 $0x17280  }
0x3af: {  	[tilespmem:s17], [sflag:$0x6] =	stream.indirect_vreg.gather [hbm4b:s1+s4], $0x80, v3, vm0, $0xb8;
	[tilespmem:$0x1D698] =	vst v63  }
0x3b0: {  	s17 =	simm.s32 $0x17A80  }
0x3b1: {  	[tilespmem:s17], [sflag:$0x6] =	stream.indirect_vreg.gather [hbm4b:s5+s4], $0x80, v3, vm0, $0xb8;
	[tilespmem:$0x1D698] =	vst v63  }
0x3b2: {  	s17 =	simm.s32 $0x18280  }
0x3b3: {  	[tilespmem:s17], [sflag:$0x6] =	stream.indirect_vreg.gather [hbm4b:s6+s4], $0x80, v3, vm0, $0xb8;
	[tilespmem:$0x1D698] =	vst v63  }
0x3b4: {  	s17 =	simm.s32 $0x18A80  }
0x3b5: {  	[tilespmem:s17], [sflag:$0x6] =	stream.indirect_vreg.gather [hbm4b:s7+s4], $0x80, v3, vm0, $0xb8;
	[tilespmem:$0x1D698] =	vst v63  }
0x3b6: {  	_ =	swait.ge [sflag:s10], $0x4000  }
0x3b7: {  	[sflag:s10] =	ssyncset.done $0x0  }
0x3b8: {  	s17 =	rddreg [dreg:$0x1e];
	[sflag:s10] =	ssyncadd.s32 $0xFFFFC000  }
0x3b9: {  	[hbm4b:s17+s4] =	stream.linear.scatter [tilespmem:s25], [sflag:$0xE], $0x4000, $0x38;
	[tilespmem:$0x1D698] =	vst v63  }
0x3ba: {  	_ =	swait.ge [sflag:s16], $0x4000  }
0x3bb: {  	[sflag:s16] =	ssyncset.done $0x0  }
0x3bc: {  	[sflag:s16] =	ssyncadd.s32 $0xFFFFC000  }
0x3bd: {  	v3 =	vld [tilespmem:$0x11B0];
	_ =	sdelay $0x4  }
0x3be: {  	v58 =	vshll.u32 v3, $0x3  }
0x3bf: {  	v3 =	vand.u32 $0x7, v3;
	v4 =	vand.u32 $0xFFFFFFC0, v58  }
0x3c0: {  	v3 =	vor.u32 v3, v4  }
0x3c1: {  	v4 =	vperm.xlane v3, v0;
	_ =	sdelay $0x1  }
0x3c2: {  	v4 =	vadd.s32 v1, v4;
	_ =	sdelay $0x4  }
0x3c3: {  	[tilespmem:s25], [sflag:$0x7] =	stream.indirect_vreg.gather [hbm4b:s1+s4], $0x80, v4, vm0, $0xb8;
	[tilespmem:$0x1D698] =	vst v63  }
0x3c4: {  	s17 =	simm.s32 $0x19A80;
	v3 =	vperm.xlane v3, v2  }
0x3c5: {  	[tilespmem:s17], [sflag:$0x7] =	stream.indirect_vreg.gather [hbm4b:s5+s4], $0x80, v4, vm0, $0xb8;
	[tilespmem:$0x1D698] =	vst v63  }
0x3c6: {  	s31 =	simm.s32 $0x1A280;
	v3 =	vadd.s32 v1, v3  }
0x3c7: {  	[tilespmem:s31], [sflag:$0x7] =	stream.indirect_vreg.gather [hbm4b:s6+s4], $0x80, v4, vm0, $0xb8;
	[tilespmem:$0x1D698] =	vst v63  }
0x3c8: {  	s31 =	simm.s32 $0x1AA80  }
0x3c9: {  	[tilespmem:s31], [sflag:$0x7] =	stream.indirect_vreg.gather [hbm4b:s7+s4], $0x80, v4, vm0, $0xb8;
	[tilespmem:$0x1D698] =	vst v63  }
0x3ca: {  	s31 =	simm.s32 $0x1B280  }
0x3cb: {  	[tilespmem:s31], [sflag:$0x7] =	stream.indirect_vreg.gather [hbm4b:s1+s4], $0x80, v3, vm0, $0xb8;
	[tilespmem:$0x1D698] =	vst v63  }
0x3cc: {  	s31 =	simm.s32 $0x1BA80  }
0x3cd: {  	[tilespmem:s31], [sflag:$0x7] =	stream.indirect_vreg.gather [hbm4b:s5+s4], $0x80, v3, vm0, $0xb8;
	[tilespmem:$0x1D698] =	vst v63  }
0x3ce: {  	s31 =	simm.s32 $0x1C280  }
0x3cf: {  	[tilespmem:s31], [sflag:$0x7] =	stream.indirect_vreg.gather [hbm4b:s6+s4], $0x80, v3, vm0, $0xb8;
	[tilespmem:$0x1D698] =	vst v63  }
0x3d0: {  	s31 =	simm.s32 $0x1CA80  }
0x3d1: {  	[tilespmem:s31], [sflag:$0x7] =	stream.indirect_vreg.gather [hbm4b:s7+s4], $0x80, v3, vm0, $0xb8;
	[tilespmem:$0x1D698] =	vst v63  }
0x3d2: {  	_ =	swait.ge [sflag:s20], $0x4000  }
0x3d3: {  	[sflag:s20] =	ssyncset.done $0x0  }
0x3d4: {  	s31 =	rddreg [dreg:$0x1f];
	[sflag:s20] =	ssyncadd.s32 $0xFFFFC000  }
0x3d5: {  	[hbm4b:s31+s4] =	stream.linear.scatter [tilespmem:s23], [sflag:$0x8], $0x4000, $0x38;
	[tilespmem:$0x1D698] =	vst v63  }
0x3d6: {  	_ =	swait.ge [sflag:s15], $0x4000  }
0x3d7: {  	[sflag:s15] =	ssyncset.done $0x0  }
0x3d8: {  	[sflag:s15] =	ssyncadd.s32 $0xFFFFC000  }
0x3d9: {  	v3 =	vld [tilespmem:$0x11C0];
	_ =	sdelay $0x4  }
0x3da: {  	v59 =	vshll.u32 v3, $0x3  }
0x3db: {  	v3 =	vand.u32 $0x7, v3;
	v4 =	vand.u32 $0xFFFFFFC0, v59  }
0x3dc: {  	v3 =	vor.u32 v3, v4  }
0x3dd: {  	v4 =	vperm.xlane v3, v0;
	_ =	sdelay $0x1  }
0x3de: {  	v4 =	vadd.s32 v1, v4;
	_ =	sdelay $0x4  }
0x3df: {  	[tilespmem:s23], [sflag:$0x1] =	stream.indirect_vreg.gather [hbm4b:s1+s4], $0x80, v4, vm0, $0xb8;
	[tilespmem:$0x1D698] =	vst v63  }
0x3e0: {  	s31 =	simm.s32 $0x1A80;
	v3 =	vperm.xlane v3, v2  }
0x3e1: {  	[tilespmem:s31], [sflag:$0x1] =	stream.indirect_vreg.gather [hbm4b:s5+s4], $0x80, v4, vm0, $0xb8;
	[tilespmem:$0x1D698] =	vst v63  }
0x3e2: {  	v3 =	vadd.s32 v1, v3;
	s31 =	simm.s32 $0x2280  }
0x3e3: {  	[tilespmem:s31], [sflag:$0x1] =	stream.indirect_vreg.gather [hbm4b:s6+s4], $0x80, v4, vm0, $0xb8;
	[tilespmem:$0x1D698] =	vst v63  }
0x3e4: {  	s31 =	simm.s32 $0x2A80  }
0x3e5: {  	[tilespmem:s31], [sflag:$0x1] =	stream.indirect_vreg.gather [hbm4b:s7+s4], $0x80, v4, vm0, $0xb8;
	[tilespmem:$0x1D698] =	vst v63  }
0x3e6: {  	s31 =	simm.s32 $0x3280  }
0x3e7: {  	[tilespmem:s31], [sflag:$0x1] =	stream.indirect_vreg.gather [hbm4b:s1+s4], $0x80, v3, vm0, $0xb8;
	[tilespmem:$0x1D698] =	vst v63  }
0x3e8: {  	s31 =	simm.s32 $0x3A80  }
0x3e9: {  	[tilespmem:s31], [sflag:$0x1] =	stream.indirect_vreg.gather [hbm4b:s5+s4], $0x80, v3, vm0, $0xb8;
	[tilespmem:$0x1D698] =	vst v63  }
0x3ea: {  	s31 =	simm.s32 $0x4280  }
0x3eb: {  	[tilespmem:s31], [sflag:$0x1] =	stream.indirect_vreg.gather [hbm4b:s6+s4], $0x80, v3, vm0, $0xb8;
	[tilespmem:$0x1D698] =	vst v63  }
0x3ec: {  	s31 =	simm.s32 $0x4A80  }
0x3ed: {  	[tilespmem:s31], [sflag:$0x1] =	stream.indirect_vreg.gather [hbm4b:s7+s4], $0x80, v3, vm0, $0xb8;
	[tilespmem:$0x1D698] =	vst v63  }
0x3ee: {  	_ =	swait.ge [sflag:s12], $0x4000  }
0x3ef: {  	s31 =	sld [smem:$0x7F2]  }
0x3f0: {  	[sflag:s12] =	ssyncset.done $0x0  }
0x3f1: {  	[sflag:s12] =	ssyncadd.s32 $0xFFFFC000  }
0x3f2: {  	[hbm4b:s31+s4] =	stream.linear.scatter [tilespmem:s22], [sflag:$0x9], $0x4000, $0x38;
	[tilespmem:$0x1D698] =	vst v63  }
0x3f3: {  	_ =	swait.ge [sflag:s14], $0x4000  }
0x3f4: {  	[sflag:s14] =	ssyncset.done $0x0  }
0x3f5: {  	[sflag:s14] =	ssyncadd.s32 $0xFFFFC000  }
0x3f6: {  	v3 =	vld [tilespmem:$0x11D0];
	_ =	sdelay $0x4  }
0x3f7: {  	v60 =	vshll.u32 v3, $0x3  }
0x3f8: {  	v3 =	vand.u32 $0x7, v3;
	v4 =	vand.u32 $0xFFFFFFC0, v60  }
0x3f9: {  	v3 =	vor.u32 v3, v4  }
0x3fa: {  	v4 =	vperm.xlane v3, v0;
	_ =	sdelay $0x1  }
0x3fb: {  	v4 =	vadd.s32 v1, v4;
	_ =	sdelay $0x4  }
0x3fc: {  	[tilespmem:s22], [sflag:$0x2] =	stream.indirect_vreg.gather [hbm4b:s1+s4], $0x80, v4, vm0, $0xb8;
	[tilespmem:$0x1D698] =	vst v63  }
0x3fd: {  	s31 =	simm.s32 $0x5A80;
	v3 =	vperm.xlane v3, v2  }
0x3fe: {  	[tilespmem:s31], [sflag:$0x2] =	stream.indirect_vreg.gather [hbm4b:s5+s4], $0x80, v4, vm0, $0xb8;
	[tilespmem:$0x1D698] =	vst v63  }
0x3ff: {  	v3 =	vadd.s32 v1, v3;
	s31 =	simm.s32 $0x6280  }
0x400: {  	[tilespmem:s31], [sflag:$0x2] =	stream.indirect_vreg.gather [hbm4b:s6+s4], $0x80, v4, vm0, $0xb8;
	[tilespmem:$0x1D698] =	vst v63  }
0x401: {  	s31 =	simm.s32 $0x6A80  }
0x402: {  	[tilespmem:s31], [sflag:$0x2] =	stream.indirect_vreg.gather [hbm4b:s7+s4], $0x80, v4, vm0, $0xb8;
	[tilespmem:$0x1D698] =	vst v63  }
0x403: {  	s31 =	simm.s32 $0x7280  }
0x404: {  	[tilespmem:s31], [sflag:$0x2] =	stream.indirect_vreg.gather [hbm4b:s1+s4], $0x80, v3, vm0, $0xb8;
	[tilespmem:$0x1D698] =	vst v63  }
0x405: {  	s31 =	simm.s32 $0x7A80  }
0x406: {  	[tilespmem:s31], [sflag:$0x2] =	stream.indirect_vreg.gather [hbm4b:s5+s4], $0x80, v3, vm0, $0xb8;
	[tilespmem:$0x1D698] =	vst v63  }
0x407: {  	s31 =	simm.s32 $0x8280  }
0x408: {  	[tilespmem:s31], [sflag:$0x2] =	stream.indirect_vreg.gather [hbm4b:s6+s4], $0x80, v3, vm0, $0xb8;
	[tilespmem:$0x1D698] =	vst v63  }
0x409: {  	s31 =	simm.s32 $0x8A80  }
0x40a: {  	[tilespmem:s31], [sflag:$0x2] =	stream.indirect_vreg.gather [hbm4b:s7+s4], $0x80, v3, vm0, $0xb8;
	[tilespmem:$0x1D698] =	vst v63  }
0x40b: {  	_ =	swait.ge [sflag:s9], $0x4000  }
0x40c: {  	s31 =	sld [smem:$0x7F3]  }
0x40d: {  	[sflag:s9] =	ssyncset.done $0x0  }
0x40e: {  	[sflag:s9] =	ssyncadd.s32 $0xFFFFC000  }
0x40f: {  	[hbm4b:s31+s4] =	stream.linear.scatter [tilespmem:s24], [sflag:$0xA], $0x4000, $0x38;
	[tilespmem:$0x1D698] =	vst v63  }
0x410: {  	_ =	swait.ge [sflag:s11], $0x4000  }
0x411: {  	[sflag:s11] =	ssyncset.done $0x0  }
0x412: {  	[sflag:s11] =	ssyncadd.s32 $0xFFFFC000  }
0x413: {  	v3 =	vld [tilespmem:$0x11E0];
	_ =	sdelay $0x4  }
0x414: {  	v61 =	vshll.u32 v3, $0x3  }
0x415: {  	v3 =	vand.u32 $0x7, v3;
	v4 =	vand.u32 $0xFFFFFFC0, v61  }
0x416: {  	v3 =	vor.u32 v3, v4  }
0x417: {  	v4 =	vperm.xlane v3, v0;
	_ =	sdelay $0x1  }
0x418: {  	v4 =	vadd.s32 v1, v4;
	_ =	sdelay $0x4  }
0x419: {  	[tilespmem:s24], [sflag:$0x3] =	stream.indirect_vreg.gather [hbm4b:s1+s4], $0x80, v4, vm0, $0xb8;
	[tilespmem:$0x1D698] =	vst v63  }
0x41a: {  	s31 =	simm.s32 $0x9A80;
	v3 =	vperm.xlane v3, v2  }
0x41b: {  	[tilespmem:s31], [sflag:$0x3] =	stream.indirect_vreg.gather [hbm4b:s5+s4], $0x80, v4, vm0, $0xb8;
	[tilespmem:$0x1D698] =	vst v63  }
0x41c: {  	v3 =	vadd.s32 v1, v3;
	s31 =	simm.s32 $0xA280  }
0x41d: {  	[tilespmem:s31], [sflag:$0x3] =	stream.indirect_vreg.gather [hbm4b:s6+s4], $0x80, v4, vm0, $0xb8;
	[tilespmem:$0x1D698] =	vst v63  }
0x41e: {  	s31 =	simm.s32 $0xAA80  }
0x41f: {  	[tilespmem:s31], [sflag:$0x3] =	stream.indirect_vreg.gather [hbm4b:s7+s4], $0x80, v4, vm0, $0xb8;
	[tilespmem:$0x1D698] =	vst v63  }
0x420: {  	s31 =	simm.s32 $0xB280  }
0x421: {  	[tilespmem:s31], [sflag:$0x3] =	stream.indirect_vreg.gather [hbm4b:s1+s4], $0x80, v3, vm0, $0xb8;
	[tilespmem:$0x1D698] =	vst v63  }
0x422: {  	s31 =	simm.s32 $0xBA80  }
0x423: {  	[tilespmem:s31], [sflag:$0x3] =	stream.indirect_vreg.gather [hbm4b:s5+s4], $0x80, v3, vm0, $0xb8;
	[tilespmem:$0x1D698] =	vst v63  }
0x424: {  	s31 =	simm.s32 $0xC280  }
0x425: {  	[tilespmem:s31], [sflag:$0x3] =	stream.indirect_vreg.gather [hbm4b:s6+s4], $0x80, v3, vm0, $0xb8;
	[tilespmem:$0x1D698] =	vst v63  }
0x426: {  	s31 =	simm.s32 $0xCA80  }
0x427: {  	[tilespmem:s31], [sflag:$0x3] =	stream.indirect_vreg.gather [hbm4b:s7+s4], $0x80, v3, vm0, $0xb8;
	[tilespmem:$0x1D698] =	vst v63  }
0x428: {  	_ =	swait.ge [sflag:s3], $0x4000  }
0x429: {  	s31 =	sld [smem:$0x7F4]  }
0x42a: {  	[sflag:s3] =	ssyncset.done $0x0  }
0x42b: {  	[sflag:s3] =	ssyncadd.s32 $0xFFFFC000  }
0x42c: {  	[hbm4b:s31+s4] =	stream.linear.scatter [tilespmem:s21], [sflag:$0xB], $0x4000, $0x38;
	[tilespmem:$0x1D698] =	vst v63  }
0x42d: {  	_ =	swait.ge [sflag:s8], $0x4000  }
0x42e: {  	[sflag:s8] =	ssyncset.done $0x0  }
0x42f: {  	[sflag:s8] =	ssyncadd.s32 $0xFFFFC000  }
0x430: {  	v3 =	vld [tilespmem:$0x11F0];
	_ =	sdelay $0x4  }
0x431: {  	v62 =	vshll.u32 v3, $0x3  }
0x432: {  	v3 =	vand.u32 $0x7, v3;
	v4 =	vand.u32 $0xFFFFFFC0, v62  }
0x433: {  	v3 =	vor.u32 v3, v4  }
0x434: {  	v4 =	vperm.xlane v3, v0;
	_ =	sdelay $0x1  }
0x435: {  	v4 =	vadd.s32 v1, v4;
	_ =	sdelay $0x4  }
0x436: {  	[tilespmem:s21], [sflag:$0x4] =	stream.indirect_vreg.gather [hbm4b:s1+s4], $0x80, v4, vm0, $0xb8;
	[tilespmem:$0x1D698] =	vst v63  }
0x437: {  	s31 =	simm.s32 $0xDA80;
	v3 =	vperm.xlane v3, v2  }
0x438: {  	[tilespmem:s31], [sflag:$0x4] =	stream.indirect_vreg.gather [hbm4b:s5+s4], $0x80, v4, vm0, $0xb8;
	[tilespmem:$0x1D698] =	vst v63  }
0x439: {  	v3 =	vadd.s32 v1, v3;
	s31 =	simm.s32 $0xE280  }
0x43a: {  	[tilespmem:s31], [sflag:$0x4] =	stream.indirect_vreg.gather [hbm4b:s6+s4], $0x80, v4, vm0, $0xb8;
	[tilespmem:$0x1D698] =	vst v63  }
0x43b: {  	s31 =	simm.s32 $0xEA80  }
0x43c: {  	[tilespmem:s31], [sflag:$0x4] =	stream.indirect_vreg.gather [hbm4b:s7+s4], $0x80, v4, vm0, $0xb8;
	[tilespmem:$0x1D698] =	vst v63  }
0x43d: {  	s31 =	simm.s32 $0xF280  }
0x43e: {  	[tilespmem:s31], [sflag:$0x4] =	stream.indirect_vreg.gather [hbm4b:s1+s4], $0x80, v3, vm0, $0xb8;
	[tilespmem:$0x1D698] =	vst v63  }
0x43f: {  	s31 =	simm.s32 $0xFA80  }
0x440: {  	[tilespmem:s31], [sflag:$0x4] =	stream.indirect_vreg.gather [hbm4b:s5+s4], $0x80, v3, vm0, $0xb8;
	[tilespmem:$0x1D698] =	vst v63  }
0x441: {  	s31 =	simm.s32 $0x10280  }
0x442: {  	[tilespmem:s31], [sflag:$0x4] =	stream.indirect_vreg.gather [hbm4b:s6+s4], $0x80, v3, vm0, $0xb8;
	[tilespmem:$0x1D698] =	vst v63  }
0x443: {  	s31 =	simm.s32 $0x10A80  }
0x444: {  	[tilespmem:s31], [sflag:$0x4] =	stream.indirect_vreg.gather [hbm4b:s7+s4], $0x80, v3, vm0, $0xb8;
	[tilespmem:$0x1D698] =	vst v63  }
0x445: {  	_ =	swait.ge [sflag:s0], $0x4000  }
0x446: {  	s31 =	sld [smem:$0x7F5]  }
0x447: {  	[sflag:s0] =	ssyncset.done $0x0  }
0x448: {  	[sflag:s0] =	ssyncadd.s32 $0xFFFFC000  }
0x449: {  	[hbm4b:s31+s4] =	stream.linear.scatter [tilespmem:s19], [sflag:$0xC], $0x4000, $0x38;
	[tilespmem:$0x1D698] =	vst v63  }
0x44a: {  	_ =	swait.ge [sflag:s2], $0x4000  }
0x44b: {  	[sflag:s2] =	ssyncset.done $0x0  }
0x44c: {  	[sflag:s2] =	ssyncadd.s32 $0xFFFFC000  }
0x44d: {  	v3 =	vld.msk [tilespmem:$0x1200], $0xff;
	_ =	sdelay $0x4  }
0x44e: {  	v63 =	vshll.u32 v3, $0x3  }
0x44f: {  	v3 =	vand.u32 $0x7, v3;
	v4 =	vand.u32 $0xFFFFFFC0, v63  }
0x450: {  	v3 =	vor.u32 v3, v4  }
0x451: {  	v3 =	vperm.xlane v3, v0;
	_ =	sdelay $0x1  }
0x452: {  	v3 =	vadd.s32 v1, v3;
	_ =	sdelay $0x4  }
0x453: {  	[tilespmem:s19], [sflag:$0x5] =	stream.indirect_vreg.gather [hbm4b:s1+s4], $0x80, v3, vm0, $0xb8;
	[tilespmem:$0x1D698] =	vst v63  }
0x454: {  	s30 =	simm.s32 $0x11A80  }
0x455: {  	[tilespmem:s30], [sflag:$0x5] =	stream.indirect_vreg.gather [hbm4b:s5+s4], $0x80, v3, vm0, $0xb8;
	[tilespmem:$0x1D698] =	vst v63  }
0x456: {  	s28 =	simm.s32 $0x12280  }
0x457: {  	[tilespmem:s28], [sflag:$0x5] =	stream.indirect_vreg.gather [hbm4b:s6+s4], $0x80, v3, vm0, $0xb8;
	[tilespmem:$0x1D698] =	vst v63  }
0x458: {  	s29 =	simm.s32 $0x12A80  }
0x459: {  	[tilespmem:s29], [sflag:$0x5] =	stream.indirect_vreg.gather [hbm4b:s7+s4], $0x80, v3, vm0, $0xb8;
	[tilespmem:$0x1D698] =	vst v63  }
0x45a: {  	_ =	swait.ge [sflag:s13], $0x4000  }
0x45b: {  	s31 =	sld [smem:$0x7F6]  }
0x45c: {  	[sflag:s13] =	ssyncset.done $0x0  }
0x45d: {  	[sflag:s13] =	ssyncadd.s32 $0xFFFFC000  }
0x45e: {  	[hbm4b:s31+s4] =	stream.linear.scatter [tilespmem:s26], [sflag:$0xD], $0x4000, $0x38;
	[tilespmem:$0x1D698] =	vst v63  }
0x45f: {  	_ =	swait.ge [sflag:s10], $0x4000  }
0x460: {  	s13 =	sld [smem:$0x7F7]  }
0x461: {  	[sflag:s10] =	ssyncset.done $0x0  }
0x462: {  	[sflag:s10] =	ssyncadd.s32 $0xFFFFC000  }
0x463: {  	[hbm4b:s13+s4] =	stream.linear.scatter [tilespmem:s25], [sflag:$0xE], $0x4000, $0x38;
	[tilespmem:$0x1D698] =	vst v63  }
0x464: {  	_ =	swait.ge [sflag:s20], $0x4000  }
0x465: {  	s25 =	sld [smem:$0x7F8]  }
0x466: {  	[sflag:s20] =	ssyncset.done $0x0  }
0x467: {  	[sflag:s20] =	ssyncadd.s32 $0xFFFFC000  }
0x468: {  	[hbm4b:s25+s4] =	stream.linear.scatter [tilespmem:s23], [sflag:$0x8], $0x4000, $0x38;
	[tilespmem:$0x1D698] =	vst v63  }
0x469: {  	_ =	swait.ge [sflag:s12], $0x4000  }
0x46a: {  	s26 =	sld [smem:$0x7F9]  }
0x46b: {  	[sflag:s12] =	ssyncset.done $0x0  }
0x46c: {  	[sflag:s12] =	ssyncadd.s32 $0xFFFFC000  }
0x46d: {  	[hbm4b:s26+s4] =	stream.linear.scatter [tilespmem:s22], [sflag:$0x9], $0x4000, $0x38;
	[tilespmem:$0x1D698] =	vst v63  }
0x46e: {  	_ =	swait.ge [sflag:s9], $0x4000  }
0x46f: {  	s28 =	sld [smem:$0x7FA]  }
0x470: {  	[sflag:s9] =	ssyncset.done $0x0  }
0x471: {  	[sflag:s9] =	ssyncadd.s32 $0xFFFFC000  }
0x472: {  	[hbm4b:s28+s4] =	stream.linear.scatter [tilespmem:s24], [sflag:$0xA], $0x4000, $0x38;
	[tilespmem:$0x1D698] =	vst v63  }
0x473: {  	_ =	swait.ge [sflag:s3], $0x4000  }
0x474: {  	s29 =	sld [smem:$0x7FB]  }
0x475: {  	[sflag:s3] =	ssyncset.done $0x0  }
0x476: {  	[sflag:s3] =	ssyncadd.s32 $0xFFFFC000  }
0x477: {  	[hbm4b:s29+s4] =	stream.linear.scatter [tilespmem:s21], [sflag:$0xB], $0x4000, $0x38;
	[tilespmem:$0x1D698] =	vst v63  }
0x478: {  	_ =	swait.ge [sflag:s0], $0x2000  }
0x479: {  	s30 =	sld [smem:$0x7FC]  }
0x47a: {  	[sflag:s0] =	ssyncset.done $0x0  }
0x47b: {  	[sflag:s0] =	ssyncadd.s32 $0xFFFFE000  }
0x47c: {  	[hbm4b:s30+s4] =	stream.linear.scatter [tilespmem:s19], [sflag:$0xC], $0x2000, $0x38;
	[tilespmem:$0x1D698] =	vst v63  }
0x47d: {  	_ =	swait.ge [sflag:s15], $0x4000  }
0x47e: {  	[sflag:s15] =	ssyncset.done $0x0  }
0x47f: {  	[sflag:s15] =	ssyncadd.s32 $0xFFFFC000  }
0x480: {  	_ =	swait.ge [sflag:s14], $0x4000  }
0x481: {  	[sflag:s14] =	ssyncset.done $0x0  }
0x482: {  	[sflag:s14] =	ssyncadd.s32 $0xFFFFC000  }
0x483: {  	_ =	swait.ge [sflag:s11], $0x4000  }
0x484: {  	[sflag:s11] =	ssyncset.done $0x0  }
0x485: {  	[sflag:s11] =	ssyncadd.s32 $0xFFFFC000  }
0x486: {  	_ =	swait.ge [sflag:s8], $0x4000  }
0x487: {  	[sflag:s8] =	ssyncset.done $0x0  }
0x488: {  	[sflag:s8] =	ssyncadd.s32 $0xFFFFC000  }
0x489: {  	_ =	swait.ge [sflag:s2], $0x2000  }
0x48a: {  	[sflag:s2] =	ssyncset.done $0x0  }
0x48b: {  	[sflag:s2] =	ssyncadd.s32 $0xFFFFE000  }
0x48c: {  	_ =	swait.ge [sflag:s18], $0x4000  }
0x48d: {  	[sflag:s18] =	ssyncset.done $0x0  }
0x48e: {  	[sflag:s18] =	ssyncadd.s32 $0xFFFFC000  }
0x48f: {  	_ =	swait.ge [sflag:s16], $0x4000  }
0x490: {  	s31 =	sld [smem:$0x7F1];
	_ =	sdelay $0x2  }
0x491: {  	p0 =	sne.s32 s31, $0x1  }
.Ltmp0:
0x492: {  	_ = 	snop;
	(pc) =	sbr.rel @p0 .LBB2_1-.Ltmp0, $3  }
0x493: {  	_ =	sdelay $0x1  }
0x494: {  	[sflag:s16] =	ssyncset.done $0x0  }
0x495: {  	[sflag:s16] =	ssyncadd.s32 $0xFFFFC000;
	s2 =	sadd.s32 $0xFFFFFFFF, s31  }
0x496: {  	_ =	sfence.sel $0x180000  }
0x497: {  	[bflag:$0x0] =	sbarrier.arrive $0xFFFF  }
0x498: {  	_ =	strace $0x90000047  }
0x499: {  	s0 =	stileid.u32;
	[bflag:$0x2] =	sbarrier.arrive $0xFFFF  }
0x49a: {  	p0 =	sne.s32 s0, $0x0;
	s0 =	rddreg [dreg:$0x4]  }
0x49b: {  	s0 =	sadd.s32 @!p0 $0x100000, s0  }
0x49c: {  	[sflag:s0] =	ssyncadd.tile.s32 @!p0 $0x1;
	_ =	shalt  }
.Lfunc_end2:
_tile_overlayer_lowered:
.L_overlay_start_2:
0x49d: {  	(tag) =	ssettag $0x2  }
0x49e: {  	s0 =	rddreg [dreg:$0x0];
	s2 =	stileid.u32  }
0x49f: {  	s1 =	rddreg [dreg:$0x1];
	p0 =	sne.s32 s2, $0x0  }
0x4a0: {  	s3 =	rddreg [dreg:$0x2];
	[bflag:$0x3] =	sbarrier.arrive $0xFFFF;
	s2 =	simm.s32 @!p0 $0x1C0F  }
0x4a1: {  	[timem:s3], [sflag:s2] =	dma.local @!p0 [hbm:s0], s1  }
0x4a2: {  	s0 =	simm.s32 @!p0 $0xF  }
0x4a3: {  	_ =	swait.ge @!p0 [sflag:s0], s1  }
0x4a4: {  	s1 =	ssub.s32 @!p0 $0x0, s1;
	[sflag:s0] =	ssyncset.done @!p0 $0x0  }
0x4a5: {  	[sflag:s0] =	ssyncadd.s32 @!p0 s1  }
0x4a6: {  	[bflag:$0x3] =	sbarrier.arrive $0xFFFF  }
0x4a7: {  	_ =	shalt  }

</sc_bundles>
